<compile_context>
chip_gen: v7x
topology: tpu7x:2x2x1
jax: 0.10.2.dev20260603
libtpu: 0.0.44.dev20260713+nightly
codegen_flags: <defaults>
</compile_context>

<pallas_src>
import functools

import jax
import jax.numpy as jnp
from jax import lax
from jax.experimental import pallas as pl
from jax.experimental.pallas import tpu as pltpu
from jax.experimental.pallas import tpu_sc as plsc

N = 10000
D = 128
G = 16
NP = 10240
RPT = NP // 16
CHUNK = 128
NW = 32
CPW = 80
EC = NW * CPW
EPAD = EC * CHUNK
RB = 2000

def _deg_body(dst2, out, dst_v, ones_v, stage_v, deg_sh):
    c = lax.axis_index("c")
    s = lax.axis_index("s")
    wid = s * 2 + c

    def zero_body(i, _):
        stage_v[pl.ds(i * 16, 16)] = jnp.zeros((16,), jnp.float32)
        return 0

    lax.fori_loop(0, RPT // 16, zero_body, 0)

    def ones_body(i, _):
        ones_v[pl.ds(i * 16, 16)] = jnp.ones((16,), jnp.float32)
        return 0

    lax.fori_loop(0, CHUNK // 16, ones_body, 0)

    pltpu.sync_copy(stage_v, deg_sh.at[pl.ds(s * RPT, RPT)])
    plsc.subcore_barrier()

    pltpu.sync_copy(dst2.at[pl.ds(wid * CPW, CPW)], dst_v)

    def body(j, _):
        pltpu.sync_copy(ones_v, deg_sh.at[dst_v.at[j]], add=True)
        return 0

    lax.fori_loop(0, CPW, body, 0)
    plsc.subcore_barrier()

    pltpu.sync_copy(deg_sh.at[pl.ds(s * RPT, RPT)], stage_v)
    pltpu.sync_copy(stage_v, out.at[c].at[pl.ds(s * RPT, RPT)])


def _agg_body(hs, src2, dst2, zblk, parts, src_v, dst_v, rows0_v, rows1_v,
              acc_sh, gsem0, gsem1, ssem0, ssem1):
    c = lax.axis_index("c")
    s = lax.axis_index("s")
    wid = s * 2 + c
    rows = (rows0_v, rows1_v)
    gsem = (gsem0, gsem1)
    ssem = (ssem0, ssem1)
    HC = CPW // 2

    pltpu.sync_copy(zblk, rows0_v)
    for k in range(RPT // CHUNK):
        pltpu.sync_copy(rows0_v, acc_sh.at[pl.ds(s * RPT + k * CHUNK, CHUNK)])
    plsc.subcore_barrier()

    for half in range(2):
        base = wid * CPW + half * HC
        pltpu.sync_copy(src2.at[pl.ds(base, HC)], src_v)
        pltpu.sync_copy(dst2.at[pl.ds(base, HC)], dst_v)

        def g_start(j, b):
            pltpu.async_copy(hs.at[src_v.at[j]], rows[b], gsem[b])

        def g_wait(j, b):
            pltpu.make_async_copy(hs.at[src_v.at[j]], rows[b],
                                  gsem[b]).wait()

        g_start(0, 0)
        g_start(1, 1)

        def s_start(j, b):
            pltpu.async_copy(rows[b], acc_sh.at[dst_v.at[j]], ssem[b],
                             add=True)

        def s_wait(j, b):
            pltpu.make_async_copy(rows[b], acc_sh.at[dst_v.at[j]],
                                  ssem[b]).wait()

        def step(t, _):
            for b in range(2):
                j = t * 2 + b
                g_wait(j, b)
                s_start(j, b)
            for b in range(2):
                j = t * 2 + b
                s_wait(j, b)
                jn = j + 2

                @pl.when(jn < HC)
                def _():
                    g_start(jn, b)
            return 0

        lax.fori_loop(0, HC // 2, step, 0)

    plsc.subcore_barrier()
    for k in range(RPT // CHUNK):
        r0 = s * RPT + k * CHUNK
        pltpu.sync_copy(acc_sh.at[pl.ds(r0, CHUNK)], rows0_v)
        pltpu.sync_copy(rows0_v, parts.at[c].at[pl.ds(r0, CHUNK)])


@functools.cache
def _sc_kernels():
    mesh = plsc.VectorSubcoreMesh(core_axis_name="c", subcore_axis_name="s")
    deg = pl.kernel(
        _deg_body,
        out_type=jax.ShapeDtypeStruct((2, NP), jnp.float32),
        mesh=mesh,
        scratch_types=[
            pltpu.VMEM((CPW, CHUNK), jnp.int32),
            pltpu.VMEM((CHUNK,), jnp.float32),
            pltpu.VMEM((RPT,), jnp.float32),
            pltpu.VMEM_SHARED((NP,), jnp.float32),
        ],
    )
    agg = pl.kernel(
        _agg_body,
        out_type=jax.ShapeDtypeStruct((2, NP, D), jnp.float32),
        mesh=mesh,
        scratch_types=[
            pltpu.VMEM((CPW // 2, CHUNK), jnp.int32),
            pltpu.VMEM((CPW // 2, CHUNK), jnp.int32),
            pltpu.VMEM((CHUNK, D), jnp.float32),
            pltpu.VMEM((CHUNK, D), jnp.float32),
            pltpu.VMEM_SHARED((NP, D), jnp.float32),
            pltpu.SemaphoreType.DMA,
            pltpu.SemaphoreType.DMA,
            pltpu.SemaphoreType.DMA,
            pltpu.SemaphoreType.DMA,
        ],
    )
    return deg, agg


def _mma_body(x_ref, w_ref, deg_ref, hs_ref):
    deg = deg_ref[:, 0] + deg_ref[:, 1] + 1.0
    dis = lax.rsqrt(deg)
    h = jnp.dot(x_ref[...], w_ref[...], preferred_element_type=jnp.float32)
    hs_ref[...] = h * dis[:, None]


def _mma(x, w, deg_parts):
    return pl.pallas_call(
        _mma_body,
        grid=(N // RB,),
        in_specs=[
            pl.BlockSpec((RB, D), lambda i: (i, 0)),
            pl.BlockSpec((D, D), lambda i: (0, 0)),
            pl.BlockSpec((RB, 2), lambda i: (i, 0)),
        ],
        out_specs=pl.BlockSpec((RB, D), lambda i: (i, 0)),
        out_shape=jax.ShapeDtypeStruct((N, D), jnp.float32),
    )(x, w, deg_parts)


def _mmb_body(parts_ref, hsp_ref, deg_ref, w_ref, b_ref, out_ref):
    deg = deg_ref[:, 0] + deg_ref[:, 1] + 1.0
    dis = lax.rsqrt(deg)
    agg = parts_ref[0] + parts_ref[1]
    xn = jnp.maximum(dis[:, None] * (agg + hsp_ref[...]) + b_ref[...], 0.0)
    h = jnp.dot(xn, w_ref[...], preferred_element_type=jnp.float32)
    out_ref[...] = h * dis[:, None]


def _mmb(parts, hs_prev, deg_parts, w, b):
    return pl.pallas_call(
        _mmb_body,
        grid=(N // RB,),
        in_specs=[
            pl.BlockSpec((2, RB, D), lambda i: (0, i, 0)),
            pl.BlockSpec((RB, D), lambda i: (i, 0)),
            pl.BlockSpec((RB, 2), lambda i: (i, 0)),
            pl.BlockSpec((D, D), lambda i: (0, 0)),
            pl.BlockSpec((1, D), lambda i: (0, 0)),
        ],
        out_specs=pl.BlockSpec((RB, D), lambda i: (i, 0)),
        out_shape=jax.ShapeDtypeStruct((N, D), jnp.float32),
    )(parts, hs_prev, deg_parts, w, b)


def _fin_body(parts_ref, hsp_ref, deg_ref, b2_ref, batch_ref, wc1_ref,
              bc1_ref, wc2_ref, bc2_ref, out_ref, pool_acc, cnt_acc):
    i = pl.program_id(0)

    @pl.when(i == 0)
    def _():
        pool_acc[...] = jnp.zeros((G, D), jnp.float32)
        cnt_acc[...] = jnp.zeros((G, D), jnp.float32)

    deg = deg_ref[:, 0] + deg_ref[:, 1] + 1.0
    dis = lax.rsqrt(deg)
    h3 = (dis[:, None] * (parts_ref[0] + parts_ref[1] + hsp_ref[...])
          + b2_ref[...])
    batch_row = batch_ref[0, 0, :]
    gids = lax.broadcasted_iota(jnp.int32, (G, RB), 0)
    onehot = (gids == batch_row[None, :]).astype(jnp.float32)
    pool_acc[...] += jnp.dot(onehot, h3, preferred_element_type=jnp.float32)
    cnt_acc[...] += jnp.broadcast_to(
        jnp.sum(onehot, axis=1, keepdims=True), (G, D))

    @pl.when(i == pl.num_programs(0) - 1)
    def _():
        pooled = pool_acc[...] / jnp.maximum(cnt_acc[...], 1.0)
        t = jnp.maximum(
            jnp.dot(pooled, wc1_ref[...], preferred_element_type=jnp.float32)
            + bc1_ref[...], 0.0)
        out_ref[...] = (
            jnp.dot(t, wc2_ref[...], preferred_element_type=jnp.float32)
            + bc2_ref[...])


def _fin(parts, hs_prev, deg_parts, b2, batch3, wc1, bc1, wc2p, bc2p):
    return pl.pallas_call(
        _fin_body,
        grid=(N // RB,),
        in_specs=[
            pl.BlockSpec((2, RB, D), lambda i: (0, i, 0)),
            pl.BlockSpec((RB, D), lambda i: (i, 0)),
            pl.BlockSpec((RB, 2), lambda i: (i, 0)),
            pl.BlockSpec((1, D), lambda i: (0, 0)),
            pl.BlockSpec((1, 1, RB), lambda i: (i, 0, 0)),
            pl.BlockSpec((D, D), lambda i: (0, 0)),
            pl.BlockSpec((1, D), lambda i: (0, 0)),
            pl.BlockSpec((D, D), lambda i: (0, 0)),
            pl.BlockSpec((1, D), lambda i: (0, 0)),
        ],
        out_specs=pl.BlockSpec((G, D), lambda i: (0, 0)),
        out_shape=jax.ShapeDtypeStruct((G, D), jnp.float32),
        scratch_shapes=[
            pltpu.VMEM((G, D), jnp.float32),
            pltpu.VMEM((G, D), jnp.float32),
        ],
    )(parts, hs_prev, deg_parts, b2, batch3, wc1, bc1, wc2p, bc2p)


def kernel(x, edge_index, batch, W0, b0, W1, b1, W2, b2, Wc1, bc1, Wc2, bc2):
    E = edge_index.shape[1]
    src = edge_index[0]
    dst = edge_index[1]

    pad = EPAD - E
    pad_ar = jnp.arange(pad, dtype=jnp.int32)
    src_p = jnp.concatenate([src, (pad_ar * 131) % N])
    dst_p = jnp.concatenate([dst, N + pad_ar % (NP - N)])
    src2 = src_p.reshape(EC, CHUNK)
    dst2 = dst_p.reshape(EC, CHUNK)

    deg_sc, agg_sc = _sc_kernels()
    deg_parts = deg_sc(dst2).T

    zblk = jnp.zeros((CHUNK, D), jnp.float32)
    hs0 = _mma(x, W0, deg_parts)
    p0 = agg_sc(hs0, src2, dst2, zblk)
    hs1 = _mmb(p0, hs0, deg_parts, W1, b0.reshape(1, D))
    p1 = agg_sc(hs1, src2, dst2, zblk)
    hs2 = _mmb(p1, hs1, deg_parts, W2, b1.reshape(1, D))
    p2 = agg_sc(hs2, src2, dst2, zblk)

    batch3 = batch.reshape(N // RB, 1, RB)
    wc2p = jnp.zeros((D, D), jnp.float32).at[:, : Wc2.shape[1]].set(Wc2)
    bc2p = jnp.zeros((D,), jnp.float32).at[: bc2.shape[0]].set(bc2)
    out = _fin(p2, hs2, deg_parts, b2.reshape(1, D), batch3, Wc1,
               bc1.reshape(1, D), wc2p, bc2p.reshape(1, D))
    return out[:, : Wc2.shape[1]]

# --- scband reference (transcript-rebuilt; emitter-appended) ---
"""Pipeline reference for scband-stgcn-39805756900099 (READ-ONLY COPY).

The authoritative reference and input builder live on the scoring server;
editing this copy changes nothing except your own understanding.
"""

import jax, jax.numpy as jnp
import numpy as np

N = 10000
E = 320000
D = 128
H = 128
OUT = 128
G = 16


def setup_inputs(seed: int = 0) -> dict:
    key = jax.random.key(seed)
    ks = jax.random.split(key, 16)
    x = jax.random.normal(ks[0], (N, D), dtype=jnp.float32)
    edge_index = jax.random.randint(ks[1], (2, E), 0, N, dtype=jnp.int32)
    batch = jnp.sort(jax.random.randint(ks[2], (N,), 0, G, dtype=jnp.int32))
    s = 0.05
    W0 = jax.random.normal(ks[3], (D, H), dtype=jnp.float32) * s
    b0 = jnp.zeros((H,), dtype=jnp.float32)
    W1 = jax.random.normal(ks[4], (H, H), dtype=jnp.float32) * s
    b1 = jnp.zeros((H,), dtype=jnp.float32)
    W2 = jax.random.normal(ks[5], (H, OUT), dtype=jnp.float32) * s
    b2 = jnp.zeros((OUT,), dtype=jnp.float32)
    Wc1 = jax.random.normal(ks[6], (OUT, H), dtype=jnp.float32) * s
    bc1 = jnp.zeros((H,), dtype=jnp.float32)
    Wc2 = jax.random.normal(ks[7], (H, 3), dtype=jnp.float32) * s
    bc2 = jnp.zeros((3,), dtype=jnp.float32)
    return {"x": x, "edge_index": edge_index, "batch": batch,
            "W0": W0, "b0": b0, "W1": W1, "b1": b1, "W2": W2, "b2": b2,
            "Wc1": Wc1, "bc1": bc1, "Wc2": Wc2, "bc2": bc2}


def gcn_conv(x, edge_index, W, b):
    # PyG GCNConv: add self-loops, symmetric normalization, sum aggregation
    src = edge_index[0]
    dst = edge_index[1]
    n = x.shape[0]
    loop = jnp.arange(n, dtype=src.dtype)
    src = jnp.concatenate([src, loop])
    dst = jnp.concatenate([dst, loop])
    deg = jax.ops.segment_sum(jnp.ones_like(src, dtype=x.dtype), dst, num_segments=n)
    dis = jnp.where(deg > 0, jax.lax.rsqrt(jnp.maximum(deg, 1e-12)), 0.0)
    norm = dis[src] * dis[dst]
    h = x @ W
    msg = h[src] * norm[:, None]
    out = jax.ops.segment_sum(msg, dst, num_segments=n)
    return out + b


def reference(x, edge_index, batch, W0, b0, W1, b1, W2, b2, Wc1, bc1, Wc2, bc2):
    # eval mode: dropout = identity
    h = jax.nn.relu(gcn_conv(x, edge_index, W0, b0))
    h = jax.nn.relu(gcn_conv(h, edge_index, W1, b1))
    h = gcn_conv(h, edge_index, W2, b2)
    # global_mean_pool over batch assignment
    sums = jax.ops.segment_sum(h, batch, num_segments=G)
    cnts = jax.ops.segment_sum(jnp.ones((h.shape[0],), dtype=h.dtype), batch, num_segments=G)
    pooled = sums / jnp.maximum(cnts, 1.0)[:, None]
    out = jax.nn.relu(pooled @ Wc1 + bc1) @ Wc2 + bc2
    return out

if __name__ == "__main__":
    import jax
    _d = setup_inputs()
    print(jax.jit(kernel)(*tuple(_d.values())))

</pallas_src>

<mosaic_0001>
#map = affine_map<(d0, d1) -> (0, 0)>
#map1 = affine_map<(d0, d1) -> (0, 0, 0)>
module attributes {stable_mosaic.version = 14 : i64} {
  func.func @_agg_body(%arg0: i32, %arg1: i32, %arg2: memref<10000x128xf32, #tpu.memory_space<hbm>>, %arg3: memref<2560x128xi32, #tpu.memory_space<hbm>>, %arg4: memref<2560x128xi32, #tpu.memory_space<hbm>>, %arg5: memref<128x128xf32, #tpu.memory_space<hbm>>, %arg6: memref<2x10240x128xf32, #tpu.memory_space<hbm>>, %arg7: memref<40x128xi32, #tpu.memory_space<vmem>>, %arg8: memref<40x128xi32, #tpu.memory_space<vmem>>, %arg9: memref<128x128xf32, #tpu.memory_space<vmem>>, %arg10: memref<128x128xf32, #tpu.memory_space<vmem>>, %arg11: memref<10240x128xf32, #tpu.memory_space<vmem_shared>>, %arg12: memref<!tpu.dma_semaphore, #tpu.memory_space<semaphore_mem>>, %arg13: memref<!tpu.dma_semaphore, #tpu.memory_space<semaphore_mem>>, %arg14: memref<!tpu.dma_semaphore, #tpu.memory_space<semaphore_mem>>, %arg15: memref<!tpu.dma_semaphore, #tpu.memory_space<semaphore_mem>>) attributes {dimension_semantics = [#tpu.dimension_semantics<core_parallel>, #tpu.dimension_semantics<subcore_parallel>], iteration_bounds = array<i64: 2, 16>, scalar_prefetch = 0 : i64, scratch_operands = 9 : i64, tpu.core_type = #tpu.core_type<sc_vector_subcore>, window_params = [{transform_indices = #map}, {transform_indices = #map}, {transform_indices = #map}, {transform_indices = #map}, {transform_indices = #map1}]} {
    %mul3A = arith.constant 2 : i32
    %mul3A_0 = arith.muli %arg1, %mul3A : i32
    %add3A = arith.addi %mul3A_0, %arg0 : i32
    "tpu.region"() ({
      %run_scoped3A = tpu.sem_alloc : memref<!tpu.dma_semaphore, #tpu.memory_space<semaphore_mem>>
      tpu.enqueue_dma source(%arg5 : memref<128x128xf32, #tpu.memory_space<hbm>>) target(%arg9 : memref<128x128xf32, #tpu.memory_space<vmem>>) target_semaphore(%run_scoped3A : memref<!tpu.dma_semaphore, #tpu.memory_space<semaphore_mem>>)
      tpu.wait_dma2 semaphore(%run_scoped3A : memref<!tpu.dma_semaphore, #tpu.memory_space<semaphore_mem>>) src(%arg5 : memref<128x128xf32, #tpu.memory_space<hbm>>) dst(%arg9 : memref<128x128xf32, #tpu.memory_space<vmem>>)
      tpu.yield
    }) : () -> ()
    %mul3A_1 = arith.constant 640 : i32
    %mul3A_2 = arith.muli %arg1, %mul3A_1 : i32
    %add3A_3 = arith.constant 0 : i32
    %add3A_4 = arith.addi %mul3A_2, %add3A_3 : i32
    "tpu.region"() ({
      %run_scoped3A = tpu.sem_alloc : memref<!tpu.dma_semaphore, #tpu.memory_space<semaphore_mem>>
      %dma_start3A_90 = arith.constant 0 : i32
      %dma_start3A_91 = tpu.memref_slice %arg11[%add3A_4, %dma_start3A_90] : memref<10240x128xf32, #tpu.memory_space<vmem_shared>> -> memref<128x128xf32, #tpu.memory_space<vmem_shared>>
      %dma_start3A_92 = arith.constant 0 : i32
      %dma_start3A_93 = tpu.memref_slice %arg11[%add3A_4, %dma_start3A_92] : memref<10240x128xf32, #tpu.memory_space<vmem_shared>> -> memref<128x128xf32, #tpu.memory_space<vmem_shared>>
      tpu.enqueue_dma source(%arg9 : memref<128x128xf32, #tpu.memory_space<vmem>>) target(%dma_start3A_93 : memref<128x128xf32, #tpu.memory_space<vmem_shared>>) target_semaphore(%run_scoped3A : memref<!tpu.dma_semaphore, #tpu.memory_space<semaphore_mem>>)
      %dma_wait3A = arith.constant 0 : i32
      %dma_wait3A_94 = tpu.memref_slice %arg11[%add3A_4, %dma_wait3A] : memref<10240x128xf32, #tpu.memory_space<vmem_shared>> -> memref<128x128xf32, #tpu.memory_space<vmem_shared>>
      %dma_wait3A_95 = arith.constant 0 : i32
      %dma_wait3A_96 = tpu.memref_slice %arg11[%add3A_4, %dma_wait3A_95] : memref<10240x128xf32, #tpu.memory_space<vmem_shared>> -> memref<128x128xf32, #tpu.memory_space<vmem_shared>>
      tpu.wait_dma2 semaphore(%run_scoped3A : memref<!tpu.dma_semaphore, #tpu.memory_space<semaphore_mem>>) src(%arg9 : memref<128x128xf32, #tpu.memory_space<vmem>>) dst(%dma_wait3A_96 : memref<128x128xf32, #tpu.memory_space<vmem_shared>>)
      tpu.yield
    }) : () -> ()
    %mul3A_5 = arith.constant 640 : i32
    %mul3A_6 = arith.muli %arg1, %mul3A_5 : i32
    %add3A_7 = arith.constant 128 : i32
    %add3A_8 = arith.addi %mul3A_6, %add3A_7 : i32
    "tpu.region"() ({
      %run_scoped3A = tpu.sem_alloc : memref<!tpu.dma_semaphore, #tpu.memory_space<semaphore_mem>>
      %dma_start3A_90 = arith.constant 0 : i32
      %dma_start3A_91 = tpu.memref_slice %arg11[%add3A_8, %dma_start3A_90] : memref<10240x128xf32, #tpu.memory_space<vmem_shared>> -> memref<128x128xf32, #tpu.memory_space<vmem_shared>>
      %dma_start3A_92 = arith.constant 0 : i32
      %dma_start3A_93 = tpu.memref_slice %arg11[%add3A_8, %dma_start3A_92] : memref<10240x128xf32, #tpu.memory_space<vmem_shared>> -> memref<128x128xf32, #tpu.memory_space<vmem_shared>>
      tpu.enqueue_dma source(%arg9 : memref<128x128xf32, #tpu.memory_space<vmem>>) target(%dma_start3A_93 : memref<128x128xf32, #tpu.memory_space<vmem_shared>>) target_semaphore(%run_scoped3A : memref<!tpu.dma_semaphore, #tpu.memory_space<semaphore_mem>>)
      %dma_wait3A = arith.constant 0 : i32
      %dma_wait3A_94 = tpu.memref_slice %arg11[%add3A_8, %dma_wait3A] : memref<10240x128xf32, #tpu.memory_space<vmem_shared>> -> memref<128x128xf32, #tpu.memory_space<vmem_shared>>
      %dma_wait3A_95 = arith.constant 0 : i32
      %dma_wait3A_96 = tpu.memref_slice %arg11[%add3A_8, %dma_wait3A_95] : memref<10240x128xf32, #tpu.memory_space<vmem_shared>> -> memref<128x128xf32, #tpu.memory_space<vmem_shared>>
      tpu.wait_dma2 semaphore(%run_scoped3A : memref<!tpu.dma_semaphore, #tpu.memory_space<semaphore_mem>>) src(%arg9 : memref<128x128xf32, #tpu.memory_space<vmem>>) dst(%dma_wait3A_96 : memref<128x128xf32, #tpu.memory_space<vmem_shared>>)
      tpu.yield
    }) : () -> ()
    %mul3A_9 = arith.constant 640 : i32
    %mul3A_10 = arith.muli %arg1, %mul3A_9 : i32
    %add3A_11 = arith.constant 256 : i32
    %add3A_12 = arith.addi %mul3A_10, %add3A_11 : i32
    "tpu.region"() ({
      %run_scoped3A = tpu.sem_alloc : memref<!tpu.dma_semaphore, #tpu.memory_space<semaphore_mem>>
      %dma_start3A_90 = arith.constant 0 : i32
      %dma_start3A_91 = tpu.memref_slice %arg11[%add3A_12, %dma_start3A_90] : memref<10240x128xf32, #tpu.memory_space<vmem_shared>> -> memref<128x128xf32, #tpu.memory_space<vmem_shared>>
      %dma_start3A_92 = arith.constant 0 : i32
      %dma_start3A_93 = tpu.memref_slice %arg11[%add3A_12, %dma_start3A_92] : memref<10240x128xf32, #tpu.memory_space<vmem_shared>> -> memref<128x128xf32, #tpu.memory_space<vmem_shared>>
      tpu.enqueue_dma source(%arg9 : memref<128x128xf32, #tpu.memory_space<vmem>>) target(%dma_start3A_93 : memref<128x128xf32, #tpu.memory_space<vmem_shared>>) target_semaphore(%run_scoped3A : memref<!tpu.dma_semaphore, #tpu.memory_space<semaphore_mem>>)
      %dma_wait3A = arith.constant 0 : i32
      %dma_wait3A_94 = tpu.memref_slice %arg11[%add3A_12, %dma_wait3A] : memref<10240x128xf32, #tpu.memory_space<vmem_shared>> -> memref<128x128xf32, #tpu.memory_space<vmem_shared>>
      %dma_wait3A_95 = arith.constant 0 : i32
      %dma_wait3A_96 = tpu.memref_slice %arg11[%add3A_12, %dma_wait3A_95] : memref<10240x128xf32, #tpu.memory_space<vmem_shared>> -> memref<128x128xf32, #tpu.memory_space<vmem_shared>>
      tpu.wait_dma2 semaphore(%run_scoped3A : memref<!tpu.dma_semaphore, #tpu.memory_space<semaphore_mem>>) src(%arg9 : memref<128x128xf32, #tpu.memory_space<vmem>>) dst(%dma_wait3A_96 : memref<128x128xf32, #tpu.memory_space<vmem_shared>>)
      tpu.yield
    }) : () -> ()
    %mul3A_13 = arith.constant 640 : i32
    %mul3A_14 = arith.muli %arg1, %mul3A_13 : i32
    %add3A_15 = arith.constant 384 : i32
    %add3A_16 = arith.addi %mul3A_14, %add3A_15 : i32
    "tpu.region"() ({
      %run_scoped3A = tpu.sem_alloc : memref<!tpu.dma_semaphore, #tpu.memory_space<semaphore_mem>>
      %dma_start3A_90 = arith.constant 0 : i32
      %dma_start3A_91 = tpu.memref_slice %arg11[%add3A_16, %dma_start3A_90] : memref<10240x128xf32, #tpu.memory_space<vmem_shared>> -> memref<128x128xf32, #tpu.memory_space<vmem_shared>>
      %dma_start3A_92 = arith.constant 0 : i32
      %dma_start3A_93 = tpu.memref_slice %arg11[%add3A_16, %dma_start3A_92] : memref<10240x128xf32, #tpu.memory_space<vmem_shared>> -> memref<128x128xf32, #tpu.memory_space<vmem_shared>>
      tpu.enqueue_dma source(%arg9 : memref<128x128xf32, #tpu.memory_space<vmem>>) target(%dma_start3A_93 : memref<128x128xf32, #tpu.memory_space<vmem_shared>>) target_semaphore(%run_scoped3A : memref<!tpu.dma_semaphore, #tpu.memory_space<semaphore_mem>>)
      %dma_wait3A = arith.constant 0 : i32
      %dma_wait3A_94 = tpu.memref_slice %arg11[%add3A_16, %dma_wait3A] : memref<10240x128xf32, #tpu.memory_space<vmem_shared>> -> memref<128x128xf32, #tpu.memory_space<vmem_shared>>
      %dma_wait3A_95 = arith.constant 0 : i32
      %dma_wait3A_96 = tpu.memref_slice %arg11[%add3A_16, %dma_wait3A_95] : memref<10240x128xf32, #tpu.memory_space<vmem_shared>> -> memref<128x128xf32, #tpu.memory_space<vmem_shared>>
      tpu.wait_dma2 semaphore(%run_scoped3A : memref<!tpu.dma_semaphore, #tpu.memory_space<semaphore_mem>>) src(%arg9 : memref<128x128xf32, #tpu.memory_space<vmem>>) dst(%dma_wait3A_96 : memref<128x128xf32, #tpu.memory_space<vmem_shared>>)
      tpu.yield
    }) : () -> ()
    %mul3A_17 = arith.constant 640 : i32
    %mul3A_18 = arith.muli %arg1, %mul3A_17 : i32
    %add3A_19 = arith.constant 512 : i32
    %add3A_20 = arith.addi %mul3A_18, %add3A_19 : i32
    "tpu.region"() ({
      %run_scoped3A = tpu.sem_alloc : memref<!tpu.dma_semaphore, #tpu.memory_space<semaphore_mem>>
      %dma_start3A_90 = arith.constant 0 : i32
      %dma_start3A_91 = tpu.memref_slice %arg11[%add3A_20, %dma_start3A_90] : memref<10240x128xf32, #tpu.memory_space<vmem_shared>> -> memref<128x128xf32, #tpu.memory_space<vmem_shared>>
      %dma_start3A_92 = arith.constant 0 : i32
      %dma_start3A_93 = tpu.memref_slice %arg11[%add3A_20, %dma_start3A_92] : memref<10240x128xf32, #tpu.memory_space<vmem_shared>> -> memref<128x128xf32, #tpu.memory_space<vmem_shared>>
      tpu.enqueue_dma source(%arg9 : memref<128x128xf32, #tpu.memory_space<vmem>>) target(%dma_start3A_93 : memref<128x128xf32, #tpu.memory_space<vmem_shared>>) target_semaphore(%run_scoped3A : memref<!tpu.dma_semaphore, #tpu.memory_space<semaphore_mem>>)
      %dma_wait3A = arith.constant 0 : i32
      %dma_wait3A_94 = tpu.memref_slice %arg11[%add3A_20, %dma_wait3A] : memref<10240x128xf32, #tpu.memory_space<vmem_shared>> -> memref<128x128xf32, #tpu.memory_space<vmem_shared>>
      %dma_wait3A_95 = arith.constant 0 : i32
      %dma_wait3A_96 = tpu.memref_slice %arg11[%add3A_20, %dma_wait3A_95] : memref<10240x128xf32, #tpu.memory_space<vmem_shared>> -> memref<128x128xf32, #tpu.memory_space<vmem_shared>>
      tpu.wait_dma2 semaphore(%run_scoped3A : memref<!tpu.dma_semaphore, #tpu.memory_space<semaphore_mem>>) src(%arg9 : memref<128x128xf32, #tpu.memory_space<vmem>>) dst(%dma_wait3A_96 : memref<128x128xf32, #tpu.memory_space<vmem_shared>>)
      tpu.yield
    }) : () -> ()
    %barrier3A = arith.constant 0 : index
    tpu.barrier barrier_id(%barrier3A)
    %mul3A_21 = arith.constant 80 : i32
    %mul3A_22 = arith.muli %add3A, %mul3A_21 : i32
    %add3A_23 = arith.constant 0 : i32
    %add3A_24 = arith.addi %mul3A_22, %add3A_23 : i32
    "tpu.region"() ({
      %run_scoped3A = tpu.sem_alloc : memref<!tpu.dma_semaphore, #tpu.memory_space<semaphore_mem>>
      %dma_start3A_90 = arith.constant 0 : i32
      %dma_start3A_91 = tpu.memref_slice %arg3[%add3A_24, %dma_start3A_90] : memref<2560x128xi32, #tpu.memory_space<hbm>> -> memref<40x128xi32, #tpu.memory_space<hbm>>
      %dma_start3A_92 = arith.constant 0 : i32
      %dma_start3A_93 = tpu.memref_slice %arg3[%add3A_24, %dma_start3A_92] : memref<2560x128xi32, #tpu.memory_space<hbm>> -> memref<40x128xi32, #tpu.memory_space<hbm>>
      tpu.enqueue_dma source(%dma_start3A_93 : memref<40x128xi32, #tpu.memory_space<hbm>>) target(%arg7 : memref<40x128xi32, #tpu.memory_space<vmem>>) target_semaphore(%run_scoped3A : memref<!tpu.dma_semaphore, #tpu.memory_space<semaphore_mem>>)
      %dma_wait3A = arith.constant 0 : i32
      %dma_wait3A_94 = tpu.memref_slice %arg3[%add3A_24, %dma_wait3A] : memref<2560x128xi32, #tpu.memory_space<hbm>> -> memref<40x128xi32, #tpu.memory_space<hbm>>
      %dma_wait3A_95 = arith.constant 0 : i32
      %dma_wait3A_96 = tpu.memref_slice %arg3[%add3A_24, %dma_wait3A_95] : memref<2560x128xi32, #tpu.memory_space<hbm>> -> memref<40x128xi32, #tpu.memory_space<hbm>>
      tpu.wait_dma2 semaphore(%run_scoped3A : memref<!tpu.dma_semaphore, #tpu.memory_space<semaphore_mem>>) src(%dma_wait3A_96 : memref<40x128xi32, #tpu.memory_space<hbm>>) dst(%arg7 : memref<40x128xi32, #tpu.memory_space<vmem>>)
      tpu.yield
    }) : () -> ()
    "tpu.region"() ({
      %run_scoped3A = tpu.sem_alloc : memref<!tpu.dma_semaphore, #tpu.memory_space<semaphore_mem>>
      %dma_start3A_90 = arith.constant 0 : i32
      %dma_start3A_91 = tpu.memref_slice %arg4[%add3A_24, %dma_start3A_90] : memref<2560x128xi32, #tpu.memory_space<hbm>> -> memref<40x128xi32, #tpu.memory_space<hbm>>
      %dma_start3A_92 = arith.constant 0 : i32
      %dma_start3A_93 = tpu.memref_slice %arg4[%add3A_24, %dma_start3A_92] : memref<2560x128xi32, #tpu.memory_space<hbm>> -> memref<40x128xi32, #tpu.memory_space<hbm>>
      tpu.enqueue_dma source(%dma_start3A_93 : memref<40x128xi32, #tpu.memory_space<hbm>>) target(%arg8 : memref<40x128xi32, #tpu.memory_space<vmem>>) target_semaphore(%run_scoped3A : memref<!tpu.dma_semaphore, #tpu.memory_space<semaphore_mem>>)
      %dma_wait3A = arith.constant 0 : i32
      %dma_wait3A_94 = tpu.memref_slice %arg4[%add3A_24, %dma_wait3A] : memref<2560x128xi32, #tpu.memory_space<hbm>> -> memref<40x128xi32, #tpu.memory_space<hbm>>
      %dma_wait3A_95 = arith.constant 0 : i32
      %dma_wait3A_96 = tpu.memref_slice %arg4[%add3A_24, %dma_wait3A_95] : memref<2560x128xi32, #tpu.memory_space<hbm>> -> memref<40x128xi32, #tpu.memory_space<hbm>>
      tpu.wait_dma2 semaphore(%run_scoped3A : memref<!tpu.dma_semaphore, #tpu.memory_space<semaphore_mem>>) src(%dma_wait3A_96 : memref<40x128xi32, #tpu.memory_space<hbm>>) dst(%arg8 : memref<40x128xi32, #tpu.memory_space<vmem>>)
      tpu.yield
    }) : () -> ()
    %dma_start3A = arith.constant 0 : i32
    %dma_start3A_25 = arith.constant 0 : i32
    %dma_start3A_26 = tpu.memref_slice %arg7[%dma_start3A, %dma_start3A_25] : memref<40x128xi32, #tpu.memory_space<vmem>> -> memref<1x128xi32, #tpu.memory_space<vmem>>
    %dma_start3A_27 = tpu.memref_squeeze %dma_start3A_26 : memref<1x128xi32, #tpu.memory_space<vmem>> -> memref<128xi32, #tpu.memory_space<vmem>>
    %dma_start3A_28 = arith.constant 0 : i32
    %dma_start3A_29 = arith.constant 0 : i32
    %dma_start3A_30 = tpu.memref_slice %arg2[%dma_start3A_28, %dma_start3A_29] : memref<10000x128xf32, #tpu.memory_space<hbm>> -> memref<10000x128xf32, #tpu.memory_space<hbm>>
    tpu.enqueue_indirect_dma source(%dma_start3A_30 : memref<10000x128xf32, #tpu.memory_space<hbm>>) target(%arg9 : memref<128x128xf32, #tpu.memory_space<vmem>>) offsets(%dma_start3A_27 : memref<128xi32, #tpu.memory_space<vmem>>) semaphore(%arg12 : memref<!tpu.dma_semaphore, #tpu.memory_space<semaphore_mem>>)
    %dma_start3A_31 = arith.constant 1 : i32
    %dma_start3A_32 = arith.constant 0 : i32
    %dma_start3A_33 = tpu.memref_slice %arg7[%dma_start3A_31, %dma_start3A_32] : memref<40x128xi32, #tpu.memory_space<vmem>> -> memref<1x128xi32, #tpu.memory_space<vmem>>
    %dma_start3A_34 = tpu.memref_squeeze %dma_start3A_33 : memref<1x128xi32, #tpu.memory_space<vmem>> -> memref<128xi32, #tpu.memory_space<vmem>>
    %dma_start3A_35 = arith.constant 0 : i32
    %dma_start3A_36 = arith.constant 0 : i32
    %dma_start3A_37 = tpu.memref_slice %arg2[%dma_start3A_35, %dma_start3A_36] : memref<10000x128xf32, #tpu.memory_space<hbm>> -> memref<10000x128xf32, #tpu.memory_space<hbm>>
    tpu.enqueue_indirect_dma source(%dma_start3A_37 : memref<10000x128xf32, #tpu.memory_space<hbm>>) target(%arg10 : memref<128x128xf32, #tpu.memory_space<vmem>>) offsets(%dma_start3A_34 : memref<128xi32, #tpu.memory_space<vmem>>) semaphore(%arg13 : memref<!tpu.dma_semaphore, #tpu.memory_space<semaphore_mem>>)
    %scan3A = arith.constant 0 : i32
    %scan3A_38 = arith.constant 0 : i32
    %scan3A_39 = arith.constant 20 : i32
    %scan3A_40 = arith.addi %scan3A_38, %scan3A_39 : i32
    %scan3A_41 = arith.constant 1 : i32
    %scan3A_42 = scf.for %scan3A_90 = %scan3A_38 to %scan3A_40 step %scan3A_41 iter_args(%scan3A_91 = %scan3A) -> (i32)  : i32 {
      %mul3A_92 = arith.constant 2 : i32
      %mul3A_93 = arith.muli %scan3A_90, %mul3A_92 : i32
      %add3A_94 = arith.constant 0 : i32
      %add3A_95 = arith.addi %mul3A_93, %add3A_94 : i32
      %dma_wait3A = arith.constant 0 : i32
      %dma_wait3A_96 = tpu.memref_slice %arg7[%add3A_95, %dma_wait3A] : memref<40x128xi32, #tpu.memory_space<vmem>> -> memref<1x128xi32, #tpu.memory_space<vmem>>
      %dma_wait3A_97 = tpu.memref_squeeze %dma_wait3A_96 : memref<1x128xi32, #tpu.memory_space<vmem>> -> memref<128xi32, #tpu.memory_space<vmem>>
      %dma_wait3A_98 = arith.constant 0 : i32
      %dma_wait3A_99 = arith.constant 0 : i32
      %dma_wait3A_100 = tpu.memref_slice %arg2[%dma_wait3A_98, %dma_wait3A_99] : memref<10000x128xf32, #tpu.memory_space<hbm>> -> memref<10000x128xf32, #tpu.memory_space<hbm>>
      tpu.wait_indirect_dma semaphore(%arg12 : memref<!tpu.dma_semaphore, #tpu.memory_space<semaphore_mem>>) src(%dma_wait3A_100 : memref<10000x128xf32, #tpu.memory_space<hbm>>) dst(%arg9 : memref<128x128xf32, #tpu.memory_space<vmem>>)
      %dma_start3A_101 = arith.constant 0 : i32
      %dma_start3A_102 = tpu.memref_slice %arg8[%add3A_95, %dma_start3A_101] : memref<40x128xi32, #tpu.memory_space<vmem>> -> memref<1x128xi32, #tpu.memory_space<vmem>>
      %dma_start3A_103 = tpu.memref_squeeze %dma_start3A_102 : memref<1x128xi32, #tpu.memory_space<vmem>> -> memref<128xi32, #tpu.memory_space<vmem>>
      %dma_start3A_104 = arith.constant 0 : i32
      %dma_start3A_105 = arith.constant 0 : i32
      %dma_start3A_106 = tpu.memref_slice %arg11[%dma_start3A_104, %dma_start3A_105] : memref<10240x128xf32, #tpu.memory_space<vmem_shared>> -> memref<10240x128xf32, #tpu.memory_space<vmem_shared>>
      tpu.enqueue_indirect_dma source(%arg9 : memref<128x128xf32, #tpu.memory_space<vmem>>) target(%dma_start3A_106 : memref<10240x128xf32, #tpu.memory_space<vmem_shared>>) offsets(%dma_start3A_103 : memref<128xi32, #tpu.memory_space<vmem>>) semaphore(%arg14 : memref<!tpu.dma_semaphore, #tpu.memory_space<semaphore_mem>>) {add = true}
      %mul3A_107 = arith.constant 2 : i32
      %mul3A_108 = arith.muli %scan3A_90, %mul3A_107 : i32
      %add3A_109 = arith.constant 1 : i32
      %add3A_110 = arith.addi %mul3A_108, %add3A_109 : i32
      %dma_wait3A_111 = arith.constant 0 : i32
      %dma_wait3A_112 = tpu.memref_slice %arg7[%add3A_110, %dma_wait3A_111] : memref<40x128xi32, #tpu.memory_space<vmem>> -> memref<1x128xi32, #tpu.memory_space<vmem>>
      %dma_wait3A_113 = tpu.memref_squeeze %dma_wait3A_112 : memref<1x128xi32, #tpu.memory_space<vmem>> -> memref<128xi32, #tpu.memory_space<vmem>>
      %dma_wait3A_114 = arith.constant 0 : i32
      %dma_wait3A_115 = arith.constant 0 : i32
      %dma_wait3A_116 = tpu.memref_slice %arg2[%dma_wait3A_114, %dma_wait3A_115] : memref<10000x128xf32, #tpu.memory_space<hbm>> -> memref<10000x128xf32, #tpu.memory_space<hbm>>
      tpu.wait_indirect_dma semaphore(%arg13 : memref<!tpu.dma_semaphore, #tpu.memory_space<semaphore_mem>>) src(%dma_wait3A_116 : memref<10000x128xf32, #tpu.memory_space<hbm>>) dst(%arg10 : memref<128x128xf32, #tpu.memory_space<vmem>>)
      %dma_start3A_117 = arith.constant 0 : i32
      %dma_start3A_118 = tpu.memref_slice %arg8[%add3A_110, %dma_start3A_117] : memref<40x128xi32, #tpu.memory_space<vmem>> -> memref<1x128xi32, #tpu.memory_space<vmem>>
      %dma_start3A_119 = tpu.memref_squeeze %dma_start3A_118 : memref<1x128xi32, #tpu.memory_space<vmem>> -> memref<128xi32, #tpu.memory_space<vmem>>
      %dma_start3A_120 = arith.constant 0 : i32
      %dma_start3A_121 = arith.constant 0 : i32
      %dma_start3A_122 = tpu.memref_slice %arg11[%dma_start3A_120, %dma_start3A_121] : memref<10240x128xf32, #tpu.memory_space<vmem_shared>> -> memref<10240x128xf32, #tpu.memory_space<vmem_shared>>
      tpu.enqueue_indirect_dma source(%arg10 : memref<128x128xf32, #tpu.memory_space<vmem>>) target(%dma_start3A_122 : memref<10240x128xf32, #tpu.memory_space<vmem_shared>>) offsets(%dma_start3A_119 : memref<128xi32, #tpu.memory_space<vmem>>) semaphore(%arg15 : memref<!tpu.dma_semaphore, #tpu.memory_space<semaphore_mem>>) {add = true}
      %mul3A_123 = arith.constant 2 : i32
      %mul3A_124 = arith.muli %scan3A_90, %mul3A_123 : i32
      %add3A_125 = arith.constant 0 : i32
      %add3A_126 = arith.addi %mul3A_124, %add3A_125 : i32
      %dma_wait3A_127 = arith.constant 0 : i32
      %dma_wait3A_128 = tpu.memref_slice %arg8[%add3A_126, %dma_wait3A_127] : memref<40x128xi32, #tpu.memory_space<vmem>> -> memref<1x128xi32, #tpu.memory_space<vmem>>
      %dma_wait3A_129 = tpu.memref_squeeze %dma_wait3A_128 : memref<1x128xi32, #tpu.memory_space<vmem>> -> memref<128xi32, #tpu.memory_space<vmem>>
      %dma_wait3A_130 = arith.constant 0 : i32
      %dma_wait3A_131 = arith.constant 0 : i32
      %dma_wait3A_132 = tpu.memref_slice %arg11[%dma_wait3A_130, %dma_wait3A_131] : memref<10240x128xf32, #tpu.memory_space<vmem_shared>> -> memref<10240x128xf32, #tpu.memory_space<vmem_shared>>
      tpu.wait_indirect_dma semaphore(%arg14 : memref<!tpu.dma_semaphore, #tpu.memory_space<semaphore_mem>>) src(%arg9 : memref<128x128xf32, #tpu.memory_space<vmem>>) dst(%dma_wait3A_132 : memref<10240x128xf32, #tpu.memory_space<vmem_shared>>)
      %add3A_133 = arith.constant 2 : i32
      %add3A_134 = arith.addi %add3A_126, %add3A_133 : i32
      %lt3A = arith.constant 40 : i32
      %lt3A_135 = arith.cmpi slt, %add3A_134, %lt3A : i32
      %convert_element_type3A = arith.extui %lt3A_135 : i1 to i32
      %cond3A = arith.constant 0 : i32
      %cond3A_136 = arith.cmpi ne, %convert_element_type3A, %cond3A : i32
      scf.if %cond3A_136 {
        %dma_start3A_155 = arith.constant 0 : i32
        %dma_start3A_156 = tpu.memref_slice %arg7[%add3A_134, %dma_start3A_155] : memref<40x128xi32, #tpu.memory_space<vmem>> -> memref<1x128xi32, #tpu.memory_space<vmem>>
        %dma_start3A_157 = tpu.memref_squeeze %dma_start3A_156 : memref<1x128xi32, #tpu.memory_space<vmem>> -> memref<128xi32, #tpu.memory_space<vmem>>
        %dma_start3A_158 = arith.constant 0 : i32
        %dma_start3A_159 = arith.constant 0 : i32
        %dma_start3A_160 = tpu.memref_slice %arg2[%dma_start3A_158, %dma_start3A_159] : memref<10000x128xf32, #tpu.memory_space<hbm>> -> memref<10000x128xf32, #tpu.memory_space<hbm>>
        tpu.enqueue_indirect_dma source(%dma_start3A_160 : memref<10000x128xf32, #tpu.memory_space<hbm>>) target(%arg9 : memref<128x128xf32, #tpu.memory_space<vmem>>) offsets(%dma_start3A_157 : memref<128xi32, #tpu.memory_space<vmem>>) semaphore(%arg12 : memref<!tpu.dma_semaphore, #tpu.memory_space<semaphore_mem>>)
      } else {
      }
      %mul3A_137 = arith.constant 2 : i32
      %mul3A_138 = arith.muli %scan3A_90, %mul3A_137 : i32
      %add3A_139 = arith.constant 1 : i32
      %add3A_140 = arith.addi %mul3A_138, %add3A_139 : i32
      %dma_wait3A_141 = arith.constant 0 : i32
      %dma_wait3A_142 = tpu.memref_slice %arg8[%add3A_140, %dma_wait3A_141] : memref<40x128xi32, #tpu.memory_space<vmem>> -> memref<1x128xi32, #tpu.memory_space<vmem>>
      %dma_wait3A_143 = tpu.memref_squeeze %dma_wait3A_142 : memref<1x128xi32, #tpu.memory_space<vmem>> -> memref<128xi32, #tpu.memory_space<vmem>>
      %dma_wait3A_144 = arith.constant 0 : i32
      %dma_wait3A_145 = arith.constant 0 : i32
      %dma_wait3A_146 = tpu.memref_slice %arg11[%dma_wait3A_144, %dma_wait3A_145] : memref<10240x128xf32, #tpu.memory_space<vmem_shared>> -> memref<10240x128xf32, #tpu.memory_space<vmem_shared>>
      tpu.wait_indirect_dma semaphore(%arg15 : memref<!tpu.dma_semaphore, #tpu.memory_space<semaphore_mem>>) src(%arg10 : memref<128x128xf32, #tpu.memory_space<vmem>>) dst(%dma_wait3A_146 : memref<10240x128xf32, #tpu.memory_space<vmem_shared>>)
      %add3A_147 = arith.constant 2 : i32
      %add3A_148 = arith.addi %add3A_140, %add3A_147 : i32
      %lt3A_149 = arith.constant 40 : i32
      %lt3A_150 = arith.cmpi slt, %add3A_148, %lt3A_149 : i32
      %convert_element_type3A_151 = arith.extui %lt3A_150 : i1 to i32
      %cond3A_152 = arith.constant 0 : i32
      %cond3A_153 = arith.cmpi ne, %convert_element_type3A_151, %cond3A_152 : i32
      scf.if %cond3A_153 {
        %dma_start3A_155 = arith.constant 0 : i32
        %dma_start3A_156 = tpu.memref_slice %arg7[%add3A_148, %dma_start3A_155] : memref<40x128xi32, #tpu.memory_space<vmem>> -> memref<1x128xi32, #tpu.memory_space<vmem>>
        %dma_start3A_157 = tpu.memref_squeeze %dma_start3A_156 : memref<1x128xi32, #tpu.memory_space<vmem>> -> memref<128xi32, #tpu.memory_space<vmem>>
        %dma_start3A_158 = arith.constant 0 : i32
        %dma_start3A_159 = arith.constant 0 : i32
        %dma_start3A_160 = tpu.memref_slice %arg2[%dma_start3A_158, %dma_start3A_159] : memref<10000x128xf32, #tpu.memory_space<hbm>> -> memref<10000x128xf32, #tpu.memory_space<hbm>>
        tpu.enqueue_indirect_dma source(%dma_start3A_160 : memref<10000x128xf32, #tpu.memory_space<hbm>>) target(%arg10 : memref<128x128xf32, #tpu.memory_space<vmem>>) offsets(%dma_start3A_157 : memref<128xi32, #tpu.memory_space<vmem>>) semaphore(%arg13 : memref<!tpu.dma_semaphore, #tpu.memory_space<semaphore_mem>>)
      } else {
      }
      %scan3A_154 = arith.constant 0 : i32
      scf.yield %scan3A_154 : i32
    }
    %scan3A_43 = arith.constant 20 : i32
    %mul3A_44 = arith.constant 80 : i32
    %mul3A_45 = arith.muli %add3A, %mul3A_44 : i32
    %add3A_46 = arith.constant 40 : i32
    %add3A_47 = arith.addi %mul3A_45, %add3A_46 : i32
    "tpu.region"() ({
      %run_scoped3A = tpu.sem_alloc : memref<!tpu.dma_semaphore, #tpu.memory_space<semaphore_mem>>
      %dma_start3A_90 = arith.constant 0 : i32
      %dma_start3A_91 = tpu.memref_slice %arg3[%add3A_47, %dma_start3A_90] : memref<2560x128xi32, #tpu.memory_space<hbm>> -> memref<40x128xi32, #tpu.memory_space<hbm>>
      %dma_start3A_92 = arith.constant 0 : i32
      %dma_start3A_93 = tpu.memref_slice %arg3[%add3A_47, %dma_start3A_92] : memref<2560x128xi32, #tpu.memory_space<hbm>> -> memref<40x128xi32, #tpu.memory_space<hbm>>
      tpu.enqueue_dma source(%dma_start3A_93 : memref<40x128xi32, #tpu.memory_space<hbm>>) target(%arg7 : memref<40x128xi32, #tpu.memory_space<vmem>>) target_semaphore(%run_scoped3A : memref<!tpu.dma_semaphore, #tpu.memory_space<semaphore_mem>>)
      %dma_wait3A = arith.constant 0 : i32
      %dma_wait3A_94 = tpu.memref_slice %arg3[%add3A_47, %dma_wait3A] : memref<2560x128xi32, #tpu.memory_space<hbm>> -> memref<40x128xi32, #tpu.memory_space<hbm>>
      %dma_wait3A_95 = arith.constant 0 : i32
      %dma_wait3A_96 = tpu.memref_slice %arg3[%add3A_47, %dma_wait3A_95] : memref<2560x128xi32, #tpu.memory_space<hbm>> -> memref<40x128xi32, #tpu.memory_space<hbm>>
      tpu.wait_dma2 semaphore(%run_scoped3A : memref<!tpu.dma_semaphore, #tpu.memory_space<semaphore_mem>>) src(%dma_wait3A_96 : memref<40x128xi32, #tpu.memory_space<hbm>>) dst(%arg7 : memref<40x128xi32, #tpu.memory_space<vmem>>)
      tpu.yield
    }) : () -> ()
    "tpu.region"() ({
      %run_scoped3A = tpu.sem_alloc : memref<!tpu.dma_semaphore, #tpu.memory_space<semaphore_mem>>
      %dma_start3A_90 = arith.constant 0 : i32
      %dma_start3A_91 = tpu.memref_slice %arg4[%add3A_47, %dma_start3A_90] : memref<2560x128xi32, #tpu.memory_space<hbm>> -> memref<40x128xi32, #tpu.memory_space<hbm>>
      %dma_start3A_92 = arith.constant 0 : i32
      %dma_start3A_93 = tpu.memref_slice %arg4[%add3A_47, %dma_start3A_92] : memref<2560x128xi32, #tpu.memory_space<hbm>> -> memref<40x128xi32, #tpu.memory_space<hbm>>
      tpu.enqueue_dma source(%dma_start3A_93 : memref<40x128xi32, #tpu.memory_space<hbm>>) target(%arg8 : memref<40x128xi32, #tpu.memory_space<vmem>>) target_semaphore(%run_scoped3A : memref<!tpu.dma_semaphore, #tpu.memory_space<semaphore_mem>>)
      %dma_wait3A = arith.constant 0 : i32
      %dma_wait3A_94 = tpu.memref_slice %arg4[%add3A_47, %dma_wait3A] : memref<2560x128xi32, #tpu.memory_space<hbm>> -> memref<40x128xi32, #tpu.memory_space<hbm>>
      %dma_wait3A_95 = arith.constant 0 : i32
      %dma_wait3A_96 = tpu.memref_slice %arg4[%add3A_47, %dma_wait3A_95] : memref<2560x128xi32, #tpu.memory_space<hbm>> -> memref<40x128xi32, #tpu.memory_space<hbm>>
      tpu.wait_dma2 semaphore(%run_scoped3A : memref<!tpu.dma_semaphore, #tpu.memory_space<semaphore_mem>>) src(%dma_wait3A_96 : memref<40x128xi32, #tpu.memory_space<hbm>>) dst(%arg8 : memref<40x128xi32, #tpu.memory_space<vmem>>)
      tpu.yield
    }) : () -> ()
    %dma_start3A_48 = arith.constant 0 : i32
    %dma_start3A_49 = arith.constant 0 : i32
    %dma_start3A_50 = tpu.memref_slice %arg7[%dma_start3A_48, %dma_start3A_49] : memref<40x128xi32, #tpu.memory_space<vmem>> -> memref<1x128xi32, #tpu.memory_space<vmem>>
    %dma_start3A_51 = tpu.memref_squeeze %dma_start3A_50 : memref<1x128xi32, #tpu.memory_space<vmem>> -> memref<128xi32, #tpu.memory_space<vmem>>
    %dma_start3A_52 = arith.constant 0 : i32
    %dma_start3A_53 = arith.constant 0 : i32
    %dma_start3A_54 = tpu.memref_slice %arg2[%dma_start3A_52, %dma_start3A_53] : memref<10000x128xf32, #tpu.memory_space<hbm>> -> memref<10000x128xf32, #tpu.memory_space<hbm>>
    tpu.enqueue_indirect_dma source(%dma_start3A_54 : memref<10000x128xf32, #tpu.memory_space<hbm>>) target(%arg9 : memref<128x128xf32, #tpu.memory_space<vmem>>) offsets(%dma_start3A_51 : memref<128xi32, #tpu.memory_space<vmem>>) semaphore(%arg12 : memref<!tpu.dma_semaphore, #tpu.memory_space<semaphore_mem>>)
    %dma_start3A_55 = arith.constant 1 : i32
    %dma_start3A_56 = arith.constant 0 : i32
    %dma_start3A_57 = tpu.memref_slice %arg7[%dma_start3A_55, %dma_start3A_56] : memref<40x128xi32, #tpu.memory_space<vmem>> -> memref<1x128xi32, #tpu.memory_space<vmem>>
    %dma_start3A_58 = tpu.memref_squeeze %dma_start3A_57 : memref<1x128xi32, #tpu.memory_space<vmem>> -> memref<128xi32, #tpu.memory_space<vmem>>
    %dma_start3A_59 = arith.constant 0 : i32
    %dma_start3A_60 = arith.constant 0 : i32
    %dma_start3A_61 = tpu.memref_slice %arg2[%dma_start3A_59, %dma_start3A_60] : memref<10000x128xf32, #tpu.memory_space<hbm>> -> memref<10000x128xf32, #tpu.memory_space<hbm>>
    tpu.enqueue_indirect_dma source(%dma_start3A_61 : memref<10000x128xf32, #tpu.memory_space<hbm>>) target(%arg10 : memref<128x128xf32, #tpu.memory_space<vmem>>) offsets(%dma_start3A_58 : memref<128xi32, #tpu.memory_space<vmem>>) semaphore(%arg13 : memref<!tpu.dma_semaphore, #tpu.memory_space<semaphore_mem>>)
    %scan3A_62 = arith.constant 0 : i32
    %scan3A_63 = arith.constant 0 : i32
    %scan3A_64 = arith.constant 20 : i32
    %scan3A_65 = arith.addi %scan3A_63, %scan3A_64 : i32
    %scan3A_66 = arith.constant 1 : i32
    %scan3A_67 = scf.for %scan3A_90 = %scan3A_63 to %scan3A_65 step %scan3A_66 iter_args(%scan3A_91 = %scan3A_62) -> (i32)  : i32 {
      %mul3A_92 = arith.constant 2 : i32
      %mul3A_93 = arith.muli %scan3A_90, %mul3A_92 : i32
      %add3A_94 = arith.constant 0 : i32
      %add3A_95 = arith.addi %mul3A_93, %add3A_94 : i32
      %dma_wait3A = arith.constant 0 : i32
      %dma_wait3A_96 = tpu.memref_slice %arg7[%add3A_95, %dma_wait3A] : memref<40x128xi32, #tpu.memory_space<vmem>> -> memref<1x128xi32, #tpu.memory_space<vmem>>
      %dma_wait3A_97 = tpu.memref_squeeze %dma_wait3A_96 : memref<1x128xi32, #tpu.memory_space<vmem>> -> memref<128xi32, #tpu.memory_space<vmem>>
      %dma_wait3A_98 = arith.constant 0 : i32
      %dma_wait3A_99 = arith.constant 0 : i32
      %dma_wait3A_100 = tpu.memref_slice %arg2[%dma_wait3A_98, %dma_wait3A_99] : memref<10000x128xf32, #tpu.memory_space<hbm>> -> memref<10000x128xf32, #tpu.memory_space<hbm>>
      tpu.wait_indirect_dma semaphore(%arg12 : memref<!tpu.dma_semaphore, #tpu.memory_space<semaphore_mem>>) src(%dma_wait3A_100 : memref<10000x128xf32, #tpu.memory_space<hbm>>) dst(%arg9 : memref<128x128xf32, #tpu.memory_space<vmem>>)
      %dma_start3A_101 = arith.constant 0 : i32
      %dma_start3A_102 = tpu.memref_slice %arg8[%add3A_95, %dma_start3A_101] : memref<40x128xi32, #tpu.memory_space<vmem>> -> memref<1x128xi32, #tpu.memory_space<vmem>>
      %dma_start3A_103 = tpu.memref_squeeze %dma_start3A_102 : memref<1x128xi32, #tpu.memory_space<vmem>> -> memref<128xi32, #tpu.memory_space<vmem>>
      %dma_start3A_104 = arith.constant 0 : i32
      %dma_start3A_105 = arith.constant 0 : i32
      %dma_start3A_106 = tpu.memref_slice %arg11[%dma_start3A_104, %dma_start3A_105] : memref<10240x128xf32, #tpu.memory_space<vmem_shared>> -> memref<10240x128xf32, #tpu.memory_space<vmem_shared>>
      tpu.enqueue_indirect_dma source(%arg9 : memref<128x128xf32, #tpu.memory_space<vmem>>) target(%dma_start3A_106 : memref<10240x128xf32, #tpu.memory_space<vmem_shared>>) offsets(%dma_start3A_103 : memref<128xi32, #tpu.memory_space<vmem>>) semaphore(%arg14 : memref<!tpu.dma_semaphore, #tpu.memory_space<semaphore_mem>>) {add = true}
      %mul3A_107 = arith.constant 2 : i32
      %mul3A_108 = arith.muli %scan3A_90, %mul3A_107 : i32
      %add3A_109 = arith.constant 1 : i32
      %add3A_110 = arith.addi %mul3A_108, %add3A_109 : i32
      %dma_wait3A_111 = arith.constant 0 : i32
      %dma_wait3A_112 = tpu.memref_slice %arg7[%add3A_110, %dma_wait3A_111] : memref<40x128xi32, #tpu.memory_space<vmem>> -> memref<1x128xi32, #tpu.memory_space<vmem>>
      %dma_wait3A_113 = tpu.memref_squeeze %dma_wait3A_112 : memref<1x128xi32, #tpu.memory_space<vmem>> -> memref<128xi32, #tpu.memory_space<vmem>>
      %dma_wait3A_114 = arith.constant 0 : i32
      %dma_wait3A_115 = arith.constant 0 : i32
      %dma_wait3A_116 = tpu.memref_slice %arg2[%dma_wait3A_114, %dma_wait3A_115] : memref<10000x128xf32, #tpu.memory_space<hbm>> -> memref<10000x128xf32, #tpu.memory_space<hbm>>
      tpu.wait_indirect_dma semaphore(%arg13 : memref<!tpu.dma_semaphore, #tpu.memory_space<semaphore_mem>>) src(%dma_wait3A_116 : memref<10000x128xf32, #tpu.memory_space<hbm>>) dst(%arg10 : memref<128x128xf32, #tpu.memory_space<vmem>>)
      %dma_start3A_117 = arith.constant 0 : i32
      %dma_start3A_118 = tpu.memref_slice %arg8[%add3A_110, %dma_start3A_117] : memref<40x128xi32, #tpu.memory_space<vmem>> -> memref<1x128xi32, #tpu.memory_space<vmem>>
      %dma_start3A_119 = tpu.memref_squeeze %dma_start3A_118 : memref<1x128xi32, #tpu.memory_space<vmem>> -> memref<128xi32, #tpu.memory_space<vmem>>
      %dma_start3A_120 = arith.constant 0 : i32
      %dma_start3A_121 = arith.constant 0 : i32
      %dma_start3A_122 = tpu.memref_slice %arg11[%dma_start3A_120, %dma_start3A_121] : memref<10240x128xf32, #tpu.memory_space<vmem_shared>> -> memref<10240x128xf32, #tpu.memory_space<vmem_shared>>
      tpu.enqueue_indirect_dma source(%arg10 : memref<128x128xf32, #tpu.memory_space<vmem>>) target(%dma_start3A_122 : memref<10240x128xf32, #tpu.memory_space<vmem_shared>>) offsets(%dma_start3A_119 : memref<128xi32, #tpu.memory_space<vmem>>) semaphore(%arg15 : memref<!tpu.dma_semaphore, #tpu.memory_space<semaphore_mem>>) {add = true}
      %mul3A_123 = arith.constant 2 : i32
      %mul3A_124 = arith.muli %scan3A_90, %mul3A_123 : i32
      %add3A_125 = arith.constant 0 : i32
      %add3A_126 = arith.addi %mul3A_124, %add3A_125 : i32
      %dma_wait3A_127 = arith.constant 0 : i32
      %dma_wait3A_128 = tpu.memref_slice %arg8[%add3A_126, %dma_wait3A_127] : memref<40x128xi32, #tpu.memory_space<vmem>> -> memref<1x128xi32, #tpu.memory_space<vmem>>
      %dma_wait3A_129 = tpu.memref_squeeze %dma_wait3A_128 : memref<1x128xi32, #tpu.memory_space<vmem>> -> memref<128xi32, #tpu.memory_space<vmem>>
      %dma_wait3A_130 = arith.constant 0 : i32
      %dma_wait3A_131 = arith.constant 0 : i32
      %dma_wait3A_132 = tpu.memref_slice %arg11[%dma_wait3A_130, %dma_wait3A_131] : memref<10240x128xf32, #tpu.memory_space<vmem_shared>> -> memref<10240x128xf32, #tpu.memory_space<vmem_shared>>
      tpu.wait_indirect_dma semaphore(%arg14 : memref<!tpu.dma_semaphore, #tpu.memory_space<semaphore_mem>>) src(%arg9 : memref<128x128xf32, #tpu.memory_space<vmem>>) dst(%dma_wait3A_132 : memref<10240x128xf32, #tpu.memory_space<vmem_shared>>)
      %add3A_133 = arith.constant 2 : i32
      %add3A_134 = arith.addi %add3A_126, %add3A_133 : i32
      %lt3A = arith.constant 40 : i32
      %lt3A_135 = arith.cmpi slt, %add3A_134, %lt3A : i32
      %convert_element_type3A = arith.extui %lt3A_135 : i1 to i32
      %cond3A = arith.constant 0 : i32
      %cond3A_136 = arith.cmpi ne, %convert_element_type3A, %cond3A : i32
      scf.if %cond3A_136 {
        %dma_start3A_155 = arith.constant 0 : i32
        %dma_start3A_156 = tpu.memref_slice %arg7[%add3A_134, %dma_start3A_155] : memref<40x128xi32, #tpu.memory_space<vmem>> -> memref<1x128xi32, #tpu.memory_space<vmem>>
        %dma_start3A_157 = tpu.memref_squeeze %dma_start3A_156 : memref<1x128xi32, #tpu.memory_space<vmem>> -> memref<128xi32, #tpu.memory_space<vmem>>
        %dma_start3A_158 = arith.constant 0 : i32
        %dma_start3A_159 = arith.constant 0 : i32
        %dma_start3A_160 = tpu.memref_slice %arg2[%dma_start3A_158, %dma_start3A_159] : memref<10000x128xf32, #tpu.memory_space<hbm>> -> memref<10000x128xf32, #tpu.memory_space<hbm>>
        tpu.enqueue_indirect_dma source(%dma_start3A_160 : memref<10000x128xf32, #tpu.memory_space<hbm>>) target(%arg9 : memref<128x128xf32, #tpu.memory_space<vmem>>) offsets(%dma_start3A_157 : memref<128xi32, #tpu.memory_space<vmem>>) semaphore(%arg12 : memref<!tpu.dma_semaphore, #tpu.memory_space<semaphore_mem>>)
      } else {
      }
      %mul3A_137 = arith.constant 2 : i32
      %mul3A_138 = arith.muli %scan3A_90, %mul3A_137 : i32
      %add3A_139 = arith.constant 1 : i32
      %add3A_140 = arith.addi %mul3A_138, %add3A_139 : i32
      %dma_wait3A_141 = arith.constant 0 : i32
      %dma_wait3A_142 = tpu.memref_slice %arg8[%add3A_140, %dma_wait3A_141] : memref<40x128xi32, #tpu.memory_space<vmem>> -> memref<1x128xi32, #tpu.memory_space<vmem>>
      %dma_wait3A_143 = tpu.memref_squeeze %dma_wait3A_142 : memref<1x128xi32, #tpu.memory_space<vmem>> -> memref<128xi32, #tpu.memory_space<vmem>>
      %dma_wait3A_144 = arith.constant 0 : i32
      %dma_wait3A_145 = arith.constant 0 : i32
      %dma_wait3A_146 = tpu.memref_slice %arg11[%dma_wait3A_144, %dma_wait3A_145] : memref<10240x128xf32, #tpu.memory_space<vmem_shared>> -> memref<10240x128xf32, #tpu.memory_space<vmem_shared>>
      tpu.wait_indirect_dma semaphore(%arg15 : memref<!tpu.dma_semaphore, #tpu.memory_space<semaphore_mem>>) src(%arg10 : memref<128x128xf32, #tpu.memory_space<vmem>>) dst(%dma_wait3A_146 : memref<10240x128xf32, #tpu.memory_space<vmem_shared>>)
      %add3A_147 = arith.constant 2 : i32
      %add3A_148 = arith.addi %add3A_140, %add3A_147 : i32
      %lt3A_149 = arith.constant 40 : i32
      %lt3A_150 = arith.cmpi slt, %add3A_148, %lt3A_149 : i32
      %convert_element_type3A_151 = arith.extui %lt3A_150 : i1 to i32
      %cond3A_152 = arith.constant 0 : i32
      %cond3A_153 = arith.cmpi ne, %convert_element_type3A_151, %cond3A_152 : i32
      scf.if %cond3A_153 {
        %dma_start3A_155 = arith.constant 0 : i32
        %dma_start3A_156 = tpu.memref_slice %arg7[%add3A_148, %dma_start3A_155] : memref<40x128xi32, #tpu.memory_space<vmem>> -> memref<1x128xi32, #tpu.memory_space<vmem>>
        %dma_start3A_157 = tpu.memref_squeeze %dma_start3A_156 : memref<1x128xi32, #tpu.memory_space<vmem>> -> memref<128xi32, #tpu.memory_space<vmem>>
        %dma_start3A_158 = arith.constant 0 : i32
        %dma_start3A_159 = arith.constant 0 : i32
        %dma_start3A_160 = tpu.memref_slice %arg2[%dma_start3A_158, %dma_start3A_159] : memref<10000x128xf32, #tpu.memory_space<hbm>> -> memref<10000x128xf32, #tpu.memory_space<hbm>>
        tpu.enqueue_indirect_dma source(%dma_start3A_160 : memref<10000x128xf32, #tpu.memory_space<hbm>>) target(%arg10 : memref<128x128xf32, #tpu.memory_space<vmem>>) offsets(%dma_start3A_157 : memref<128xi32, #tpu.memory_space<vmem>>) semaphore(%arg13 : memref<!tpu.dma_semaphore, #tpu.memory_space<semaphore_mem>>)
      } else {
      }
      %scan3A_154 = arith.constant 0 : i32
      scf.yield %scan3A_154 : i32
    }
    %scan3A_68 = arith.constant 20 : i32
    %barrier3A_69 = arith.constant 0 : index
    tpu.barrier barrier_id(%barrier3A_69)
    %mul3A_70 = arith.constant 640 : i32
    %mul3A_71 = arith.muli %arg1, %mul3A_70 : i32
    %add3A_72 = arith.constant 0 : i32
    %add3A_73 = arith.addi %mul3A_71, %add3A_72 : i32
    "tpu.region"() ({
      %run_scoped3A = tpu.sem_alloc : memref<!tpu.dma_semaphore, #tpu.memory_space<semaphore_mem>>
      %dma_start3A_90 = arith.constant 0 : i32
      %dma_start3A_91 = tpu.memref_slice %arg11[%add3A_73, %dma_start3A_90] : memref<10240x128xf32, #tpu.memory_space<vmem_shared>> -> memref<128x128xf32, #tpu.memory_space<vmem_shared>>
      %dma_start3A_92 = arith.constant 0 : i32
      %dma_start3A_93 = tpu.memref_slice %arg11[%add3A_73, %dma_start3A_92] : memref<10240x128xf32, #tpu.memory_space<vmem_shared>> -> memref<128x128xf32, #tpu.memory_space<vmem_shared>>
      tpu.enqueue_dma source(%dma_start3A_93 : memref<128x128xf32, #tpu.memory_space<vmem_shared>>) target(%arg9 : memref<128x128xf32, #tpu.memory_space<vmem>>) target_semaphore(%run_scoped3A : memref<!tpu.dma_semaphore, #tpu.memory_space<semaphore_mem>>)
      %dma_wait3A = arith.constant 0 : i32
      %dma_wait3A_94 = tpu.memref_slice %arg11[%add3A_73, %dma_wait3A] : memref<10240x128xf32, #tpu.memory_space<vmem_shared>> -> memref<128x128xf32, #tpu.memory_space<vmem_shared>>
      %dma_wait3A_95 = arith.constant 0 : i32
      %dma_wait3A_96 = tpu.memref_slice %arg11[%add3A_73, %dma_wait3A_95] : memref<10240x128xf32, #tpu.memory_space<vmem_shared>> -> memref<128x128xf32, #tpu.memory_space<vmem_shared>>
      tpu.wait_dma2 semaphore(%run_scoped3A : memref<!tpu.dma_semaphore, #tpu.memory_space<semaphore_mem>>) src(%dma_wait3A_96 : memref<128x128xf32, #tpu.memory_space<vmem_shared>>) dst(%arg9 : memref<128x128xf32, #tpu.memory_space<vmem>>)
      tpu.yield
    }) : () -> ()
    "tpu.region"() ({
      %run_scoped3A = tpu.sem_alloc : memref<!tpu.dma_semaphore, #tpu.memory_space<semaphore_mem>>
      %dma_start3A_90 = arith.constant 0 : i32
      %dma_start3A_91 = arith.constant 0 : i32
      %dma_start3A_92 = tpu.memref_slice %arg6[%arg0, %dma_start3A_90, %dma_start3A_91] : memref<2x10240x128xf32, #tpu.memory_space<hbm>> -> memref<1x10240x128xf32, #tpu.memory_space<hbm>>
      %dma_start3A_93 = tpu.memref_squeeze %dma_start3A_92 : memref<1x10240x128xf32, #tpu.memory_space<hbm>> -> memref<10240x128xf32, #tpu.memory_space<hbm>>
      %dma_start3A_94 = arith.constant 0 : i32
      %dma_start3A_95 = tpu.memref_slice %dma_start3A_93[%add3A_73, %dma_start3A_94] : memref<10240x128xf32, #tpu.memory_space<hbm>> -> memref<128x128xf32, #tpu.memory_space<hbm>>
      %dma_start3A_96 = arith.constant 0 : i32
      %dma_start3A_97 = arith.constant 0 : i32
      %dma_start3A_98 = tpu.memref_slice %arg6[%arg0, %dma_start3A_96, %dma_start3A_97] : memref<2x10240x128xf32, #tpu.memory_space<hbm>> -> memref<1x10240x128xf32, #tpu.memory_space<hbm>>
      %dma_start3A_99 = tpu.memref_squeeze %dma_start3A_98 : memref<1x10240x128xf32, #tpu.memory_space<hbm>> -> memref<10240x128xf32, #tpu.memory_space<hbm>>
      %dma_start3A_100 = arith.constant 0 : i32
      %dma_start3A_101 = tpu.memref_slice %dma_start3A_99[%add3A_73, %dma_start3A_100] : memref<10240x128xf32, #tpu.memory_space<hbm>> -> memref<128x128xf32, #tpu.memory_space<hbm>>
      tpu.enqueue_dma source(%arg9 : memref<128x128xf32, #tpu.memory_space<vmem>>) target(%dma_start3A_101 : memref<128x128xf32, #tpu.memory_space<hbm>>) target_semaphore(%run_scoped3A : memref<!tpu.dma_semaphore, #tpu.memory_space<semaphore_mem>>)
      %dma_wait3A = arith.constant 0 : i32
      %dma_wait3A_102 = arith.constant 0 : i32
      %dma_wait3A_103 = tpu.memref_slice %arg6[%arg0, %dma_wait3A, %dma_wait3A_102] : memref<2x10240x128xf32, #tpu.memory_space<hbm>> -> memref<1x10240x128xf32, #tpu.memory_space<hbm>>
      %dma_wait3A_104 = tpu.memref_squeeze %dma_wait3A_103 : memref<1x10240x128xf32, #tpu.memory_space<hbm>> -> memref<10240x128xf32, #tpu.memory_space<hbm>>
      %dma_wait3A_105 = arith.constant 0 : i32
      %dma_wait3A_106 = tpu.memref_slice %dma_wait3A_104[%add3A_73, %dma_wait3A_105] : memref<10240x128xf32, #tpu.memory_space<hbm>> -> memref<128x128xf32, #tpu.memory_space<hbm>>
      %dma_wait3A_107 = arith.constant 0 : i32
      %dma_wait3A_108 = arith.constant 0 : i32
      %dma_wait3A_109 = tpu.memref_slice %arg6[%arg0, %dma_wait3A_107, %dma_wait3A_108] : memref<2x10240x128xf32, #tpu.memory_space<hbm>> -> memref<1x10240x128xf32, #tpu.memory_space<hbm>>
      %dma_wait3A_110 = tpu.memref_squeeze %dma_wait3A_109 : memref<1x10240x128xf32, #tpu.memory_space<hbm>> -> memref<10240x128xf32, #tpu.memory_space<hbm>>
      %dma_wait3A_111 = arith.constant 0 : i32
      %dma_wait3A_112 = tpu.memref_slice %dma_wait3A_110[%add3A_73, %dma_wait3A_111] : memref<10240x128xf32, #tpu.memory_space<hbm>> -> memref<128x128xf32, #tpu.memory_space<hbm>>
      tpu.wait_dma2 semaphore(%run_scoped3A : memref<!tpu.dma_semaphore, #tpu.memory_space<semaphore_mem>>) src(%arg9 : memref<128x128xf32, #tpu.memory_space<vmem>>) dst(%dma_wait3A_112 : memref<128x128xf32, #tpu.memory_space<hbm>>)
      tpu.yield
    }) : () -> ()
    %mul3A_74 = arith.constant 640 : i32
    %mul3A_75 = arith.muli %arg1, %mul3A_74 : i32
    %add3A_76 = arith.constant 128 : i32
    %add3A_77 = arith.addi %mul3A_75, %add3A_76 : i32
    "tpu.region"() ({
      %run_scoped3A = tpu.sem_alloc : memref<!tpu.dma_semaphore, #tpu.memory_space<semaphore_mem>>
      %dma_start3A_90 = arith.constant 0 : i32
      %dma_start3A_91 = tpu.memref_slice %arg11[%add3A_77, %dma_start3A_90] : memref<10240x128xf32, #tpu.memory_space<vmem_shared>> -> memref<128x128xf32, #tpu.memory_space<vmem_shared>>
      %dma_start3A_92 = arith.constant 0 : i32
      %dma_start3A_93 = tpu.memref_slice %arg11[%add3A_77, %dma_start3A_92] : memref<10240x128xf32, #tpu.memory_space<vmem_shared>> -> memref<128x128xf32, #tpu.memory_space<vmem_shared>>
      tpu.enqueue_dma source(%dma_start3A_93 : memref<128x128xf32, #tpu.memory_space<vmem_shared>>) target(%arg9 : memref<128x128xf32, #tpu.memory_space<vmem>>) target_semaphore(%run_scoped3A : memref<!tpu.dma_semaphore, #tpu.memory_space<semaphore_mem>>)
      %dma_wait3A = arith.constant 0 : i32
      %dma_wait3A_94 = tpu.memref_slice %arg11[%add3A_77, %dma_wait3A] : memref<10240x128xf32, #tpu.memory_space<vmem_shared>> -> memref<128x128xf32, #tpu.memory_space<vmem_shared>>
      %dma_wait3A_95 = arith.constant 0 : i32
      %dma_wait3A_96 = tpu.memref_slice %arg11[%add3A_77, %dma_wait3A_95] : memref<10240x128xf32, #tpu.memory_space<vmem_shared>> -> memref<128x128xf32, #tpu.memory_space<vmem_shared>>
      tpu.wait_dma2 semaphore(%run_scoped3A : memref<!tpu.dma_semaphore, #tpu.memory_space<semaphore_mem>>) src(%dma_wait3A_96 : memref<128x128xf32, #tpu.memory_space<vmem_shared>>) dst(%arg9 : memref<128x128xf32, #tpu.memory_space<vmem>>)
      tpu.yield
    }) : () -> ()
    "tpu.region"() ({
      %run_scoped3A = tpu.sem_alloc : memref<!tpu.dma_semaphore, #tpu.memory_space<semaphore_mem>>
      %dma_start3A_90 = arith.constant 0 : i32
      %dma_start3A_91 = arith.constant 0 : i32
      %dma_start3A_92 = tpu.memref_slice %arg6[%arg0, %dma_start3A_90, %dma_start3A_91] : memref<2x10240x128xf32, #tpu.memory_space<hbm>> -> memref<1x10240x128xf32, #tpu.memory_space<hbm>>
      %dma_start3A_93 = tpu.memref_squeeze %dma_start3A_92 : memref<1x10240x128xf32, #tpu.memory_space<hbm>> -> memref<10240x128xf32, #tpu.memory_space<hbm>>
      %dma_start3A_94 = arith.constant 0 : i32
      %dma_start3A_95 = tpu.memref_slice %dma_start3A_93[%add3A_77, %dma_start3A_94] : memref<10240x128xf32, #tpu.memory_space<hbm>> -> memref<128x128xf32, #tpu.memory_space<hbm>>
      %dma_start3A_96 = arith.constant 0 : i32
      %dma_start3A_97 = arith.constant 0 : i32
      %dma_start3A_98 = tpu.memref_slice %arg6[%arg0, %dma_start3A_96, %dma_start3A_97] : memref<2x10240x128xf32, #tpu.memory_space<hbm>> -> memref<1x10240x128xf32, #tpu.memory_space<hbm>>
      %dma_start3A_99 = tpu.memref_squeeze %dma_start3A_98 : memref<1x10240x128xf32, #tpu.memory_space<hbm>> -> memref<10240x128xf32, #tpu.memory_space<hbm>>
      %dma_start3A_100 = arith.constant 0 : i32
      %dma_start3A_101 = tpu.memref_slice %dma_start3A_99[%add3A_77, %dma_start3A_100] : memref<10240x128xf32, #tpu.memory_space<hbm>> -> memref<128x128xf32, #tpu.memory_space<hbm>>
      tpu.enqueue_dma source(%arg9 : memref<128x128xf32, #tpu.memory_space<vmem>>) target(%dma_start3A_101 : memref<128x128xf32, #tpu.memory_space<hbm>>) target_semaphore(%run_scoped3A : memref<!tpu.dma_semaphore, #tpu.memory_space<semaphore_mem>>)
      %dma_wait3A = arith.constant 0 : i32
      %dma_wait3A_102 = arith.constant 0 : i32
      %dma_wait3A_103 = tpu.memref_slice %arg6[%arg0, %dma_wait3A, %dma_wait3A_102] : memref<2x10240x128xf32, #tpu.memory_space<hbm>> -> memref<1x10240x128xf32, #tpu.memory_space<hbm>>
      %dma_wait3A_104 = tpu.memref_squeeze %dma_wait3A_103 : memref<1x10240x128xf32, #tpu.memory_space<hbm>> -> memref<10240x128xf32, #tpu.memory_space<hbm>>
      %dma_wait3A_105 = arith.constant 0 : i32
      %dma_wait3A_106 = tpu.memref_slice %dma_wait3A_104[%add3A_77, %dma_wait3A_105] : memref<10240x128xf32, #tpu.memory_space<hbm>> -> memref<128x128xf32, #tpu.memory_space<hbm>>
      %dma_wait3A_107 = arith.constant 0 : i32
      %dma_wait3A_108 = arith.constant 0 : i32
      %dma_wait3A_109 = tpu.memref_slice %arg6[%arg0, %dma_wait3A_107, %dma_wait3A_108] : memref<2x10240x128xf32, #tpu.memory_space<hbm>> -> memref<1x10240x128xf32, #tpu.memory_space<hbm>>
      %dma_wait3A_110 = tpu.memref_squeeze %dma_wait3A_109 : memref<1x10240x128xf32, #tpu.memory_space<hbm>> -> memref<10240x128xf32, #tpu.memory_space<hbm>>
      %dma_wait3A_111 = arith.constant 0 : i32
      %dma_wait3A_112 = tpu.memref_slice %dma_wait3A_110[%add3A_77, %dma_wait3A_111] : memref<10240x128xf32, #tpu.memory_space<hbm>> -> memref<128x128xf32, #tpu.memory_space<hbm>>
      tpu.wait_dma2 semaphore(%run_scoped3A : memref<!tpu.dma_semaphore, #tpu.memory_space<semaphore_mem>>) src(%arg9 : memref<128x128xf32, #tpu.memory_space<vmem>>) dst(%dma_wait3A_112 : memref<128x128xf32, #tpu.memory_space<hbm>>)
      tpu.yield
    }) : () -> ()
    %mul3A_78 = arith.constant 640 : i32
    %mul3A_79 = arith.muli %arg1, %mul3A_78 : i32
    %add3A_80 = arith.constant 256 : i32
    %add3A_81 = arith.addi %mul3A_79, %add3A_80 : i32
    "tpu.region"() ({
      %run_scoped3A = tpu.sem_alloc : memref<!tpu.dma_semaphore, #tpu.memory_space<semaphore_mem>>
      %dma_start3A_90 = arith.constant 0 : i32
      %dma_start3A_91 = tpu.memref_slice %arg11[%add3A_81, %dma_start3A_90] : memref<10240x128xf32, #tpu.memory_space<vmem_shared>> -> memref<128x128xf32, #tpu.memory_space<vmem_shared>>
      %dma_start3A_92 = arith.constant 0 : i32
      %dma_start3A_93 = tpu.memref_slice %arg11[%add3A_81, %dma_start3A_92] : memref<10240x128xf32, #tpu.memory_space<vmem_shared>> -> memref<128x128xf32, #tpu.memory_space<vmem_shared>>
      tpu.enqueue_dma source(%dma_start3A_93 : memref<128x128xf32, #tpu.memory_space<vmem_shared>>) target(%arg9 : memref<128x128xf32, #tpu.memory_space<vmem>>) target_semaphore(%run_scoped3A : memref<!tpu.dma_semaphore, #tpu.memory_space<semaphore_mem>>)
      %dma_wait3A = arith.constant 0 : i32
      %dma_wait3A_94 = tpu.memref_slice %arg11[%add3A_81, %dma_wait3A] : memref<10240x128xf32, #tpu.memory_space<vmem_shared>> -> memref<128x128xf32, #tpu.memory_space<vmem_shared>>
      %dma_wait3A_95 = arith.constant 0 : i32
      %dma_wait3A_96 = tpu.memref_slice %arg11[%add3A_81, %dma_wait3A_95] : memref<10240x128xf32, #tpu.memory_space<vmem_shared>> -> memref<128x128xf32, #tpu.memory_space<vmem_shared>>
      tpu.wait_dma2 semaphore(%run_scoped3A : memref<!tpu.dma_semaphore, #tpu.memory_space<semaphore_mem>>) src(%dma_wait3A_96 : memref<128x128xf32, #tpu.memory_space<vmem_shared>>) dst(%arg9 : memref<128x128xf32, #tpu.memory_space<vmem>>)
      tpu.yield
    }) : () -> ()
    "tpu.region"() ({
      %run_scoped3A = tpu.sem_alloc : memref<!tpu.dma_semaphore, #tpu.memory_space<semaphore_mem>>
      %dma_start3A_90 = arith.constant 0 : i32
      %dma_start3A_91 = arith.constant 0 : i32
      %dma_start3A_92 = tpu.memref_slice %arg6[%arg0, %dma_start3A_90, %dma_start3A_91] : memref<2x10240x128xf32, #tpu.memory_space<hbm>> -> memref<1x10240x128xf32, #tpu.memory_space<hbm>>
      %dma_start3A_93 = tpu.memref_squeeze %dma_start3A_92 : memref<1x10240x128xf32, #tpu.memory_space<hbm>> -> memref<10240x128xf32, #tpu.memory_space<hbm>>
      %dma_start3A_94 = arith.constant 0 : i32
      %dma_start3A_95 = tpu.memref_slice %dma_start3A_93[%add3A_81, %dma_start3A_94] : memref<10240x128xf32, #tpu.memory_space<hbm>> -> memref<128x128xf32, #tpu.memory_space<hbm>>
      %dma_start3A_96 = arith.constant 0 : i32
      %dma_start3A_97 = arith.constant 0 : i32
      %dma_start3A_98 = tpu.memref_slice %arg6[%arg0, %dma_start3A_96, %dma_start3A_97] : memref<2x10240x128xf32, #tpu.memory_space<hbm>> -> memref<1x10240x128xf32, #tpu.memory_space<hbm>>
      %dma_start3A_99 = tpu.memref_squeeze %dma_start3A_98 : memref<1x10240x128xf32, #tpu.memory_space<hbm>> -> memref<10240x128xf32, #tpu.memory_space<hbm>>
      %dma_start3A_100 = arith.constant 0 : i32
      %dma_start3A_101 = tpu.memref_slice %dma_start3A_99[%add3A_81, %dma_start3A_100] : memref<10240x128xf32, #tpu.memory_space<hbm>> -> memref<128x128xf32, #tpu.memory_space<hbm>>
      tpu.enqueue_dma source(%arg9 : memref<128x128xf32, #tpu.memory_space<vmem>>) target(%dma_start3A_101 : memref<128x128xf32, #tpu.memory_space<hbm>>) target_semaphore(%run_scoped3A : memref<!tpu.dma_semaphore, #tpu.memory_space<semaphore_mem>>)
      %dma_wait3A = arith.constant 0 : i32
      %dma_wait3A_102 = arith.constant 0 : i32
      %dma_wait3A_103 = tpu.memref_slice %arg6[%arg0, %dma_wait3A, %dma_wait3A_102] : memref<2x10240x128xf32, #tpu.memory_space<hbm>> -> memref<1x10240x128xf32, #tpu.memory_space<hbm>>
      %dma_wait3A_104 = tpu.memref_squeeze %dma_wait3A_103 : memref<1x10240x128xf32, #tpu.memory_space<hbm>> -> memref<10240x128xf32, #tpu.memory_space<hbm>>
      %dma_wait3A_105 = arith.constant 0 : i32
      %dma_wait3A_106 = tpu.memref_slice %dma_wait3A_104[%add3A_81, %dma_wait3A_105] : memref<10240x128xf32, #tpu.memory_space<hbm>> -> memref<128x128xf32, #tpu.memory_space<hbm>>
      %dma_wait3A_107 = arith.constant 0 : i32
      %dma_wait3A_108 = arith.constant 0 : i32
      %dma_wait3A_109 = tpu.memref_slice %arg6[%arg0, %dma_wait3A_107, %dma_wait3A_108] : memref<2x10240x128xf32, #tpu.memory_space<hbm>> -> memref<1x10240x128xf32, #tpu.memory_space<hbm>>
      %dma_wait3A_110 = tpu.memref_squeeze %dma_wait3A_109 : memref<1x10240x128xf32, #tpu.memory_space<hbm>> -> memref<10240x128xf32, #tpu.memory_space<hbm>>
      %dma_wait3A_111 = arith.constant 0 : i32
      %dma_wait3A_112 = tpu.memref_slice %dma_wait3A_110[%add3A_81, %dma_wait3A_111] : memref<10240x128xf32, #tpu.memory_space<hbm>> -> memref<128x128xf32, #tpu.memory_space<hbm>>
      tpu.wait_dma2 semaphore(%run_scoped3A : memref<!tpu.dma_semaphore, #tpu.memory_space<semaphore_mem>>) src(%arg9 : memref<128x128xf32, #tpu.memory_space<vmem>>) dst(%dma_wait3A_112 : memref<128x128xf32, #tpu.memory_space<hbm>>)
      tpu.yield
    }) : () -> ()
    %mul3A_82 = arith.constant 640 : i32
    %mul3A_83 = arith.muli %arg1, %mul3A_82 : i32
    %add3A_84 = arith.constant 384 : i32
    %add3A_85 = arith.addi %mul3A_83, %add3A_84 : i32
    "tpu.region"() ({
      %run_scoped3A = tpu.sem_alloc : memref<!tpu.dma_semaphore, #tpu.memory_space<semaphore_mem>>
      %dma_start3A_90 = arith.constant 0 : i32
      %dma_start3A_91 = tpu.memref_slice %arg11[%add3A_85, %dma_start3A_90] : memref<10240x128xf32, #tpu.memory_space<vmem_shared>> -> memref<128x128xf32, #tpu.memory_space<vmem_shared>>
      %dma_start3A_92 = arith.constant 0 : i32
      %dma_start3A_93 = tpu.memref_slice %arg11[%add3A_85, %dma_start3A_92] : memref<10240x128xf32, #tpu.memory_space<vmem_shared>> -> memref<128x128xf32, #tpu.memory_space<vmem_shared>>
      tpu.enqueue_dma source(%dma_start3A_93 : memref<128x128xf32, #tpu.memory_space<vmem_shared>>) target(%arg9 : memref<128x128xf32, #tpu.memory_space<vmem>>) target_semaphore(%run_scoped3A : memref<!tpu.dma_semaphore, #tpu.memory_space<semaphore_mem>>)
      %dma_wait3A = arith.constant 0 : i32
      %dma_wait3A_94 = tpu.memref_slice %arg11[%add3A_85, %dma_wait3A] : memref<10240x128xf32, #tpu.memory_space<vmem_shared>> -> memref<128x128xf32, #tpu.memory_space<vmem_shared>>
      %dma_wait3A_95 = arith.constant 0 : i32
      %dma_wait3A_96 = tpu.memref_slice %arg11[%add3A_85, %dma_wait3A_95] : memref<10240x128xf32, #tpu.memory_space<vmem_shared>> -> memref<128x128xf32, #tpu.memory_space<vmem_shared>>
      tpu.wait_dma2 semaphore(%run_scoped3A : memref<!tpu.dma_semaphore, #tpu.memory_space<semaphore_mem>>) src(%dma_wait3A_96 : memref<128x128xf32, #tpu.memory_space<vmem_shared>>) dst(%arg9 : memref<128x128xf32, #tpu.memory_space<vmem>>)
      tpu.yield
    }) : () -> ()
    "tpu.region"() ({
      %run_scoped3A = tpu.sem_alloc : memref<!tpu.dma_semaphore, #tpu.memory_space<semaphore_mem>>
      %dma_start3A_90 = arith.constant 0 : i32
      %dma_start3A_91 = arith.constant 0 : i32
      %dma_start3A_92 = tpu.memref_slice %arg6[%arg0, %dma_start3A_90, %dma_start3A_91] : memref<2x10240x128xf32, #tpu.memory_space<hbm>> -> memref<1x10240x128xf32, #tpu.memory_space<hbm>>
      %dma_start3A_93 = tpu.memref_squeeze %dma_start3A_92 : memref<1x10240x128xf32, #tpu.memory_space<hbm>> -> memref<10240x128xf32, #tpu.memory_space<hbm>>
      %dma_start3A_94 = arith.constant 0 : i32
      %dma_start3A_95 = tpu.memref_slice %dma_start3A_93[%add3A_85, %dma_start3A_94] : memref<10240x128xf32, #tpu.memory_space<hbm>> -> memref<128x128xf32, #tpu.memory_space<hbm>>
      %dma_start3A_96 = arith.constant 0 : i32
      %dma_start3A_97 = arith.constant 0 : i32
      %dma_start3A_98 = tpu.memref_slice %arg6[%arg0, %dma_start3A_96, %dma_start3A_97] : memref<2x10240x128xf32, #tpu.memory_space<hbm>> -> memref<1x10240x128xf32, #tpu.memory_space<hbm>>
      %dma_start3A_99 = tpu.memref_squeeze %dma_start3A_98 : memref<1x10240x128xf32, #tpu.memory_space<hbm>> -> memref<10240x128xf32, #tpu.memory_space<hbm>>
      %dma_start3A_100 = arith.constant 0 : i32
      %dma_start3A_101 = tpu.memref_slice %dma_start3A_99[%add3A_85, %dma_start3A_100] : memref<10240x128xf32, #tpu.memory_space<hbm>> -> memref<128x128xf32, #tpu.memory_space<hbm>>
      tpu.enqueue_dma source(%arg9 : memref<128x128xf32, #tpu.memory_space<vmem>>) target(%dma_start3A_101 : memref<128x128xf32, #tpu.memory_space<hbm>>) target_semaphore(%run_scoped3A : memref<!tpu.dma_semaphore, #tpu.memory_space<semaphore_mem>>)
      %dma_wait3A = arith.constant 0 : i32
      %dma_wait3A_102 = arith.constant 0 : i32
      %dma_wait3A_103 = tpu.memref_slice %arg6[%arg0, %dma_wait3A, %dma_wait3A_102] : memref<2x10240x128xf32, #tpu.memory_space<hbm>> -> memref<1x10240x128xf32, #tpu.memory_space<hbm>>
      %dma_wait3A_104 = tpu.memref_squeeze %dma_wait3A_103 : memref<1x10240x128xf32, #tpu.memory_space<hbm>> -> memref<10240x128xf32, #tpu.memory_space<hbm>>
      %dma_wait3A_105 = arith.constant 0 : i32
      %dma_wait3A_106 = tpu.memref_slice %dma_wait3A_104[%add3A_85, %dma_wait3A_105] : memref<10240x128xf32, #tpu.memory_space<hbm>> -> memref<128x128xf32, #tpu.memory_space<hbm>>
      %dma_wait3A_107 = arith.constant 0 : i32
      %dma_wait3A_108 = arith.constant 0 : i32
      %dma_wait3A_109 = tpu.memref_slice %arg6[%arg0, %dma_wait3A_107, %dma_wait3A_108] : memref<2x10240x128xf32, #tpu.memory_space<hbm>> -> memref<1x10240x128xf32, #tpu.memory_space<hbm>>
      %dma_wait3A_110 = tpu.memref_squeeze %dma_wait3A_109 : memref<1x10240x128xf32, #tpu.memory_space<hbm>> -> memref<10240x128xf32, #tpu.memory_space<hbm>>
      %dma_wait3A_111 = arith.constant 0 : i32
      %dma_wait3A_112 = tpu.memref_slice %dma_wait3A_110[%add3A_85, %dma_wait3A_111] : memref<10240x128xf32, #tpu.memory_space<hbm>> -> memref<128x128xf32, #tpu.memory_space<hbm>>
      tpu.wait_dma2 semaphore(%run_scoped3A : memref<!tpu.dma_semaphore, #tpu.memory_space<semaphore_mem>>) src(%arg9 : memref<128x128xf32, #tpu.memory_space<vmem>>) dst(%dma_wait3A_112 : memref<128x128xf32, #tpu.memory_space<hbm>>)
      tpu.yield
    }) : () -> ()
    %mul3A_86 = arith.constant 640 : i32
    %mul3A_87 = arith.muli %arg1, %mul3A_86 : i32
    %add3A_88 = arith.constant 512 : i32
    %add3A_89 = arith.addi %mul3A_87, %add3A_88 : i32
    "tpu.region"() ({
      %run_scoped3A = tpu.sem_alloc : memref<!tpu.dma_semaphore, #tpu.memory_space<semaphore_mem>>
      %dma_start3A_90 = arith.constant 0 : i32
      %dma_start3A_91 = tpu.memref_slice %arg11[%add3A_89, %dma_start3A_90] : memref<10240x128xf32, #tpu.memory_space<vmem_shared>> -> memref<128x128xf32, #tpu.memory_space<vmem_shared>>
      %dma_start3A_92 = arith.constant 0 : i32
      %dma_start3A_93 = tpu.memref_slice %arg11[%add3A_89, %dma_start3A_92] : memref<10240x128xf32, #tpu.memory_space<vmem_shared>> -> memref<128x128xf32, #tpu.memory_space<vmem_shared>>
      tpu.enqueue_dma source(%dma_start3A_93 : memref<128x128xf32, #tpu.memory_space<vmem_shared>>) target(%arg9 : memref<128x128xf32, #tpu.memory_space<vmem>>) target_semaphore(%run_scoped3A : memref<!tpu.dma_semaphore, #tpu.memory_space<semaphore_mem>>)
      %dma_wait3A = arith.constant 0 : i32
      %dma_wait3A_94 = tpu.memref_slice %arg11[%add3A_89, %dma_wait3A] : memref<10240x128xf32, #tpu.memory_space<vmem_shared>> -> memref<128x128xf32, #tpu.memory_space<vmem_shared>>
      %dma_wait3A_95 = arith.constant 0 : i32
      %dma_wait3A_96 = tpu.memref_slice %arg11[%add3A_89, %dma_wait3A_95] : memref<10240x128xf32, #tpu.memory_space<vmem_shared>> -> memref<128x128xf32, #tpu.memory_space<vmem_shared>>
      tpu.wait_dma2 semaphore(%run_scoped3A : memref<!tpu.dma_semaphore, #tpu.memory_space<semaphore_mem>>) src(%dma_wait3A_96 : memref<128x128xf32, #tpu.memory_space<vmem_shared>>) dst(%arg9 : memref<128x128xf32, #tpu.memory_space<vmem>>)
      tpu.yield
    }) : () -> ()
    "tpu.region"() ({
      %run_scoped3A = tpu.sem_alloc : memref<!tpu.dma_semaphore, #tpu.memory_space<semaphore_mem>>
      %dma_start3A_90 = arith.constant 0 : i32
      %dma_start3A_91 = arith.constant 0 : i32
      %dma_start3A_92 = tpu.memref_slice %arg6[%arg0, %dma_start3A_90, %dma_start3A_91] : memref<2x10240x128xf32, #tpu.memory_space<hbm>> -> memref<1x10240x128xf32, #tpu.memory_space<hbm>>
      %dma_start3A_93 = tpu.memref_squeeze %dma_start3A_92 : memref<1x10240x128xf32, #tpu.memory_space<hbm>> -> memref<10240x128xf32, #tpu.memory_space<hbm>>
      %dma_start3A_94 = arith.constant 0 : i32
      %dma_start3A_95 = tpu.memref_slice %dma_start3A_93[%add3A_89, %dma_start3A_94] : memref<10240x128xf32, #tpu.memory_space<hbm>> -> memref<128x128xf32, #tpu.memory_space<hbm>>
      %dma_start3A_96 = arith.constant 0 : i32
      %dma_start3A_97 = arith.constant 0 : i32
      %dma_start3A_98 = tpu.memref_slice %arg6[%arg0, %dma_start3A_96, %dma_start3A_97] : memref<2x10240x128xf32, #tpu.memory_space<hbm>> -> memref<1x10240x128xf32, #tpu.memory_space<hbm>>
      %dma_start3A_99 = tpu.memref_squeeze %dma_start3A_98 : memref<1x10240x128xf32, #tpu.memory_space<hbm>> -> memref<10240x128xf32, #tpu.memory_space<hbm>>
      %dma_start3A_100 = arith.constant 0 : i32
      %dma_start3A_101 = tpu.memref_slice %dma_start3A_99[%add3A_89, %dma_start3A_100] : memref<10240x128xf32, #tpu.memory_space<hbm>> -> memref<128x128xf32, #tpu.memory_space<hbm>>
      tpu.enqueue_dma source(%arg9 : memref<128x128xf32, #tpu.memory_space<vmem>>) target(%dma_start3A_101 : memref<128x128xf32, #tpu.memory_space<hbm>>) target_semaphore(%run_scoped3A : memref<!tpu.dma_semaphore, #tpu.memory_space<semaphore_mem>>)
      %dma_wait3A = arith.constant 0 : i32
      %dma_wait3A_102 = arith.constant 0 : i32
      %dma_wait3A_103 = tpu.memref_slice %arg6[%arg0, %dma_wait3A, %dma_wait3A_102] : memref<2x10240x128xf32, #tpu.memory_space<hbm>> -> memref<1x10240x128xf32, #tpu.memory_space<hbm>>
      %dma_wait3A_104 = tpu.memref_squeeze %dma_wait3A_103 : memref<1x10240x128xf32, #tpu.memory_space<hbm>> -> memref<10240x128xf32, #tpu.memory_space<hbm>>
      %dma_wait3A_105 = arith.constant 0 : i32
      %dma_wait3A_106 = tpu.memref_slice %dma_wait3A_104[%add3A_89, %dma_wait3A_105] : memref<10240x128xf32, #tpu.memory_space<hbm>> -> memref<128x128xf32, #tpu.memory_space<hbm>>
      %dma_wait3A_107 = arith.constant 0 : i32
      %dma_wait3A_108 = arith.constant 0 : i32
      %dma_wait3A_109 = tpu.memref_slice %arg6[%arg0, %dma_wait3A_107, %dma_wait3A_108] : memref<2x10240x128xf32, #tpu.memory_space<hbm>> -> memref<1x10240x128xf32, #tpu.memory_space<hbm>>
      %dma_wait3A_110 = tpu.memref_squeeze %dma_wait3A_109 : memref<1x10240x128xf32, #tpu.memory_space<hbm>> -> memref<10240x128xf32, #tpu.memory_space<hbm>>
      %dma_wait3A_111 = arith.constant 0 : i32
      %dma_wait3A_112 = tpu.memref_slice %dma_wait3A_110[%add3A_89, %dma_wait3A_111] : memref<10240x128xf32, #tpu.memory_space<hbm>> -> memref<128x128xf32, #tpu.memory_space<hbm>>
      tpu.wait_dma2 semaphore(%run_scoped3A : memref<!tpu.dma_semaphore, #tpu.memory_space<semaphore_mem>>) src(%arg9 : memref<128x128xf32, #tpu.memory_space<vmem>>) dst(%dma_wait3A_112 : memref<128x128xf32, #tpu.memory_space<hbm>>)
      tpu.yield
    }) : () -> ()
    return
  }
}

#map = affine_map<(d0, d1) -> (0, 0)>
#map1 = affine_map<(d0, d1) -> (0, 0, 0)>
module attributes {stable_mosaic.version = 14 : i64} {
  func.func @_agg_body(%arg0: i32, %arg1: i32, %arg2: memref<10000x128xf32, #tpu.memory_space<hbm>>, %arg3: memref<2560x128xi32, #tpu.memory_space<hbm>>, %arg4: memref<2560x128xi32, #tpu.memory_space<hbm>>, %arg5: memref<128x128xf32, #tpu.memory_space<hbm>>, %arg6: memref<2x10240x128xf32, #tpu.memory_space<hbm>>, %arg7: memref<40x128xi32, #tpu.memory_space<vmem>>, %arg8: memref<40x128xi32, #tpu.memory_space<vmem>>, %arg9: memref<128x128xf32, #tpu.memory_space<vmem>>, %arg10: memref<128x128xf32, #tpu.memory_space<vmem>>, %arg11: memref<10240x128xf32, #tpu.memory_space<vmem_shared>>, %arg12: memref<!tpu.dma_semaphore, #tpu.memory_space<semaphore_mem>>, %arg13: memref<!tpu.dma_semaphore, #tpu.memory_space<semaphore_mem>>, %arg14: memref<!tpu.dma_semaphore, #tpu.memory_space<semaphore_mem>>, %arg15: memref<!tpu.dma_semaphore, #tpu.memory_space<semaphore_mem>>) attributes {dimension_semantics = [#tpu.dimension_semantics<core_parallel>, #tpu.dimension_semantics<subcore_parallel>], iteration_bounds = array<i64: 2, 16>, scalar_prefetch = 0 : i64, scratch_operands = 9 : i64, tpu.core_type = #tpu.core_type<sc_vector_subcore>, window_params = [{transform_indices = #map}, {transform_indices = #map}, {transform_indices = #map}, {transform_indices = #map}, {transform_indices = #map1}]} {
    %mul3A = arith.constant 2 : i32
    %mul3A_0 = arith.muli %arg1, %mul3A : i32
    %add3A = arith.addi %mul3A_0, %arg0 : i32
    "tpu.region"() ({
      %run_scoped3A = tpu.sem_alloc : memref<!tpu.dma_semaphore, #tpu.memory_space<semaphore_mem>>
      tpu.enqueue_dma source(%arg5 : memref<128x128xf32, #tpu.memory_space<hbm>>) target(%arg9 : memref<128x128xf32, #tpu.memory_space<vmem>>) target_semaphore(%run_scoped3A : memref<!tpu.dma_semaphore, #tpu.memory_space<semaphore_mem>>)
      tpu.wait_dma2 semaphore(%run_scoped3A : memref<!tpu.dma_semaphore, #tpu.memory_space<semaphore_mem>>) src(%arg5 : memref<128x128xf32, #tpu.memory_space<hbm>>) dst(%arg9 : memref<128x128xf32, #tpu.memory_space<vmem>>)
      tpu.yield
    }) : () -> ()
    %mul3A_1 = arith.constant 640 : i32
    %mul3A_2 = arith.muli %arg1, %mul3A_1 : i32
    %add3A_3 = arith.constant 0 : i32
    %add3A_4 = arith.addi %mul3A_2, %add3A_3 : i32
    "tpu.region"() ({
      %run_scoped3A = tpu.sem_alloc : memref<!tpu.dma_semaphore, #tpu.memory_space<semaphore_mem>>
      %dma_start3A_90 = arith.constant 0 : i32
      %dma_start3A_91 = tpu.memref_slice %arg11[%add3A_4, %dma_start3A_90] : memref<10240x128xf32, #tpu.memory_space<vmem_shared>> -> memref<128x128xf32, #tpu.memory_space<vmem_shared>>
      %dma_start3A_92 = arith.constant 0 : i32
      %dma_start3A_93 = tpu.memref_slice %arg11[%add3A_4, %dma_start3A_92] : memref<10240x128xf32, #tpu.memory_space<vmem_shared>> -> memref<128x128xf32, #tpu.memory_space<vmem_shared>>
      tpu.enqueue_dma source(%arg9 : memref<128x128xf32, #tpu.memory_space<vmem>>) target(%dma_start3A_93 : memref<128x128xf32, #tpu.memory_space<vmem_shared>>) target_semaphore(%run_scoped3A : memref<!tpu.dma_semaphore, #tpu.memory_space<semaphore_mem>>)
      %dma_wait3A = arith.constant 0 : i32
      %dma_wait3A_94 = tpu.memref_slice %arg11[%add3A_4, %dma_wait3A] : memref<10240x128xf32, #tpu.memory_space<vmem_shared>> -> memref<128x128xf32, #tpu.memory_space<vmem_shared>>
      %dma_wait3A_95 = arith.constant 0 : i32
      %dma_wait3A_96 = tpu.memref_slice %arg11[%add3A_4, %dma_wait3A_95] : memref<10240x128xf32, #tpu.memory_space<vmem_shared>> -> memref<128x128xf32, #tpu.memory_space<vmem_shared>>
      tpu.wait_dma2 semaphore(%run_scoped3A : memref<!tpu.dma_semaphore, #tpu.memory_space<semaphore_mem>>) src(%arg9 : memref<128x128xf32, #tpu.memory_space<vmem>>) dst(%dma_wait3A_96 : memref<128x128xf32, #tpu.memory_space<vmem_shared>>)
      tpu.yield
    }) : () -> ()
    %mul3A_5 = arith.constant 640 : i32
    %mul3A_6 = arith.muli %arg1, %mul3A_5 : i32
    %add3A_7 = arith.constant 128 : i32
    %add3A_8 = arith.addi %mul3A_6, %add3A_7 : i32
    "tpu.region"() ({
      %run_scoped3A = tpu.sem_alloc : memref<!tpu.dma_semaphore, #tpu.memory_space<semaphore_mem>>
      %dma_start3A_90 = arith.constant 0 : i32
      %dma_start3A_91 = tpu.memref_slice %arg11[%add3A_8, %dma_start3A_90] : memref<10240x128xf32, #tpu.memory_space<vmem_shared>> -> memref<128x128xf32, #tpu.memory_space<vmem_shared>>
      %dma_start3A_92 = arith.constant 0 : i32
      %dma_start3A_93 = tpu.memref_slice %arg11[%add3A_8, %dma_start3A_92] : memref<10240x128xf32, #tpu.memory_space<vmem_shared>> -> memref<128x128xf32, #tpu.memory_space<vmem_shared>>
      tpu.enqueue_dma source(%arg9 : memref<128x128xf32, #tpu.memory_space<vmem>>) target(%dma_start3A_93 : memref<128x128xf32, #tpu.memory_space<vmem_shared>>) target_semaphore(%run_scoped3A : memref<!tpu.dma_semaphore, #tpu.memory_space<semaphore_mem>>)
      %dma_wait3A = arith.constant 0 : i32
      %dma_wait3A_94 = tpu.memref_slice %arg11[%add3A_8, %dma_wait3A] : memref<10240x128xf32, #tpu.memory_space<vmem_shared>> -> memref<128x128xf32, #tpu.memory_space<vmem_shared>>
      %dma_wait3A_95 = arith.constant 0 : i32
      %dma_wait3A_96 = tpu.memref_slice %arg11[%add3A_8, %dma_wait3A_95] : memref<10240x128xf32, #tpu.memory_space<vmem_shared>> -> memref<128x128xf32, #tpu.memory_space<vmem_shared>>
      tpu.wait_dma2 semaphore(%run_scoped3A : memref<!tpu.dma_semaphore, #tpu.memory_space<semaphore_mem>>) src(%arg9 : memref<128x128xf32, #tpu.memory_space<vmem>>) dst(%dma_wait3A_96 : memref<128x128xf32, #tpu.memory_space<vmem_shared>>)
      tpu.yield
    }) : () -> ()
    %mul3A_9 = arith.constant 640 : i32
    %mul3A_10 = arith.muli %arg1, %mul3A_9 : i32
    %add3A_11 = arith.constant 256 : i32
    %add3A_12 = arith.addi %mul3A_10, %add3A_11 : i32
    "tpu.region"() ({
      %run_scoped3A = tpu.sem_alloc : memref<!tpu.dma_semaphore, #tpu.memory_space<semaphore_mem>>
      %dma_start3A_90 = arith.constant 0 : i32
      %dma_start3A_91 = tpu.memref_slice %arg11[%add3A_12, %dma_start3A_90] : memref<10240x128xf32, #tpu.memory_space<vmem_shared>> -> memref<128x128xf32, #tpu.memory_space<vmem_shared>>
      %dma_start3A_92 = arith.constant 0 : i32
      %dma_start3A_93 = tpu.memref_slice %arg11[%add3A_12, %dma_start3A_92] : memref<10240x128xf32, #tpu.memory_space<vmem_shared>> -> memref<128x128xf32, #tpu.memory_space<vmem_shared>>
      tpu.enqueue_dma source(%arg9 : memref<128x128xf32, #tpu.memory_space<vmem>>) target(%dma_start3A_93 : memref<128x128xf32, #tpu.memory_space<vmem_shared>>) target_semaphore(%run_scoped3A : memref<!tpu.dma_semaphore, #tpu.memory_space<semaphore_mem>>)
      %dma_wait3A = arith.constant 0 : i32
      %dma_wait3A_94 = tpu.memref_slice %arg11[%add3A_12, %dma_wait3A] : memref<10240x128xf32, #tpu.memory_space<vmem_shared>> -> memref<128x128xf32, #tpu.memory_space<vmem_shared>>
      %dma_wait3A_95 = arith.constant 0 : i32
      %dma_wait3A_96 = tpu.memref_slice %arg11[%add3A_12, %dma_wait3A_95] : memref<10240x128xf32, #tpu.memory_space<vmem_shared>> -> memref<128x128xf32, #tpu.memory_space<vmem_shared>>
      tpu.wait_dma2 semaphore(%run_scoped3A : memref<!tpu.dma_semaphore, #tpu.memory_space<semaphore_mem>>) src(%arg9 : memref<128x128xf32, #tpu.memory_space<vmem>>) dst(%dma_wait3A_96 : memref<128x128xf32, #tpu.memory_space<vmem_shared>>)
      tpu.yield
    }) : () -> ()
    %mul3A_13 = arith.constant 640 : i32
    %mul3A_14 = arith.muli %arg1, %mul3A_13 : i32
    %add3A_15 = arith.constant 384 : i32
    %add3A_16 = arith.addi %mul3A_14, %add3A_15 : i32
    "tpu.region"() ({
      %run_scoped3A = tpu.sem_alloc : memref<!tpu.dma_semaphore, #tpu.memory_space<semaphore_mem>>
      %dma_start3A_90 = arith.constant 0 : i32
      %dma_start3A_91 = tpu.memref_slice %arg11[%add3A_16, %dma_start3A_90] : memref<10240x128xf32, #tpu.memory_space<vmem_shared>> -> memref<128x128xf32, #tpu.memory_space<vmem_shared>>
      %dma_start3A_92 = arith.constant 0 : i32
      %dma_start3A_93 = tpu.memref_slice %arg11[%add3A_16, %dma_start3A_92] : memref<10240x128xf32, #tpu.memory_space<vmem_shared>> -> memref<128x128xf32, #tpu.memory_space<vmem_shared>>
      tpu.enqueue_dma source(%arg9 : memref<128x128xf32, #tpu.memory_space<vmem>>) target(%dma_start3A_93 : memref<128x128xf32, #tpu.memory_space<vmem_shared>>) target_semaphore(%run_scoped3A : memref<!tpu.dma_semaphore, #tpu.memory_space<semaphore_mem>>)
      %dma_wait3A = arith.constant 0 : i32
      %dma_wait3A_94 = tpu.memref_slice %arg11[%add3A_16, %dma_wait3A] : memref<10240x128xf32, #tpu.memory_space<vmem_shared>> -> memref<128x128xf32, #tpu.memory_space<vmem_shared>>
      %dma_wait3A_95 = arith.constant 0 : i32
      %dma_wait3A_96 = tpu.memref_slice %arg11[%add3A_16, %dma_wait3A_95] : memref<10240x128xf32, #tpu.memory_space<vmem_shared>> -> memref<128x128xf32, #tpu.memory_space<vmem_shared>>
      tpu.wait_dma2 semaphore(%run_scoped3A : memref<!tpu.dma_semaphore, #tpu.memory_space<semaphore_mem>>) src(%arg9 : memref<128x128xf32, #tpu.memory_space<vmem>>) dst(%dma_wait3A_96 : memref<128x128xf32, #tpu.memory_space<vmem_shared>>)
      tpu.yield
    }) : () -> ()
    %mul3A_17 = arith.constant 640 : i32
    %mul3A_18 = arith.muli %arg1, %mul3A_17 : i32
    %add3A_19 = arith.constant 512 : i32
    %add3A_20 = arith.addi %mul3A_18, %add3A_19 : i32
    "tpu.region"() ({
      %run_scoped3A = tpu.sem_alloc : memref<!tpu.dma_semaphore, #tpu.memory_space<semaphore_mem>>
      %dma_start3A_90 = arith.constant 0 : i32
      %dma_start3A_91 = tpu.memref_slice %arg11[%add3A_20, %dma_start3A_90] : memref<10240x128xf32, #tpu.memory_space<vmem_shared>> -> memref<128x128xf32, #tpu.memory_space<vmem_shared>>
      %dma_start3A_92 = arith.constant 0 : i32
      %dma_start3A_93 = tpu.memref_slice %arg11[%add3A_20, %dma_start3A_92] : memref<10240x128xf32, #tpu.memory_space<vmem_shared>> -> memref<128x128xf32, #tpu.memory_space<vmem_shared>>
      tpu.enqueue_dma source(%arg9 : memref<128x128xf32, #tpu.memory_space<vmem>>) target(%dma_start3A_93 : memref<128x128xf32, #tpu.memory_space<vmem_shared>>) target_semaphore(%run_scoped3A : memref<!tpu.dma_semaphore, #tpu.memory_space<semaphore_mem>>)
      %dma_wait3A = arith.constant 0 : i32
      %dma_wait3A_94 = tpu.memref_slice %arg11[%add3A_20, %dma_wait3A] : memref<10240x128xf32, #tpu.memory_space<vmem_shared>> -> memref<128x128xf32, #tpu.memory_space<vmem_shared>>
      %dma_wait3A_95 = arith.constant 0 : i32
      %dma_wait3A_96 = tpu.memref_slice %arg11[%add3A_20, %dma_wait3A_95] : memref<10240x128xf32, #tpu.memory_space<vmem_shared>> -> memref<128x128xf32, #tpu.memory_space<vmem_shared>>
      tpu.wait_dma2 semaphore(%run_scoped3A : memref<!tpu.dma_semaphore, #tpu.memory_space<semaphore_mem>>) src(%arg9 : memref<128x128xf32, #tpu.memory_space<vmem>>) dst(%dma_wait3A_96 : memref<128x128xf32, #tpu.memory_space<vmem_shared>>)
      tpu.yield
    }) : () -> ()
    %barrier3A = arith.constant 0 : index
    tpu.barrier barrier_id(%barrier3A)
    %mul3A_21 = arith.constant 80 : i32
    %mul3A_22 = arith.muli %add3A, %mul3A_21 : i32
    %add3A_23 = arith.constant 0 : i32
    %add3A_24 = arith.addi %mul3A_22, %add3A_23 : i32
    "tpu.region"() ({
      %run_scoped3A = tpu.sem_alloc : memref<!tpu.dma_semaphore, #tpu.memory_space<semaphore_mem>>
      %dma_start3A_90 = arith.constant 0 : i32
      %dma_start3A_91 = tpu.memref_slice %arg3[%add3A_24, %dma_start3A_90] : memref<2560x128xi32, #tpu.memory_space<hbm>> -> memref<40x128xi32, #tpu.memory_space<hbm>>
      %dma_start3A_92 = arith.constant 0 : i32
      %dma_start3A_93 = tpu.memref_slice %arg3[%add3A_24, %dma_start3A_92] : memref<2560x128xi32, #tpu.memory_space<hbm>> -> memref<40x128xi32, #tpu.memory_space<hbm>>
      tpu.enqueue_dma source(%dma_start3A_93 : memref<40x128xi32, #tpu.memory_space<hbm>>) target(%arg7 : memref<40x128xi32, #tpu.memory_space<vmem>>) target_semaphore(%run_scoped3A : memref<!tpu.dma_semaphore, #tpu.memory_space<semaphore_mem>>)
      %dma_wait3A = arith.constant 0 : i32
      %dma_wait3A_94 = tpu.memref_slice %arg3[%add3A_24, %dma_wait3A] : memref<2560x128xi32, #tpu.memory_space<hbm>> -> memref<40x128xi32, #tpu.memory_space<hbm>>
      %dma_wait3A_95 = arith.constant 0 : i32
      %dma_wait3A_96 = tpu.memref_slice %arg3[%add3A_24, %dma_wait3A_95] : memref<2560x128xi32, #tpu.memory_space<hbm>> -> memref<40x128xi32, #tpu.memory_space<hbm>>
      tpu.wait_dma2 semaphore(%run_scoped3A : memref<!tpu.dma_semaphore, #tpu.memory_space<semaphore_mem>>) src(%dma_wait3A_96 : memref<40x128xi32, #tpu.memory_space<hbm>>) dst(%arg7 : memref<40x128xi32, #tpu.memory_space<vmem>>)
      tpu.yield
    }) : () -> ()
    "tpu.region"() ({
      %run_scoped3A = tpu.sem_alloc : memref<!tpu.dma_semaphore, #tpu.memory_space<semaphore_mem>>
      %dma_start3A_90 = arith.constant 0 : i32
      %dma_start3A_91 = tpu.memref_slice %arg4[%add3A_24, %dma_start3A_90] : memref<2560x128xi32, #tpu.memory_space<hbm>> -> memref<40x128xi32, #tpu.memory_space<hbm>>
      %dma_start3A_92 = arith.constant 0 : i32
      %dma_start3A_93 = tpu.memref_slice %arg4[%add3A_24, %dma_start3A_92] : memref<2560x128xi32, #tpu.memory_space<hbm>> -> memref<40x128xi32, #tpu.memory_space<hbm>>
      tpu.enqueue_dma source(%dma_start3A_93 : memref<40x128xi32, #tpu.memory_space<hbm>>) target(%arg8 : memref<40x128xi32, #tpu.memory_space<vmem>>) target_semaphore(%run_scoped3A : memref<!tpu.dma_semaphore, #tpu.memory_space<semaphore_mem>>)
      %dma_wait3A = arith.constant 0 : i32
      %dma_wait3A_94 = tpu.memref_slice %arg4[%add3A_24, %dma_wait3A] : memref<2560x128xi32, #tpu.memory_space<hbm>> -> memref<40x128xi32, #tpu.memory_space<hbm>>
      %dma_wait3A_95 = arith.constant 0 : i32
      %dma_wait3A_96 = tpu.memref_slice %arg4[%add3A_24, %dma_wait3A_95] : memref<2560x128xi32, #tpu.memory_space<hbm>> -> memref<40x128xi32, #tpu.memory_space<hbm>>
      tpu.wait_dma2 semaphore(%run_scoped3A : memref<!tpu.dma_semaphore, #tpu.memory_space<semaphore_mem>>) src(%dma_wait3A_96 : memref<40x128xi32, #tpu.memory_space<hbm>>) dst(%arg8 : memref<40x128xi32, #tpu.memory_space<vmem>>)
      tpu.yield
    }) : () -> ()
    %dma_start3A = arith.constant 0 : i32
    %dma_start3A_25 = arith.constant 0 : i32
    %dma_start3A_26 = tpu.memref_slice %arg7[%dma_start3A, %dma_start3A_25] : memref<40x128xi32, #tpu.memory_space<vmem>> -> memref<1x128xi32, #tpu.memory_space<vmem>>
    %dma_start3A_27 = tpu.memref_squeeze %dma_start3A_26 : memref<1x128xi32, #tpu.memory_space<vmem>> -> memref<128xi32, #tpu.memory_space<vmem>>
    %dma_start3A_28 = arith.constant 0 : i32
    %dma_start3A_29 = arith.constant 0 : i32
    %dma_start3A_30 = tpu.memref_slice %arg2[%dma_start3A_28, %dma_start3A_29] : memref<10000x128xf32, #tpu.memory_space<hbm>> -> memref<10000x128xf32, #tpu.memory_space<hbm>>
    tpu.enqueue_indirect_dma source(%dma_start3A_30 : memref<10000x128xf32, #tpu.memory_space<hbm>>) target(%arg9 : memref<128x128xf32, #tpu.memory_space<vmem>>) offsets(%dma_start3A_27 : memref<128xi32, #tpu.memory_space<vmem>>) semaphore(%arg12 : memref<!tpu.dma_semaphore, #tpu.memory_space<semaphore_mem>>)
    %dma_start3A_31 = arith.constant 1 : i32
    %dma_start3A_32 = arith.constant 0 : i32
    %dma_start3A_33 = tpu.memref_slice %arg7[%dma_start3A_31, %dma_start3A_32] : memref<40x128xi32, #tpu.memory_space<vmem>> -> memref<1x128xi32, #tpu.memory_space<vmem>>
    %dma_start3A_34 = tpu.memref_squeeze %dma_start3A_33 : memref<1x128xi32, #tpu.memory_space<vmem>> -> memref<128xi32, #tpu.memory_space<vmem>>
    %dma_start3A_35 = arith.constant 0 : i32
    %dma_start3A_36 = arith.constant 0 : i32
    %dma_start3A_37 = tpu.memref_slice %arg2[%dma_start3A_35, %dma_start3A_36] : memref<10000x128xf32, #tpu.memory_space<hbm>> -> memref<10000x128xf32, #tpu.memory_space<hbm>>
    tpu.enqueue_indirect_dma source(%dma_start3A_37 : memref<10000x128xf32, #tpu.memory_space<hbm>>) target(%arg10 : memref<128x128xf32, #tpu.memory_space<vmem>>) offsets(%dma_start3A_34 : memref<128xi32, #tpu.memory_space<vmem>>) semaphore(%arg13 : memref<!tpu.dma_semaphore, #tpu.memory_space<semaphore_mem>>)
    %scan3A = arith.constant 0 : i32
    %scan3A_38 = arith.constant 0 : i32
    %scan3A_39 = arith.constant 20 : i32
    %scan3A_40 = arith.addi %scan3A_38, %scan3A_39 : i32
    %scan3A_41 = arith.constant 1 : i32
    %scan3A_42 = scf.for %scan3A_90 = %scan3A_38 to %scan3A_40 step %scan3A_41 iter_args(%scan3A_91 = %scan3A) -> (i32)  : i32 {
      %mul3A_92 = arith.constant 2 : i32
      %mul3A_93 = arith.muli %scan3A_90, %mul3A_92 : i32
      %add3A_94 = arith.constant 0 : i32
      %add3A_95 = arith.addi %mul3A_93, %add3A_94 : i32
      %dma_wait3A = arith.constant 0 : i32
      %dma_wait3A_96 = tpu.memref_slice %arg7[%add3A_95, %dma_wait3A] : memref<40x128xi32, #tpu.memory_space<vmem>> -> memref<1x128xi32, #tpu.memory_space<vmem>>
      %dma_wait3A_97 = tpu.memref_squeeze %dma_wait3A_96 : memref<1x128xi32, #tpu.memory_space<vmem>> -> memref<128xi32, #tpu.memory_space<vmem>>
      %dma_wait3A_98 = arith.constant 0 : i32
      %dma_wait3A_99 = arith.constant 0 : i32
      %dma_wait3A_100 = tpu.memref_slice %arg2[%dma_wait3A_98, %dma_wait3A_99] : memref<10000x128xf32, #tpu.memory_space<hbm>> -> memref<10000x128xf32, #tpu.memory_space<hbm>>
      tpu.wait_indirect_dma semaphore(%arg12 : memref<!tpu.dma_semaphore, #tpu.memory_space<semaphore_mem>>) src(%dma_wait3A_100 : memref<10000x128xf32, #tpu.memory_space<hbm>>) dst(%arg9 : memref<128x128xf32, #tpu.memory_space<vmem>>)
      %dma_start3A_101 = arith.constant 0 : i32
      %dma_start3A_102 = tpu.memref_slice %arg8[%add3A_95, %dma_start3A_101] : memref<40x128xi32, #tpu.memory_space<vmem>> -> memref<1x128xi32, #tpu.memory_space<vmem>>
      %dma_start3A_103 = tpu.memref_squeeze %dma_start3A_102 : memref<1x128xi32, #tpu.memory_space<vmem>> -> memref<128xi32, #tpu.memory_space<vmem>>
      %dma_start3A_104 = arith.constant 0 : i32
      %dma_start3A_105 = arith.constant 0 : i32
      %dma_start3A_106 = tpu.memref_slice %arg11[%dma_start3A_104, %dma_start3A_105] : memref<10240x128xf32, #tpu.memory_space<vmem_shared>> -> memref<10240x128xf32, #tpu.memory_space<vmem_shared>>
      tpu.enqueue_indirect_dma source(%arg9 : memref<128x128xf32, #tpu.memory_space<vmem>>) target(%dma_start3A_106 : memref<10240x128xf32, #tpu.memory_space<vmem_shared>>) offsets(%dma_start3A_103 : memref<128xi32, #tpu.memory_space<vmem>>) semaphore(%arg14 : memref<!tpu.dma_semaphore, #tpu.memory_space<semaphore_mem>>) {add = true}
      %mul3A_107 = arith.constant 2 : i32
      %mul3A_108 = arith.muli %scan3A_90, %mul3A_107 : i32
      %add3A_109 = arith.constant 1 : i32
      %add3A_110 = arith.addi %mul3A_108, %add3A_109 : i32
      %dma_wait3A_111 = arith.constant 0 : i32
      %dma_wait3A_112 = tpu.memref_slice %arg7[%add3A_110, %dma_wait3A_111] : memref<40x128xi32, #tpu.memory_space<vmem>> -> memref<1x128xi32, #tpu.memory_space<vmem>>
      %dma_wait3A_113 = tpu.memref_squeeze %dma_wait3A_112 : memref<1x128xi32, #tpu.memory_space<vmem>> -> memref<128xi32, #tpu.memory_space<vmem>>
      %dma_wait3A_114 = arith.constant 0 : i32
      %dma_wait3A_115 = arith.constant 0 : i32
      %dma_wait3A_116 = tpu.memref_slice %arg2[%dma_wait3A_114, %dma_wait3A_115] : memref<10000x128xf32, #tpu.memory_space<hbm>> -> memref<10000x128xf32, #tpu.memory_space<hbm>>
      tpu.wait_indirect_dma semaphore(%arg13 : memref<!tpu.dma_semaphore, #tpu.memory_space<semaphore_mem>>) src(%dma_wait3A_116 : memref<10000x128xf32, #tpu.memory_space<hbm>>) dst(%arg10 : memref<128x128xf32, #tpu.memory_space<vmem>>)
      %dma_start3A_117 = arith.constant 0 : i32
      %dma_start3A_118 = tpu.memref_slice %arg8[%add3A_110, %dma_start3A_117] : memref<40x128xi32, #tpu.memory_space<vmem>> -> memref<1x128xi32, #tpu.memory_space<vmem>>
      %dma_start3A_119 = tpu.memref_squeeze %dma_start3A_118 : memref<1x128xi32, #tpu.memory_space<vmem>> -> memref<128xi32, #tpu.memory_space<vmem>>
      %dma_start3A_120 = arith.constant 0 : i32
      %dma_start3A_121 = arith.constant 0 : i32
      %dma_start3A_122 = tpu.memref_slice %arg11[%dma_start3A_120, %dma_start3A_121] : memref<10240x128xf32, #tpu.memory_space<vmem_shared>> -> memref<10240x128xf32, #tpu.memory_space<vmem_shared>>
      tpu.enqueue_indirect_dma source(%arg10 : memref<128x128xf32, #tpu.memory_space<vmem>>) target(%dma_start3A_122 : memref<10240x128xf32, #tpu.memory_space<vmem_shared>>) offsets(%dma_start3A_119 : memref<128xi32, #tpu.memory_space<vmem>>) semaphore(%arg15 : memref<!tpu.dma_semaphore, #tpu.memory_space<semaphore_mem>>) {add = true}
      %mul3A_123 = arith.constant 2 : i32
      %mul3A_124 = arith.muli %scan3A_90, %mul3A_123 : i32
      %add3A_125 = arith.constant 0 : i32
      %add3A_126 = arith.addi %mul3A_124, %add3A_125 : i32
      %dma_wait3A_127 = arith.constant 0 : i32
      %dma_wait3A_128 = tpu.memref_slice %arg8[%add3A_126, %dma_wait3A_127] : memref<40x128xi32, #tpu.memory_space<vmem>> -> memref<1x128xi32, #tpu.memory_space<vmem>>
      %dma_wait3A_129 = tpu.memref_squeeze %dma_wait3A_128 : memref<1x128xi32, #tpu.memory_space<vmem>> -> memref<128xi32, #tpu.memory_space<vmem>>
      %dma_wait3A_130 = arith.constant 0 : i32
      %dma_wait3A_131 = arith.constant 0 : i32
      %dma_wait3A_132 = tpu.memref_slice %arg11[%dma_wait3A_130, %dma_wait3A_131] : memref<10240x128xf32, #tpu.memory_space<vmem_shared>> -> memref<10240x128xf32, #tpu.memory_space<vmem_shared>>
      tpu.wait_indirect_dma semaphore(%arg14 : memref<!tpu.dma_semaphore, #tpu.memory_space<semaphore_mem>>) src(%arg9 : memref<128x128xf32, #tpu.memory_space<vmem>>) dst(%dma_wait3A_132 : memref<10240x128xf32, #tpu.memory_space<vmem_shared>>)
      %add3A_133 = arith.constant 2 : i32
      %add3A_134 = arith.addi %add3A_126, %add3A_133 : i32
      %lt3A = arith.constant 40 : i32
      %lt3A_135 = arith.cmpi slt, %add3A_134, %lt3A : i32
      %convert_element_type3A = arith.extui %lt3A_135 : i1 to i32
      %cond3A = arith.constant 0 : i32
      %cond3A_136 = arith.cmpi ne, %convert_element_type3A, %cond3A : i32
      scf.if %cond3A_136 {
        %dma_start3A_155 = arith.constant 0 : i32
        %dma_start3A_156 = tpu.memref_slice %arg7[%add3A_134, %dma_start3A_155] : memref<40x128xi32, #tpu.memory_space<vmem>> -> memref<1x128xi32, #tpu.memory_space<vmem>>
        %dma_start3A_157 = tpu.memref_squeeze %dma_start3A_156 : memref<1x128xi32, #tpu.memory_space<vmem>> -> memref<128xi32, #tpu.memory_space<vmem>>
        %dma_start3A_158 = arith.constant 0 : i32
        %dma_start3A_159 = arith.constant 0 : i32
        %dma_start3A_160 = tpu.memref_slice %arg2[%dma_start3A_158, %dma_start3A_159] : memref<10000x128xf32, #tpu.memory_space<hbm>> -> memref<10000x128xf32, #tpu.memory_space<hbm>>
        tpu.enqueue_indirect_dma source(%dma_start3A_160 : memref<10000x128xf32, #tpu.memory_space<hbm>>) target(%arg9 : memref<128x128xf32, #tpu.memory_space<vmem>>) offsets(%dma_start3A_157 : memref<128xi32, #tpu.memory_space<vmem>>) semaphore(%arg12 : memref<!tpu.dma_semaphore, #tpu.memory_space<semaphore_mem>>)
      } else {
      }
      %mul3A_137 = arith.constant 2 : i32
      %mul3A_138 = arith.muli %scan3A_90, %mul3A_137 : i32
      %add3A_139 = arith.constant 1 : i32
      %add3A_140 = arith.addi %mul3A_138, %add3A_139 : i32
      %dma_wait3A_141 = arith.constant 0 : i32
      %dma_wait3A_142 = tpu.memref_slice %arg8[%add3A_140, %dma_wait3A_141] : memref<40x128xi32, #tpu.memory_space<vmem>> -> memref<1x128xi32, #tpu.memory_space<vmem>>
      %dma_wait3A_143 = tpu.memref_squeeze %dma_wait3A_142 : memref<1x128xi32, #tpu.memory_space<vmem>> -> memref<128xi32, #tpu.memory_space<vmem>>
      %dma_wait3A_144 = arith.constant 0 : i32
      %dma_wait3A_145 = arith.constant 0 : i32
      %dma_wait3A_146 = tpu.memref_slice %arg11[%dma_wait3A_144, %dma_wait3A_145] : memref<10240x128xf32, #tpu.memory_space<vmem_shared>> -> memref<10240x128xf32, #tpu.memory_space<vmem_shared>>
      tpu.wait_indirect_dma semaphore(%arg15 : memref<!tpu.dma_semaphore, #tpu.memory_space<semaphore_mem>>) src(%arg10 : memref<128x128xf32, #tpu.memory_space<vmem>>) dst(%dma_wait3A_146 : memref<10240x128xf32, #tpu.memory_space<vmem_shared>>)
      %add3A_147 = arith.constant 2 : i32
      %add3A_148 = arith.addi %add3A_140, %add3A_147 : i32
      %lt3A_149 = arith.constant 40 : i32
      %lt3A_150 = arith.cmpi slt, %add3A_148, %lt3A_149 : i32
      %convert_element_type3A_151 = arith.extui %lt3A_150 : i1 to i32
      %cond3A_152 = arith.constant 0 : i32
      %cond3A_153 = arith.cmpi ne, %convert_element_type3A_151, %cond3A_152 : i32
      scf.if %cond3A_153 {
        %dma_start3A_155 = arith.constant 0 : i32
        %dma_start3A_156 = tpu.memref_slice %arg7[%add3A_148, %dma_start3A_155] : memref<40x128xi32, #tpu.memory_space<vmem>> -> memref<1x128xi32, #tpu.memory_space<vmem>>
        %dma_start3A_157 = tpu.memref_squeeze %dma_start3A_156 : memref<1x128xi32, #tpu.memory_space<vmem>> -> memref<128xi32, #tpu.memory_space<vmem>>
        %dma_start3A_158 = arith.constant 0 : i32
        %dma_start3A_159 = arith.constant 0 : i32
        %dma_start3A_160 = tpu.memref_slice %arg2[%dma_start3A_158, %dma_start3A_159] : memref<10000x128xf32, #tpu.memory_space<hbm>> -> memref<10000x128xf32, #tpu.memory_space<hbm>>
        tpu.enqueue_indirect_dma source(%dma_start3A_160 : memref<10000x128xf32, #tpu.memory_space<hbm>>) target(%arg10 : memref<128x128xf32, #tpu.memory_space<vmem>>) offsets(%dma_start3A_157 : memref<128xi32, #tpu.memory_space<vmem>>) semaphore(%arg13 : memref<!tpu.dma_semaphore, #tpu.memory_space<semaphore_mem>>)
      } else {
      }
      %scan3A_154 = arith.constant 0 : i32
      scf.yield %scan3A_154 : i32
    }
    %scan3A_43 = arith.constant 20 : i32
    %mul3A_44 = arith.constant 80 : i32
    %mul3A_45 = arith.muli %add3A, %mul3A_44 : i32
    %add3A_46 = arith.constant 40 : i32
    %add3A_47 = arith.addi %mul3A_45, %add3A_46 : i32
    "tpu.region"() ({
      %run_scoped3A = tpu.sem_alloc : memref<!tpu.dma_semaphore, #tpu.memory_space<semaphore_mem>>
      %dma_start3A_90 = arith.constant 0 : i32
      %dma_start3A_91 = tpu.memref_slice %arg3[%add3A_47, %dma_start3A_90] : memref<2560x128xi32, #tpu.memory_space<hbm>> -> memref<40x128xi32, #tpu.memory_space<hbm>>
      %dma_start3A_92 = arith.constant 0 : i32
      %dma_start3A_93 = tpu.memref_slice %arg3[%add3A_47, %dma_start3A_92] : memref<2560x128xi32, #tpu.memory_space<hbm>> -> memref<40x128xi32, #tpu.memory_space<hbm>>
      tpu.enqueue_dma source(%dma_start3A_93 : memref<40x128xi32, #tpu.memory_space<hbm>>) target(%arg7 : memref<40x128xi32, #tpu.memory_space<vmem>>) target_semaphore(%run_scoped3A : memref<!tpu.dma_semaphore, #tpu.memory_space<semaphore_mem>>)
      %dma_wait3A = arith.constant 0 : i32
      %dma_wait3A_94 = tpu.memref_slice %arg3[%add3A_47, %dma_wait3A] : memref<2560x128xi32, #tpu.memory_space<hbm>> -> memref<40x128xi32, #tpu.memory_space<hbm>>
      %dma_wait3A_95 = arith.constant 0 : i32
      %dma_wait3A_96 = tpu.memref_slice %arg3[%add3A_47, %dma_wait3A_95] : memref<2560x128xi32, #tpu.memory_space<hbm>> -> memref<40x128xi32, #tpu.memory_space<hbm>>
      tpu.wait_dma2 semaphore(%run_scoped3A : memref<!tpu.dma_semaphore, #tpu.memory_space<semaphore_mem>>) src(%dma_wait3A_96 : memref<40x128xi32, #tpu.memory_space<hbm>>) dst(%arg7 : memref<40x128xi32, #tpu.memory_space<vmem>>)
      tpu.yield
    }) : () -> ()
    "tpu.region"() ({
      %run_scoped3A = tpu.sem_alloc : memref<!tpu.dma_semaphore, #tpu.memory_space<semaphore_mem>>
      %dma_start3A_90 = arith.constant 0 : i32
      %dma_start3A_91 = tpu.memref_slice %arg4[%add3A_47, %dma_start3A_90] : memref<2560x128xi32, #tpu.memory_space<hbm>> -> memref<40x128xi32, #tpu.memory_space<hbm>>
      %dma_start3A_92 = arith.constant 0 : i32
      %dma_start3A_93 = tpu.memref_slice %arg4[%add3A_47, %dma_start3A_92] : memref<2560x128xi32, #tpu.memory_space<hbm>> -> memref<40x128xi32, #tpu.memory_space<hbm>>
      tpu.enqueue_dma source(%dma_start3A_93 : memref<40x128xi32, #tpu.memory_space<hbm>>) target(%arg8 : memref<40x128xi32, #tpu.memory_space<vmem>>) target_semaphore(%run_scoped3A : memref<!tpu.dma_semaphore, #tpu.memory_space<semaphore_mem>>)
      %dma_wait3A = arith.constant 0 : i32
      %dma_wait3A_94 = tpu.memref_slice %arg4[%add3A_47, %dma_wait3A] : memref<2560x128xi32, #tpu.memory_space<hbm>> -> memref<40x128xi32, #tpu.memory_space<hbm>>
      %dma_wait3A_95 = arith.constant 0 : i32
      %dma_wait3A_96 = tpu.memref_slice %arg4[%add3A_47, %dma_wait3A_95] : memref<2560x128xi32, #tpu.memory_space<hbm>> -> memref<40x128xi32, #tpu.memory_space<hbm>>
      tpu.wait_dma2 semaphore(%run_scoped3A : memref<!tpu.dma_semaphore, #tpu.memory_space<semaphore_mem>>) src(%dma_wait3A_96 : memref<40x128xi32, #tpu.memory_space<hbm>>) dst(%arg8 : memref<40x128xi32, #tpu.memory_space<vmem>>)
      tpu.yield
    }) : () -> ()
    %dma_start3A_48 = arith.constant 0 : i32
    %dma_start3A_49 = arith.constant 0 : i32
    %dma_start3A_50 = tpu.memref_slice %arg7[%dma_start3A_48, %dma_start3A_49] : memref<40x128xi32, #tpu.memory_space<vmem>> -> memref<1x128xi32, #tpu.memory_space<vmem>>
    %dma_start3A_51 = tpu.memref_squeeze %dma_start3A_50 : memref<1x128xi32, #tpu.memory_space<vmem>> -> memref<128xi32, #tpu.memory_space<vmem>>
    %dma_start3A_52 = arith.constant 0 : i32
    %dma_start3A_53 = arith.constant 0 : i32
    %dma_start3A_54 = tpu.memref_slice %arg2[%dma_start3A_52, %dma_start3A_53] : memref<10000x128xf32, #tpu.memory_space<hbm>> -> memref<10000x128xf32, #tpu.memory_space<hbm>>
    tpu.enqueue_indirect_dma source(%dma_start3A_54 : memref<10000x128xf32, #tpu.memory_space<hbm>>) target(%arg9 : memref<128x128xf32, #tpu.memory_space<vmem>>) offsets(%dma_start3A_51 : memref<128xi32, #tpu.memory_space<vmem>>) semaphore(%arg12 : memref<!tpu.dma_semaphore, #tpu.memory_space<semaphore_mem>>)
    %dma_start3A_55 = arith.constant 1 : i32
    %dma_start3A_56 = arith.constant 0 : i32
    %dma_start3A_57 = tpu.memref_slice %arg7[%dma_start3A_55, %dma_start3A_56] : memref<40x128xi32, #tpu.memory_space<vmem>> -> memref<1x128xi32, #tpu.memory_space<vmem>>
    %dma_start3A_58 = tpu.memref_squeeze %dma_start3A_57 : memref<1x128xi32, #tpu.memory_space<vmem>> -> memref<128xi32, #tpu.memory_space<vmem>>
    %dma_start3A_59 = arith.constant 0 : i32
    %dma_start3A_60 = arith.constant 0 : i32
    %dma_start3A_61 = tpu.memref_slice %arg2[%dma_start3A_59, %dma_start3A_60] : memref<10000x128xf32, #tpu.memory_space<hbm>> -> memref<10000x128xf32, #tpu.memory_space<hbm>>
    tpu.enqueue_indirect_dma source(%dma_start3A_61 : memref<10000x128xf32, #tpu.memory_space<hbm>>) target(%arg10 : memref<128x128xf32, #tpu.memory_space<vmem>>) offsets(%dma_start3A_58 : memref<128xi32, #tpu.memory_space<vmem>>) semaphore(%arg13 : memref<!tpu.dma_semaphore, #tpu.memory_space<semaphore_mem>>)
    %scan3A_62 = arith.constant 0 : i32
    %scan3A_63 = arith.constant 0 : i32
    %scan3A_64 = arith.constant 20 : i32
    %scan3A_65 = arith.addi %scan3A_63, %scan3A_64 : i32
    %scan3A_66 = arith.constant 1 : i32
    %scan3A_67 = scf.for %scan3A_90 = %scan3A_63 to %scan3A_65 step %scan3A_66 iter_args(%scan3A_91 = %scan3A_62) -> (i32)  : i32 {
      %mul3A_92 = arith.constant 2 : i32
      %mul3A_93 = arith.muli %scan3A_90, %mul3A_92 : i32
      %add3A_94 = arith.constant 0 : i32
      %add3A_95 = arith.addi %mul3A_93, %add3A_94 : i32
      %dma_wait3A = arith.constant 0 : i32
      %dma_wait3A_96 = tpu.memref_slice %arg7[%add3A_95, %dma_wait3A] : memref<40x128xi32, #tpu.memory_space<vmem>> -> memref<1x128xi32, #tpu.memory_space<vmem>>
      %dma_wait3A_97 = tpu.memref_squeeze %dma_wait3A_96 : memref<1x128xi32, #tpu.memory_space<vmem>> -> memref<128xi32, #tpu.memory_space<vmem>>
      %dma_wait3A_98 = arith.constant 0 : i32
      %dma_wait3A_99 = arith.constant 0 : i32
      %dma_wait3A_100 = tpu.memref_slice %arg2[%dma_wait3A_98, %dma_wait3A_99] : memref<10000x128xf32, #tpu.memory_space<hbm>> -> memref<10000x128xf32, #tpu.memory_space<hbm>>
      tpu.wait_indirect_dma semaphore(%arg12 : memref<!tpu.dma_semaphore, #tpu.memory_space<semaphore_mem>>) src(%dma_wait3A_100 : memref<10000x128xf32, #tpu.memory_space<hbm>>) dst(%arg9 : memref<128x128xf32, #tpu.memory_space<vmem>>)
      %dma_start3A_101 = arith.constant 0 : i32
      %dma_start3A_102 = tpu.memref_slice %arg8[%add3A_95, %dma_start3A_101] : memref<40x128xi32, #tpu.memory_space<vmem>> -> memref<1x128xi32, #tpu.memory_space<vmem>>
      %dma_start3A_103 = tpu.memref_squeeze %dma_start3A_102 : memref<1x128xi32, #tpu.memory_space<vmem>> -> memref<128xi32, #tpu.memory_space<vmem>>
      %dma_start3A_104 = arith.constant 0 : i32
      %dma_start3A_105 = arith.constant 0 : i32
      %dma_start3A_106 = tpu.memref_slice %arg11[%dma_start3A_104, %dma_start3A_105] : memref<10240x128xf32, #tpu.memory_space<vmem_shared>> -> memref<10240x128xf32, #tpu.memory_space<vmem_shared>>
      tpu.enqueue_indirect_dma source(%arg9 : memref<128x128xf32, #tpu.memory_space<vmem>>) target(%dma_start3A_106 : memref<10240x128xf32, #tpu.memory_space<vmem_shared>>) offsets(%dma_start3A_103 : memref<128xi32, #tpu.memory_space<vmem>>) semaphore(%arg14 : memref<!tpu.dma_semaphore, #tpu.memory_space<semaphore_mem>>) {add = true}
      %mul3A_107 = arith.constant 2 : i32
      %mul3A_108 = arith.muli %scan3A_90, %mul3A_107 : i32
      %add3A_109 = arith.constant 1 : i32
      %add3A_110 = arith.addi %mul3A_108, %add3A_109 : i32
      %dma_wait3A_111 = arith.constant 0 : i32
      %dma_wait3A_112 = tpu.memref_slice %arg7[%add3A_110, %dma_wait3A_111] : memref<40x128xi32, #tpu.memory_space<vmem>> -> memref<1x128xi32, #tpu.memory_space<vmem>>
      %dma_wait3A_113 = tpu.memref_squeeze %dma_wait3A_112 : memref<1x128xi32, #tpu.memory_space<vmem>> -> memref<128xi32, #tpu.memory_space<vmem>>
      %dma_wait3A_114 = arith.constant 0 : i32
      %dma_wait3A_115 = arith.constant 0 : i32
      %dma_wait3A_116 = tpu.memref_slice %arg2[%dma_wait3A_114, %dma_wait3A_115] : memref<10000x128xf32, #tpu.memory_space<hbm>> -> memref<10000x128xf32, #tpu.memory_space<hbm>>
      tpu.wait_indirect_dma semaphore(%arg13 : memref<!tpu.dma_semaphore, #tpu.memory_space<semaphore_mem>>) src(%dma_wait3A_116 : memref<10000x128xf32, #tpu.memory_space<hbm>>) dst(%arg10 : memref<128x128xf32, #tpu.memory_space<vmem>>)
      %dma_start3A_117 = arith.constant 0 : i32
      %dma_start3A_118 = tpu.memref_slice %arg8[%add3A_110, %dma_start3A_117] : memref<40x128xi32, #tpu.memory_space<vmem>> -> memref<1x128xi32, #tpu.memory_space<vmem>>
      %dma_start3A_119 = tpu.memref_squeeze %dma_start3A_118 : memref<1x128xi32, #tpu.memory_space<vmem>> -> memref<128xi32, #tpu.memory_space<vmem>>
      %dma_start3A_120 = arith.constant 0 : i32
      %dma_start3A_121 = arith.constant 0 : i32
      %dma_start3A_122 = tpu.memref_slice %arg11[%dma_start3A_120, %dma_start3A_121] : memref<10240x128xf32, #tpu.memory_space<vmem_shared>> -> memref<10240x128xf32, #tpu.memory_space<vmem_shared>>
      tpu.enqueue_indirect_dma source(%arg10 : memref<128x128xf32, #tpu.memory_space<vmem>>) target(%dma_start3A_122 : memref<10240x128xf32, #tpu.memory_space<vmem_shared>>) offsets(%dma_start3A_119 : memref<128xi32, #tpu.memory_space<vmem>>) semaphore(%arg15 : memref<!tpu.dma_semaphore, #tpu.memory_space<semaphore_mem>>) {add = true}
      %mul3A_123 = arith.constant 2 : i32
      %mul3A_124 = arith.muli %scan3A_90, %mul3A_123 : i32
      %add3A_125 = arith.constant 0 : i32
      %add3A_126 = arith.addi %mul3A_124, %add3A_125 : i32
      %dma_wait3A_127 = arith.constant 0 : i32
      %dma_wait3A_128 = tpu.memref_slice %arg8[%add3A_126, %dma_wait3A_127] : memref<40x128xi32, #tpu.memory_space<vmem>> -> memref<1x128xi32, #tpu.memory_space<vmem>>
      %dma_wait3A_129 = tpu.memref_squeeze %dma_wait3A_128 : memref<1x128xi32, #tpu.memory_space<vmem>> -> memref<128xi32, #tpu.memory_space<vmem>>
      %dma_wait3A_130 = arith.constant 0 : i32
      %dma_wait3A_131 = arith.constant 0 : i32
      %dma_wait3A_132 = tpu.memref_slice %arg11[%dma_wait3A_130, %dma_wait3A_131] : memref<10240x128xf32, #tpu.memory_space<vmem_shared>> -> memref<10240x128xf32, #tpu.memory_space<vmem_shared>>
      tpu.wait_indirect_dma semaphore(%arg14 : memref<!tpu.dma_semaphore, #tpu.memory_space<semaphore_mem>>) src(%arg9 : memref<128x128xf32, #tpu.memory_space<vmem>>) dst(%dma_wait3A_132 : memref<10240x128xf32, #tpu.memory_space<vmem_shared>>)
      %add3A_133 = arith.constant 2 : i32
      %add3A_134 = arith.addi %add3A_126, %add3A_133 : i32
      %lt3A = arith.constant 40 : i32
      %lt3A_135 = arith.cmpi slt, %add3A_134, %lt3A : i32
      %convert_element_type3A = arith.extui %lt3A_135 : i1 to i32
      %cond3A = arith.constant 0 : i32
      %cond3A_136 = arith.cmpi ne, %convert_element_type3A, %cond3A : i32
      scf.if %cond3A_136 {
        %dma_start3A_155 = arith.constant 0 : i32
        %dma_start3A_156 = tpu.memref_slice %arg7[%add3A_134, %dma_start3A_155] : memref<40x128xi32, #tpu.memory_space<vmem>> -> memref<1x128xi32, #tpu.memory_space<vmem>>
        %dma_start3A_157 = tpu.memref_squeeze %dma_start3A_156 : memref<1x128xi32, #tpu.memory_space<vmem>> -> memref<128xi32, #tpu.memory_space<vmem>>
        %dma_start3A_158 = arith.constant 0 : i32
        %dma_start3A_159 = arith.constant 0 : i32
        %dma_start3A_160 = tpu.memref_slice %arg2[%dma_start3A_158, %dma_start3A_159] : memref<10000x128xf32, #tpu.memory_space<hbm>> -> memref<10000x128xf32, #tpu.memory_space<hbm>>
        tpu.enqueue_indirect_dma source(%dma_start3A_160 : memref<10000x128xf32, #tpu.memory_space<hbm>>) target(%arg9 : memref<128x128xf32, #tpu.memory_space<vmem>>) offsets(%dma_start3A_157 : memref<128xi32, #tpu.memory_space<vmem>>) semaphore(%arg12 : memref<!tpu.dma_semaphore, #tpu.memory_space<semaphore_mem>>)
      } else {
      }
      %mul3A_137 = arith.constant 2 : i32
      %mul3A_138 = arith.muli %scan3A_90, %mul3A_137 : i32
      %add3A_139 = arith.constant 1 : i32
      %add3A_140 = arith.addi %mul3A_138, %add3A_139 : i32
      %dma_wait3A_141 = arith.constant 0 : i32
      %dma_wait3A_142 = tpu.memref_slice %arg8[%add3A_140, %dma_wait3A_141] : memref<40x128xi32, #tpu.memory_space<vmem>> -> memref<1x128xi32, #tpu.memory_space<vmem>>
      %dma_wait3A_143 = tpu.memref_squeeze %dma_wait3A_142 : memref<1x128xi32, #tpu.memory_space<vmem>> -> memref<128xi32, #tpu.memory_space<vmem>>
      %dma_wait3A_144 = arith.constant 0 : i32
      %dma_wait3A_145 = arith.constant 0 : i32
      %dma_wait3A_146 = tpu.memref_slice %arg11[%dma_wait3A_144, %dma_wait3A_145] : memref<10240x128xf32, #tpu.memory_space<vmem_shared>> -> memref<10240x128xf32, #tpu.memory_space<vmem_shared>>
      tpu.wait_indirect_dma semaphore(%arg15 : memref<!tpu.dma_semaphore, #tpu.memory_space<semaphore_mem>>) src(%arg10 : memref<128x128xf32, #tpu.memory_space<vmem>>) dst(%dma_wait3A_146 : memref<10240x128xf32, #tpu.memory_space<vmem_shared>>)
      %add3A_147 = arith.constant 2 : i32
      %add3A_148 = arith.addi %add3A_140, %add3A_147 : i32
      %lt3A_149 = arith.constant 40 : i32
      %lt3A_150 = arith.cmpi slt, %add3A_148, %lt3A_149 : i32
      %convert_element_type3A_151 = arith.extui %lt3A_150 : i1 to i32
      %cond3A_152 = arith.constant 0 : i32
      %cond3A_153 = arith.cmpi ne, %convert_element_type3A_151, %cond3A_152 : i32
      scf.if %cond3A_153 {
        %dma_start3A_155 = arith.constant 0 : i32
        %dma_start3A_156 = tpu.memref_slice %arg7[%add3A_148, %dma_start3A_155] : memref<40x128xi32, #tpu.memory_space<vmem>> -> memref<1x128xi32, #tpu.memory_space<vmem>>
        %dma_start3A_157 = tpu.memref_squeeze %dma_start3A_156 : memref<1x128xi32, #tpu.memory_space<vmem>> -> memref<128xi32, #tpu.memory_space<vmem>>
        %dma_start3A_158 = arith.constant 0 : i32
        %dma_start3A_159 = arith.constant 0 : i32
        %dma_start3A_160 = tpu.memref_slice %arg2[%dma_start3A_158, %dma_start3A_159] : memref<10000x128xf32, #tpu.memory_space<hbm>> -> memref<10000x128xf32, #tpu.memory_space<hbm>>
        tpu.enqueue_indirect_dma source(%dma_start3A_160 : memref<10000x128xf32, #tpu.memory_space<hbm>>) target(%arg10 : memref<128x128xf32, #tpu.memory_space<vmem>>) offsets(%dma_start3A_157 : memref<128xi32, #tpu.memory_space<vmem>>) semaphore(%arg13 : memref<!tpu.dma_semaphore, #tpu.memory_space<semaphore_mem>>)
      } else {
      }
      %scan3A_154 = arith.constant 0 : i32
      scf.yield %scan3A_154 : i32
    }
    %scan3A_68 = arith.constant 20 : i32
    %barrier3A_69 = arith.constant 0 : index
    tpu.barrier barrier_id(%barrier3A_69)
    %mul3A_70 = arith.constant 640 : i32
    %mul3A_71 = arith.muli %arg1, %mul3A_70 : i32
    %add3A_72 = arith.constant 0 : i32
    %add3A_73 = arith.addi %mul3A_71, %add3A_72 : i32
    "tpu.region"() ({
      %run_scoped3A = tpu.sem_alloc : memref<!tpu.dma_semaphore, #tpu.memory_space<semaphore_mem>>
      %dma_start3A_90 = arith.constant 0 : i32
      %dma_start3A_91 = tpu.memref_slice %arg11[%add3A_73, %dma_start3A_90] : memref<10240x128xf32, #tpu.memory_space<vmem_shared>> -> memref<128x128xf32, #tpu.memory_space<vmem_shared>>
      %dma_start3A_92 = arith.constant 0 : i32
      %dma_start3A_93 = tpu.memref_slice %arg11[%add3A_73, %dma_start3A_92] : memref<10240x128xf32, #tpu.memory_space<vmem_shared>> -> memref<128x128xf32, #tpu.memory_space<vmem_shared>>
      tpu.enqueue_dma source(%dma_start3A_93 : memref<128x128xf32, #tpu.memory_space<vmem_shared>>) target(%arg9 : memref<128x128xf32, #tpu.memory_space<vmem>>) target_semaphore(%run_scoped3A : memref<!tpu.dma_semaphore, #tpu.memory_space<semaphore_mem>>)
      %dma_wait3A = arith.constant 0 : i32
      %dma_wait3A_94 = tpu.memref_slice %arg11[%add3A_73, %dma_wait3A] : memref<10240x128xf32, #tpu.memory_space<vmem_shared>> -> memref<128x128xf32, #tpu.memory_space<vmem_shared>>
      %dma_wait3A_95 = arith.constant 0 : i32
      %dma_wait3A_96 = tpu.memref_slice %arg11[%add3A_73, %dma_wait3A_95] : memref<10240x128xf32, #tpu.memory_space<vmem_shared>> -> memref<128x128xf32, #tpu.memory_space<vmem_shared>>
      tpu.wait_dma2 semaphore(%run_scoped3A : memref<!tpu.dma_semaphore, #tpu.memory_space<semaphore_mem>>) src(%dma_wait3A_96 : memref<128x128xf32, #tpu.memory_space<vmem_shared>>) dst(%arg9 : memref<128x128xf32, #tpu.memory_space<vmem>>)
      tpu.yield
    }) : () -> ()
    "tpu.region"() ({
      %run_scoped3A = tpu.sem_alloc : memref<!tpu.dma_semaphore, #tpu.memory_space<semaphore_mem>>
      %dma_start3A_90 = arith.constant 0 : i32
      %dma_start3A_91 = arith.constant 0 : i32
      %dma_start3A_92 = tpu.memref_slice %arg6[%arg0, %dma_start3A_90, %dma_start3A_91] : memref<2x10240x128xf32, #tpu.memory_space<hbm>> -> memref<1x10240x128xf32, #tpu.memory_space<hbm>>
      %dma_start3A_93 = tpu.memref_squeeze %dma_start3A_92 : memref<1x10240x128xf32, #tpu.memory_space<hbm>> -> memref<10240x128xf32, #tpu.memory_space<hbm>>
      %dma_start3A_94 = arith.constant 0 : i32
      %dma_start3A_95 = tpu.memref_slice %dma_start3A_93[%add3A_73, %dma_start3A_94] : memref<10240x128xf32, #tpu.memory_space<hbm>> -> memref<128x128xf32, #tpu.memory_space<hbm>>
      %dma_start3A_96 = arith.constant 0 : i32
      %dma_start3A_97 = arith.constant 0 : i32
      %dma_start3A_98 = tpu.memref_slice %arg6[%arg0, %dma_start3A_96, %dma_start3A_97] : memref<2x10240x128xf32, #tpu.memory_space<hbm>> -> memref<1x10240x128xf32, #tpu.memory_space<hbm>>
      %dma_start3A_99 = tpu.memref_squeeze %dma_start3A_98 : memref<1x10240x128xf32, #tpu.memory_space<hbm>> -> memref<10240x128xf32, #tpu.memory_space<hbm>>
      %dma_start3A_100 = arith.constant 0 : i32
      %dma_start3A_101 = tpu.memref_slice %dma_start3A_99[%add3A_73, %dma_start3A_100] : memref<10240x128xf32, #tpu.memory_space<hbm>> -> memref<128x128xf32, #tpu.memory_space<hbm>>
      tpu.enqueue_dma source(%arg9 : memref<128x128xf32, #tpu.memory_space<vmem>>) target(%dma_start3A_101 : memref<128x128xf32, #tpu.memory_space<hbm>>) target_semaphore(%run_scoped3A : memref<!tpu.dma_semaphore, #tpu.memory_space<semaphore_mem>>)
      %dma_wait3A = arith.constant 0 : i32
      %dma_wait3A_102 = arith.constant 0 : i32
      %dma_wait3A_103 = tpu.memref_slice %arg6[%arg0, %dma_wait3A, %dma_wait3A_102] : memref<2x10240x128xf32, #tpu.memory_space<hbm>> -> memref<1x10240x128xf32, #tpu.memory_space<hbm>>
      %dma_wait3A_104 = tpu.memref_squeeze %dma_wait3A_103 : memref<1x10240x128xf32, #tpu.memory_space<hbm>> -> memref<10240x128xf32, #tpu.memory_space<hbm>>
      %dma_wait3A_105 = arith.constant 0 : i32
      %dma_wait3A_106 = tpu.memref_slice %dma_wait3A_104[%add3A_73, %dma_wait3A_105] : memref<10240x128xf32, #tpu.memory_space<hbm>> -> memref<128x128xf32, #tpu.memory_space<hbm>>
      %dma_wait3A_107 = arith.constant 0 : i32
      %dma_wait3A_108 = arith.constant 0 : i32
      %dma_wait3A_109 = tpu.memref_slice %arg6[%arg0, %dma_wait3A_107, %dma_wait3A_108] : memref<2x10240x128xf32, #tpu.memory_space<hbm>> -> memref<1x10240x128xf32, #tpu.memory_space<hbm>>
      %dma_wait3A_110 = tpu.memref_squeeze %dma_wait3A_109 : memref<1x10240x128xf32, #tpu.memory_space<hbm>> -> memref<10240x128xf32, #tpu.memory_space<hbm>>
      %dma_wait3A_111 = arith.constant 0 : i32
      %dma_wait3A_112 = tpu.memref_slice %dma_wait3A_110[%add3A_73, %dma_wait3A_111] : memref<10240x128xf32, #tpu.memory_space<hbm>> -> memref<128x128xf32, #tpu.memory_space<hbm>>
      tpu.wait_dma2 semaphore(%run_scoped3A : memref<!tpu.dma_semaphore, #tpu.memory_space<semaphore_mem>>) src(%arg9 : memref<128x128xf32, #tpu.memory_space<vmem>>) dst(%dma_wait3A_112 : memref<128x128xf32, #tpu.memory_space<hbm>>)
      tpu.yield
    }) : () -> ()
    %mul3A_74 = arith.constant 640 : i32
    %mul3A_75 = arith.muli %arg1, %mul3A_74 : i32
    %add3A_76 = arith.constant 128 : i32
    %add3A_77 = arith.addi %mul3A_75, %add3A_76 : i32
    "tpu.region"() ({
      %run_scoped3A = tpu.sem_alloc : memref<!tpu.dma_semaphore, #tpu.memory_space<semaphore_mem>>
      %dma_start3A_90 = arith.constant 0 : i32
      %dma_start3A_91 = tpu.memref_slice %arg11[%add3A_77, %dma_start3A_90] : memref<10240x128xf32, #tpu.memory_space<vmem_shared>> -> memref<128x128xf32, #tpu.memory_space<vmem_shared>>
      %dma_start3A_92 = arith.constant 0 : i32
      %dma_start3A_93 = tpu.memref_slice %arg11[%add3A_77, %dma_start3A_92] : memref<10240x128xf32, #tpu.memory_space<vmem_shared>> -> memref<128x128xf32, #tpu.memory_space<vmem_shared>>
      tpu.enqueue_dma source(%dma_start3A_93 : memref<128x128xf32, #tpu.memory_space<vmem_shared>>) target(%arg9 : memref<128x128xf32, #tpu.memory_space<vmem>>) target_semaphore(%run_scoped3A : memref<!tpu.dma_semaphore, #tpu.memory_space<semaphore_mem>>)
      %dma_wait3A = arith.constant 0 : i32
      %dma_wait3A_94 = tpu.memref_slice %arg11[%add3A_77, %dma_wait3A] : memref<10240x128xf32, #tpu.memory_space<vmem_shared>> -> memref<128x128xf32, #tpu.memory_space<vmem_shared>>
      %dma_wait3A_95 = arith.constant 0 : i32
      %dma_wait3A_96 = tpu.memref_slice %arg11[%add3A_77, %dma_wait3A_95] : memref<10240x128xf32, #tpu.memory_space<vmem_shared>> -> memref<128x128xf32, #tpu.memory_space<vmem_shared>>
      tpu.wait_dma2 semaphore(%run_scoped3A : memref<!tpu.dma_semaphore, #tpu.memory_space<semaphore_mem>>) src(%dma_wait3A_96 : memref<128x128xf32, #tpu.memory_space<vmem_shared>>) dst(%arg9 : memref<128x128xf32, #tpu.memory_space<vmem>>)
      tpu.yield
    }) : () -> ()
    "tpu.region"() ({
      %run_scoped3A = tpu.sem_alloc : memref<!tpu.dma_semaphore, #tpu.memory_space<semaphore_mem>>
      %dma_start3A_90 = arith.constant 0 : i32
      %dma_start3A_91 = arith.constant 0 : i32
      %dma_start3A_92 = tpu.memref_slice %arg6[%arg0, %dma_start3A_90, %dma_start3A_91] : memref<2x10240x128xf32, #tpu.memory_space<hbm>> -> memref<1x10240x128xf32, #tpu.memory_space<hbm>>
      %dma_start3A_93 = tpu.memref_squeeze %dma_start3A_92 : memref<1x10240x128xf32, #tpu.memory_space<hbm>> -> memref<10240x128xf32, #tpu.memory_space<hbm>>
      %dma_start3A_94 = arith.constant 0 : i32
      %dma_start3A_95 = tpu.memref_slice %dma_start3A_93[%add3A_77, %dma_start3A_94] : memref<10240x128xf32, #tpu.memory_space<hbm>> -> memref<128x128xf32, #tpu.memory_space<hbm>>
      %dma_start3A_96 = arith.constant 0 : i32
      %dma_start3A_97 = arith.constant 0 : i32
      %dma_start3A_98 = tpu.memref_slice %arg6[%arg0, %dma_start3A_96, %dma_start3A_97] : memref<2x10240x128xf32, #tpu.memory_space<hbm>> -> memref<1x10240x128xf32, #tpu.memory_space<hbm>>
      %dma_start3A_99 = tpu.memref_squeeze %dma_start3A_98 : memref<1x10240x128xf32, #tpu.memory_space<hbm>> -> memref<10240x128xf32, #tpu.memory_space<hbm>>
      %dma_start3A_100 = arith.constant 0 : i32
      %dma_start3A_101 = tpu.memref_slice %dma_start3A_99[%add3A_77, %dma_start3A_100] : memref<10240x128xf32, #tpu.memory_space<hbm>> -> memref<128x128xf32, #tpu.memory_space<hbm>>
      tpu.enqueue_dma source(%arg9 : memref<128x128xf32, #tpu.memory_space<vmem>>) target(%dma_start3A_101 : memref<128x128xf32, #tpu.memory_space<hbm>>) target_semaphore(%run_scoped3A : memref<!tpu.dma_semaphore, #tpu.memory_space<semaphore_mem>>)
      %dma_wait3A = arith.constant 0 : i32
      %dma_wait3A_102 = arith.constant 0 : i32
      %dma_wait3A_103 = tpu.memref_slice %arg6[%arg0, %dma_wait3A, %dma_wait3A_102] : memref<2x10240x128xf32, #tpu.memory_space<hbm>> -> memref<1x10240x128xf32, #tpu.memory_space<hbm>>
      %dma_wait3A_104 = tpu.memref_squeeze %dma_wait3A_103 : memref<1x10240x128xf32, #tpu.memory_space<hbm>> -> memref<10240x128xf32, #tpu.memory_space<hbm>>
      %dma_wait3A_105 = arith.constant 0 : i32
      %dma_wait3A_106 = tpu.memref_slice %dma_wait3A_104[%add3A_77, %dma_wait3A_105] : memref<10240x128xf32, #tpu.memory_space<hbm>> -> memref<128x128xf32, #tpu.memory_space<hbm>>
      %dma_wait3A_107 = arith.constant 0 : i32
      %dma_wait3A_108 = arith.constant 0 : i32
      %dma_wait3A_109 = tpu.memref_slice %arg6[%arg0, %dma_wait3A_107, %dma_wait3A_108] : memref<2x10240x128xf32, #tpu.memory_space<hbm>> -> memref<1x10240x128xf32, #tpu.memory_space<hbm>>
      %dma_wait3A_110 = tpu.memref_squeeze %dma_wait3A_109 : memref<1x10240x128xf32, #tpu.memory_space<hbm>> -> memref<10240x128xf32, #tpu.memory_space<hbm>>
      %dma_wait3A_111 = arith.constant 0 : i32
      %dma_wait3A_112 = tpu.memref_slice %dma_wait3A_110[%add3A_77, %dma_wait3A_111] : memref<10240x128xf32, #tpu.memory_space<hbm>> -> memref<128x128xf32, #tpu.memory_space<hbm>>
      tpu.wait_dma2 semaphore(%run_scoped3A : memref<!tpu.dma_semaphore, #tpu.memory_space<semaphore_mem>>) src(%arg9 : memref<128x128xf32, #tpu.memory_space<vmem>>) dst(%dma_wait3A_112 : memref<128x128xf32, #tpu.memory_space<hbm>>)
      tpu.yield
    }) : () -> ()
    %mul3A_78 = arith.constant 640 : i32
    %mul3A_79 = arith.muli %arg1, %mul3A_78 : i32
    %add3A_80 = arith.constant 256 : i32
    %add3A_81 = arith.addi %mul3A_79, %add3A_80 : i32
    "tpu.region"() ({
      %run_scoped3A = tpu.sem_alloc : memref<!tpu.dma_semaphore, #tpu.memory_space<semaphore_mem>>
      %dma_start3A_90 = arith.constant 0 : i32
      %dma_start3A_91 = tpu.memref_slice %arg11[%add3A_81, %dma_start3A_90] : memref<10240x128xf32, #tpu.memory_space<vmem_shared>> -> memref<128x128xf32, #tpu.memory_space<vmem_shared>>
      %dma_start3A_92 = arith.constant 0 : i32
      %dma_start3A_93 = tpu.memref_slice %arg11[%add3A_81, %dma_start3A_92] : memref<10240x128xf32, #tpu.memory_space<vmem_shared>> -> memref<128x128xf32, #tpu.memory_space<vmem_shared>>
      tpu.enqueue_dma source(%dma_start3A_93 : memref<128x128xf32, #tpu.memory_space<vmem_shared>>) target(%arg9 : memref<128x128xf32, #tpu.memory_space<vmem>>) target_semaphore(%run_scoped3A : memref<!tpu.dma_semaphore, #tpu.memory_space<semaphore_mem>>)
      %dma_wait3A = arith.constant 0 : i32
      %dma_wait3A_94 = tpu.memref_slice %arg11[%add3A_81, %dma_wait3A] : memref<10240x128xf32, #tpu.memory_space<vmem_shared>> -> memref<128x128xf32, #tpu.memory_space<vmem_shared>>
      %dma_wait3A_95 = arith.constant 0 : i32
      %dma_wait3A_96 = tpu.memref_slice %arg11[%add3A_81, %dma_wait3A_95] : memref<10240x128xf32, #tpu.memory_space<vmem_shared>> -> memref<128x128xf32, #tpu.memory_space<vmem_shared>>
      tpu.wait_dma2 semaphore(%run_scoped3A : memref<!tpu.dma_semaphore, #tpu.memory_space<semaphore_mem>>) src(%dma_wait3A_96 : memref<128x128xf32, #tpu.memory_space<vmem_shared>>) dst(%arg9 : memref<128x128xf32, #tpu.memory_space<vmem>>)
      tpu.yield
    }) : () -> ()
    "tpu.region"() ({
      %run_scoped3A = tpu.sem_alloc : memref<!tpu.dma_semaphore, #tpu.memory_space<semaphore_mem>>
      %dma_start3A_90 = arith.constant 0 : i32
      %dma_start3A_91 = arith.constant 0 : i32
      %dma_start3A_92 = tpu.memref_slice %arg6[%arg0, %dma_start3A_90, %dma_start3A_91] : memref<2x10240x128xf32, #tpu.memory_space<hbm>> -> memref<1x10240x128xf32, #tpu.memory_space<hbm>>
      %dma_start3A_93 = tpu.memref_squeeze %dma_start3A_92 : memref<1x10240x128xf32, #tpu.memory_space<hbm>> -> memref<10240x128xf32, #tpu.memory_space<hbm>>
      %dma_start3A_94 = arith.constant 0 : i32
      %dma_start3A_95 = tpu.memref_slice %dma_start3A_93[%add3A_81, %dma_start3A_94] : memref<10240x128xf32, #tpu.memory_space<hbm>> -> memref<128x128xf32, #tpu.memory_space<hbm>>
      %dma_start3A_96 = arith.constant 0 : i32
      %dma_start3A_97 = arith.constant 0 : i32
      %dma_start3A_98 = tpu.memref_slice %arg6[%arg0, %dma_start3A_96, %dma_start3A_97] : memref<2x10240x128xf32, #tpu.memory_space<hbm>> -> memref<1x10240x128xf32, #tpu.memory_space<hbm>>
      %dma_start3A_99 = tpu.memref_squeeze %dma_start3A_98 : memref<1x10240x128xf32, #tpu.memory_space<hbm>> -> memref<10240x128xf32, #tpu.memory_space<hbm>>
      %dma_start3A_100 = arith.constant 0 : i32
      %dma_start3A_101 = tpu.memref_slice %dma_start3A_99[%add3A_81, %dma_start3A_100] : memref<10240x128xf32, #tpu.memory_space<hbm>> -> memref<128x128xf32, #tpu.memory_space<hbm>>
      tpu.enqueue_dma source(%arg9 : memref<128x128xf32, #tpu.memory_space<vmem>>) target(%dma_start3A_101 : memref<128x128xf32, #tpu.memory_space<hbm>>) target_semaphore(%run_scoped3A : memref<!tpu.dma_semaphore, #tpu.memory_space<semaphore_mem>>)
      %dma_wait3A = arith.constant 0 : i32
      %dma_wait3A_102 = arith.constant 0 : i32
      %dma_wait3A_103 = tpu.memref_slice %arg6[%arg0, %dma_wait3A, %dma_wait3A_102] : memref<2x10240x128xf32, #tpu.memory_space<hbm>> -> memref<1x10240x128xf32, #tpu.memory_space<hbm>>
      %dma_wait3A_104 = tpu.memref_squeeze %dma_wait3A_103 : memref<1x10240x128xf32, #tpu.memory_space<hbm>> -> memref<10240x128xf32, #tpu.memory_space<hbm>>
      %dma_wait3A_105 = arith.constant 0 : i32
      %dma_wait3A_106 = tpu.memref_slice %dma_wait3A_104[%add3A_81, %dma_wait3A_105] : memref<10240x128xf32, #tpu.memory_space<hbm>> -> memref<128x128xf32, #tpu.memory_space<hbm>>
      %dma_wait3A_107 = arith.constant 0 : i32
      %dma_wait3A_108 = arith.constant 0 : i32
      %dma_wait3A_109 = tpu.memref_slice %arg6[%arg0, %dma_wait3A_107, %dma_wait3A_108] : memref<2x10240x128xf32, #tpu.memory_space<hbm>> -> memref<1x10240x128xf32, #tpu.memory_space<hbm>>
      %dma_wait3A_110 = tpu.memref_squeeze %dma_wait3A_109 : memref<1x10240x128xf32, #tpu.memory_space<hbm>> -> memref<10240x128xf32, #tpu.memory_space<hbm>>
      %dma_wait3A_111 = arith.constant 0 : i32
      %dma_wait3A_112 = tpu.memref_slice %dma_wait3A_110[%add3A_81, %dma_wait3A_111] : memref<10240x128xf32, #tpu.memory_space<hbm>> -> memref<128x128xf32, #tpu.memory_space<hbm>>
      tpu.wait_dma2 semaphore(%run_scoped3A : memref<!tpu.dma_semaphore, #tpu.memory_space<semaphore_mem>>) src(%arg9 : memref<128x128xf32, #tpu.memory_space<vmem>>) dst(%dma_wait3A_112 : memref<128x128xf32, #tpu.memory_space<hbm>>)
      tpu.yield
    }) : () -> ()
    %mul3A_82 = arith.constant 640 : i32
    %mul3A_83 = arith.muli %arg1, %mul3A_82 : i32
    %add3A_84 = arith.constant 384 : i32
    %add3A_85 = arith.addi %mul3A_83, %add3A_84 : i32
    "tpu.region"() ({
      %run_scoped3A = tpu.sem_alloc : memref<!tpu.dma_semaphore, #tpu.memory_space<semaphore_mem>>
      %dma_start3A_90 = arith.constant 0 : i32
      %dma_start3A_91 = tpu.memref_slice %arg11[%add3A_85, %dma_start3A_90] : memref<10240x128xf32, #tpu.memory_space<vmem_shared>> -> memref<128x128xf32, #tpu.memory_space<vmem_shared>>
      %dma_start3A_92 = arith.constant 0 : i32
      %dma_start3A_93 = tpu.memref_slice %arg11[%add3A_85, %dma_start3A_92] : memref<10240x128xf32, #tpu.memory_space<vmem_shared>> -> memref<128x128xf32, #tpu.memory_space<vmem_shared>>
      tpu.enqueue_dma source(%dma_start3A_93 : memref<128x128xf32, #tpu.memory_space<vmem_shared>>) target(%arg9 : memref<128x128xf32, #tpu.memory_space<vmem>>) target_semaphore(%run_scoped3A : memref<!tpu.dma_semaphore, #tpu.memory_space<semaphore_mem>>)
      %dma_wait3A = arith.constant 0 : i32
      %dma_wait3A_94 = tpu.memref_slice %arg11[%add3A_85, %dma_wait3A] : memref<10240x128xf32, #tpu.memory_space<vmem_shared>> -> memref<128x128xf32, #tpu.memory_space<vmem_shared>>
      %dma_wait3A_95 = arith.constant 0 : i32
      %dma_wait3A_96 = tpu.memref_slice %arg11[%add3A_85, %dma_wait3A_95] : memref<10240x128xf32, #tpu.memory_space<vmem_shared>> -> memref<128x128xf32, #tpu.memory_space<vmem_shared>>
      tpu.wait_dma2 semaphore(%run_scoped3A : memref<!tpu.dma_semaphore, #tpu.memory_space<semaphore_mem>>) src(%dma_wait3A_96 : memref<128x128xf32, #tpu.memory_space<vmem_shared>>) dst(%arg9 : memref<128x128xf32, #tpu.memory_space<vmem>>)
      tpu.yield
    }) : () -> ()
    "tpu.region"() ({
      %run_scoped3A = tpu.sem_alloc : memref<!tpu.dma_semaphore, #tpu.memory_space<semaphore_mem>>
      %dma_start3A_90 = arith.constant 0 : i32
      %dma_start3A_91 = arith.constant 0 : i32
      %dma_start3A_92 = tpu.memref_slice %arg6[%arg0, %dma_start3A_90, %dma_start3A_91] : memref<2x10240x128xf32, #tpu.memory_space<hbm>> -> memref<1x10240x128xf32, #tpu.memory_space<hbm>>
      %dma_start3A_93 = tpu.memref_squeeze %dma_start3A_92 : memref<1x10240x128xf32, #tpu.memory_space<hbm>> -> memref<10240x128xf32, #tpu.memory_space<hbm>>
      %dma_start3A_94 = arith.constant 0 : i32
      %dma_start3A_95 = tpu.memref_slice %dma_start3A_93[%add3A_85, %dma_start3A_94] : memref<10240x128xf32, #tpu.memory_space<hbm>> -> memref<128x128xf32, #tpu.memory_space<hbm>>
      %dma_start3A_96 = arith.constant 0 : i32
      %dma_start3A_97 = arith.constant 0 : i32
      %dma_start3A_98 = tpu.memref_slice %arg6[%arg0, %dma_start3A_96, %dma_start3A_97] : memref<2x10240x128xf32, #tpu.memory_space<hbm>> -> memref<1x10240x128xf32, #tpu.memory_space<hbm>>
      %dma_start3A_99 = tpu.memref_squeeze %dma_start3A_98 : memref<1x10240x128xf32, #tpu.memory_space<hbm>> -> memref<10240x128xf32, #tpu.memory_space<hbm>>
      %dma_start3A_100 = arith.constant 0 : i32
      %dma_start3A_101 = tpu.memref_slice %dma_start3A_99[%add3A_85, %dma_start3A_100] : memref<10240x128xf32, #tpu.memory_space<hbm>> -> memref<128x128xf32, #tpu.memory_space<hbm>>
      tpu.enqueue_dma source(%arg9 : memref<128x128xf32, #tpu.memory_space<vmem>>) target(%dma_start3A_101 : memref<128x128xf32, #tpu.memory_space<hbm>>) target_semaphore(%run_scoped3A : memref<!tpu.dma_semaphore, #tpu.memory_space<semaphore_mem>>)
      %dma_wait3A = arith.constant 0 : i32
      %dma_wait3A_102 = arith.constant 0 : i32
      %dma_wait3A_103 = tpu.memref_slice %arg6[%arg0, %dma_wait3A, %dma_wait3A_102] : memref<2x10240x128xf32, #tpu.memory_space<hbm>> -> memref<1x10240x128xf32, #tpu.memory_space<hbm>>
      %dma_wait3A_104 = tpu.memref_squeeze %dma_wait3A_103 : memref<1x10240x128xf32, #tpu.memory_space<hbm>> -> memref<10240x128xf32, #tpu.memory_space<hbm>>
      %dma_wait3A_105 = arith.constant 0 : i32
      %dma_wait3A_106 = tpu.memref_slice %dma_wait3A_104[%add3A_85, %dma_wait3A_105] : memref<10240x128xf32, #tpu.memory_space<hbm>> -> memref<128x128xf32, #tpu.memory_space<hbm>>
      %dma_wait3A_107 = arith.constant 0 : i32
      %dma_wait3A_108 = arith.constant 0 : i32
      %dma_wait3A_109 = tpu.memref_slice %arg6[%arg0, %dma_wait3A_107, %dma_wait3A_108] : memref<2x10240x128xf32, #tpu.memory_space<hbm>> -> memref<1x10240x128xf32, #tpu.memory_space<hbm>>
      %dma_wait3A_110 = tpu.memref_squeeze %dma_wait3A_109 : memref<1x10240x128xf32, #tpu.memory_space<hbm>> -> memref<10240x128xf32, #tpu.memory_space<hbm>>
      %dma_wait3A_111 = arith.constant 0 : i32
      %dma_wait3A_112 = tpu.memref_slice %dma_wait3A_110[%add3A_85, %dma_wait3A_111] : memref<10240x128xf32, #tpu.memory_space<hbm>> -> memref<128x128xf32, #tpu.memory_space<hbm>>
      tpu.wait_dma2 semaphore(%run_scoped3A : memref<!tpu.dma_semaphore, #tpu.memory_space<semaphore_mem>>) src(%arg9 : memref<128x128xf32, #tpu.memory_space<vmem>>) dst(%dma_wait3A_112 : memref<128x128xf32, #tpu.memory_space<hbm>>)
      tpu.yield
    }) : () -> ()
    %mul3A_86 = arith.constant 640 : i32
    %mul3A_87 = arith.muli %arg1, %mul3A_86 : i32
    %add3A_88 = arith.constant 512 : i32
    %add3A_89 = arith.addi %mul3A_87, %add3A_88 : i32
    "tpu.region"() ({
      %run_scoped3A = tpu.sem_alloc : memref<!tpu.dma_semaphore, #tpu.memory_space<semaphore_mem>>
      %dma_start3A_90 = arith.constant 0 : i32
      %dma_start3A_91 = tpu.memref_slice %arg11[%add3A_89, %dma_start3A_90] : memref<10240x128xf32, #tpu.memory_space<vmem_shared>> -> memref<128x128xf32, #tpu.memory_space<vmem_shared>>
      %dma_start3A_92 = arith.constant 0 : i32
      %dma_start3A_93 = tpu.memref_slice %arg11[%add3A_89, %dma_start3A_92] : memref<10240x128xf32, #tpu.memory_space<vmem_shared>> -> memref<128x128xf32, #tpu.memory_space<vmem_shared>>
      tpu.enqueue_dma source(%dma_start3A_93 : memref<128x128xf32, #tpu.memory_space<vmem_shared>>) target(%arg9 : memref<128x128xf32, #tpu.memory_space<vmem>>) target_semaphore(%run_scoped3A : memref<!tpu.dma_semaphore, #tpu.memory_space<semaphore_mem>>)
      %dma_wait3A = arith.constant 0 : i32
      %dma_wait3A_94 = tpu.memref_slice %arg11[%add3A_89, %dma_wait3A] : memref<10240x128xf32, #tpu.memory_space<vmem_shared>> -> memref<128x128xf32, #tpu.memory_space<vmem_shared>>
      %dma_wait3A_95 = arith.constant 0 : i32
      %dma_wait3A_96 = tpu.memref_slice %arg11[%add3A_89, %dma_wait3A_95] : memref<10240x128xf32, #tpu.memory_space<vmem_shared>> -> memref<128x128xf32, #tpu.memory_space<vmem_shared>>
      tpu.wait_dma2 semaphore(%run_scoped3A : memref<!tpu.dma_semaphore, #tpu.memory_space<semaphore_mem>>) src(%dma_wait3A_96 : memref<128x128xf32, #tpu.memory_space<vmem_shared>>) dst(%arg9 : memref<128x128xf32, #tpu.memory_space<vmem>>)
      tpu.yield
    }) : () -> ()
    "tpu.region"() ({
      %run_scoped3A = tpu.sem_alloc : memref<!tpu.dma_semaphore, #tpu.memory_space<semaphore_mem>>
      %dma_start3A_90 = arith.constant 0 : i32
      %dma_start3A_91 = arith.constant 0 : i32
      %dma_start3A_92 = tpu.memref_slice %arg6[%arg0, %dma_start3A_90, %dma_start3A_91] : memref<2x10240x128xf32, #tpu.memory_space<hbm>> -> memref<1x10240x128xf32, #tpu.memory_space<hbm>>
      %dma_start3A_93 = tpu.memref_squeeze %dma_start3A_92 : memref<1x10240x128xf32, #tpu.memory_space<hbm>> -> memref<10240x128xf32, #tpu.memory_space<hbm>>
      %dma_start3A_94 = arith.constant 0 : i32
      %dma_start3A_95 = tpu.memref_slice %dma_start3A_93[%add3A_89, %dma_start3A_94] : memref<10240x128xf32, #tpu.memory_space<hbm>> -> memref<128x128xf32, #tpu.memory_space<hbm>>
      %dma_start3A_96 = arith.constant 0 : i32
      %dma_start3A_97 = arith.constant 0 : i32
      %dma_start3A_98 = tpu.memref_slice %arg6[%arg0, %dma_start3A_96, %dma_start3A_97] : memref<2x10240x128xf32, #tpu.memory_space<hbm>> -> memref<1x10240x128xf32, #tpu.memory_space<hbm>>
      %dma_start3A_99 = tpu.memref_squeeze %dma_start3A_98 : memref<1x10240x128xf32, #tpu.memory_space<hbm>> -> memref<10240x128xf32, #tpu.memory_space<hbm>>
      %dma_start3A_100 = arith.constant 0 : i32
      %dma_start3A_101 = tpu.memref_slice %dma_start3A_99[%add3A_89, %dma_start3A_100] : memref<10240x128xf32, #tpu.memory_space<hbm>> -> memref<128x128xf32, #tpu.memory_space<hbm>>
      tpu.enqueue_dma source(%arg9 : memref<128x128xf32, #tpu.memory_space<vmem>>) target(%dma_start3A_101 : memref<128x128xf32, #tpu.memory_space<hbm>>) target_semaphore(%run_scoped3A : memref<!tpu.dma_semaphore, #tpu.memory_space<semaphore_mem>>)
      %dma_wait3A = arith.constant 0 : i32
      %dma_wait3A_102 = arith.constant 0 : i32
      %dma_wait3A_103 = tpu.memref_slice %arg6[%arg0, %dma_wait3A, %dma_wait3A_102] : memref<2x10240x128xf32, #tpu.memory_space<hbm>> -> memref<1x10240x128xf32, #tpu.memory_space<hbm>>
      %dma_wait3A_104 = tpu.memref_squeeze %dma_wait3A_103 : memref<1x10240x128xf32, #tpu.memory_space<hbm>> -> memref<10240x128xf32, #tpu.memory_space<hbm>>
      %dma_wait3A_105 = arith.constant 0 : i32
      %dma_wait3A_106 = tpu.memref_slice %dma_wait3A_104[%add3A_89, %dma_wait3A_105] : memref<10240x128xf32, #tpu.memory_space<hbm>> -> memref<128x128xf32, #tpu.memory_space<hbm>>
      %dma_wait3A_107 = arith.constant 0 : i32
      %dma_wait3A_108 = arith.constant 0 : i32
      %dma_wait3A_109 = tpu.memref_slice %arg6[%arg0, %dma_wait3A_107, %dma_wait3A_108] : memref<2x10240x128xf32, #tpu.memory_space<hbm>> -> memref<1x10240x128xf32, #tpu.memory_space<hbm>>
      %dma_wait3A_110 = tpu.memref_squeeze %dma_wait3A_109 : memref<1x10240x128xf32, #tpu.memory_space<hbm>> -> memref<10240x128xf32, #tpu.memory_space<hbm>>
      %dma_wait3A_111 = arith.constant 0 : i32
      %dma_wait3A_112 = tpu.memref_slice %dma_wait3A_110[%add3A_89, %dma_wait3A_111] : memref<10240x128xf32, #tpu.memory_space<hbm>> -> memref<128x128xf32, #tpu.memory_space<hbm>>
      tpu.wait_dma2 semaphore(%run_scoped3A : memref<!tpu.dma_semaphore, #tpu.memory_space<semaphore_mem>>) src(%arg9 : memref<128x128xf32, #tpu.memory_space<vmem>>) dst(%dma_wait3A_112 : memref<128x128xf32, #tpu.memory_space<hbm>>)
      tpu.yield
    }) : () -> ()
    return
  }
}

#map = affine_map<(d0, d1) -> (0, 0)>
module attributes {stable_mosaic.version = 14 : i64} {
  func.func @_deg_body(%arg0: i32, %arg1: i32, %arg2: memref<2560x128xi32, #tpu.memory_space<hbm>>, %arg3: memref<2x10240xf32, #tpu.memory_space<hbm>>, %arg4: memref<80x128xi32, #tpu.memory_space<vmem>>, %arg5: memref<128xf32, #tpu.memory_space<vmem>>, %arg6: memref<640xf32, #tpu.memory_space<vmem>>, %arg7: memref<10240xf32, #tpu.memory_space<vmem_shared>>) attributes {dimension_semantics = [#tpu.dimension_semantics<core_parallel>, #tpu.dimension_semantics<subcore_parallel>], iteration_bounds = array<i64: 2, 16>, scalar_prefetch = 0 : i64, scratch_operands = 4 : i64, tpu.core_type = #tpu.core_type<sc_vector_subcore>, window_params = [{transform_indices = #map}, {transform_indices = #map}]} {
    %mul3A = arith.constant 2 : i32
    %mul3A_0 = arith.muli %arg1, %mul3A : i32
    %add3A = arith.addi %mul3A_0, %arg0 : i32
    %scan3A = arith.constant 0 : i32
    %scan3A_1 = arith.constant 0 : i32
    %scan3A_2 = arith.constant 40 : i32
    %scan3A_3 = arith.addi %scan3A_1, %scan3A_2 : i32
    %scan3A_4 = arith.constant 1 : i32
    %scan3A_5 = scf.for %scan3A_30 = %scan3A_1 to %scan3A_3 step %scan3A_4 iter_args(%scan3A_31 = %scan3A) -> (i32)  : i32 {
      %broadcast_in_dim3A = arith.constant 0.000000e+00 : f32
      %broadcast_in_dim3A_32 = vector.broadcast %broadcast_in_dim3A : f32 to vector<16xf32>
      %mul3A_33 = arith.constant 16 : i32
      %mul3A_34 = arith.muli %scan3A_30, %mul3A_33 : i32
      %swap3A = arith.index_cast %mul3A_34 : i32 to index
      %swap3A_35 = tpu.vector_load %arg6[%swap3A] {strides = array<i32>} : memref<640xf32, #tpu.memory_space<vmem>>, vector<16xf32>,
      %swap3A_36 = vector.shape_cast %swap3A_35 : vector<16xf32> to vector<16xf32>
      %swap3A_37 = vector.shape_cast %broadcast_in_dim3A_32 : vector<16xf32> to vector<16xf32>
      tpu.vector_store %arg6[%swap3A], %swap3A_37 {strides = array<i32>} : memref<640xf32, #tpu.memory_space<vmem>>, vector<16xf32>,
      %scan3A_38 = arith.constant 0 : i32
      scf.yield %scan3A_38 : i32
    }
    %scan3A_6 = arith.constant 40 : i32
    %scan3A_7 = arith.constant 0 : i32
    %scan3A_8 = arith.constant 0 : i32
    %scan3A_9 = arith.constant 8 : i32
    %scan3A_10 = arith.addi %scan3A_8, %scan3A_9 : i32
    %scan3A_11 = arith.constant 1 : i32
    %scan3A_12 = scf.for %scan3A_30 = %scan3A_8 to %scan3A_10 step %scan3A_11 iter_args(%scan3A_31 = %scan3A_7) -> (i32)  : i32 {
      %broadcast_in_dim3A = arith.constant 1.000000e+00 : f32
      %broadcast_in_dim3A_32 = vector.broadcast %broadcast_in_dim3A : f32 to vector<16xf32>
      %mul3A_33 = arith.constant 16 : i32
      %mul3A_34 = arith.muli %scan3A_30, %mul3A_33 : i32
      %swap3A = arith.index_cast %mul3A_34 : i32 to index
      %swap3A_35 = tpu.vector_load %arg5[%swap3A] {strides = array<i32>} : memref<128xf32, #tpu.memory_space<vmem>>, vector<16xf32>,
      %swap3A_36 = vector.shape_cast %swap3A_35 : vector<16xf32> to vector<16xf32>
      %swap3A_37 = vector.shape_cast %broadcast_in_dim3A_32 : vector<16xf32> to vector<16xf32>
      tpu.vector_store %arg5[%swap3A], %swap3A_37 {strides = array<i32>} : memref<128xf32, #tpu.memory_space<vmem>>, vector<16xf32>,
      %scan3A_38 = arith.constant 0 : i32
      scf.yield %scan3A_38 : i32
    }
    %scan3A_13 = arith.constant 8 : i32
    %mul3A_14 = arith.constant 640 : i32
    %mul3A_15 = arith.muli %arg1, %mul3A_14 : i32
    "tpu.region"() ({
      %run_scoped3A = tpu.sem_alloc : memref<!tpu.dma_semaphore, #tpu.memory_space<semaphore_mem>>
      %dma_start3A = tpu.memref_slice %arg7[%mul3A_15] : memref<10240xf32, #tpu.memory_space<vmem_shared>> -> memref<640xf32, #tpu.memory_space<vmem_shared>>
      %dma_start3A_30 = tpu.memref_slice %arg7[%mul3A_15] : memref<10240xf32, #tpu.memory_space<vmem_shared>> -> memref<640xf32, #tpu.memory_space<vmem_shared>>
      tpu.enqueue_dma source(%arg6 : memref<640xf32, #tpu.memory_space<vmem>>) target(%dma_start3A_30 : memref<640xf32, #tpu.memory_space<vmem_shared>>) target_semaphore(%run_scoped3A : memref<!tpu.dma_semaphore, #tpu.memory_space<semaphore_mem>>)
      %dma_wait3A = tpu.memref_slice %arg7[%mul3A_15] : memref<10240xf32, #tpu.memory_space<vmem_shared>> -> memref<640xf32, #tpu.memory_space<vmem_shared>>
      %dma_wait3A_31 = tpu.memref_slice %arg7[%mul3A_15] : memref<10240xf32, #tpu.memory_space<vmem_shared>> -> memref<640xf32, #tpu.memory_space<vmem_shared>>
      tpu.wait_dma2 semaphore(%run_scoped3A : memref<!tpu.dma_semaphore, #tpu.memory_space<semaphore_mem>>) src(%arg6 : memref<640xf32, #tpu.memory_space<vmem>>) dst(%dma_wait3A_31 : memref<640xf32, #tpu.memory_space<vmem_shared>>)
      tpu.yield
    }) : () -> ()
    %barrier3A = arith.constant 0 : index
    tpu.barrier barrier_id(%barrier3A)
    %mul3A_16 = arith.constant 80 : i32
    %mul3A_17 = arith.muli %add3A, %mul3A_16 : i32
    "tpu.region"() ({
      %run_scoped3A = tpu.sem_alloc : memref<!tpu.dma_semaphore, #tpu.memory_space<semaphore_mem>>
      %dma_start3A = arith.constant 0 : i32
      %dma_start3A_30 = tpu.memref_slice %arg2[%mul3A_17, %dma_start3A] : memref<2560x128xi32, #tpu.memory_space<hbm>> -> memref<80x128xi32, #tpu.memory_space<hbm>>
      %dma_start3A_31 = arith.constant 0 : i32
      %dma_start3A_32 = tpu.memref_slice %arg2[%mul3A_17, %dma_start3A_31] : memref<2560x128xi32, #tpu.memory_space<hbm>> -> memref<80x128xi32, #tpu.memory_space<hbm>>
      tpu.enqueue_dma source(%dma_start3A_32 : memref<80x128xi32, #tpu.memory_space<hbm>>) target(%arg4 : memref<80x128xi32, #tpu.memory_space<vmem>>) target_semaphore(%run_scoped3A : memref<!tpu.dma_semaphore, #tpu.memory_space<semaphore_mem>>)
      %dma_wait3A = arith.constant 0 : i32
      %dma_wait3A_33 = tpu.memref_slice %arg2[%mul3A_17, %dma_wait3A] : memref<2560x128xi32, #tpu.memory_space<hbm>> -> memref<80x128xi32, #tpu.memory_space<hbm>>
      %dma_wait3A_34 = arith.constant 0 : i32
      %dma_wait3A_35 = tpu.memref_slice %arg2[%mul3A_17, %dma_wait3A_34] : memref<2560x128xi32, #tpu.memory_space<hbm>> -> memref<80x128xi32, #tpu.memory_space<hbm>>
      tpu.wait_dma2 semaphore(%run_scoped3A : memref<!tpu.dma_semaphore, #tpu.memory_space<semaphore_mem>>) src(%dma_wait3A_35 : memref<80x128xi32, #tpu.memory_space<hbm>>) dst(%arg4 : memref<80x128xi32, #tpu.memory_space<vmem>>)
      tpu.yield
    }) : () -> ()
    %scan3A_18 = arith.constant 0 : i32
    %scan3A_19 = arith.constant 0 : i32
    %scan3A_20 = arith.constant 80 : i32
    %scan3A_21 = arith.addi %scan3A_19, %scan3A_20 : i32
    %scan3A_22 = arith.constant 1 : i32
    %scan3A_23 = scf.for %scan3A_30 = %scan3A_19 to %scan3A_21 step %scan3A_22 iter_args(%scan3A_31 = %scan3A_18) -> (i32)  : i32 {
      "tpu.region"() ({
        %run_scoped3A = tpu.sem_alloc : memref<!tpu.dma_semaphore, #tpu.memory_space<semaphore_mem>>
        %dma_start3A = arith.constant 0 : i32
        %dma_start3A_33 = tpu.memref_slice %arg4[%scan3A_30, %dma_start3A] : memref<80x128xi32, #tpu.memory_space<vmem>> -> memref<1x128xi32, #tpu.memory_space<vmem>>
        %dma_start3A_34 = tpu.memref_squeeze %dma_start3A_33 : memref<1x128xi32, #tpu.memory_space<vmem>> -> memref<128xi32, #tpu.memory_space<vmem>>
        %dma_start3A_35 = arith.constant 0 : i32
        %dma_start3A_36 = tpu.memref_slice %arg7[%dma_start3A_35] : memref<10240xf32, #tpu.memory_space<vmem_shared>> -> memref<10240xf32, #tpu.memory_space<vmem_shared>>
        tpu.enqueue_indirect_dma source(%arg5 : memref<128xf32, #tpu.memory_space<vmem>>) target(%dma_start3A_36 : memref<10240xf32, #tpu.memory_space<vmem_shared>>) offsets(%dma_start3A_34 : memref<128xi32, #tpu.memory_space<vmem>>) semaphore(%run_scoped3A : memref<!tpu.dma_semaphore, #tpu.memory_space<semaphore_mem>>) {add = true}
        %dma_wait3A = arith.constant 0 : i32
        %dma_wait3A_37 = tpu.memref_slice %arg4[%scan3A_30, %dma_wait3A] : memref<80x128xi32, #tpu.memory_space<vmem>> -> memref<1x128xi32, #tpu.memory_space<vmem>>
        %dma_wait3A_38 = tpu.memref_squeeze %dma_wait3A_37 : memref<1x128xi32, #tpu.memory_space<vmem>> -> memref<128xi32, #tpu.memory_space<vmem>>
        %dma_wait3A_39 = arith.constant 0 : i32
        %dma_wait3A_40 = tpu.memref_slice %arg7[%dma_wait3A_39] : memref<10240xf32, #tpu.memory_space<vmem_shared>> -> memref<10240xf32, #tpu.memory_space<vmem_shared>>
        tpu.wait_indirect_dma semaphore(%run_scoped3A : memref<!tpu.dma_semaphore, #tpu.memory_space<semaphore_mem>>) src(%arg5 : memref<128xf32, #tpu.memory_space<vmem>>) dst(%dma_wait3A_40 : memref<10240xf32, #tpu.memory_space<vmem_shared>>)
        tpu.yield
      }) : () -> ()
      %scan3A_32 = arith.constant 0 : i32
      scf.yield %scan3A_32 : i32
    }
    %scan3A_24 = arith.constant 80 : i32
    %barrier3A_25 = arith.constant 0 : index
    tpu.barrier barrier_id(%barrier3A_25)
    %mul3A_26 = arith.constant 640 : i32
    %mul3A_27 = arith.muli %arg1, %mul3A_26 : i32
    "tpu.region"() ({
      %run_scoped3A = tpu.sem_alloc : memref<!tpu.dma_semaphore, #tpu.memory_space<semaphore_mem>>
      %dma_start3A = tpu.memref_slice %arg7[%mul3A_27] : memref<10240xf32, #tpu.memory_space<vmem_shared>> -> memref<640xf32, #tpu.memory_space<vmem_shared>>
      %dma_start3A_30 = tpu.memref_slice %arg7[%mul3A_27] : memref<10240xf32, #tpu.memory_space<vmem_shared>> -> memref<640xf32, #tpu.memory_space<vmem_shared>>
      tpu.enqueue_dma source(%dma_start3A_30 : memref<640xf32, #tpu.memory_space<vmem_shared>>) target(%arg6 : memref<640xf32, #tpu.memory_space<vmem>>) target_semaphore(%run_scoped3A : memref<!tpu.dma_semaphore, #tpu.memory_space<semaphore_mem>>)
      %dma_wait3A = tpu.memref_slice %arg7[%mul3A_27] : memref<10240xf32, #tpu.memory_space<vmem_shared>> -> memref<640xf32, #tpu.memory_space<vmem_shared>>
      %dma_wait3A_31 = tpu.memref_slice %arg7[%mul3A_27] : memref<10240xf32, #tpu.memory_space<vmem_shared>> -> memref<640xf32, #tpu.memory_space<vmem_shared>>
      tpu.wait_dma2 semaphore(%run_scoped3A : memref<!tpu.dma_semaphore, #tpu.memory_space<semaphore_mem>>) src(%dma_wait3A_31 : memref<640xf32, #tpu.memory_space<vmem_shared>>) dst(%arg6 : memref<640xf32, #tpu.memory_space<vmem>>)
      tpu.yield
    }) : () -> ()
    %mul3A_28 = arith.constant 640 : i32
    %mul3A_29 = arith.muli %arg1, %mul3A_28 : i32
    "tpu.region"() ({
      %run_scoped3A = tpu.sem_alloc : memref<!tpu.dma_semaphore, #tpu.memory_space<semaphore_mem>>
      %dma_start3A = arith.constant 0 : i32
      %dma_start3A_30 = tpu.memref_slice %arg3[%arg0, %dma_start3A] : memref<2x10240xf32, #tpu.memory_space<hbm>> -> memref<1x10240xf32, #tpu.memory_space<hbm>>
      %dma_start3A_31 = tpu.memref_squeeze %dma_start3A_30 : memref<1x10240xf32, #tpu.memory_space<hbm>> -> memref<10240xf32, #tpu.memory_space<hbm>>
      %dma_start3A_32 = tpu.memref_slice %dma_start3A_31[%mul3A_29] : memref<10240xf32, #tpu.memory_space<hbm>> -> memref<640xf32, #tpu.memory_space<hbm>>
      %dma_start3A_33 = arith.constant 0 : i32
      %dma_start3A_34 = tpu.memref_slice %arg3[%arg0, %dma_start3A_33] : memref<2x10240xf32, #tpu.memory_space<hbm>> -> memref<1x10240xf32, #tpu.memory_space<hbm>>
      %dma_start3A_35 = tpu.memref_squeeze %dma_start3A_34 : memref<1x10240xf32, #tpu.memory_space<hbm>> -> memref<10240xf32, #tpu.memory_space<hbm>>
      %dma_start3A_36 = tpu.memref_slice %dma_start3A_35[%mul3A_29] : memref<10240xf32, #tpu.memory_space<hbm>> -> memref<640xf32, #tpu.memory_space<hbm>>
      tpu.enqueue_dma source(%arg6 : memref<640xf32, #tpu.memory_space<vmem>>) target(%dma_start3A_36 : memref<640xf32, #tpu.memory_space<hbm>>) target_semaphore(%run_scoped3A : memref<!tpu.dma_semaphore, #tpu.memory_space<semaphore_mem>>)
      %dma_wait3A = arith.constant 0 : i32
      %dma_wait3A_37 = tpu.memref_slice %arg3[%arg0, %dma_wait3A] : memref<2x10240xf32, #tpu.memory_space<hbm>> -> memref<1x10240xf32, #tpu.memory_space<hbm>>
      %dma_wait3A_38 = tpu.memref_squeeze %dma_wait3A_37 : memref<1x10240xf32, #tpu.memory_space<hbm>> -> memref<10240xf32, #tpu.memory_space<hbm>>
      %dma_wait3A_39 = tpu.memref_slice %dma_wait3A_38[%mul3A_29] : memref<10240xf32, #tpu.memory_space<hbm>> -> memref<640xf32, #tpu.memory_space<hbm>>
      %dma_wait3A_40 = arith.constant 0 : i32
      %dma_wait3A_41 = tpu.memref_slice %arg3[%arg0, %dma_wait3A_40] : memref<2x10240xf32, #tpu.memory_space<hbm>> -> memref<1x10240xf32, #tpu.memory_space<hbm>>
      %dma_wait3A_42 = tpu.memref_squeeze %dma_wait3A_41 : memref<1x10240xf32, #tpu.memory_space<hbm>> -> memref<10240xf32, #tpu.memory_space<hbm>>
      %dma_wait3A_43 = tpu.memref_slice %dma_wait3A_42[%mul3A_29] : memref<10240xf32, #tpu.memory_space<hbm>> -> memref<640xf32, #tpu.memory_space<hbm>>
      tpu.wait_dma2 semaphore(%run_scoped3A : memref<!tpu.dma_semaphore, #tpu.memory_space<semaphore_mem>>) src(%arg6 : memref<640xf32, #tpu.memory_space<vmem>>) dst(%dma_wait3A_43 : memref<640xf32, #tpu.memory_space<hbm>>)
      tpu.yield
    }) : () -> ()
    return
  }
}

#map = affine_map<(d0, d1) -> (0, 0)>
#map1 = affine_map<(d0, d1) -> (0, 0, 0)>
module attributes {stable_mosaic.version = 14 : i64} {
  func.func @_agg_body(%arg0: i32, %arg1: i32, %arg2: memref<10000x128xf32, #tpu.memory_space<hbm>>, %arg3: memref<2560x128xi32, #tpu.memory_space<hbm>>, %arg4: memref<2560x128xi32, #tpu.memory_space<hbm>>, %arg5: memref<128x128xf32, #tpu.memory_space<hbm>>, %arg6: memref<2x10240x128xf32, #tpu.memory_space<hbm>>, %arg7: memref<40x128xi32, #tpu.memory_space<vmem>>, %arg8: memref<40x128xi32, #tpu.memory_space<vmem>>, %arg9: memref<128x128xf32, #tpu.memory_space<vmem>>, %arg10: memref<128x128xf32, #tpu.memory_space<vmem>>, %arg11: memref<10240x128xf32, #tpu.memory_space<vmem_shared>>, %arg12: memref<!tpu.dma_semaphore, #tpu.memory_space<semaphore_mem>>, %arg13: memref<!tpu.dma_semaphore, #tpu.memory_space<semaphore_mem>>, %arg14: memref<!tpu.dma_semaphore, #tpu.memory_space<semaphore_mem>>, %arg15: memref<!tpu.dma_semaphore, #tpu.memory_space<semaphore_mem>>) attributes {dimension_semantics = [#tpu.dimension_semantics<core_parallel>, #tpu.dimension_semantics<subcore_parallel>], iteration_bounds = array<i64: 2, 16>, scalar_prefetch = 0 : i64, scratch_operands = 9 : i64, tpu.core_type = #tpu.core_type<sc_vector_subcore>, window_params = [{transform_indices = #map}, {transform_indices = #map}, {transform_indices = #map}, {transform_indices = #map}, {transform_indices = #map1}]} {
    %mul3A = arith.constant 2 : i32
    %mul3A_0 = arith.muli %arg1, %mul3A : i32
    %add3A = arith.addi %mul3A_0, %arg0 : i32
    "tpu.region"() ({
      %run_scoped3A = tpu.sem_alloc : memref<!tpu.dma_semaphore, #tpu.memory_space<semaphore_mem>>
      tpu.enqueue_dma source(%arg5 : memref<128x128xf32, #tpu.memory_space<hbm>>) target(%arg9 : memref<128x128xf32, #tpu.memory_space<vmem>>) target_semaphore(%run_scoped3A : memref<!tpu.dma_semaphore, #tpu.memory_space<semaphore_mem>>)
      tpu.wait_dma2 semaphore(%run_scoped3A : memref<!tpu.dma_semaphore, #tpu.memory_space<semaphore_mem>>) src(%arg5 : memref<128x128xf32, #tpu.memory_space<hbm>>) dst(%arg9 : memref<128x128xf32, #tpu.memory_space<vmem>>)
      tpu.yield
    }) : () -> ()
    %mul3A_1 = arith.constant 640 : i32
    %mul3A_2 = arith.muli %arg1, %mul3A_1 : i32
    %add3A_3 = arith.constant 0 : i32
    %add3A_4 = arith.addi %mul3A_2, %add3A_3 : i32
    "tpu.region"() ({
      %run_scoped3A = tpu.sem_alloc : memref<!tpu.dma_semaphore, #tpu.memory_space<semaphore_mem>>
      %dma_start3A_90 = arith.constant 0 : i32
      %dma_start3A_91 = tpu.memref_slice %arg11[%add3A_4, %dma_start3A_90] : memref<10240x128xf32, #tpu.memory_space<vmem_shared>> -> memref<128x128xf32, #tpu.memory_space<vmem_shared>>
      %dma_start3A_92 = arith.constant 0 : i32
      %dma_start3A_93 = tpu.memref_slice %arg11[%add3A_4, %dma_start3A_92] : memref<10240x128xf32, #tpu.memory_space<vmem_shared>> -> memref<128x128xf32, #tpu.memory_space<vmem_shared>>
      tpu.enqueue_dma source(%arg9 : memref<128x128xf32, #tpu.memory_space<vmem>>) target(%dma_start3A_93 : memref<128x128xf32, #tpu.memory_space<vmem_shared>>) target_semaphore(%run_scoped3A : memref<!tpu.dma_semaphore, #tpu.memory_space<semaphore_mem>>)
      %dma_wait3A = arith.constant 0 : i32
      %dma_wait3A_94 = tpu.memref_slice %arg11[%add3A_4, %dma_wait3A] : memref<10240x128xf32, #tpu.memory_space<vmem_shared>> -> memref<128x128xf32, #tpu.memory_space<vmem_shared>>
      %dma_wait3A_95 = arith.constant 0 : i32
      %dma_wait3A_96 = tpu.memref_slice %arg11[%add3A_4, %dma_wait3A_95] : memref<10240x128xf32, #tpu.memory_space<vmem_shared>> -> memref<128x128xf32, #tpu.memory_space<vmem_shared>>
      tpu.wait_dma2 semaphore(%run_scoped3A : memref<!tpu.dma_semaphore, #tpu.memory_space<semaphore_mem>>) src(%arg9 : memref<128x128xf32, #tpu.memory_space<vmem>>) dst(%dma_wait3A_96 : memref<128x128xf32, #tpu.memory_space<vmem_shared>>)
      tpu.yield
    }) : () -> ()
    %mul3A_5 = arith.constant 640 : i32
    %mul3A_6 = arith.muli %arg1, %mul3A_5 : i32
    %add3A_7 = arith.constant 128 : i32
    %add3A_8 = arith.addi %mul3A_6, %add3A_7 : i32
    "tpu.region"() ({
      %run_scoped3A = tpu.sem_alloc : memref<!tpu.dma_semaphore, #tpu.memory_space<semaphore_mem>>
      %dma_start3A_90 = arith.constant 0 : i32
      %dma_start3A_91 = tpu.memref_slice %arg11[%add3A_8, %dma_start3A_90] : memref<10240x128xf32, #tpu.memory_space<vmem_shared>> -> memref<128x128xf32, #tpu.memory_space<vmem_shared>>
      %dma_start3A_92 = arith.constant 0 : i32
      %dma_start3A_93 = tpu.memref_slice %arg11[%add3A_8, %dma_start3A_92] : memref<10240x128xf32, #tpu.memory_space<vmem_shared>> -> memref<128x128xf32, #tpu.memory_space<vmem_shared>>
      tpu.enqueue_dma source(%arg9 : memref<128x128xf32, #tpu.memory_space<vmem>>) target(%dma_start3A_93 : memref<128x128xf32, #tpu.memory_space<vmem_shared>>) target_semaphore(%run_scoped3A : memref<!tpu.dma_semaphore, #tpu.memory_space<semaphore_mem>>)
      %dma_wait3A = arith.constant 0 : i32
      %dma_wait3A_94 = tpu.memref_slice %arg11[%add3A_8, %dma_wait3A] : memref<10240x128xf32, #tpu.memory_space<vmem_shared>> -> memref<128x128xf32, #tpu.memory_space<vmem_shared>>
      %dma_wait3A_95 = arith.constant 0 : i32
      %dma_wait3A_96 = tpu.memref_slice %arg11[%add3A_8, %dma_wait3A_95] : memref<10240x128xf32, #tpu.memory_space<vmem_shared>> -> memref<128x128xf32, #tpu.memory_space<vmem_shared>>
      tpu.wait_dma2 semaphore(%run_scoped3A : memref<!tpu.dma_semaphore, #tpu.memory_space<semaphore_mem>>) src(%arg9 : memref<128x128xf32, #tpu.memory_space<vmem>>) dst(%dma_wait3A_96 : memref<128x128xf32, #tpu.memory_space<vmem_shared>>)
      tpu.yield
    }) : () -> ()
    %mul3A_9 = arith.constant 640 : i32
    %mul3A_10 = arith.muli %arg1, %mul3A_9 : i32
    %add3A_11 = arith.constant 256 : i32
    %add3A_12 = arith.addi %mul3A_10, %add3A_11 : i32
    "tpu.region"() ({
      %run_scoped3A = tpu.sem_alloc : memref<!tpu.dma_semaphore, #tpu.memory_space<semaphore_mem>>
      %dma_start3A_90 = arith.constant 0 : i32
      %dma_start3A_91 = tpu.memref_slice %arg11[%add3A_12, %dma_start3A_90] : memref<10240x128xf32, #tpu.memory_space<vmem_shared>> -> memref<128x128xf32, #tpu.memory_space<vmem_shared>>
      %dma_start3A_92 = arith.constant 0 : i32
      %dma_start3A_93 = tpu.memref_slice %arg11[%add3A_12, %dma_start3A_92] : memref<10240x128xf32, #tpu.memory_space<vmem_shared>> -> memref<128x128xf32, #tpu.memory_space<vmem_shared>>
      tpu.enqueue_dma source(%arg9 : memref<128x128xf32, #tpu.memory_space<vmem>>) target(%dma_start3A_93 : memref<128x128xf32, #tpu.memory_space<vmem_shared>>) target_semaphore(%run_scoped3A : memref<!tpu.dma_semaphore, #tpu.memory_space<semaphore_mem>>)
      %dma_wait3A = arith.constant 0 : i32
      %dma_wait3A_94 = tpu.memref_slice %arg11[%add3A_12, %dma_wait3A] : memref<10240x128xf32, #tpu.memory_space<vmem_shared>> -> memref<128x128xf32, #tpu.memory_space<vmem_shared>>
      %dma_wait3A_95 = arith.constant 0 : i32
      %dma_wait3A_96 = tpu.memref_slice %arg11[%add3A_12, %dma_wait3A_95] : memref<10240x128xf32, #tpu.memory_space<vmem_shared>> -> memref<128x128xf32, #tpu.memory_space<vmem_shared>>
      tpu.wait_dma2 semaphore(%run_scoped3A : memref<!tpu.dma_semaphore, #tpu.memory_space<semaphore_mem>>) src(%arg9 : memref<128x128xf32, #tpu.memory_space<vmem>>) dst(%dma_wait3A_96 : memref<128x128xf32, #tpu.memory_space<vmem_shared>>)
      tpu.yield
    }) : () -> ()
    %mul3A_13 = arith.constant 640 : i32
    %mul3A_14 = arith.muli %arg1, %mul3A_13 : i32
    %add3A_15 = arith.constant 384 : i32
    %add3A_16 = arith.addi %mul3A_14, %add3A_15 : i32
    "tpu.region"() ({
      %run_scoped3A = tpu.sem_alloc : memref<!tpu.dma_semaphore, #tpu.memory_space<semaphore_mem>>
      %dma_start3A_90 = arith.constant 0 : i32
      %dma_start3A_91 = tpu.memref_slice %arg11[%add3A_16, %dma_start3A_90] : memref<10240x128xf32, #tpu.memory_space<vmem_shared>> -> memref<128x128xf32, #tpu.memory_space<vmem_shared>>
      %dma_start3A_92 = arith.constant 0 : i32
      %dma_start3A_93 = tpu.memref_slice %arg11[%add3A_16, %dma_start3A_92] : memref<10240x128xf32, #tpu.memory_space<vmem_shared>> -> memref<128x128xf32, #tpu.memory_space<vmem_shared>>
      tpu.enqueue_dma source(%arg9 : memref<128x128xf32, #tpu.memory_space<vmem>>) target(%dma_start3A_93 : memref<128x128xf32, #tpu.memory_space<vmem_shared>>) target_semaphore(%run_scoped3A : memref<!tpu.dma_semaphore, #tpu.memory_space<semaphore_mem>>)
      %dma_wait3A = arith.constant 0 : i32
      %dma_wait3A_94 = tpu.memref_slice %arg11[%add3A_16, %dma_wait3A] : memref<10240x128xf32, #tpu.memory_space<vmem_shared>> -> memref<128x128xf32, #tpu.memory_space<vmem_shared>>
      %dma_wait3A_95 = arith.constant 0 : i32
      %dma_wait3A_96 = tpu.memref_slice %arg11[%add3A_16, %dma_wait3A_95] : memref<10240x128xf32, #tpu.memory_space<vmem_shared>> -> memref<128x128xf32, #tpu.memory_space<vmem_shared>>
      tpu.wait_dma2 semaphore(%run_scoped3A : memref<!tpu.dma_semaphore, #tpu.memory_space<semaphore_mem>>) src(%arg9 : memref<128x128xf32, #tpu.memory_space<vmem>>) dst(%dma_wait3A_96 : memref<128x128xf32, #tpu.memory_space<vmem_shared>>)
      tpu.yield
    }) : () -> ()
    %mul3A_17 = arith.constant 640 : i32
    %mul3A_18 = arith.muli %arg1, %mul3A_17 : i32
    %add3A_19 = arith.constant 512 : i32
    %add3A_20 = arith.addi %mul3A_18, %add3A_19 : i32
    "tpu.region"() ({
      %run_scoped3A = tpu.sem_alloc : memref<!tpu.dma_semaphore, #tpu.memory_space<semaphore_mem>>
      %dma_start3A_90 = arith.constant 0 : i32
      %dma_start3A_91 = tpu.memref_slice %arg11[%add3A_20, %dma_start3A_90] : memref<10240x128xf32, #tpu.memory_space<vmem_shared>> -> memref<128x128xf32, #tpu.memory_space<vmem_shared>>
      %dma_start3A_92 = arith.constant 0 : i32
      %dma_start3A_93 = tpu.memref_slice %arg11[%add3A_20, %dma_start3A_92] : memref<10240x128xf32, #tpu.memory_space<vmem_shared>> -> memref<128x128xf32, #tpu.memory_space<vmem_shared>>
      tpu.enqueue_dma source(%arg9 : memref<128x128xf32, #tpu.memory_space<vmem>>) target(%dma_start3A_93 : memref<128x128xf32, #tpu.memory_space<vmem_shared>>) target_semaphore(%run_scoped3A : memref<!tpu.dma_semaphore, #tpu.memory_space<semaphore_mem>>)
      %dma_wait3A = arith.constant 0 : i32
      %dma_wait3A_94 = tpu.memref_slice %arg11[%add3A_20, %dma_wait3A] : memref<10240x128xf32, #tpu.memory_space<vmem_shared>> -> memref<128x128xf32, #tpu.memory_space<vmem_shared>>
      %dma_wait3A_95 = arith.constant 0 : i32
      %dma_wait3A_96 = tpu.memref_slice %arg11[%add3A_20, %dma_wait3A_95] : memref<10240x128xf32, #tpu.memory_space<vmem_shared>> -> memref<128x128xf32, #tpu.memory_space<vmem_shared>>
      tpu.wait_dma2 semaphore(%run_scoped3A : memref<!tpu.dma_semaphore, #tpu.memory_space<semaphore_mem>>) src(%arg9 : memref<128x128xf32, #tpu.memory_space<vmem>>) dst(%dma_wait3A_96 : memref<128x128xf32, #tpu.memory_space<vmem_shared>>)
      tpu.yield
    }) : () -> ()
    %barrier3A = arith.constant 0 : index
    tpu.barrier barrier_id(%barrier3A)
    %mul3A_21 = arith.constant 80 : i32
    %mul3A_22 = arith.muli %add3A, %mul3A_21 : i32
    %add3A_23 = arith.constant 0 : i32
    %add3A_24 = arith.addi %mul3A_22, %add3A_23 : i32
    "tpu.region"() ({
      %run_scoped3A = tpu.sem_alloc : memref<!tpu.dma_semaphore, #tpu.memory_space<semaphore_mem>>
      %dma_start3A_90 = arith.constant 0 : i32
      %dma_start3A_91 = tpu.memref_slice %arg3[%add3A_24, %dma_start3A_90] : memref<2560x128xi32, #tpu.memory_space<hbm>> -> memref<40x128xi32, #tpu.memory_space<hbm>>
      %dma_start3A_92 = arith.constant 0 : i32
      %dma_start3A_93 = tpu.memref_slice %arg3[%add3A_24, %dma_start3A_92] : memref<2560x128xi32, #tpu.memory_space<hbm>> -> memref<40x128xi32, #tpu.memory_space<hbm>>
      tpu.enqueue_dma source(%dma_start3A_93 : memref<40x128xi32, #tpu.memory_space<hbm>>) target(%arg7 : memref<40x128xi32, #tpu.memory_space<vmem>>) target_semaphore(%run_scoped3A : memref<!tpu.dma_semaphore, #tpu.memory_space<semaphore_mem>>)
      %dma_wait3A = arith.constant 0 : i32
      %dma_wait3A_94 = tpu.memref_slice %arg3[%add3A_24, %dma_wait3A] : memref<2560x128xi32, #tpu.memory_space<hbm>> -> memref<40x128xi32, #tpu.memory_space<hbm>>
      %dma_wait3A_95 = arith.constant 0 : i32
      %dma_wait3A_96 = tpu.memref_slice %arg3[%add3A_24, %dma_wait3A_95] : memref<2560x128xi32, #tpu.memory_space<hbm>> -> memref<40x128xi32, #tpu.memory_space<hbm>>
      tpu.wait_dma2 semaphore(%run_scoped3A : memref<!tpu.dma_semaphore, #tpu.memory_space<semaphore_mem>>) src(%dma_wait3A_96 : memref<40x128xi32, #tpu.memory_space<hbm>>) dst(%arg7 : memref<40x128xi32, #tpu.memory_space<vmem>>)
      tpu.yield
    }) : () -> ()
    "tpu.region"() ({
      %run_scoped3A = tpu.sem_alloc : memref<!tpu.dma_semaphore, #tpu.memory_space<semaphore_mem>>
      %dma_start3A_90 = arith.constant 0 : i32
      %dma_start3A_91 = tpu.memref_slice %arg4[%add3A_24, %dma_start3A_90] : memref<2560x128xi32, #tpu.memory_space<hbm>> -> memref<40x128xi32, #tpu.memory_space<hbm>>
      %dma_start3A_92 = arith.constant 0 : i32
      %dma_start3A_93 = tpu.memref_slice %arg4[%add3A_24, %dma_start3A_92] : memref<2560x128xi32, #tpu.memory_space<hbm>> -> memref<40x128xi32, #tpu.memory_space<hbm>>
      tpu.enqueue_dma source(%dma_start3A_93 : memref<40x128xi32, #tpu.memory_space<hbm>>) target(%arg8 : memref<40x128xi32, #tpu.memory_space<vmem>>) target_semaphore(%run_scoped3A : memref<!tpu.dma_semaphore, #tpu.memory_space<semaphore_mem>>)
      %dma_wait3A = arith.constant 0 : i32
      %dma_wait3A_94 = tpu.memref_slice %arg4[%add3A_24, %dma_wait3A] : memref<2560x128xi32, #tpu.memory_space<hbm>> -> memref<40x128xi32, #tpu.memory_space<hbm>>
      %dma_wait3A_95 = arith.constant 0 : i32
      %dma_wait3A_96 = tpu.memref_slice %arg4[%add3A_24, %dma_wait3A_95] : memref<2560x128xi32, #tpu.memory_space<hbm>> -> memref<40x128xi32, #tpu.memory_space<hbm>>
      tpu.wait_dma2 semaphore(%run_scoped3A : memref<!tpu.dma_semaphore, #tpu.memory_space<semaphore_mem>>) src(%dma_wait3A_96 : memref<40x128xi32, #tpu.memory_space<hbm>>) dst(%arg8 : memref<40x128xi32, #tpu.memory_space<vmem>>)
      tpu.yield
    }) : () -> ()
    %dma_start3A = arith.constant 0 : i32
    %dma_start3A_25 = arith.constant 0 : i32
    %dma_start3A_26 = tpu.memref_slice %arg7[%dma_start3A, %dma_start3A_25] : memref<40x128xi32, #tpu.memory_space<vmem>> -> memref<1x128xi32, #tpu.memory_space<vmem>>
    %dma_start3A_27 = tpu.memref_squeeze %dma_start3A_26 : memref<1x128xi32, #tpu.memory_space<vmem>> -> memref<128xi32, #tpu.memory_space<vmem>>
    %dma_start3A_28 = arith.constant 0 : i32
    %dma_start3A_29 = arith.constant 0 : i32
    %dma_start3A_30 = tpu.memref_slice %arg2[%dma_start3A_28, %dma_start3A_29] : memref<10000x128xf32, #tpu.memory_space<hbm>> -> memref<10000x128xf32, #tpu.memory_space<hbm>>
    tpu.enqueue_indirect_dma source(%dma_start3A_30 : memref<10000x128xf32, #tpu.memory_space<hbm>>) target(%arg9 : memref<128x128xf32, #tpu.memory_space<vmem>>) offsets(%dma_start3A_27 : memref<128xi32, #tpu.memory_space<vmem>>) semaphore(%arg12 : memref<!tpu.dma_semaphore, #tpu.memory_space<semaphore_mem>>)
    %dma_start3A_31 = arith.constant 1 : i32
    %dma_start3A_32 = arith.constant 0 : i32
    %dma_start3A_33 = tpu.memref_slice %arg7[%dma_start3A_31, %dma_start3A_32] : memref<40x128xi32, #tpu.memory_space<vmem>> -> memref<1x128xi32, #tpu.memory_space<vmem>>
    %dma_start3A_34 = tpu.memref_squeeze %dma_start3A_33 : memref<1x128xi32, #tpu.memory_space<vmem>> -> memref<128xi32, #tpu.memory_space<vmem>>
    %dma_start3A_35 = arith.constant 0 : i32
    %dma_start3A_36 = arith.constant 0 : i32
    %dma_start3A_37 = tpu.memref_slice %arg2[%dma_start3A_35, %dma_start3A_36] : memref<10000x128xf32, #tpu.memory_space<hbm>> -> memref<10000x128xf32, #tpu.memory_space<hbm>>
    tpu.enqueue_indirect_dma source(%dma_start3A_37 : memref<10000x128xf32, #tpu.memory_space<hbm>>) target(%arg10 : memref<128x128xf32, #tpu.memory_space<vmem>>) offsets(%dma_start3A_34 : memref<128xi32, #tpu.memory_space<vmem>>) semaphore(%arg13 : memref<!tpu.dma_semaphore, #tpu.memory_space<semaphore_mem>>)
    %scan3A = arith.constant 0 : i32
    %scan3A_38 = arith.constant 0 : i32
    %scan3A_39 = arith.constant 20 : i32
    %scan3A_40 = arith.addi %scan3A_38, %scan3A_39 : i32
    %scan3A_41 = arith.constant 1 : i32
    %scan3A_42 = scf.for %scan3A_90 = %scan3A_38 to %scan3A_40 step %scan3A_41 iter_args(%scan3A_91 = %scan3A) -> (i32)  : i32 {
      %mul3A_92 = arith.constant 2 : i32
      %mul3A_93 = arith.muli %scan3A_90, %mul3A_92 : i32
      %add3A_94 = arith.constant 0 : i32
      %add3A_95 = arith.addi %mul3A_93, %add3A_94 : i32
      %dma_wait3A = arith.constant 0 : i32
      %dma_wait3A_96 = tpu.memref_slice %arg7[%add3A_95, %dma_wait3A] : memref<40x128xi32, #tpu.memory_space<vmem>> -> memref<1x128xi32, #tpu.memory_space<vmem>>
      %dma_wait3A_97 = tpu.memref_squeeze %dma_wait3A_96 : memref<1x128xi32, #tpu.memory_space<vmem>> -> memref<128xi32, #tpu.memory_space<vmem>>
      %dma_wait3A_98 = arith.constant 0 : i32
      %dma_wait3A_99 = arith.constant 0 : i32
      %dma_wait3A_100 = tpu.memref_slice %arg2[%dma_wait3A_98, %dma_wait3A_99] : memref<10000x128xf32, #tpu.memory_space<hbm>> -> memref<10000x128xf32, #tpu.memory_space<hbm>>
      tpu.wait_indirect_dma semaphore(%arg12 : memref<!tpu.dma_semaphore, #tpu.memory_space<semaphore_mem>>) src(%dma_wait3A_100 : memref<10000x128xf32, #tpu.memory_space<hbm>>) dst(%arg9 : memref<128x128xf32, #tpu.memory_space<vmem>>)
      %dma_start3A_101 = arith.constant 0 : i32
      %dma_start3A_102 = tpu.memref_slice %arg8[%add3A_95, %dma_start3A_101] : memref<40x128xi32, #tpu.memory_space<vmem>> -> memref<1x128xi32, #tpu.memory_space<vmem>>
      %dma_start3A_103 = tpu.memref_squeeze %dma_start3A_102 : memref<1x128xi32, #tpu.memory_space<vmem>> -> memref<128xi32, #tpu.memory_space<vmem>>
      %dma_start3A_104 = arith.constant 0 : i32
      %dma_start3A_105 = arith.constant 0 : i32
      %dma_start3A_106 = tpu.memref_slice %arg11[%dma_start3A_104, %dma_start3A_105] : memref<10240x128xf32, #tpu.memory_space<vmem_shared>> -> memref<10240x128xf32, #tpu.memory_space<vmem_shared>>
      tpu.enqueue_indirect_dma source(%arg9 : memref<128x128xf32, #tpu.memory_space<vmem>>) target(%dma_start3A_106 : memref<10240x128xf32, #tpu.memory_space<vmem_shared>>) offsets(%dma_start3A_103 : memref<128xi32, #tpu.memory_space<vmem>>) semaphore(%arg14 : memref<!tpu.dma_semaphore, #tpu.memory_space<semaphore_mem>>) {add = true}
      %mul3A_107 = arith.constant 2 : i32
      %mul3A_108 = arith.muli %scan3A_90, %mul3A_107 : i32
      %add3A_109 = arith.constant 1 : i32
      %add3A_110 = arith.addi %mul3A_108, %add3A_109 : i32
      %dma_wait3A_111 = arith.constant 0 : i32
      %dma_wait3A_112 = tpu.memref_slice %arg7[%add3A_110, %dma_wait3A_111] : memref<40x128xi32, #tpu.memory_space<vmem>> -> memref<1x128xi32, #tpu.memory_space<vmem>>
      %dma_wait3A_113 = tpu.memref_squeeze %dma_wait3A_112 : memref<1x128xi32, #tpu.memory_space<vmem>> -> memref<128xi32, #tpu.memory_space<vmem>>
      %dma_wait3A_114 = arith.constant 0 : i32
      %dma_wait3A_115 = arith.constant 0 : i32
      %dma_wait3A_116 = tpu.memref_slice %arg2[%dma_wait3A_114, %dma_wait3A_115] : memref<10000x128xf32, #tpu.memory_space<hbm>> -> memref<10000x128xf32, #tpu.memory_space<hbm>>
      tpu.wait_indirect_dma semaphore(%arg13 : memref<!tpu.dma_semaphore, #tpu.memory_space<semaphore_mem>>) src(%dma_wait3A_116 : memref<10000x128xf32, #tpu.memory_space<hbm>>) dst(%arg10 : memref<128x128xf32, #tpu.memory_space<vmem>>)
      %dma_start3A_117 = arith.constant 0 : i32
      %dma_start3A_118 = tpu.memref_slice %arg8[%add3A_110, %dma_start3A_117] : memref<40x128xi32, #tpu.memory_space<vmem>> -> memref<1x128xi32, #tpu.memory_space<vmem>>
      %dma_start3A_119 = tpu.memref_squeeze %dma_start3A_118 : memref<1x128xi32, #tpu.memory_space<vmem>> -> memref<128xi32, #tpu.memory_space<vmem>>
      %dma_start3A_120 = arith.constant 0 : i32
      %dma_start3A_121 = arith.constant 0 : i32
      %dma_start3A_122 = tpu.memref_slice %arg11[%dma_start3A_120, %dma_start3A_121] : memref<10240x128xf32, #tpu.memory_space<vmem_shared>> -> memref<10240x128xf32, #tpu.memory_space<vmem_shared>>
      tpu.enqueue_indirect_dma source(%arg10 : memref<128x128xf32, #tpu.memory_space<vmem>>) target(%dma_start3A_122 : memref<10240x128xf32, #tpu.memory_space<vmem_shared>>) offsets(%dma_start3A_119 : memref<128xi32, #tpu.memory_space<vmem>>) semaphore(%arg15 : memref<!tpu.dma_semaphore, #tpu.memory_space<semaphore_mem>>) {add = true}
      %mul3A_123 = arith.constant 2 : i32
      %mul3A_124 = arith.muli %scan3A_90, %mul3A_123 : i32
      %add3A_125 = arith.constant 0 : i32
      %add3A_126 = arith.addi %mul3A_124, %add3A_125 : i32
      %dma_wait3A_127 = arith.constant 0 : i32
      %dma_wait3A_128 = tpu.memref_slice %arg8[%add3A_126, %dma_wait3A_127] : memref<40x128xi32, #tpu.memory_space<vmem>> -> memref<1x128xi32, #tpu.memory_space<vmem>>
      %dma_wait3A_129 = tpu.memref_squeeze %dma_wait3A_128 : memref<1x128xi32, #tpu.memory_space<vmem>> -> memref<128xi32, #tpu.memory_space<vmem>>
      %dma_wait3A_130 = arith.constant 0 : i32
      %dma_wait3A_131 = arith.constant 0 : i32
      %dma_wait3A_132 = tpu.memref_slice %arg11[%dma_wait3A_130, %dma_wait3A_131] : memref<10240x128xf32, #tpu.memory_space<vmem_shared>> -> memref<10240x128xf32, #tpu.memory_space<vmem_shared>>
      tpu.wait_indirect_dma semaphore(%arg14 : memref<!tpu.dma_semaphore, #tpu.memory_space<semaphore_mem>>) src(%arg9 : memref<128x128xf32, #tpu.memory_space<vmem>>) dst(%dma_wait3A_132 : memref<10240x128xf32, #tpu.memory_space<vmem_shared>>)
      %add3A_133 = arith.constant 2 : i32
      %add3A_134 = arith.addi %add3A_126, %add3A_133 : i32
      %lt3A = arith.constant 40 : i32
      %lt3A_135 = arith.cmpi slt, %add3A_134, %lt3A : i32
      %convert_element_type3A = arith.extui %lt3A_135 : i1 to i32
      %cond3A = arith.constant 0 : i32
      %cond3A_136 = arith.cmpi ne, %convert_element_type3A, %cond3A : i32
      scf.if %cond3A_136 {
        %dma_start3A_155 = arith.constant 0 : i32
        %dma_start3A_156 = tpu.memref_slice %arg7[%add3A_134, %dma_start3A_155] : memref<40x128xi32, #tpu.memory_space<vmem>> -> memref<1x128xi32, #tpu.memory_space<vmem>>
        %dma_start3A_157 = tpu.memref_squeeze %dma_start3A_156 : memref<1x128xi32, #tpu.memory_space<vmem>> -> memref<128xi32, #tpu.memory_space<vmem>>
        %dma_start3A_158 = arith.constant 0 : i32
        %dma_start3A_159 = arith.constant 0 : i32
        %dma_start3A_160 = tpu.memref_slice %arg2[%dma_start3A_158, %dma_start3A_159] : memref<10000x128xf32, #tpu.memory_space<hbm>> -> memref<10000x128xf32, #tpu.memory_space<hbm>>
        tpu.enqueue_indirect_dma source(%dma_start3A_160 : memref<10000x128xf32, #tpu.memory_space<hbm>>) target(%arg9 : memref<128x128xf32, #tpu.memory_space<vmem>>) offsets(%dma_start3A_157 : memref<128xi32, #tpu.memory_space<vmem>>) semaphore(%arg12 : memref<!tpu.dma_semaphore, #tpu.memory_space<semaphore_mem>>)
      } else {
      }
      %mul3A_137 = arith.constant 2 : i32
      %mul3A_138 = arith.muli %scan3A_90, %mul3A_137 : i32
      %add3A_139 = arith.constant 1 : i32
      %add3A_140 = arith.addi %mul3A_138, %add3A_139 : i32
      %dma_wait3A_141 = arith.constant 0 : i32
      %dma_wait3A_142 = tpu.memref_slice %arg8[%add3A_140, %dma_wait3A_141] : memref<40x128xi32, #tpu.memory_space<vmem>> -> memref<1x128xi32, #tpu.memory_space<vmem>>
      %dma_wait3A_143 = tpu.memref_squeeze %dma_wait3A_142 : memref<1x128xi32, #tpu.memory_space<vmem>> -> memref<128xi32, #tpu.memory_space<vmem>>
      %dma_wait3A_144 = arith.constant 0 : i32
      %dma_wait3A_145 = arith.constant 0 : i32
      %dma_wait3A_146 = tpu.memref_slice %arg11[%dma_wait3A_144, %dma_wait3A_145] : memref<10240x128xf32, #tpu.memory_space<vmem_shared>> -> memref<10240x128xf32, #tpu.memory_space<vmem_shared>>
      tpu.wait_indirect_dma semaphore(%arg15 : memref<!tpu.dma_semaphore, #tpu.memory_space<semaphore_mem>>) src(%arg10 : memref<128x128xf32, #tpu.memory_space<vmem>>) dst(%dma_wait3A_146 : memref<10240x128xf32, #tpu.memory_space<vmem_shared>>)
      %add3A_147 = arith.constant 2 : i32
      %add3A_148 = arith.addi %add3A_140, %add3A_147 : i32
      %lt3A_149 = arith.constant 40 : i32
      %lt3A_150 = arith.cmpi slt, %add3A_148, %lt3A_149 : i32
      %convert_element_type3A_151 = arith.extui %lt3A_150 : i1 to i32
      %cond3A_152 = arith.constant 0 : i32
      %cond3A_153 = arith.cmpi ne, %convert_element_type3A_151, %cond3A_152 : i32
      scf.if %cond3A_153 {
        %dma_start3A_155 = arith.constant 0 : i32
        %dma_start3A_156 = tpu.memref_slice %arg7[%add3A_148, %dma_start3A_155] : memref<40x128xi32, #tpu.memory_space<vmem>> -> memref<1x128xi32, #tpu.memory_space<vmem>>
        %dma_start3A_157 = tpu.memref_squeeze %dma_start3A_156 : memref<1x128xi32, #tpu.memory_space<vmem>> -> memref<128xi32, #tpu.memory_space<vmem>>
        %dma_start3A_158 = arith.constant 0 : i32
        %dma_start3A_159 = arith.constant 0 : i32
        %dma_start3A_160 = tpu.memref_slice %arg2[%dma_start3A_158, %dma_start3A_159] : memref<10000x128xf32, #tpu.memory_space<hbm>> -> memref<10000x128xf32, #tpu.memory_space<hbm>>
        tpu.enqueue_indirect_dma source(%dma_start3A_160 : memref<10000x128xf32, #tpu.memory_space<hbm>>) target(%arg10 : memref<128x128xf32, #tpu.memory_space<vmem>>) offsets(%dma_start3A_157 : memref<128xi32, #tpu.memory_space<vmem>>) semaphore(%arg13 : memref<!tpu.dma_semaphore, #tpu.memory_space<semaphore_mem>>)
      } else {
      }
      %scan3A_154 = arith.constant 0 : i32
      scf.yield %scan3A_154 : i32
    }
    %scan3A_43 = arith.constant 20 : i32
    %mul3A_44 = arith.constant 80 : i32
    %mul3A_45 = arith.muli %add3A, %mul3A_44 : i32
    %add3A_46 = arith.constant 40 : i32
    %add3A_47 = arith.addi %mul3A_45, %add3A_46 : i32
    "tpu.region"() ({
      %run_scoped3A = tpu.sem_alloc : memref<!tpu.dma_semaphore, #tpu.memory_space<semaphore_mem>>
      %dma_start3A_90 = arith.constant 0 : i32
      %dma_start3A_91 = tpu.memref_slice %arg3[%add3A_47, %dma_start3A_90] : memref<2560x128xi32, #tpu.memory_space<hbm>> -> memref<40x128xi32, #tpu.memory_space<hbm>>
      %dma_start3A_92 = arith.constant 0 : i32
      %dma_start3A_93 = tpu.memref_slice %arg3[%add3A_47, %dma_start3A_92] : memref<2560x128xi32, #tpu.memory_space<hbm>> -> memref<40x128xi32, #tpu.memory_space<hbm>>
      tpu.enqueue_dma source(%dma_start3A_93 : memref<40x128xi32, #tpu.memory_space<hbm>>) target(%arg7 : memref<40x128xi32, #tpu.memory_space<vmem>>) target_semaphore(%run_scoped3A : memref<!tpu.dma_semaphore, #tpu.memory_space<semaphore_mem>>)
      %dma_wait3A = arith.constant 0 : i32
      %dma_wait3A_94 = tpu.memref_slice %arg3[%add3A_47, %dma_wait3A] : memref<2560x128xi32, #tpu.memory_space<hbm>> -> memref<40x128xi32, #tpu.memory_space<hbm>>
      %dma_wait3A_95 = arith.constant 0 : i32
      %dma_wait3A_96 = tpu.memref_slice %arg3[%add3A_47, %dma_wait3A_95] : memref<2560x128xi32, #tpu.memory_space<hbm>> -> memref<40x128xi32, #tpu.memory_space<hbm>>
      tpu.wait_dma2 semaphore(%run_scoped3A : memref<!tpu.dma_semaphore, #tpu.memory_space<semaphore_mem>>) src(%dma_wait3A_96 : memref<40x128xi32, #tpu.memory_space<hbm>>) dst(%arg7 : memref<40x128xi32, #tpu.memory_space<vmem>>)
      tpu.yield
    }) : () -> ()
    "tpu.region"() ({
      %run_scoped3A = tpu.sem_alloc : memref<!tpu.dma_semaphore, #tpu.memory_space<semaphore_mem>>
      %dma_start3A_90 = arith.constant 0 : i32
      %dma_start3A_91 = tpu.memref_slice %arg4[%add3A_47, %dma_start3A_90] : memref<2560x128xi32, #tpu.memory_space<hbm>> -> memref<40x128xi32, #tpu.memory_space<hbm>>
      %dma_start3A_92 = arith.constant 0 : i32
      %dma_start3A_93 = tpu.memref_slice %arg4[%add3A_47, %dma_start3A_92] : memref<2560x128xi32, #tpu.memory_space<hbm>> -> memref<40x128xi32, #tpu.memory_space<hbm>>
      tpu.enqueue_dma source(%dma_start3A_93 : memref<40x128xi32, #tpu.memory_space<hbm>>) target(%arg8 : memref<40x128xi32, #tpu.memory_space<vmem>>) target_semaphore(%run_scoped3A : memref<!tpu.dma_semaphore, #tpu.memory_space<semaphore_mem>>)
      %dma_wait3A = arith.constant 0 : i32
      %dma_wait3A_94 = tpu.memref_slice %arg4[%add3A_47, %dma_wait3A] : memref<2560x128xi32, #tpu.memory_space<hbm>> -> memref<40x128xi32, #tpu.memory_space<hbm>>
      %dma_wait3A_95 = arith.constant 0 : i32
      %dma_wait3A_96 = tpu.memref_slice %arg4[%add3A_47, %dma_wait3A_95] : memref<2560x128xi32, #tpu.memory_space<hbm>> -> memref<40x128xi32, #tpu.memory_space<hbm>>
      tpu.wait_dma2 semaphore(%run_scoped3A : memref<!tpu.dma_semaphore, #tpu.memory_space<semaphore_mem>>) src(%dma_wait3A_96 : memref<40x128xi32, #tpu.memory_space<hbm>>) dst(%arg8 : memref<40x128xi32, #tpu.memory_space<vmem>>)
      tpu.yield
    }) : () -> ()
    %dma_start3A_48 = arith.constant 0 : i32
    %dma_start3A_49 = arith.constant 0 : i32
    %dma_start3A_50 = tpu.memref_slice %arg7[%dma_start3A_48, %dma_start3A_49] : memref<40x128xi32, #tpu.memory_space<vmem>> -> memref<1x128xi32, #tpu.memory_space<vmem>>
    %dma_start3A_51 = tpu.memref_squeeze %dma_start3A_50 : memref<1x128xi32, #tpu.memory_space<vmem>> -> memref<128xi32, #tpu.memory_space<vmem>>
    %dma_start3A_52 = arith.constant 0 : i32
    %dma_start3A_53 = arith.constant 0 : i32
    %dma_start3A_54 = tpu.memref_slice %arg2[%dma_start3A_52, %dma_start3A_53] : memref<10000x128xf32, #tpu.memory_space<hbm>> -> memref<10000x128xf32, #tpu.memory_space<hbm>>
    tpu.enqueue_indirect_dma source(%dma_start3A_54 : memref<10000x128xf32, #tpu.memory_space<hbm>>) target(%arg9 : memref<128x128xf32, #tpu.memory_space<vmem>>) offsets(%dma_start3A_51 : memref<128xi32, #tpu.memory_space<vmem>>) semaphore(%arg12 : memref<!tpu.dma_semaphore, #tpu.memory_space<semaphore_mem>>)
    %dma_start3A_55 = arith.constant 1 : i32
    %dma_start3A_56 = arith.constant 0 : i32
    %dma_start3A_57 = tpu.memref_slice %arg7[%dma_start3A_55, %dma_start3A_56] : memref<40x128xi32, #tpu.memory_space<vmem>> -> memref<1x128xi32, #tpu.memory_space<vmem>>
    %dma_start3A_58 = tpu.memref_squeeze %dma_start3A_57 : memref<1x128xi32, #tpu.memory_space<vmem>> -> memref<128xi32, #tpu.memory_space<vmem>>
    %dma_start3A_59 = arith.constant 0 : i32
    %dma_start3A_60 = arith.constant 0 : i32
    %dma_start3A_61 = tpu.memref_slice %arg2[%dma_start3A_59, %dma_start3A_60] : memref<10000x128xf32, #tpu.memory_space<hbm>> -> memref<10000x128xf32, #tpu.memory_space<hbm>>
    tpu.enqueue_indirect_dma source(%dma_start3A_61 : memref<10000x128xf32, #tpu.memory_space<hbm>>) target(%arg10 : memref<128x128xf32, #tpu.memory_space<vmem>>) offsets(%dma_start3A_58 : memref<128xi32, #tpu.memory_space<vmem>>) semaphore(%arg13 : memref<!tpu.dma_semaphore, #tpu.memory_space<semaphore_mem>>)
    %scan3A_62 = arith.constant 0 : i32
    %scan3A_63 = arith.constant 0 : i32
    %scan3A_64 = arith.constant 20 : i32
    %scan3A_65 = arith.addi %scan3A_63, %scan3A_64 : i32
    %scan3A_66 = arith.constant 1 : i32
    %scan3A_67 = scf.for %scan3A_90 = %scan3A_63 to %scan3A_65 step %scan3A_66 iter_args(%scan3A_91 = %scan3A_62) -> (i32)  : i32 {
      %mul3A_92 = arith.constant 2 : i32
      %mul3A_93 = arith.muli %scan3A_90, %mul3A_92 : i32
      %add3A_94 = arith.constant 0 : i32
      %add3A_95 = arith.addi %mul3A_93, %add3A_94 : i32
      %dma_wait3A = arith.constant 0 : i32
      %dma_wait3A_96 = tpu.memref_slice %arg7[%add3A_95, %dma_wait3A] : memref<40x128xi32, #tpu.memory_space<vmem>> -> memref<1x128xi32, #tpu.memory_space<vmem>>
      %dma_wait3A_97 = tpu.memref_squeeze %dma_wait3A_96 : memref<1x128xi32, #tpu.memory_space<vmem>> -> memref<128xi32, #tpu.memory_space<vmem>>
      %dma_wait3A_98 = arith.constant 0 : i32
      %dma_wait3A_99 = arith.constant 0 : i32
      %dma_wait3A_100 = tpu.memref_slice %arg2[%dma_wait3A_98, %dma_wait3A_99] : memref<10000x128xf32, #tpu.memory_space<hbm>> -> memref<10000x128xf32, #tpu.memory_space<hbm>>
      tpu.wait_indirect_dma semaphore(%arg12 : memref<!tpu.dma_semaphore, #tpu.memory_space<semaphore_mem>>) src(%dma_wait3A_100 : memref<10000x128xf32, #tpu.memory_space<hbm>>) dst(%arg9 : memref<128x128xf32, #tpu.memory_space<vmem>>)
      %dma_start3A_101 = arith.constant 0 : i32
      %dma_start3A_102 = tpu.memref_slice %arg8[%add3A_95, %dma_start3A_101] : memref<40x128xi32, #tpu.memory_space<vmem>> -> memref<1x128xi32, #tpu.memory_space<vmem>>
      %dma_start3A_103 = tpu.memref_squeeze %dma_start3A_102 : memref<1x128xi32, #tpu.memory_space<vmem>> -> memref<128xi32, #tpu.memory_space<vmem>>
      %dma_start3A_104 = arith.constant 0 : i32
      %dma_start3A_105 = arith.constant 0 : i32
      %dma_start3A_106 = tpu.memref_slice %arg11[%dma_start3A_104, %dma_start3A_105] : memref<10240x128xf32, #tpu.memory_space<vmem_shared>> -> memref<10240x128xf32, #tpu.memory_space<vmem_shared>>
      tpu.enqueue_indirect_dma source(%arg9 : memref<128x128xf32, #tpu.memory_space<vmem>>) target(%dma_start3A_106 : memref<10240x128xf32, #tpu.memory_space<vmem_shared>>) offsets(%dma_start3A_103 : memref<128xi32, #tpu.memory_space<vmem>>) semaphore(%arg14 : memref<!tpu.dma_semaphore, #tpu.memory_space<semaphore_mem>>) {add = true}
      %mul3A_107 = arith.constant 2 : i32
      %mul3A_108 = arith.muli %scan3A_90, %mul3A_107 : i32
      %add3A_109 = arith.constant 1 : i32
      %add3A_110 = arith.addi %mul3A_108, %add3A_109 : i32
      %dma_wait3A_111 = arith.constant 0 : i32
      %dma_wait3A_112 = tpu.memref_slice %arg7[%add3A_110, %dma_wait3A_111] : memref<40x128xi32, #tpu.memory_space<vmem>> -> memref<1x128xi32, #tpu.memory_space<vmem>>
      %dma_wait3A_113 = tpu.memref_squeeze %dma_wait3A_112 : memref<1x128xi32, #tpu.memory_space<vmem>> -> memref<128xi32, #tpu.memory_space<vmem>>
      %dma_wait3A_114 = arith.constant 0 : i32
      %dma_wait3A_115 = arith.constant 0 : i32
      %dma_wait3A_116 = tpu.memref_slice %arg2[%dma_wait3A_114, %dma_wait3A_115] : memref<10000x128xf32, #tpu.memory_space<hbm>> -> memref<10000x128xf32, #tpu.memory_space<hbm>>
      tpu.wait_indirect_dma semaphore(%arg13 : memref<!tpu.dma_semaphore, #tpu.memory_space<semaphore_mem>>) src(%dma_wait3A_116 : memref<10000x128xf32, #tpu.memory_space<hbm>>) dst(%arg10 : memref<128x128xf32, #tpu.memory_space<vmem>>)
      %dma_start3A_117 = arith.constant 0 : i32
      %dma_start3A_118 = tpu.memref_slice %arg8[%add3A_110, %dma_start3A_117] : memref<40x128xi32, #tpu.memory_space<vmem>> -> memref<1x128xi32, #tpu.memory_space<vmem>>
      %dma_start3A_119 = tpu.memref_squeeze %dma_start3A_118 : memref<1x128xi32, #tpu.memory_space<vmem>> -> memref<128xi32, #tpu.memory_space<vmem>>
      %dma_start3A_120 = arith.constant 0 : i32
      %dma_start3A_121 = arith.constant 0 : i32
      %dma_start3A_122 = tpu.memref_slice %arg11[%dma_start3A_120, %dma_start3A_121] : memref<10240x128xf32, #tpu.memory_space<vmem_shared>> -> memref<10240x128xf32, #tpu.memory_space<vmem_shared>>
      tpu.enqueue_indirect_dma source(%arg10 : memref<128x128xf32, #tpu.memory_space<vmem>>) target(%dma_start3A_122 : memref<10240x128xf32, #tpu.memory_space<vmem_shared>>) offsets(%dma_start3A_119 : memref<128xi32, #tpu.memory_space<vmem>>) semaphore(%arg15 : memref<!tpu.dma_semaphore, #tpu.memory_space<semaphore_mem>>) {add = true}
      %mul3A_123 = arith.constant 2 : i32
      %mul3A_124 = arith.muli %scan3A_90, %mul3A_123 : i32
      %add3A_125 = arith.constant 0 : i32
      %add3A_126 = arith.addi %mul3A_124, %add3A_125 : i32
      %dma_wait3A_127 = arith.constant 0 : i32
      %dma_wait3A_128 = tpu.memref_slice %arg8[%add3A_126, %dma_wait3A_127] : memref<40x128xi32, #tpu.memory_space<vmem>> -> memref<1x128xi32, #tpu.memory_space<vmem>>
      %dma_wait3A_129 = tpu.memref_squeeze %dma_wait3A_128 : memref<1x128xi32, #tpu.memory_space<vmem>> -> memref<128xi32, #tpu.memory_space<vmem>>
      %dma_wait3A_130 = arith.constant 0 : i32
      %dma_wait3A_131 = arith.constant 0 : i32
      %dma_wait3A_132 = tpu.memref_slice %arg11[%dma_wait3A_130, %dma_wait3A_131] : memref<10240x128xf32, #tpu.memory_space<vmem_shared>> -> memref<10240x128xf32, #tpu.memory_space<vmem_shared>>
      tpu.wait_indirect_dma semaphore(%arg14 : memref<!tpu.dma_semaphore, #tpu.memory_space<semaphore_mem>>) src(%arg9 : memref<128x128xf32, #tpu.memory_space<vmem>>) dst(%dma_wait3A_132 : memref<10240x128xf32, #tpu.memory_space<vmem_shared>>)
      %add3A_133 = arith.constant 2 : i32
      %add3A_134 = arith.addi %add3A_126, %add3A_133 : i32
      %lt3A = arith.constant 40 : i32
      %lt3A_135 = arith.cmpi slt, %add3A_134, %lt3A : i32
      %convert_element_type3A = arith.extui %lt3A_135 : i1 to i32
      %cond3A = arith.constant 0 : i32
      %cond3A_136 = arith.cmpi ne, %convert_element_type3A, %cond3A : i32
      scf.if %cond3A_136 {
        %dma_start3A_155 = arith.constant 0 : i32
        %dma_start3A_156 = tpu.memref_slice %arg7[%add3A_134, %dma_start3A_155] : memref<40x128xi32, #tpu.memory_space<vmem>> -> memref<1x128xi32, #tpu.memory_space<vmem>>
        %dma_start3A_157 = tpu.memref_squeeze %dma_start3A_156 : memref<1x128xi32, #tpu.memory_space<vmem>> -> memref<128xi32, #tpu.memory_space<vmem>>
        %dma_start3A_158 = arith.constant 0 : i32
        %dma_start3A_159 = arith.constant 0 : i32
        %dma_start3A_160 = tpu.memref_slice %arg2[%dma_start3A_158, %dma_start3A_159] : memref<10000x128xf32, #tpu.memory_space<hbm>> -> memref<10000x128xf32, #tpu.memory_space<hbm>>
        tpu.enqueue_indirect_dma source(%dma_start3A_160 : memref<10000x128xf32, #tpu.memory_space<hbm>>) target(%arg9 : memref<128x128xf32, #tpu.memory_space<vmem>>) offsets(%dma_start3A_157 : memref<128xi32, #tpu.memory_space<vmem>>) semaphore(%arg12 : memref<!tpu.dma_semaphore, #tpu.memory_space<semaphore_mem>>)
      } else {
      }
      %mul3A_137 = arith.constant 2 : i32
      %mul3A_138 = arith.muli %scan3A_90, %mul3A_137 : i32
      %add3A_139 = arith.constant 1 : i32
      %add3A_140 = arith.addi %mul3A_138, %add3A_139 : i32
      %dma_wait3A_141 = arith.constant 0 : i32
      %dma_wait3A_142 = tpu.memref_slice %arg8[%add3A_140, %dma_wait3A_141] : memref<40x128xi32, #tpu.memory_space<vmem>> -> memref<1x128xi32, #tpu.memory_space<vmem>>
      %dma_wait3A_143 = tpu.memref_squeeze %dma_wait3A_142 : memref<1x128xi32, #tpu.memory_space<vmem>> -> memref<128xi32, #tpu.memory_space<vmem>>
      %dma_wait3A_144 = arith.constant 0 : i32
      %dma_wait3A_145 = arith.constant 0 : i32
      %dma_wait3A_146 = tpu.memref_slice %arg11[%dma_wait3A_144, %dma_wait3A_145] : memref<10240x128xf32, #tpu.memory_space<vmem_shared>> -> memref<10240x128xf32, #tpu.memory_space<vmem_shared>>
      tpu.wait_indirect_dma semaphore(%arg15 : memref<!tpu.dma_semaphore, #tpu.memory_space<semaphore_mem>>) src(%arg10 : memref<128x128xf32, #tpu.memory_space<vmem>>) dst(%dma_wait3A_146 : memref<10240x128xf32, #tpu.memory_space<vmem_shared>>)
      %add3A_147 = arith.constant 2 : i32
      %add3A_148 = arith.addi %add3A_140, %add3A_147 : i32
      %lt3A_149 = arith.constant 40 : i32
      %lt3A_150 = arith.cmpi slt, %add3A_148, %lt3A_149 : i32
      %convert_element_type3A_151 = arith.extui %lt3A_150 : i1 to i32
      %cond3A_152 = arith.constant 0 : i32
      %cond3A_153 = arith.cmpi ne, %convert_element_type3A_151, %cond3A_152 : i32
      scf.if %cond3A_153 {
        %dma_start3A_155 = arith.constant 0 : i32
        %dma_start3A_156 = tpu.memref_slice %arg7[%add3A_148, %dma_start3A_155] : memref<40x128xi32, #tpu.memory_space<vmem>> -> memref<1x128xi32, #tpu.memory_space<vmem>>
        %dma_start3A_157 = tpu.memref_squeeze %dma_start3A_156 : memref<1x128xi32, #tpu.memory_space<vmem>> -> memref<128xi32, #tpu.memory_space<vmem>>
        %dma_start3A_158 = arith.constant 0 : i32
        %dma_start3A_159 = arith.constant 0 : i32
        %dma_start3A_160 = tpu.memref_slice %arg2[%dma_start3A_158, %dma_start3A_159] : memref<10000x128xf32, #tpu.memory_space<hbm>> -> memref<10000x128xf32, #tpu.memory_space<hbm>>
        tpu.enqueue_indirect_dma source(%dma_start3A_160 : memref<10000x128xf32, #tpu.memory_space<hbm>>) target(%arg10 : memref<128x128xf32, #tpu.memory_space<vmem>>) offsets(%dma_start3A_157 : memref<128xi32, #tpu.memory_space<vmem>>) semaphore(%arg13 : memref<!tpu.dma_semaphore, #tpu.memory_space<semaphore_mem>>)
      } else {
      }
      %scan3A_154 = arith.constant 0 : i32
      scf.yield %scan3A_154 : i32
    }
    %scan3A_68 = arith.constant 20 : i32
    %barrier3A_69 = arith.constant 0 : index
    tpu.barrier barrier_id(%barrier3A_69)
    %mul3A_70 = arith.constant 640 : i32
    %mul3A_71 = arith.muli %arg1, %mul3A_70 : i32
    %add3A_72 = arith.constant 0 : i32
    %add3A_73 = arith.addi %mul3A_71, %add3A_72 : i32
    "tpu.region"() ({
      %run_scoped3A = tpu.sem_alloc : memref<!tpu.dma_semaphore, #tpu.memory_space<semaphore_mem>>
      %dma_start3A_90 = arith.constant 0 : i32
      %dma_start3A_91 = tpu.memref_slice %arg11[%add3A_73, %dma_start3A_90] : memref<10240x128xf32, #tpu.memory_space<vmem_shared>> -> memref<128x128xf32, #tpu.memory_space<vmem_shared>>
      %dma_start3A_92 = arith.constant 0 : i32
      %dma_start3A_93 = tpu.memref_slice %arg11[%add3A_73, %dma_start3A_92] : memref<10240x128xf32, #tpu.memory_space<vmem_shared>> -> memref<128x128xf32, #tpu.memory_space<vmem_shared>>
      tpu.enqueue_dma source(%dma_start3A_93 : memref<128x128xf32, #tpu.memory_space<vmem_shared>>) target(%arg9 : memref<128x128xf32, #tpu.memory_space<vmem>>) target_semaphore(%run_scoped3A : memref<!tpu.dma_semaphore, #tpu.memory_space<semaphore_mem>>)
      %dma_wait3A = arith.constant 0 : i32
      %dma_wait3A_94 = tpu.memref_slice %arg11[%add3A_73, %dma_wait3A] : memref<10240x128xf32, #tpu.memory_space<vmem_shared>> -> memref<128x128xf32, #tpu.memory_space<vmem_shared>>
      %dma_wait3A_95 = arith.constant 0 : i32
      %dma_wait3A_96 = tpu.memref_slice %arg11[%add3A_73, %dma_wait3A_95] : memref<10240x128xf32, #tpu.memory_space<vmem_shared>> -> memref<128x128xf32, #tpu.memory_space<vmem_shared>>
      tpu.wait_dma2 semaphore(%run_scoped3A : memref<!tpu.dma_semaphore, #tpu.memory_space<semaphore_mem>>) src(%dma_wait3A_96 : memref<128x128xf32, #tpu.memory_space<vmem_shared>>) dst(%arg9 : memref<128x128xf32, #tpu.memory_space<vmem>>)
      tpu.yield
    }) : () -> ()
    "tpu.region"() ({
      %run_scoped3A = tpu.sem_alloc : memref<!tpu.dma_semaphore, #tpu.memory_space<semaphore_mem>>
      %dma_start3A_90 = arith.constant 0 : i32
      %dma_start3A_91 = arith.constant 0 : i32
      %dma_start3A_92 = tpu.memref_slice %arg6[%arg0, %dma_start3A_90, %dma_start3A_91] : memref<2x10240x128xf32, #tpu.memory_space<hbm>> -> memref<1x10240x128xf32, #tpu.memory_space<hbm>>
      %dma_start3A_93 = tpu.memref_squeeze %dma_start3A_92 : memref<1x10240x128xf32, #tpu.memory_space<hbm>> -> memref<10240x128xf32, #tpu.memory_space<hbm>>
      %dma_start3A_94 = arith.constant 0 : i32
      %dma_start3A_95 = tpu.memref_slice %dma_start3A_93[%add3A_73, %dma_start3A_94] : memref<10240x128xf32, #tpu.memory_space<hbm>> -> memref<128x128xf32, #tpu.memory_space<hbm>>
      %dma_start3A_96 = arith.constant 0 : i32
      %dma_start3A_97 = arith.constant 0 : i32
      %dma_start3A_98 = tpu.memref_slice %arg6[%arg0, %dma_start3A_96, %dma_start3A_97] : memref<2x10240x128xf32, #tpu.memory_space<hbm>> -> memref<1x10240x128xf32, #tpu.memory_space<hbm>>
      %dma_start3A_99 = tpu.memref_squeeze %dma_start3A_98 : memref<1x10240x128xf32, #tpu.memory_space<hbm>> -> memref<10240x128xf32, #tpu.memory_space<hbm>>
      %dma_start3A_100 = arith.constant 0 : i32
      %dma_start3A_101 = tpu.memref_slice %dma_start3A_99[%add3A_73, %dma_start3A_100] : memref<10240x128xf32, #tpu.memory_space<hbm>> -> memref<128x128xf32, #tpu.memory_space<hbm>>
      tpu.enqueue_dma source(%arg9 : memref<128x128xf32, #tpu.memory_space<vmem>>) target(%dma_start3A_101 : memref<128x128xf32, #tpu.memory_space<hbm>>) target_semaphore(%run_scoped3A : memref<!tpu.dma_semaphore, #tpu.memory_space<semaphore_mem>>)
      %dma_wait3A = arith.constant 0 : i32
      %dma_wait3A_102 = arith.constant 0 : i32
      %dma_wait3A_103 = tpu.memref_slice %arg6[%arg0, %dma_wait3A, %dma_wait3A_102] : memref<2x10240x128xf32, #tpu.memory_space<hbm>> -> memref<1x10240x128xf32, #tpu.memory_space<hbm>>
      %dma_wait3A_104 = tpu.memref_squeeze %dma_wait3A_103 : memref<1x10240x128xf32, #tpu.memory_space<hbm>> -> memref<10240x128xf32, #tpu.memory_space<hbm>>
      %dma_wait3A_105 = arith.constant 0 : i32
      %dma_wait3A_106 = tpu.memref_slice %dma_wait3A_104[%add3A_73, %dma_wait3A_105] : memref<10240x128xf32, #tpu.memory_space<hbm>> -> memref<128x128xf32, #tpu.memory_space<hbm>>
      %dma_wait3A_107 = arith.constant 0 : i32
      %dma_wait3A_108 = arith.constant 0 : i32
      %dma_wait3A_109 = tpu.memref_slice %arg6[%arg0, %dma_wait3A_107, %dma_wait3A_108] : memref<2x10240x128xf32, #tpu.memory_space<hbm>> -> memref<1x10240x128xf32, #tpu.memory_space<hbm>>
      %dma_wait3A_110 = tpu.memref_squeeze %dma_wait3A_109 : memref<1x10240x128xf32, #tpu.memory_space<hbm>> -> memref<10240x128xf32, #tpu.memory_space<hbm>>
      %dma_wait3A_111 = arith.constant 0 : i32
      %dma_wait3A_112 = tpu.memref_slice %dma_wait3A_110[%add3A_73, %dma_wait3A_111] : memref<10240x128xf32, #tpu.memory_space<hbm>> -> memref<128x128xf32, #tpu.memory_space<hbm>>
      tpu.wait_dma2 semaphore(%run_scoped3A : memref<!tpu.dma_semaphore, #tpu.memory_space<semaphore_mem>>) src(%arg9 : memref<128x128xf32, #tpu.memory_space<vmem>>) dst(%dma_wait3A_112 : memref<128x128xf32, #tpu.memory_space<hbm>>)
      tpu.yield
    }) : () -> ()
    %mul3A_74 = arith.constant 640 : i32
    %mul3A_75 = arith.muli %arg1, %mul3A_74 : i32
    %add3A_76 = arith.constant 128 : i32
    %add3A_77 = arith.addi %mul3A_75, %add3A_76 : i32
    "tpu.region"() ({
      %run_scoped3A = tpu.sem_alloc : memref<!tpu.dma_semaphore, #tpu.memory_space<semaphore_mem>>
      %dma_start3A_90 = arith.constant 0 : i32
      %dma_start3A_91 = tpu.memref_slice %arg11[%add3A_77, %dma_start3A_90] : memref<10240x128xf32, #tpu.memory_space<vmem_shared>> -> memref<128x128xf32, #tpu.memory_space<vmem_shared>>
      %dma_start3A_92 = arith.constant 0 : i32
      %dma_start3A_93 = tpu.memref_slice %arg11[%add3A_77, %dma_start3A_92] : memref<10240x128xf32, #tpu.memory_space<vmem_shared>> -> memref<128x128xf32, #tpu.memory_space<vmem_shared>>
      tpu.enqueue_dma source(%dma_start3A_93 : memref<128x128xf32, #tpu.memory_space<vmem_shared>>) target(%arg9 : memref<128x128xf32, #tpu.memory_space<vmem>>) target_semaphore(%run_scoped3A : memref<!tpu.dma_semaphore, #tpu.memory_space<semaphore_mem>>)
      %dma_wait3A = arith.constant 0 : i32
      %dma_wait3A_94 = tpu.memref_slice %arg11[%add3A_77, %dma_wait3A] : memref<10240x128xf32, #tpu.memory_space<vmem_shared>> -> memref<128x128xf32, #tpu.memory_space<vmem_shared>>
      %dma_wait3A_95 = arith.constant 0 : i32
      %dma_wait3A_96 = tpu.memref_slice %arg11[%add3A_77, %dma_wait3A_95] : memref<10240x128xf32, #tpu.memory_space<vmem_shared>> -> memref<128x128xf32, #tpu.memory_space<vmem_shared>>
      tpu.wait_dma2 semaphore(%run_scoped3A : memref<!tpu.dma_semaphore, #tpu.memory_space<semaphore_mem>>) src(%dma_wait3A_96 : memref<128x128xf32, #tpu.memory_space<vmem_shared>>) dst(%arg9 : memref<128x128xf32, #tpu.memory_space<vmem>>)
      tpu.yield
    }) : () -> ()
    "tpu.region"() ({
      %run_scoped3A = tpu.sem_alloc : memref<!tpu.dma_semaphore, #tpu.memory_space<semaphore_mem>>
      %dma_start3A_90 = arith.constant 0 : i32
      %dma_start3A_91 = arith.constant 0 : i32
      %dma_start3A_92 = tpu.memref_slice %arg6[%arg0, %dma_start3A_90, %dma_start3A_91] : memref<2x10240x128xf32, #tpu.memory_space<hbm>> -> memref<1x10240x128xf32, #tpu.memory_space<hbm>>
      %dma_start3A_93 = tpu.memref_squeeze %dma_start3A_92 : memref<1x10240x128xf32, #tpu.memory_space<hbm>> -> memref<10240x128xf32, #tpu.memory_space<hbm>>
      %dma_start3A_94 = arith.constant 0 : i32
      %dma_start3A_95 = tpu.memref_slice %dma_start3A_93[%add3A_77, %dma_start3A_94] : memref<10240x128xf32, #tpu.memory_space<hbm>> -> memref<128x128xf32, #tpu.memory_space<hbm>>
      %dma_start3A_96 = arith.constant 0 : i32
      %dma_start3A_97 = arith.constant 0 : i32
      %dma_start3A_98 = tpu.memref_slice %arg6[%arg0, %dma_start3A_96, %dma_start3A_97] : memref<2x10240x128xf32, #tpu.memory_space<hbm>> -> memref<1x10240x128xf32, #tpu.memory_space<hbm>>
      %dma_start3A_99 = tpu.memref_squeeze %dma_start3A_98 : memref<1x10240x128xf32, #tpu.memory_space<hbm>> -> memref<10240x128xf32, #tpu.memory_space<hbm>>
      %dma_start3A_100 = arith.constant 0 : i32
      %dma_start3A_101 = tpu.memref_slice %dma_start3A_99[%add3A_77, %dma_start3A_100] : memref<10240x128xf32, #tpu.memory_space<hbm>> -> memref<128x128xf32, #tpu.memory_space<hbm>>
      tpu.enqueue_dma source(%arg9 : memref<128x128xf32, #tpu.memory_space<vmem>>) target(%dma_start3A_101 : memref<128x128xf32, #tpu.memory_space<hbm>>) target_semaphore(%run_scoped3A : memref<!tpu.dma_semaphore, #tpu.memory_space<semaphore_mem>>)
      %dma_wait3A = arith.constant 0 : i32
      %dma_wait3A_102 = arith.constant 0 : i32
      %dma_wait3A_103 = tpu.memref_slice %arg6[%arg0, %dma_wait3A, %dma_wait3A_102] : memref<2x10240x128xf32, #tpu.memory_space<hbm>> -> memref<1x10240x128xf32, #tpu.memory_space<hbm>>
      %dma_wait3A_104 = tpu.memref_squeeze %dma_wait3A_103 : memref<1x10240x128xf32, #tpu.memory_space<hbm>> -> memref<10240x128xf32, #tpu.memory_space<hbm>>
      %dma_wait3A_105 = arith.constant 0 : i32
      %dma_wait3A_106 = tpu.memref_slice %dma_wait3A_104[%add3A_77, %dma_wait3A_105] : memref<10240x128xf32, #tpu.memory_space<hbm>> -> memref<128x128xf32, #tpu.memory_space<hbm>>
      %dma_wait3A_107 = arith.constant 0 : i32
      %dma_wait3A_108 = arith.constant 0 : i32
      %dma_wait3A_109 = tpu.memref_slice %arg6[%arg0, %dma_wait3A_107, %dma_wait3A_108] : memref<2x10240x128xf32, #tpu.memory_space<hbm>> -> memref<1x10240x128xf32, #tpu.memory_space<hbm>>
      %dma_wait3A_110 = tpu.memref_squeeze %dma_wait3A_109 : memref<1x10240x128xf32, #tpu.memory_space<hbm>> -> memref<10240x128xf32, #tpu.memory_space<hbm>>
      %dma_wait3A_111 = arith.constant 0 : i32
      %dma_wait3A_112 = tpu.memref_slice %dma_wait3A_110[%add3A_77, %dma_wait3A_111] : memref<10240x128xf32, #tpu.memory_space<hbm>> -> memref<128x128xf32, #tpu.memory_space<hbm>>
      tpu.wait_dma2 semaphore(%run_scoped3A : memref<!tpu.dma_semaphore, #tpu.memory_space<semaphore_mem>>) src(%arg9 : memref<128x128xf32, #tpu.memory_space<vmem>>) dst(%dma_wait3A_112 : memref<128x128xf32, #tpu.memory_space<hbm>>)
      tpu.yield
    }) : () -> ()
    %mul3A_78 = arith.constant 640 : i32
    %mul3A_79 = arith.muli %arg1, %mul3A_78 : i32
    %add3A_80 = arith.constant 256 : i32
    %add3A_81 = arith.addi %mul3A_79, %add3A_80 : i32
    "tpu.region"() ({
      %run_scoped3A = tpu.sem_alloc : memref<!tpu.dma_semaphore, #tpu.memory_space<semaphore_mem>>
      %dma_start3A_90 = arith.constant 0 : i32
      %dma_start3A_91 = tpu.memref_slice %arg11[%add3A_81, %dma_start3A_90] : memref<10240x128xf32, #tpu.memory_space<vmem_shared>> -> memref<128x128xf32, #tpu.memory_space<vmem_shared>>
      %dma_start3A_92 = arith.constant 0 : i32
      %dma_start3A_93 = tpu.memref_slice %arg11[%add3A_81, %dma_start3A_92] : memref<10240x128xf32, #tpu.memory_space<vmem_shared>> -> memref<128x128xf32, #tpu.memory_space<vmem_shared>>
      tpu.enqueue_dma source(%dma_start3A_93 : memref<128x128xf32, #tpu.memory_space<vmem_shared>>) target(%arg9 : memref<128x128xf32, #tpu.memory_space<vmem>>) target_semaphore(%run_scoped3A : memref<!tpu.dma_semaphore, #tpu.memory_space<semaphore_mem>>)
      %dma_wait3A = arith.constant 0 : i32
      %dma_wait3A_94 = tpu.memref_slice %arg11[%add3A_81, %dma_wait3A] : memref<10240x128xf32, #tpu.memory_space<vmem_shared>> -> memref<128x128xf32, #tpu.memory_space<vmem_shared>>
      %dma_wait3A_95 = arith.constant 0 : i32
      %dma_wait3A_96 = tpu.memref_slice %arg11[%add3A_81, %dma_wait3A_95] : memref<10240x128xf32, #tpu.memory_space<vmem_shared>> -> memref<128x128xf32, #tpu.memory_space<vmem_shared>>
      tpu.wait_dma2 semaphore(%run_scoped3A : memref<!tpu.dma_semaphore, #tpu.memory_space<semaphore_mem>>) src(%dma_wait3A_96 : memref<128x128xf32, #tpu.memory_space<vmem_shared>>) dst(%arg9 : memref<128x128xf32, #tpu.memory_space<vmem>>)
      tpu.yield
    }) : () -> ()
    "tpu.region"() ({
      %run_scoped3A = tpu.sem_alloc : memref<!tpu.dma_semaphore, #tpu.memory_space<semaphore_mem>>
      %dma_start3A_90 = arith.constant 0 : i32
      %dma_start3A_91 = arith.constant 0 : i32
      %dma_start3A_92 = tpu.memref_slice %arg6[%arg0, %dma_start3A_90, %dma_start3A_91] : memref<2x10240x128xf32, #tpu.memory_space<hbm>> -> memref<1x10240x128xf32, #tpu.memory_space<hbm>>
      %dma_start3A_93 = tpu.memref_squeeze %dma_start3A_92 : memref<1x10240x128xf32, #tpu.memory_space<hbm>> -> memref<10240x128xf32, #tpu.memory_space<hbm>>
      %dma_start3A_94 = arith.constant 0 : i32
      %dma_start3A_95 = tpu.memref_slice %dma_start3A_93[%add3A_81, %dma_start3A_94] : memref<10240x128xf32, #tpu.memory_space<hbm>> -> memref<128x128xf32, #tpu.memory_space<hbm>>
      %dma_start3A_96 = arith.constant 0 : i32
      %dma_start3A_97 = arith.constant 0 : i32
      %dma_start3A_98 = tpu.memref_slice %arg6[%arg0, %dma_start3A_96, %dma_start3A_97] : memref<2x10240x128xf32, #tpu.memory_space<hbm>> -> memref<1x10240x128xf32, #tpu.memory_space<hbm>>
      %dma_start3A_99 = tpu.memref_squeeze %dma_start3A_98 : memref<1x10240x128xf32, #tpu.memory_space<hbm>> -> memref<10240x128xf32, #tpu.memory_space<hbm>>
      %dma_start3A_100 = arith.constant 0 : i32
      %dma_start3A_101 = tpu.memref_slice %dma_start3A_99[%add3A_81, %dma_start3A_100] : memref<10240x128xf32, #tpu.memory_space<hbm>> -> memref<128x128xf32, #tpu.memory_space<hbm>>
      tpu.enqueue_dma source(%arg9 : memref<128x128xf32, #tpu.memory_space<vmem>>) target(%dma_start3A_101 : memref<128x128xf32, #tpu.memory_space<hbm>>) target_semaphore(%run_scoped3A : memref<!tpu.dma_semaphore, #tpu.memory_space<semaphore_mem>>)
      %dma_wait3A = arith.constant 0 : i32
      %dma_wait3A_102 = arith.constant 0 : i32
      %dma_wait3A_103 = tpu.memref_slice %arg6[%arg0, %dma_wait3A, %dma_wait3A_102] : memref<2x10240x128xf32, #tpu.memory_space<hbm>> -> memref<1x10240x128xf32, #tpu.memory_space<hbm>>
      %dma_wait3A_104 = tpu.memref_squeeze %dma_wait3A_103 : memref<1x10240x128xf32, #tpu.memory_space<hbm>> -> memref<10240x128xf32, #tpu.memory_space<hbm>>
      %dma_wait3A_105 = arith.constant 0 : i32
      %dma_wait3A_106 = tpu.memref_slice %dma_wait3A_104[%add3A_81, %dma_wait3A_105] : memref<10240x128xf32, #tpu.memory_space<hbm>> -> memref<128x128xf32, #tpu.memory_space<hbm>>
      %dma_wait3A_107 = arith.constant 0 : i32
      %dma_wait3A_108 = arith.constant 0 : i32
      %dma_wait3A_109 = tpu.memref_slice %arg6[%arg0, %dma_wait3A_107, %dma_wait3A_108] : memref<2x10240x128xf32, #tpu.memory_space<hbm>> -> memref<1x10240x128xf32, #tpu.memory_space<hbm>>
      %dma_wait3A_110 = tpu.memref_squeeze %dma_wait3A_109 : memref<1x10240x128xf32, #tpu.memory_space<hbm>> -> memref<10240x128xf32, #tpu.memory_space<hbm>>
      %dma_wait3A_111 = arith.constant 0 : i32
      %dma_wait3A_112 = tpu.memref_slice %dma_wait3A_110[%add3A_81, %dma_wait3A_111] : memref<10240x128xf32, #tpu.memory_space<hbm>> -> memref<128x128xf32, #tpu.memory_space<hbm>>
      tpu.wait_dma2 semaphore(%run_scoped3A : memref<!tpu.dma_semaphore, #tpu.memory_space<semaphore_mem>>) src(%arg9 : memref<128x128xf32, #tpu.memory_space<vmem>>) dst(%dma_wait3A_112 : memref<128x128xf32, #tpu.memory_space<hbm>>)
      tpu.yield
    }) : () -> ()
    %mul3A_82 = arith.constant 640 : i32
    %mul3A_83 = arith.muli %arg1, %mul3A_82 : i32
    %add3A_84 = arith.constant 384 : i32
    %add3A_85 = arith.addi %mul3A_83, %add3A_84 : i32
    "tpu.region"() ({
      %run_scoped3A = tpu.sem_alloc : memref<!tpu.dma_semaphore, #tpu.memory_space<semaphore_mem>>
      %dma_start3A_90 = arith.constant 0 : i32
      %dma_start3A_91 = tpu.memref_slice %arg11[%add3A_85, %dma_start3A_90] : memref<10240x128xf32, #tpu.memory_space<vmem_shared>> -> memref<128x128xf32, #tpu.memory_space<vmem_shared>>
      %dma_start3A_92 = arith.constant 0 : i32
      %dma_start3A_93 = tpu.memref_slice %arg11[%add3A_85, %dma_start3A_92] : memref<10240x128xf32, #tpu.memory_space<vmem_shared>> -> memref<128x128xf32, #tpu.memory_space<vmem_shared>>
      tpu.enqueue_dma source(%dma_start3A_93 : memref<128x128xf32, #tpu.memory_space<vmem_shared>>) target(%arg9 : memref<128x128xf32, #tpu.memory_space<vmem>>) target_semaphore(%run_scoped3A : memref<!tpu.dma_semaphore, #tpu.memory_space<semaphore_mem>>)
      %dma_wait3A = arith.constant 0 : i32
      %dma_wait3A_94 = tpu.memref_slice %arg11[%add3A_85, %dma_wait3A] : memref<10240x128xf32, #tpu.memory_space<vmem_shared>> -> memref<128x128xf32, #tpu.memory_space<vmem_shared>>
      %dma_wait3A_95 = arith.constant 0 : i32
      %dma_wait3A_96 = tpu.memref_slice %arg11[%add3A_85, %dma_wait3A_95] : memref<10240x128xf32, #tpu.memory_space<vmem_shared>> -> memref<128x128xf32, #tpu.memory_space<vmem_shared>>
      tpu.wait_dma2 semaphore(%run_scoped3A : memref<!tpu.dma_semaphore, #tpu.memory_space<semaphore_mem>>) src(%dma_wait3A_96 : memref<128x128xf32, #tpu.memory_space<vmem_shared>>) dst(%arg9 : memref<128x128xf32, #tpu.memory_space<vmem>>)
      tpu.yield
    }) : () -> ()
    "tpu.region"() ({
      %run_scoped3A = tpu.sem_alloc : memref<!tpu.dma_semaphore, #tpu.memory_space<semaphore_mem>>
      %dma_start3A_90 = arith.constant 0 : i32
      %dma_start3A_91 = arith.constant 0 : i32
      %dma_start3A_92 = tpu.memref_slice %arg6[%arg0, %dma_start3A_90, %dma_start3A_91] : memref<2x10240x128xf32, #tpu.memory_space<hbm>> -> memref<1x10240x128xf32, #tpu.memory_space<hbm>>
      %dma_start3A_93 = tpu.memref_squeeze %dma_start3A_92 : memref<1x10240x128xf32, #tpu.memory_space<hbm>> -> memref<10240x128xf32, #tpu.memory_space<hbm>>
      %dma_start3A_94 = arith.constant 0 : i32
      %dma_start3A_95 = tpu.memref_slice %dma_start3A_93[%add3A_85, %dma_start3A_94] : memref<10240x128xf32, #tpu.memory_space<hbm>> -> memref<128x128xf32, #tpu.memory_space<hbm>>
      %dma_start3A_96 = arith.constant 0 : i32
      %dma_start3A_97 = arith.constant 0 : i32
      %dma_start3A_98 = tpu.memref_slice %arg6[%arg0, %dma_start3A_96, %dma_start3A_97] : memref<2x10240x128xf32, #tpu.memory_space<hbm>> -> memref<1x10240x128xf32, #tpu.memory_space<hbm>>
      %dma_start3A_99 = tpu.memref_squeeze %dma_start3A_98 : memref<1x10240x128xf32, #tpu.memory_space<hbm>> -> memref<10240x128xf32, #tpu.memory_space<hbm>>
      %dma_start3A_100 = arith.constant 0 : i32
      %dma_start3A_101 = tpu.memref_slice %dma_start3A_99[%add3A_85, %dma_start3A_100] : memref<10240x128xf32, #tpu.memory_space<hbm>> -> memref<128x128xf32, #tpu.memory_space<hbm>>
      tpu.enqueue_dma source(%arg9 : memref<128x128xf32, #tpu.memory_space<vmem>>) target(%dma_start3A_101 : memref<128x128xf32, #tpu.memory_space<hbm>>) target_semaphore(%run_scoped3A : memref<!tpu.dma_semaphore, #tpu.memory_space<semaphore_mem>>)
      %dma_wait3A = arith.constant 0 : i32
      %dma_wait3A_102 = arith.constant 0 : i32
      %dma_wait3A_103 = tpu.memref_slice %arg6[%arg0, %dma_wait3A, %dma_wait3A_102] : memref<2x10240x128xf32, #tpu.memory_space<hbm>> -> memref<1x10240x128xf32, #tpu.memory_space<hbm>>
      %dma_wait3A_104 = tpu.memref_squeeze %dma_wait3A_103 : memref<1x10240x128xf32, #tpu.memory_space<hbm>> -> memref<10240x128xf32, #tpu.memory_space<hbm>>
      %dma_wait3A_105 = arith.constant 0 : i32
      %dma_wait3A_106 = tpu.memref_slice %dma_wait3A_104[%add3A_85, %dma_wait3A_105] : memref<10240x128xf32, #tpu.memory_space<hbm>> -> memref<128x128xf32, #tpu.memory_space<hbm>>
      %dma_wait3A_107 = arith.constant 0 : i32
      %dma_wait3A_108 = arith.constant 0 : i32
      %dma_wait3A_109 = tpu.memref_slice %arg6[%arg0, %dma_wait3A_107, %dma_wait3A_108] : memref<2x10240x128xf32, #tpu.memory_space<hbm>> -> memref<1x10240x128xf32, #tpu.memory_space<hbm>>
      %dma_wait3A_110 = tpu.memref_squeeze %dma_wait3A_109 : memref<1x10240x128xf32, #tpu.memory_space<hbm>> -> memref<10240x128xf32, #tpu.memory_space<hbm>>
      %dma_wait3A_111 = arith.constant 0 : i32
      %dma_wait3A_112 = tpu.memref_slice %dma_wait3A_110[%add3A_85, %dma_wait3A_111] : memref<10240x128xf32, #tpu.memory_space<hbm>> -> memref<128x128xf32, #tpu.memory_space<hbm>>
      tpu.wait_dma2 semaphore(%run_scoped3A : memref<!tpu.dma_semaphore, #tpu.memory_space<semaphore_mem>>) src(%arg9 : memref<128x128xf32, #tpu.memory_space<vmem>>) dst(%dma_wait3A_112 : memref<128x128xf32, #tpu.memory_space<hbm>>)
      tpu.yield
    }) : () -> ()
    %mul3A_86 = arith.constant 640 : i32
    %mul3A_87 = arith.muli %arg1, %mul3A_86 : i32
    %add3A_88 = arith.constant 512 : i32
    %add3A_89 = arith.addi %mul3A_87, %add3A_88 : i32
    "tpu.region"() ({
      %run_scoped3A = tpu.sem_alloc : memref<!tpu.dma_semaphore, #tpu.memory_space<semaphore_mem>>
      %dma_start3A_90 = arith.constant 0 : i32
      %dma_start3A_91 = tpu.memref_slice %arg11[%add3A_89, %dma_start3A_90] : memref<10240x128xf32, #tpu.memory_space<vmem_shared>> -> memref<128x128xf32, #tpu.memory_space<vmem_shared>>
      %dma_start3A_92 = arith.constant 0 : i32
      %dma_start3A_93 = tpu.memref_slice %arg11[%add3A_89, %dma_start3A_92] : memref<10240x128xf32, #tpu.memory_space<vmem_shared>> -> memref<128x128xf32, #tpu.memory_space<vmem_shared>>
      tpu.enqueue_dma source(%dma_start3A_93 : memref<128x128xf32, #tpu.memory_space<vmem_shared>>) target(%arg9 : memref<128x128xf32, #tpu.memory_space<vmem>>) target_semaphore(%run_scoped3A : memref<!tpu.dma_semaphore, #tpu.memory_space<semaphore_mem>>)
      %dma_wait3A = arith.constant 0 : i32
      %dma_wait3A_94 = tpu.memref_slice %arg11[%add3A_89, %dma_wait3A] : memref<10240x128xf32, #tpu.memory_space<vmem_shared>> -> memref<128x128xf32, #tpu.memory_space<vmem_shared>>
      %dma_wait3A_95 = arith.constant 0 : i32
      %dma_wait3A_96 = tpu.memref_slice %arg11[%add3A_89, %dma_wait3A_95] : memref<10240x128xf32, #tpu.memory_space<vmem_shared>> -> memref<128x128xf32, #tpu.memory_space<vmem_shared>>
      tpu.wait_dma2 semaphore(%run_scoped3A : memref<!tpu.dma_semaphore, #tpu.memory_space<semaphore_mem>>) src(%dma_wait3A_96 : memref<128x128xf32, #tpu.memory_space<vmem_shared>>) dst(%arg9 : memref<128x128xf32, #tpu.memory_space<vmem>>)
      tpu.yield
    }) : () -> ()
    "tpu.region"() ({
      %run_scoped3A = tpu.sem_alloc : memref<!tpu.dma_semaphore, #tpu.memory_space<semaphore_mem>>
      %dma_start3A_90 = arith.constant 0 : i32
      %dma_start3A_91 = arith.constant 0 : i32
      %dma_start3A_92 = tpu.memref_slice %arg6[%arg0, %dma_start3A_90, %dma_start3A_91] : memref<2x10240x128xf32, #tpu.memory_space<hbm>> -> memref<1x10240x128xf32, #tpu.memory_space<hbm>>
      %dma_start3A_93 = tpu.memref_squeeze %dma_start3A_92 : memref<1x10240x128xf32, #tpu.memory_space<hbm>> -> memref<10240x128xf32, #tpu.memory_space<hbm>>
      %dma_start3A_94 = arith.constant 0 : i32
      %dma_start3A_95 = tpu.memref_slice %dma_start3A_93[%add3A_89, %dma_start3A_94] : memref<10240x128xf32, #tpu.memory_space<hbm>> -> memref<128x128xf32, #tpu.memory_space<hbm>>
      %dma_start3A_96 = arith.constant 0 : i32
      %dma_start3A_97 = arith.constant 0 : i32
      %dma_start3A_98 = tpu.memref_slice %arg6[%arg0, %dma_start3A_96, %dma_start3A_97] : memref<2x10240x128xf32, #tpu.memory_space<hbm>> -> memref<1x10240x128xf32, #tpu.memory_space<hbm>>
      %dma_start3A_99 = tpu.memref_squeeze %dma_start3A_98 : memref<1x10240x128xf32, #tpu.memory_space<hbm>> -> memref<10240x128xf32, #tpu.memory_space<hbm>>
      %dma_start3A_100 = arith.constant 0 : i32
      %dma_start3A_101 = tpu.memref_slice %dma_start3A_99[%add3A_89, %dma_start3A_100] : memref<10240x128xf32, #tpu.memory_space<hbm>> -> memref<128x128xf32, #tpu.memory_space<hbm>>
      tpu.enqueue_dma source(%arg9 : memref<128x128xf32, #tpu.memory_space<vmem>>) target(%dma_start3A_101 : memref<128x128xf32, #tpu.memory_space<hbm>>) target_semaphore(%run_scoped3A : memref<!tpu.dma_semaphore, #tpu.memory_space<semaphore_mem>>)
      %dma_wait3A = arith.constant 0 : i32
      %dma_wait3A_102 = arith.constant 0 : i32
      %dma_wait3A_103 = tpu.memref_slice %arg6[%arg0, %dma_wait3A, %dma_wait3A_102] : memref<2x10240x128xf32, #tpu.memory_space<hbm>> -> memref<1x10240x128xf32, #tpu.memory_space<hbm>>
      %dma_wait3A_104 = tpu.memref_squeeze %dma_wait3A_103 : memref<1x10240x128xf32, #tpu.memory_space<hbm>> -> memref<10240x128xf32, #tpu.memory_space<hbm>>
      %dma_wait3A_105 = arith.constant 0 : i32
      %dma_wait3A_106 = tpu.memref_slice %dma_wait3A_104[%add3A_89, %dma_wait3A_105] : memref<10240x128xf32, #tpu.memory_space<hbm>> -> memref<128x128xf32, #tpu.memory_space<hbm>>
      %dma_wait3A_107 = arith.constant 0 : i32
      %dma_wait3A_108 = arith.constant 0 : i32
      %dma_wait3A_109 = tpu.memref_slice %arg6[%arg0, %dma_wait3A_107, %dma_wait3A_108] : memref<2x10240x128xf32, #tpu.memory_space<hbm>> -> memref<1x10240x128xf32, #tpu.memory_space<hbm>>
      %dma_wait3A_110 = tpu.memref_squeeze %dma_wait3A_109 : memref<1x10240x128xf32, #tpu.memory_space<hbm>> -> memref<10240x128xf32, #tpu.memory_space<hbm>>
      %dma_wait3A_111 = arith.constant 0 : i32
      %dma_wait3A_112 = tpu.memref_slice %dma_wait3A_110[%add3A_89, %dma_wait3A_111] : memref<10240x128xf32, #tpu.memory_space<hbm>> -> memref<128x128xf32, #tpu.memory_space<hbm>>
      tpu.wait_dma2 semaphore(%run_scoped3A : memref<!tpu.dma_semaphore, #tpu.memory_space<semaphore_mem>>) src(%arg9 : memref<128x128xf32, #tpu.memory_space<vmem>>) dst(%dma_wait3A_112 : memref<128x128xf32, #tpu.memory_space<hbm>>)
      tpu.yield
    }) : () -> ()
    return
  }
}

module attributes {stable_mosaic.version = 14 : i64} {
  func.func @_mma_body(%arg0: i32, %arg1: memref<2000x128xf32, #tpu.memory_space<vmem>>, %arg2: memref<128x128xf32, #tpu.memory_space<vmem>>, %arg3: memref<2000x2xf32, #tpu.memory_space<vmem>>, %arg4: memref<2000x128xf32, #tpu.memory_space<vmem>>) attributes {dimension_semantics = [#tpu.dimension_semantics<arbitrary>], iteration_bounds = array<i64: 5>, scalar_prefetch = 0 : i64, scratch_operands = 0 : i64, tpu.core_type = #tpu.core_type<tc>, window_params = [{transform_indices = @transform_0, window_bounds = array<i64: 2000, 128>}, {pipeline_mode = #tpu.pipeline_mode<synchronous>, transform_indices = @transform_1, window_bounds = array<i64: 128, 128>}, {transform_indices = @transform_2, window_bounds = array<i64: 2000, 2>}, {transform_indices = @transform_3, window_bounds = array<i64: 2000, 128>}]} {
    %get3A = arith.constant 0 : index
    %get3A_0 = arith.constant 0 : index
    %get3A_1 = vector.load %arg3[%get3A, %get3A_0] : memref<2000x2xf32, #tpu.memory_space<vmem>>, vector<2000x1xf32>
    %get3A_2 = vector.shape_cast %get3A_1 : vector<2000x1xf32> to vector<2000xf32>
    %get3A_3 = arith.constant 0 : index
    %get3A_4 = arith.constant 1 : index
    %get3A_5 = vector.load %arg3[%get3A_3, %get3A_4] : memref<2000x2xf32, #tpu.memory_space<vmem>>, vector<2000x1xf32>
    %get3A_6 = vector.shape_cast %get3A_5 : vector<2000x1xf32> to vector<2000xf32>
    %add3A = arith.addf %get3A_2, %get3A_6 : vector<2000xf32>
    %add3A_7 = arith.constant 1.000000e+00 : f32
    %add3A_8 = vector.broadcast %add3A_7 : f32 to vector<2000xf32>
    %add3A_9 = arith.addf %add3A, %add3A_8 : vector<2000xf32>
    %rsqrt3A = math.rsqrt %add3A_9 : vector<2000xf32>
    %get3A_10 = arith.constant 0 : index
    %get3A_11 = arith.constant 0 : index
    %get3A_12 = vector.load %arg1[%get3A_10, %get3A_11] : memref<2000x128xf32, #tpu.memory_space<vmem>>, vector<2000x128xf32>
    %get3A_13 = arith.constant 0 : index
    %get3A_14 = arith.constant 0 : index
    %get3A_15 = vector.load %arg2[%get3A_13, %get3A_14] : memref<128x128xf32, #tpu.memory_space<vmem>>, vector<128x128xf32>
    %dot_general3A = arith.constant dense<0.000000e+00> : vector<2000x128xf32>
    %dot_general3A_16 = tpu.matmul %get3A_12, %get3A_15, %dot_general3A {dimension_numbers = #tpu.dot_dimension_numbers<[1], [0], [0], [1], [0, 0, 1, 1], [], []>, transpose_lhs_hint = false} : vector<2000x128xf32>, vector<128x128xf32>, vector<2000x128xf32> -> vector<2000x128xf32>
    %broadcast_in_dim3A = vector.shape_cast %rsqrt3A : vector<2000xf32> to vector<2000x1xf32>
    %mul3A = vector.broadcast %broadcast_in_dim3A : vector<2000x1xf32> to vector<2000x128xf32>
    %mul3A_17 = arith.mulf %dot_general3A_16, %mul3A : vector<2000x128xf32>
    %swap3A = arith.constant 0 : index
    %swap3A_18 = arith.constant 0 : index
    %swap3A_19 = vector.load %arg4[%swap3A, %swap3A_18] : memref<2000x128xf32, #tpu.memory_space<vmem>>, vector<2000x128xf32>
    tpu.vector_store %arg4[%swap3A, %swap3A_18], %mul3A_17 {strides = array<i32>} : memref<2000x128xf32, #tpu.memory_space<vmem>>, vector<2000x128xf32>,
    return
  }
  func.func @transform_0(%arg0: i32) -> (i32, i32) {
    %c0_i32 = arith.constant 0 : i32
    %c0_i32_0 = arith.constant 0 : i32
    return %arg0, %c0_i32 : i32, i32
  }
  func.func @transform_1(%arg0: i32) -> (i32, i32) {
    %c0_i32 = arith.constant 0 : i32
    %c0_i32_0 = arith.constant 0 : i32
    %c0_i32_1 = arith.constant 0 : i32
    return %c0_i32, %c0_i32_0 : i32, i32
  }
  func.func @transform_2(%arg0: i32) -> (i32, i32) {
    %c0_i32 = arith.constant 0 : i32
    %c0_i32_0 = arith.constant 0 : i32
    return %arg0, %c0_i32 : i32, i32
  }
  func.func @transform_3(%arg0: i32) -> (i32, i32) {
    %c0_i32 = arith.constant 0 : i32
    %c0_i32_0 = arith.constant 0 : i32
    return %arg0, %c0_i32 : i32, i32
  }
}

module attributes {stable_mosaic.version = 14 : i64} {
  func.func @_mmb_body(%arg0: i32, %arg1: memref<2x2000x128xf32, #tpu.memory_space<vmem>>, %arg2: memref<2000x128xf32, #tpu.memory_space<vmem>>, %arg3: memref<2000x2xf32, #tpu.memory_space<vmem>>, %arg4: memref<128x128xf32, #tpu.memory_space<vmem>>, %arg5: memref<1x128xf32, #tpu.memory_space<vmem>>, %arg6: memref<2000x128xf32, #tpu.memory_space<vmem>>) attributes {dimension_semantics = [#tpu.dimension_semantics<arbitrary>], iteration_bounds = array<i64: 5>, scalar_prefetch = 0 : i64, scratch_operands = 0 : i64, tpu.core_type = #tpu.core_type<tc>, window_params = [{transform_indices = @transform_0, window_bounds = array<i64: 2, 2000, 128>}, {transform_indices = @transform_1, window_bounds = array<i64: 2000, 128>}, {transform_indices = @transform_2, window_bounds = array<i64: 2000, 2>}, {pipeline_mode = #tpu.pipeline_mode<synchronous>, transform_indices = @transform_3, window_bounds = array<i64: 128, 128>}, {pipeline_mode = #tpu.pipeline_mode<synchronous>, transform_indices = @transform_4, window_bounds = array<i64: 1, 128>}, {transform_indices = @transform_5, window_bounds = array<i64: 2000, 128>}]} {
    %get3A = arith.constant 0 : index
    %get3A_0 = arith.constant 0 : index
    %get3A_1 = vector.load %arg3[%get3A, %get3A_0] : memref<2000x2xf32, #tpu.memory_space<vmem>>, vector<2000x1xf32>
    %get3A_2 = vector.shape_cast %get3A_1 : vector<2000x1xf32> to vector<2000xf32>
    %get3A_3 = arith.constant 0 : index
    %get3A_4 = arith.constant 1 : index
    %get3A_5 = vector.load %arg3[%get3A_3, %get3A_4] : memref<2000x2xf32, #tpu.memory_space<vmem>>, vector<2000x1xf32>
    %get3A_6 = vector.shape_cast %get3A_5 : vector<2000x1xf32> to vector<2000xf32>
    %add3A = arith.addf %get3A_2, %get3A_6 : vector<2000xf32>
    %add3A_7 = arith.constant 1.000000e+00 : f32
    %add3A_8 = vector.broadcast %add3A_7 : f32 to vector<2000xf32>
    %add3A_9 = arith.addf %add3A, %add3A_8 : vector<2000xf32>
    %rsqrt3A = math.rsqrt %add3A_9 : vector<2000xf32>
    %get3A_10 = arith.constant 0 : index
    %get3A_11 = arith.constant 0 : index
    %get3A_12 = arith.constant 0 : index
    %get3A_13 = vector.load %arg1[%get3A_10, %get3A_11, %get3A_12] : memref<2x2000x128xf32, #tpu.memory_space<vmem>>, vector<1x2000x128xf32>
    %get3A_14 = vector.shape_cast %get3A_13 : vector<1x2000x128xf32> to vector<2000x128xf32>
    %get3A_15 = arith.constant 1 : index
    %get3A_16 = arith.constant 0 : index
    %get3A_17 = arith.constant 0 : index
    %get3A_18 = vector.load %arg1[%get3A_15, %get3A_16, %get3A_17] : memref<2x2000x128xf32, #tpu.memory_space<vmem>>, vector<1x2000x128xf32>
    %get3A_19 = vector.shape_cast %get3A_18 : vector<1x2000x128xf32> to vector<2000x128xf32>
    %add3A_20 = arith.addf %get3A_14, %get3A_19 : vector<2000x128xf32>
    %broadcast_in_dim3A = vector.shape_cast %rsqrt3A : vector<2000xf32> to vector<2000x1xf32>
    %get3A_21 = arith.constant 0 : index
    %get3A_22 = arith.constant 0 : index
    %get3A_23 = vector.load %arg2[%get3A_21, %get3A_22] : memref<2000x128xf32, #tpu.memory_space<vmem>>, vector<2000x128xf32>
    %add3A_24 = arith.addf %add3A_20, %get3A_23 : vector<2000x128xf32>
    %mul3A = vector.broadcast %broadcast_in_dim3A : vector<2000x1xf32> to vector<2000x128xf32>
    %mul3A_25 = arith.mulf %mul3A, %add3A_24 : vector<2000x128xf32>
    %get3A_26 = arith.constant 0 : index
    %get3A_27 = arith.constant 0 : index
    %get3A_28 = vector.load %arg5[%get3A_26, %get3A_27] : memref<1x128xf32, #tpu.memory_space<vmem>>, vector<1x128xf32>
    %add3A_29 = vector.broadcast %get3A_28 : vector<1x128xf32> to vector<2000x128xf32>
    %add3A_30 = arith.addf %mul3A_25, %add3A_29 : vector<2000x128xf32>
    %max3A = arith.constant 0.000000e+00 : f32
    %max3A_31 = vector.broadcast %max3A : f32 to vector<2000x128xf32>
    %max3A_32 = arith.maximumf %add3A_30, %max3A_31 : vector<2000x128xf32>
    %get3A_33 = arith.constant 0 : index
    %get3A_34 = arith.constant 0 : index
    %get3A_35 = vector.load %arg4[%get3A_33, %get3A_34] : memref<128x128xf32, #tpu.memory_space<vmem>>, vector<128x128xf32>
    %dot_general3A = arith.constant dense<0.000000e+00> : vector<2000x128xf32>
    %dot_general3A_36 = tpu.matmul %max3A_32, %get3A_35, %dot_general3A {dimension_numbers = #tpu.dot_dimension_numbers<[1], [0], [0], [1], [0, 0, 1, 1], [], []>, transpose_lhs_hint = false} : vector<2000x128xf32>, vector<128x128xf32>, vector<2000x128xf32> -> vector<2000x128xf32>
    %broadcast_in_dim3A_37 = vector.shape_cast %rsqrt3A : vector<2000xf32> to vector<2000x1xf32>
    %mul3A_38 = vector.broadcast %broadcast_in_dim3A_37 : vector<2000x1xf32> to vector<2000x128xf32>
    %mul3A_39 = arith.mulf %dot_general3A_36, %mul3A_38 : vector<2000x128xf32>
    %swap3A = arith.constant 0 : index
    %swap3A_40 = arith.constant 0 : index
    %swap3A_41 = vector.load %arg6[%swap3A, %swap3A_40] : memref<2000x128xf32, #tpu.memory_space<vmem>>, vector<2000x128xf32>
    tpu.vector_store %arg6[%swap3A, %swap3A_40], %mul3A_39 {strides = array<i32>} : memref<2000x128xf32, #tpu.memory_space<vmem>>, vector<2000x128xf32>,
    return
  }
  func.func @transform_0(%arg0: i32) -> (i32, i32, i32) {
    %c0_i32 = arith.constant 0 : i32
    %c0_i32_0 = arith.constant 0 : i32
    %c0_i32_1 = arith.constant 0 : i32
    return %c0_i32, %arg0, %c0_i32_0 : i32, i32, i32
  }
  func.func @transform_1(%arg0: i32) -> (i32, i32) {
    %c0_i32 = arith.constant 0 : i32
    %c0_i32_0 = arith.constant 0 : i32
    return %arg0, %c0_i32 : i32, i32
  }
  func.func @transform_2(%arg0: i32) -> (i32, i32) {
    %c0_i32 = arith.constant 0 : i32
    %c0_i32_0 = arith.constant 0 : i32
    return %arg0, %c0_i32 : i32, i32
  }
  func.func @transform_3(%arg0: i32) -> (i32, i32) {
    %c0_i32 = arith.constant 0 : i32
    %c0_i32_0 = arith.constant 0 : i32
    %c0_i32_1 = arith.constant 0 : i32
    return %c0_i32, %c0_i32_0 : i32, i32
  }
  func.func @transform_4(%arg0: i32) -> (i32, i32) {
    %c0_i32 = arith.constant 0 : i32
    %c0_i32_0 = arith.constant 0 : i32
    %c0_i32_1 = arith.constant 0 : i32
    return %c0_i32, %c0_i32_0 : i32, i32
  }
  func.func @transform_5(%arg0: i32) -> (i32, i32) {
    %c0_i32 = arith.constant 0 : i32
    %c0_i32_0 = arith.constant 0 : i32
    return %arg0, %c0_i32 : i32, i32
  }
}

module attributes {stable_mosaic.version = 14 : i64} {
  func.func @_fin_body(%arg0: i32, %arg1: memref<2x2000x128xf32, #tpu.memory_space<vmem>>, %arg2: memref<2000x128xf32, #tpu.memory_space<vmem>>, %arg3: memref<2000x2xf32, #tpu.memory_space<vmem>>, %arg4: memref<1x128xf32, #tpu.memory_space<vmem>>, %arg5: memref<1x1x2000xi32, #tpu.memory_space<vmem>>, %arg6: memref<128x128xf32, #tpu.memory_space<vmem>>, %arg7: memref<1x128xf32, #tpu.memory_space<vmem>>, %arg8: memref<128x128xf32, #tpu.memory_space<vmem>>, %arg9: memref<1x128xf32, #tpu.memory_space<vmem>>, %arg10: memref<16x128xf32, #tpu.memory_space<vmem>>, %arg11: memref<16x128xf32, #tpu.memory_space<vmem>>, %arg12: memref<16x128xf32, #tpu.memory_space<vmem>>) attributes {dimension_semantics = [#tpu.dimension_semantics<arbitrary>], iteration_bounds = array<i64: 5>, scalar_prefetch = 0 : i64, scratch_operands = 2 : i64, tpu.core_type = #tpu.core_type<tc>, window_params = [{transform_indices = @transform_0, window_bounds = array<i64: 2, 2000, 128>}, {transform_indices = @transform_1, window_bounds = array<i64: 2000, 128>}, {transform_indices = @transform_2, window_bounds = array<i64: 2000, 2>}, {pipeline_mode = #tpu.pipeline_mode<synchronous>, transform_indices = @transform_3, window_bounds = array<i64: 1, 128>}, {transform_indices = @transform_4, window_bounds = array<i64: 1, 1, 2000>}, {pipeline_mode = #tpu.pipeline_mode<synchronous>, transform_indices = @transform_5, window_bounds = array<i64: 128, 128>}, {pipeline_mode = #tpu.pipeline_mode<synchronous>, transform_indices = @transform_6, window_bounds = array<i64: 1, 128>}, {pipeline_mode = #tpu.pipeline_mode<synchronous>, transform_indices = @transform_7, window_bounds = array<i64: 128, 128>}, {pipeline_mode = #tpu.pipeline_mode<synchronous>, transform_indices = @transform_8, window_bounds = array<i64: 1, 128>}, {pipeline_mode = #tpu.pipeline_mode<synchronous>, transform_indices = @transform_9, window_bounds = array<i64: 16, 128>}]} {
    %eq3A = arith.constant 0 : i32
    %eq3A_0 = arith.cmpi eq, %arg0, %eq3A : i32
    %convert_element_type3A = arith.extui %eq3A_0 : i1 to i32
    %cond3A = arith.constant 0 : i32
    %cond3A_1 = arith.cmpi ne, %convert_element_type3A, %cond3A : i32
    scf.if %cond3A_1 {
      %broadcast_in_dim3A_66 = arith.constant 0.000000e+00 : f32
      %broadcast_in_dim3A_67 = vector.broadcast %broadcast_in_dim3A_66 : f32 to vector<16x128xf32>
      %swap3A_68 = arith.constant 0 : index
      %swap3A_69 = arith.constant 0 : index
      %swap3A_70 = vector.load %arg11[%swap3A_68, %swap3A_69] : memref<16x128xf32, #tpu.memory_space<vmem>>, vector<16x128xf32>
      tpu.vector_store %arg11[%swap3A_68, %swap3A_69], %broadcast_in_dim3A_67 {strides = array<i32>} : memref<16x128xf32, #tpu.memory_space<vmem>>, vector<16x128xf32>,
      %broadcast_in_dim3A_71 = arith.constant 0.000000e+00 : f32
      %broadcast_in_dim3A_72 = vector.broadcast %broadcast_in_dim3A_71 : f32 to vector<16x128xf32>
      %swap3A_73 = arith.constant 0 : index
      %swap3A_74 = arith.constant 0 : index
      %swap3A_75 = vector.load %arg12[%swap3A_73, %swap3A_74] : memref<16x128xf32, #tpu.memory_space<vmem>>, vector<16x128xf32>
      tpu.vector_store %arg12[%swap3A_73, %swap3A_74], %broadcast_in_dim3A_72 {strides = array<i32>} : memref<16x128xf32, #tpu.memory_space<vmem>>, vector<16x128xf32>,
    } else {
    }
    %get3A = arith.constant 0 : index
    %get3A_2 = arith.constant 0 : index
    %get3A_3 = vector.load %arg3[%get3A, %get3A_2] : memref<2000x2xf32, #tpu.memory_space<vmem>>, vector<2000x1xf32>
    %get3A_4 = vector.shape_cast %get3A_3 : vector<2000x1xf32> to vector<2000xf32>
    %get3A_5 = arith.constant 0 : index
    %get3A_6 = arith.constant 1 : index
    %get3A_7 = vector.load %arg3[%get3A_5, %get3A_6] : memref<2000x2xf32, #tpu.memory_space<vmem>>, vector<2000x1xf32>
    %get3A_8 = vector.shape_cast %get3A_7 : vector<2000x1xf32> to vector<2000xf32>
    %add3A = arith.addf %get3A_4, %get3A_8 : vector<2000xf32>
    %add3A_9 = arith.constant 1.000000e+00 : f32
    %add3A_10 = vector.broadcast %add3A_9 : f32 to vector<2000xf32>
    %add3A_11 = arith.addf %add3A, %add3A_10 : vector<2000xf32>
    %rsqrt3A = math.rsqrt %add3A_11 : vector<2000xf32>
    %broadcast_in_dim3A = vector.shape_cast %rsqrt3A : vector<2000xf32> to vector<2000x1xf32>
    %get3A_12 = arith.constant 0 : index
    %get3A_13 = arith.constant 0 : index
    %get3A_14 = arith.constant 0 : index
    %get3A_15 = vector.load %arg1[%get3A_12, %get3A_13, %get3A_14] : memref<2x2000x128xf32, #tpu.memory_space<vmem>>, vector<1x2000x128xf32>
    %get3A_16 = vector.shape_cast %get3A_15 : vector<1x2000x128xf32> to vector<2000x128xf32>
    %get3A_17 = arith.constant 1 : index
    %get3A_18 = arith.constant 0 : index
    %get3A_19 = arith.constant 0 : index
    %get3A_20 = vector.load %arg1[%get3A_17, %get3A_18, %get3A_19] : memref<2x2000x128xf32, #tpu.memory_space<vmem>>, vector<1x2000x128xf32>
    %get3A_21 = vector.shape_cast %get3A_20 : vector<1x2000x128xf32> to vector<2000x128xf32>
    %add3A_22 = arith.addf %get3A_16, %get3A_21 : vector<2000x128xf32>
    %get3A_23 = arith.constant 0 : index
    %get3A_24 = arith.constant 0 : index
    %get3A_25 = vector.load %arg2[%get3A_23, %get3A_24] : memref<2000x128xf32, #tpu.memory_space<vmem>>, vector<2000x128xf32>
    %add3A_26 = arith.addf %add3A_22, %get3A_25 : vector<2000x128xf32>
    %mul3A = vector.broadcast %broadcast_in_dim3A : vector<2000x1xf32> to vector<2000x128xf32>
    %mul3A_27 = arith.mulf %mul3A, %add3A_26 : vector<2000x128xf32>
    %get3A_28 = arith.constant 0 : index
    %get3A_29 = arith.constant 0 : index
    %get3A_30 = vector.load %arg4[%get3A_28, %get3A_29] : memref<1x128xf32, #tpu.memory_space<vmem>>, vector<1x128xf32>
    %add3A_31 = vector.broadcast %get3A_30 : vector<1x128xf32> to vector<2000x128xf32>
    %add3A_32 = arith.addf %mul3A_27, %add3A_31 : vector<2000x128xf32>
    %get3A_33 = arith.constant 0 : index
    %get3A_34 = arith.constant 0 : index
    %get3A_35 = arith.constant 0 : index
    %get3A_36 = vector.load %arg5[%get3A_33, %get3A_34, %get3A_35] : memref<1x1x2000xi32, #tpu.memory_space<vmem>>, vector<1x1x2000xi32>
    %get3A_37 = vector.shape_cast %get3A_36 : vector<1x1x2000xi32> to vector<2000xi32>
    %iota3A = tpu.iota {dimensions = array<i32: 0>} : vector<16x2000xi32>
    %broadcast_in_dim3A_38 = vector.shape_cast %get3A_37 : vector<2000xi32> to vector<1x2000xi32>
    %eq3A_39 = vector.broadcast %broadcast_in_dim3A_38 : vector<1x2000xi32> to vector<16x2000xi32>
    %eq3A_40 = arith.cmpi eq, %iota3A, %eq3A_39 : vector<16x2000xi32>
    %convert_element_type3A_41 = arith.extui %eq3A_40 : vector<16x2000xi1> to vector<16x2000xi32>
    %convert_element_type3A_42 = arith.sitofp %convert_element_type3A_41 : vector<16x2000xi32> to vector<16x2000xf32>
    %get3A_43 = arith.constant 0 : index
    %get3A_44 = arith.constant 0 : index
    %get3A_45 = vector.load %arg11[%get3A_43, %get3A_44] : memref<16x128xf32, #tpu.memory_space<vmem>>, vector<16x128xf32>
    %dot_general3A = arith.constant dense<0.000000e+00> : vector<16x128xf32>
    %dot_general3A_46 = tpu.matmul %convert_element_type3A_42, %add3A_32, %dot_general3A {dimension_numbers = #tpu.dot_dimension_numbers<[1], [0], [0], [1], [0, 0, 1, 1], [], []>, transpose_lhs_hint = false} : vector<16x2000xf32>, vector<2000x128xf32>, vector<16x128xf32> -> vector<16x128xf32>
    %add3A_47 = arith.addf %get3A_45, %dot_general3A_46 : vector<16x128xf32>
    %swap3A = arith.constant 0 : index
    %swap3A_48 = arith.constant 0 : index
    %swap3A_49 = vector.load %arg11[%swap3A, %swap3A_48] : memref<16x128xf32, #tpu.memory_space<vmem>>, vector<16x128xf32>
    tpu.vector_store %arg11[%swap3A, %swap3A_48], %add3A_47 {strides = array<i32>} : memref<16x128xf32, #tpu.memory_space<vmem>>, vector<16x128xf32>,
    %get3A_50 = arith.constant 0 : index
    %get3A_51 = arith.constant 0 : index
    %get3A_52 = vector.load %arg12[%get3A_50, %get3A_51] : memref<16x128xf32, #tpu.memory_space<vmem>>, vector<16x128xf32>
    %reduce_sum3A = arith.constant dense<0.000000e+00> : vector<16xf32>
    %reduce_sum3A_53 = vector.multi_reduction <add>, %convert_element_type3A_42, %reduce_sum3A [1] : vector<16x2000xf32> to vector<16xf32>
    %broadcast_in_dim3A_54 = vector.shape_cast %reduce_sum3A_53 : vector<16xf32> to vector<16x1xf32>
    %broadcast_in_dim3A_55 = vector.shape_cast %broadcast_in_dim3A_54 : vector<16x1xf32> to vector<16x1xf32>
    %broadcast_in_dim3A_56 = vector.broadcast %broadcast_in_dim3A_55 : vector<16x1xf32> to vector<16x128xf32>
    %add3A_57 = arith.addf %get3A_52, %broadcast_in_dim3A_56 : vector<16x128xf32>
    %swap3A_58 = arith.constant 0 : index
    %swap3A_59 = arith.constant 0 : index
    %swap3A_60 = vector.load %arg12[%swap3A_58, %swap3A_59] : memref<16x128xf32, #tpu.memory_space<vmem>>, vector<16x128xf32>
    tpu.vector_store %arg12[%swap3A_58, %swap3A_59], %add3A_57 {strides = array<i32>} : memref<16x128xf32, #tpu.memory_space<vmem>>, vector<16x128xf32>,
    %eq3A_61 = arith.constant 4 : i32
    %eq3A_62 = arith.cmpi eq, %arg0, %eq3A_61 : i32
    %convert_element_type3A_63 = arith.extui %eq3A_62 : i1 to i32
    %cond3A_64 = arith.constant 0 : i32
    %cond3A_65 = arith.cmpi ne, %convert_element_type3A_63, %cond3A_64 : i32
    scf.if %cond3A_65 {
      %get3A_66 = arith.constant 0 : index
      %get3A_67 = arith.constant 0 : index
      %get3A_68 = vector.load %arg11[%get3A_66, %get3A_67] : memref<16x128xf32, #tpu.memory_space<vmem>>, vector<16x128xf32>
      %get3A_69 = arith.constant 0 : index
      %get3A_70 = arith.constant 0 : index
      %get3A_71 = vector.load %arg12[%get3A_69, %get3A_70] : memref<16x128xf32, #tpu.memory_space<vmem>>, vector<16x128xf32>
      %max3A = arith.constant 1.000000e+00 : f32
      %max3A_72 = vector.broadcast %max3A : f32 to vector<16x128xf32>
      %max3A_73 = arith.maximumf %get3A_71, %max3A_72 : vector<16x128xf32>
      %div3A = arith.divf %get3A_68, %max3A_73 : vector<16x128xf32>
      %get3A_74 = arith.constant 0 : index
      %get3A_75 = arith.constant 0 : index
      %get3A_76 = vector.load %arg6[%get3A_74, %get3A_75] : memref<128x128xf32, #tpu.memory_space<vmem>>, vector<128x128xf32>
      %dot_general3A_77 = arith.constant dense<0.000000e+00> : vector<16x128xf32>
      %dot_general3A_78 = tpu.matmul %div3A, %get3A_76, %dot_general3A_77 {dimension_numbers = #tpu.dot_dimension_numbers<[1], [0], [0], [1], [0, 0, 1, 1], [], []>, transpose_lhs_hint = false} : vector<16x128xf32>, vector<128x128xf32>, vector<16x128xf32> -> vector<16x128xf32>
      %get3A_79 = arith.constant 0 : index
      %get3A_80 = arith.constant 0 : index
      %get3A_81 = vector.load %arg7[%get3A_79, %get3A_80] : memref<1x128xf32, #tpu.memory_space<vmem>>, vector<1x128xf32>
      %add3A_82 = vector.broadcast %get3A_81 : vector<1x128xf32> to vector<16x128xf32>
      %add3A_83 = arith.addf %dot_general3A_78, %add3A_82 : vector<16x128xf32>
      %max3A_84 = arith.constant 0.000000e+00 : f32
      %max3A_85 = vector.broadcast %max3A_84 : f32 to vector<16x128xf32>
      %max3A_86 = arith.maximumf %add3A_83, %max3A_85 : vector<16x128xf32>
      %get3A_87 = arith.constant 0 : index
      %get3A_88 = arith.constant 0 : index
      %get3A_89 = vector.load %arg8[%get3A_87, %get3A_88] : memref<128x128xf32, #tpu.memory_space<vmem>>, vector<128x128xf32>
      %dot_general3A_90 = arith.constant dense<0.000000e+00> : vector<16x128xf32>
      %dot_general3A_91 = tpu.matmul %max3A_86, %get3A_89, %dot_general3A_90 {dimension_numbers = #tpu.dot_dimension_numbers<[1], [0], [0], [1], [0, 0, 1, 1], [], []>, transpose_lhs_hint = false} : vector<16x128xf32>, vector<128x128xf32>, vector<16x128xf32> -> vector<16x128xf32>
      %get3A_92 = arith.constant 0 : index
      %get3A_93 = arith.constant 0 : index
      %get3A_94 = vector.load %arg9[%get3A_92, %get3A_93] : memref<1x128xf32, #tpu.memory_space<vmem>>, vector<1x128xf32>
      %add3A_95 = vector.broadcast %get3A_94 : vector<1x128xf32> to vector<16x128xf32>
      %add3A_96 = arith.addf %dot_general3A_91, %add3A_95 : vector<16x128xf32>
      %swap3A_97 = arith.constant 0 : index
      %swap3A_98 = arith.constant 0 : index
      %swap3A_99 = vector.load %arg10[%swap3A_97, %swap3A_98] : memref<16x128xf32, #tpu.memory_space<vmem>>, vector<16x128xf32>
      tpu.vector_store %arg10[%swap3A_97, %swap3A_98], %add3A_96 {strides = array<i32>} : memref<16x128xf32, #tpu.memory_space<vmem>>, vector<16x128xf32>,
    } else {
    }
    return
  }
  func.func @transform_0(%arg0: i32) -> (i32, i32, i32) {
    %c0_i32 = arith.constant 0 : i32
    %c0_i32_0 = arith.constant 0 : i32
    %c0_i32_1 = arith.constant 0 : i32
    return %c0_i32, %arg0, %c0_i32_0 : i32, i32, i32
  }
  func.func @transform_1(%arg0: i32) -> (i32, i32) {
    %c0_i32 = arith.constant 0 : i32
    %c0_i32_0 = arith.constant 0 : i32
    return %arg0, %c0_i32 : i32, i32
  }
  func.func @transform_2(%arg0: i32) -> (i32, i32) {
    %c0_i32 = arith.constant 0 : i32
    %c0_i32_0 = arith.constant 0 : i32
    return %arg0, %c0_i32 : i32, i32
  }
  func.func @transform_3(%arg0: i32) -> (i32, i32) {
    %c0_i32 = arith.constant 0 : i32
    %c0_i32_0 = arith.constant 0 : i32
    %c0_i32_1 = arith.constant 0 : i32
    return %c0_i32, %c0_i32_0 : i32, i32
  }
  func.func @transform_4(%arg0: i32) -> (i32, i32, i32) {
    %c0_i32 = arith.constant 0 : i32
    %c0_i32_0 = arith.constant 0 : i32
    %c0_i32_1 = arith.constant 0 : i32
    return %arg0, %c0_i32, %c0_i32_0 : i32, i32, i32
  }
  func.func @transform_5(%arg0: i32) -> (i32, i32) {
    %c0_i32 = arith.constant 0 : i32
    %c0_i32_0 = arith.constant 0 : i32
    %c0_i32_1 = arith.constant 0 : i32
    return %c0_i32, %c0_i32_0 : i32, i32
  }
  func.func @transform_6(%arg0: i32) -> (i32, i32) {
    %c0_i32 = arith.constant 0 : i32
    %c0_i32_0 = arith.constant 0 : i32
    %c0_i32_1 = arith.constant 0 : i32
    return %c0_i32, %c0_i32_0 : i32, i32
  }
  func.func @transform_7(%arg0: i32) -> (i32, i32) {
    %c0_i32 = arith.constant 0 : i32
    %c0_i32_0 = arith.constant 0 : i32
    %c0_i32_1 = arith.constant 0 : i32
    return %c0_i32, %c0_i32_0 : i32, i32
  }
  func.func @transform_8(%arg0: i32) -> (i32, i32) {
    %c0_i32 = arith.constant 0 : i32
    %c0_i32_0 = arith.constant 0 : i32
    %c0_i32_1 = arith.constant 0 : i32
    return %c0_i32, %c0_i32_0 : i32, i32
  }
  func.func @transform_9(%arg0: i32) -> (i32, i32) {
    %c0_i32 = arith.constant 0 : i32
    %c0_i32_0 = arith.constant 0 : i32
    %c0_i32_1 = arith.constant 0 : i32
    return %c0_i32, %c0_i32_0 : i32, i32
  }
}

</mosaic_0001>

<sc_bundles>
// kernel: kernel.10.cloned.1.call-start
scs
__scs_entry_jumppad:
0x0: {  	(pc) =	sbr.rel $0x88, $3  }
0x1: {  	(tag) =	ssettag $0x0;
	lr =	simm.s32 $0x1  }
0x2: {  	[smem:$0x3F94] =	sst lr;
	_ =	strace $0xD0000000  }
0x3: {  	_ = 	snop  }
0x4: {  	_ = 	snop  }
0x5: {  	_ = 	snop  }
0x6: {  	_ = 	snop  }
0x7: {  	_ = 	snop  }
__scs_overlays_trampoline_lowered:
0x8: {  	[smem:$0x3FA3] =	sst s0  }
0x9: {  	[smem:$0x3FA4] =	sst s1  }
0xa: {  	[smem:$0x3FA5] =	sst s2  }
0xb: {  	[smem:$0x3FA6] =	sst s3  }
0xc: {  	[smem:$0x3FA7] =	sst s4  }
0xd: {  	[smem:$0x3FA8] =	sst s5  }
0xe: {  	[smem:$0x3FA9] =	sst s6  }
0xf: {  	[smem:$0x3FAA] =	sst s7  }
0x10: {  	[smem:$0x3FAB] =	sst s8  }
0x11: {  	[smem:$0x3FAC] =	sst s9;
	s0 =	simm.s32 @!p0 $0x0  }
0x12: {  	s1 =	sld [smem:$0x3F92];
	s0 =	simm.s32 @p0 $0x1  }
0x13: {  	[smem:$0x3FAD] =	sst s0;
	s0 =	simm.s32 @!p1 $0x0  }
0x14: {  	s2 =	sld [smem:$0x3F91];
	s0 =	simm.s32 @p1 $0x1  }
0x15: {  	[smem:$0x3FAE] =	sst s0;
	s0 =	simm.s32 @!p2 $0x0  }
0x16: {  	s3 =	sld [smem:$0x3FDB];
	s0 =	simm.s32 @p2 $0x1  }
0x17: {  	s4 =	simm.s32 $0x1BF5;
	[smem:$0x3FB0] =	sst s0  }
0x18: {  	s0 =	sld [smem:$0x3F93];
	_ =	swait.ge [sflag:s4], $0x0  }
0x19: {  	s7 =	sld [smem:$0x3F94]  }
0x1a: {  	s8 =	sadd.s32 $0xFFFFE003, lr  }
0x1b: {  	s9 =	sadd.s32 $0xFFFFFEF7, lr;
	s5 =	simm.s32 $0xFFFFFFFF;
	p2 =	slt.u32 s8, $0xFFFFF086  }
0x1c: {  	p1 =	slt.u32 s9, $0xF7A;
	s5 =	simm.s32 @!p2 $0x0  }
0x1d: {  	s5 =	simm.s32 @p1 $0x1;
	p0 =	seq.s32 s7, s2  }
0x1e: {  	s7 =	smul.u32 @!p0 $0xF7A, s2;
	p2 =	seq.s32 @!p0 s5, $0x0  }
0x1f: {  	s9 =	smul.u32 $0xF7A, s1;
	s8 =	simm.s32 @!p0 $0x1BF5;
	p2 =	por !p2, p0  }
0x20: {  	[sflag:s8] =	ssyncset.s32 @!p0 $0xFFFFF086;
	s6 =	sadd.s32 @!p0 s3, s7;
	s7 =	simm.s32 @!p0 $0x108  }
0x21: {  	s3 =	sadd.s32 s3, s9;
	s6 =	sadd.s32 @!p0 $0x88, s6;
	s7 =	simm.s32 @p2 $0x1082  }
0x22: {  	[simem:s7], [sflag:s8] =	dma.local @!p0 [hbm:s6], $0xF7A  }
0x23: {  	s9 =	sor.u32 $0xD0000000, s2;
	s6 =	simm.s32 $0x108;
	_ =	swait.ge @!p0 [sflag:s8], $0x0  }
0x24: {  	s3 =	sadd.s32 $0x88, s3;
	s6 =	simm.s32 @!p1 $0x1082;
	[sflag:s4] =	ssyncset.s32 $0xFFFFF086  }
0x25: {  	[simem:s6], [sflag:s4] =	dma.local [hbm:s3], $0xF7A  }
0x26: {  	[smem:$0x3F94] =	sst s1;
	(tag) =	ssettag s2;
	_ =	strace s9  }
0x27: {  	s1 =	sld [smem:$0x3FA4]  }
0x28: {  	s2 =	sld [smem:$0x3FA5]  }
0x29: {  	s4 =	sld [smem:$0x3FA7]  }
0x2a: {  	p0 =	seq.s32 s5, $0x0;
	s5 =	sld [smem:$0x3FA8]  }
0x2b: {  	s6 =	sld [smem:$0x3FA9]  }
0x2c: {  	s7 =	sld [smem:$0x3FAA]  }
0x2d: {  	s3 =	simm.s32 $0x108;
	s8 =	sld [smem:$0x3FAB]  }
0x2e: {  	s3 =	simm.s32 @!p0 $0x1082;
	s9 =	sld [smem:$0x3FAC]  }
0x2f: {  	lr =	sadd.s32 s0, s3;
	s0 =	sld [smem:$0x3FA3]  }
0x30: {  	s3 =	sld [smem:$0x3FA6]  }
0x31: {  	[smem:$0x3FAF] =	sst s10  }
0x32: {  	s10 =	sld [smem:$0x3FAD];
	_ =	sdelay $0x3  }
0x33: {  	p0 =	seq.s32 s10, $0x1;
	s10 =	sld [smem:$0x3FAF];
	_ =	sdelay $0x3  }
0x34: {  	[smem:$0x3FAF] =	sst s10  }
0x35: {  	s10 =	sld [smem:$0x3FAE];
	_ =	sdelay $0x3  }
0x36: {  	p1 =	seq.s32 s10, $0x1;
	s10 =	sld [smem:$0x3FAF];
	_ =	sdelay $0x3  }
0x37: {  	[smem:$0x3FAF] =	sst s10  }
0x38: {  	s10 =	sld [smem:$0x3FB0]  }
0x39: {  	_ = 	snop;
	(pc) =	sbr.ind lr, $3  }
0x3a: {  	_ = 	snop  }
0x3b: {  	_ = 	snop  }
0x3c: {  	p2 =	seq.s32 s10, $0x1;
	s10 =	sld [smem:$0x3FAF]  }
0x3d: {  	_ =	shalt  }
0x3e: {  	_ =	shalt  }
0x3f: {  	_ =	shalt  }
0x40: {  	_ =	shalt  }
0x41: {  	_ =	shalt  }
0x42: {  	_ =	shalt  }
0x43: {  	_ =	shalt  }
0x44: {  	_ =	shalt  }
0x45: {  	_ =	shalt  }
0x46: {  	_ =	shalt  }
0x47: {  	_ =	shalt  }
0x48: {  	_ =	shalt  }
0x49: {  	_ =	shalt  }
0x4a: {  	_ =	shalt  }
0x4b: {  	_ =	shalt  }
0x4c: {  	_ =	shalt  }
0x4d: {  	_ =	shalt  }
0x4e: {  	_ =	shalt  }
0x4f: {  	_ =	shalt  }
0x50: {  	_ =	shalt  }
0x51: {  	_ =	shalt  }
0x52: {  	_ =	shalt  }
0x53: {  	_ =	shalt  }
0x54: {  	_ =	shalt  }
0x55: {  	_ =	shalt  }
0x56: {  	_ =	shalt  }
0x57: {  	_ =	shalt  }
0x58: {  	_ =	shalt  }
0x59: {  	_ =	shalt  }
0x5a: {  	_ =	shalt  }
0x5b: {  	_ =	shalt  }
0x5c: {  	_ =	shalt  }
0x5d: {  	_ =	shalt  }
0x5e: {  	_ =	shalt  }
0x5f: {  	_ =	shalt  }
0x60: {  	_ =	shalt  }
0x61: {  	_ =	shalt  }
0x62: {  	_ =	shalt  }
0x63: {  	_ =	shalt  }
0x64: {  	_ =	shalt  }
0x65: {  	_ =	shalt  }
0x66: {  	_ =	shalt  }
0x67: {  	_ =	shalt  }
0x68: {  	_ =	shalt  }
0x69: {  	_ =	shalt  }
0x6a: {  	_ =	shalt  }
0x6b: {  	_ =	shalt  }
0x6c: {  	_ =	shalt  }
0x6d: {  	_ =	shalt  }
0x6e: {  	_ =	shalt  }
0x6f: {  	_ =	shalt  }
0x70: {  	_ =	shalt  }
0x71: {  	_ =	shalt  }
0x72: {  	_ =	shalt  }
0x73: {  	_ =	shalt  }
0x74: {  	_ =	shalt  }
0x75: {  	_ =	shalt  }
0x76: {  	_ =	shalt  }
0x77: {  	_ =	shalt  }
0x78: {  	_ =	shalt  }
0x79: {  	_ =	shalt  }
0x7a: {  	_ =	shalt  }
0x7b: {  	_ =	shalt  }
0x7c: {  	_ =	shalt  }
0x7d: {  	_ =	shalt  }
0x7e: {  	_ =	shalt  }
0x7f: {  	_ =	shalt  }
0x80: {  	_ =	shalt  }
0x81: {  	_ =	shalt  }
0x82: {  	_ =	shalt  }
0x83: {  	_ =	shalt  }
0x84: {  	_ =	shalt  }
0x85: {  	_ =	shalt  }
0x86: {  	_ =	shalt  }
0x87: {  	_ =	shalt  }
.Lfunc_end0:
.L_simem_size_0:
called_computation_lowered:
.L_overlay_start_0:
0x88: {  	s2 =	sld [smem:$0x3FD9]  }
0x89: {  	s3 =	sld [smem:$0x3FFE];
	_ =	sdelay $0x1  }
0x8a: {  	s1 =	srdreg.scid  }
0x8b: {  	s0 =	sand.u32 $0x1, s1  }
0x8c: {  	s16 =	sshll.u32 s0, $0xA;
	s2 =	sadd.s32 s3, s2  }
0x8d: {  	s2 =	sadd.s32 s2, s16  }
0x8e: {  	[smem:$0x3FBB] =	sst s2  }
0x8f: {  	_ = 	snop  }
0x90: {  	(tm) =	ssettm $0x1  }
0x91: {  	s17 =	sld [smem:$0x3FFB];
	_ =	sdelay $0x3  }
0x92: {  	_ =	strace s17  }
0x93: {  	s2 =	sld [smem:$0x3FFC];
	_ =	sdelay $0x3  }
0x94: {  	_ =	strace s2  }
0x95: {  	s2 =	sld [smem:$0x3FFD];
	_ =	sdelay $0x3  }
0x96: {  	_ =	strace s2  }
0x97: {  	_ =	strace $0x8FFFFFFF  }
0x98: {  	s18 =	sld [smem:$0x3FDB];
	_ =	sdelay $0x1  }
0x99: {  	s19 =	simm.s32 $_scs_section_size  }
0x9a: {  	s4 =	simm.s32 $_size__tile_overlayer_lowered;
	s5 =	simm.s32 $_tile_overlayer_lowered  }
0x9b: {  	s22 =	simm.s32 $0x1BFF;
	s21 =	sshll.u32 s5, $0x1;
	s2 =	sadd.s32 s19, s18  }
0x9c: {  	s6 =	simm.s32 $0x0;
	s20 =	sshll.u32 s4, $0x1;
	s4 =	sadd.s32 s21, s2  }
0x9d: {  	[timem:s6], [sflag:s22] =	dma.local [hbm:s4], s20  }
0x9e: {  	_ =	swait.ge [sflag:s22], s20  }
0x9f: {  	s3 =	ssub.s32 $0x0, s20;
	[sflag:s22] =	ssyncset.done $0x0  }
0xa0: {  	[sflag:s22] =	ssyncadd.s32 s3;
	_ =	sdelay $0x1  }
0xa1: {  	s23 =	simm.s32 $0x1B8B  }
0xa2: {  	_ =	swait.ge [sflag:s23], $0x1  }
0xa3: {  	[sflag:s23] =	ssyncset.done $0x0  }
0xa4: {  	s25 =	simm.s32 $0x1B8E;
	s24 =	sld [smem:$0x3FFE];
	[sflag:s23] =	ssyncadd.s32 $0xFFFFFFFF  }
0xa5: {  	s26 =	simm.s32 $execute0_lowered;
	[smem:$0x3FD2] =	sst s25  }
0xa6: {  	s4 =	sshll.u32 s26, $0x1;
	_ =	strace $0x80000046;
	[dreg:$0x1] =	wrdreg $0xFFFFFFFF  }
0xa7: {  	s28 =	simm.s32 $_size_execute0_lowered;
	s2 =	sadd.s32 s2, s4;
	[dreg:$0x0] =	wrdreg $0x0  }
0xa8: {  	s4 =	sshll.u32 s28, $0x1;
	[dreg:$0x2] =	wrdreg s2  }
0xa9: {  	[dreg:$0x3] =	wrdreg s4  }
0xaa: {  	[dreg:$0x4] =	wrdreg $0xC0  }
0xab: {  	_ =	task [dreg:s6], $0x5FFFF  }
0xac: {  	[dreg:$0x1] =	wrdreg $0xFFFFFFFF  }
0xad: {  	[dreg:$0x0] =	wrdreg $0x60  }
0xae: {  	[dreg:$0x2] =	wrdreg s24  }
0xaf: {  	[dreg:$0x3] =	wrdreg $0x2B000  }
0xb0: {  	[dreg:$0x4] =	wrdreg $0x9  }
0xb1: {  	_ =	task.clear_ibuf [dreg:s6], $0x5FFFF;
	_ =	strace $0x90000046  }
0xb2: {  	s29 =	simm.s32 $0x9;
	_ =	strace $0x80000048  }
0xb3: {  	_ =	swait.ge [sflag:s29], $0x1  }
0xb4: {  	[sflag:s29] =	ssyncadd.s32 $0xFFFFFFFF  }
0xb5: {  	_ =	strace $0x90000048  }
0xb6: {  	_ =	sfence  }
0xb7: {  	s30 =	sld [smem:$0x0];
	_ =	sdelay $0x2  }
0xb8: {  	s31 =	sshll.u32 s1, $0xD;
	s1 =	sshrl.u32 s1, $0x2  }
0xb9: {  	s3 =	sand.u32 $0x4000, s31;
	s1 =	sadd.s32 s1, s30  }
0xba: {  	s0 =	sor.u32 s3, s0;
	s1 =	sshll.u32 s1, $0x11  }
0xbb: {  	s0 =	sor.u32 s1, s0  }
0xbc: {  	s0 =	sadd.s32 $0x8F2B, s0  }
0xbd: {  	[sflag:s0] =	ssyncadd.remote.s32 $0x1  }
0xbe: {  	_ =	sfence.sel $0xFFFF  }
0xbf: {  	[dreg:$0x0] =	wrdreg $0xFFFFFFFF;
	(pc) =	sbr.abs _section_cstart, $3  }
0xc0: {  	[dreg:$0x1] =	wrdreg $0xFFFFFFFF  }
0xc1: {  	_ =	task.clear_ibuf [dreg:s6], $0x2FFFF;
	_ =	strace $0x9FFFFFFF  }
0xc2: {  	(tm) =	ssettm $0x7FFFFFFF  }
0xc3: {  	_ =	shalt  }
tec
execute0_lowered:
.L_overlay_start_1:
0x0: {  	(tag) =	ssettag $0x1  }
0x1: {  	s4 =	rddreg [dreg:$0x0];
	s1 =	srdreg.scid  }
0x2: {  	s0 =	stileid.u32;
	s2 =	rddreg [dreg:$0x1];
	s3 =	simm.s32 $0x0  }
0x3: {  	s13 =	simm.s32 $0x0;
	s5 =	sand.u32 $0x1, s1;
	s1 =	rddreg [dreg:$0x2]  }
0x4: {  	s6 =	sshll.u32 s0, $0x1;
	[smem:$0x7FF] =	sst s3;
	s8 =	smul.u32 $0xA00, s0  }
0x5: {  	s12 =	smul.u32 $0xA0, s0;
	s6 =	sor.u32 s5, s6;
	_ =	strace $0x80000047  }
0x6: {  	s7 =	ssub.s32 $0x2, s5;
	s5 =	sshll.u32 s5, $0x4;
	s6 =	smul.u32 $0x500, s6  }
0x7: {  	s9 =	sshrl.u32 s7, $0x1;
	s10 =	sadd.s32 s5, s4;
	s31 =	sshrl.u32 s8, $0x2  }
0x8: {  	s8 =	simm.s32 $0x1;
	s7 =	ssub.s32 s7, s9;
	s11 =	sadd.s32 $0x17600, s10  }
0x9: {  	s9 =	simm.s32 $0x80;
	s10 =	simm.s32 $0x2800;
	s6 =	sadd.s32 s6, s4  }
0xa: {  	s4 =	sadd.s32 s31, s2;
	s11 =	sadd.s32 s12, s11;
	s12 =	simm.s32 $0x100  }
0xb: {  	v0 =	vimm.f32 $0.0e+00;
	v1 =	vimm.f32 $1.000000000e+00;
	s5 =	sadd.s32 $0x3600, s6;
	s6 =	smax.u32 s7, $0x1;
	s7 =	simm.s32 $0x2880  }
.LBB2_1:
0xc: {  	[tilespmem:$0x2880] =	vst v0  }
0xd: {  	[tilespmem:$0x2890] =	vst v0  }
0xe: {  	[tilespmem:$0x28A0] =	vst v0  }
0xf: {  	[tilespmem:$0x28B0] =	vst v0  }
0x10: {  	[tilespmem:$0x28C0] =	vst v0  }
0x11: {  	[tilespmem:$0x28D0] =	vst v0  }
0x12: {  	[tilespmem:$0x28E0] =	vst v0  }
0x13: {  	[tilespmem:$0x28F0] =	vst v0  }
0x14: {  	[tilespmem:$0x2900] =	vst v0  }
0x15: {  	[tilespmem:$0x2910] =	vst v0  }
0x16: {  	[tilespmem:$0x2920] =	vst v0  }
0x17: {  	[tilespmem:$0x2930] =	vst v0  }
0x18: {  	[tilespmem:$0x2940] =	vst v0  }
0x19: {  	[tilespmem:$0x2950] =	vst v0  }
0x1a: {  	[tilespmem:$0x2960] =	vst v0  }
0x1b: {  	[tilespmem:$0x2970] =	vst v0  }
0x1c: {  	[tilespmem:$0x2980] =	vst v0  }
0x1d: {  	[tilespmem:$0x2990] =	vst v0  }
0x1e: {  	[tilespmem:$0x29A0] =	vst v0  }
0x1f: {  	[tilespmem:$0x29B0] =	vst v0  }
0x20: {  	[tilespmem:$0x29C0] =	vst v0  }
0x21: {  	[tilespmem:$0x29D0] =	vst v0  }
0x22: {  	[tilespmem:$0x29E0] =	vst v0  }
0x23: {  	[tilespmem:$0x29F0] =	vst v0  }
0x24: {  	[tilespmem:$0x2A00] =	vst v0  }
0x25: {  	[tilespmem:$0x2A10] =	vst v0  }
0x26: {  	[tilespmem:$0x2A20] =	vst v0  }
0x27: {  	[tilespmem:$0x2A30] =	vst v0  }
0x28: {  	[tilespmem:$0x2A40] =	vst v0  }
0x29: {  	[tilespmem:$0x2A50] =	vst v0  }
0x2a: {  	[tilespmem:$0x2A60] =	vst v0  }
0x2b: {  	[tilespmem:$0x2A70] =	vst v0  }
0x2c: {  	[tilespmem:$0x2A80] =	vst v0  }
0x2d: {  	[tilespmem:$0x2A90] =	vst v0  }
0x2e: {  	[tilespmem:$0x2AA0] =	vst v0  }
0x2f: {  	[tilespmem:$0x2AB0] =	vst v0  }
0x30: {  	[tilespmem:$0x2AC0] =	vst v0  }
0x31: {  	[tilespmem:$0x2AD0] =	vst v0  }
0x32: {  	[tilespmem:$0x2AE0] =	vst v0  }
0x33: {  	[tilespmem:$0x2AF0] =	vst v0  }
0x34: {  	[tilespmem:$0x2800] =	vst v1  }
0x35: {  	[tilespmem:$0x2810] =	vst v1  }
0x36: {  	[tilespmem:$0x2820] =	vst v1  }
0x37: {  	[tilespmem:$0x2830] =	vst v1  }
0x38: {  	[tilespmem:$0x2840] =	vst v1  }
0x39: {  	[tilespmem:$0x2850] =	vst v1  }
0x3a: {  	[tilespmem:$0x2860] =	vst v1  }
0x3b: {  	[tilespmem:$0x2870] =	vst v1  }
0x3c: {  	[spmem:s4] =	stream.linear.scatter [tilespmem:s7], [sflag:$0x1], $0x280, $0x38;
	[tilespmem:$0x2D80] =	vst v63  }
0x3d: {  	_ =	swait.ge [sflag:s8], $0x280  }
0x3e: {  	[sflag:s8] =	ssyncset.done $0x0  }
0x3f: {  	[sflag:s8] =	ssyncadd.s32 $0xFFFFFD80  }
0x40: {  	[bflag:$0x0] =	sbarrier.arrive $0xFFFF  }
0x41: {  	[tilespmem:s3], [sflag:$0x1] =	stream.linear.gather [hbm4b:s5+s3], $0x2800, $0x38;
	[tilespmem:$0x2D80] =	vst v63  }
0x42: {  	_ =	swait.ge [sflag:s8], $0x2800  }
0x43: {  	[sflag:s8] =	ssyncset.done $0x0  }
0x44: {  	s14 =	simm.s32 $0x0;
	[sflag:s8] =	ssyncadd.s32 $0xFFFFD800  }
0x45: {  	[spmem:s2] =	stream.indirect.scatter.add.f32 [tilespmem:s10], [sflag:$0x1], $0x1, s14, s9, $0xb8;
	[tilespmem:$0x2D80] =	vst v63  }
0x46: {  	_ =	swait.ge [sflag:s8], $0x80  }
0x47: {  	s14 =	simm.s32 $0x200;
	[sflag:s8] =	ssyncset.done $0x0  }
.LBB2_2:
0x48: {  	s15 =	sshra.s32 s14, $0x2;
	[sflag:s8] =	ssyncadd.s32 $0xFFFFFF80;
	p0 =	sne.s32 s14, $0x9E00  }
0x49: {  	[spmem:s2] =	stream.indirect.scatter.add.f32 [tilespmem:s10], [sflag:$0x1], $0x1, s15, s9, $0xb8;
	[tilespmem:$0x2D80] =	vst v63  }
.Ltmp0:
0x4a: {  	_ = 	snop;
	(pc) =	sbr.rel @p0 .LBB2_2-.Ltmp0, $4  }
0x4b: {  	_ = 	snop  }
0x4c: {  	s14 =	sadd.s32 $0x200, s14  }
0x4d: {  	_ =	swait.ge [sflag:s8], $0x80  }
0x4e: {  	[sflag:s8] =	ssyncset.done $0x0  }
0x4f: {  	[sflag:s8] =	ssyncadd.s32 $0xFFFFFF80  }
0x50: {  	[bflag:$0x0] =	sbarrier.arrive $0xFFFF  }
0x51: {  	[tilespmem:s7], [sflag:$0x1] =	stream.linear.gather [spmem:s4], $0x280, $0x38;
	[tilespmem:$0x2D80] =	vst v63  }
0x52: {  	s13 =	sadd.s32 $0x1, s13;
	_ =	swait.ge [sflag:s8], $0x280  }
0x53: {  	p0 =	sne.s32 s13, s6;
	[sflag:s8] =	ssyncset.done $0x0  }
.Ltmp1:
0x54: {  	[sflag:s8] =	ssyncadd.s32 $0xFFFFFD80;
	(pc) =	sbr.rel @p0 .LBB2_1-.Ltmp1, $4  }
0x55: {  	[hbm4b:s11+s9] =	stream.strided.scatter [tilespmem:s7], [sflag:$0x1], $0x280, s12, s9, $0x38;
	[tilespmem:$0x2D80] =	vst v63  }
0x56: {  	_ =	swait.ge [sflag:s8], $0x280  }
0x57: {  	[sflag:s8] =	ssyncset.done $0x0  }
0x58: {  	[sflag:s8] =	ssyncadd.s32 $0xFFFFFD80  }
0x59: {  	_ =	sfence.sel $0x180000  }
0x5a: {  	[bflag:$0x0] =	sbarrier.arrive $0xFFFF  }
0x5b: {  	p0 =	sne.s32 s0, $0x0;
	_ =	strace $0x90000047  }
0x5c: {  	s0 =	sadd.s32 @!p0 $0x100000, s1;
	[bflag:$0x2] =	sbarrier.arrive $0xFFFF  }
0x5d: {  	[sflag:s0] =	ssyncadd.tile.s32 @!p0 $0x1;
	_ =	shalt  }
.Lfunc_end2:
_tile_overlayer_lowered:
.L_overlay_start_2:
0x5e: {  	(tag) =	ssettag $0x2  }
0x5f: {  	s0 =	rddreg [dreg:$0x0];
	s2 =	stileid.u32  }
0x60: {  	s1 =	rddreg [dreg:$0x1];
	p0 =	sne.s32 s2, $0x0  }
0x61: {  	s3 =	rddreg [dreg:$0x2];
	[bflag:$0x3] =	sbarrier.arrive $0xFFFF;
	s2 =	simm.s32 @!p0 $0x1C01  }
0x62: {  	[timem:s3], [sflag:s2] =	dma.local @!p0 [hbm:s0], s1  }
0x63: {  	s0 =	simm.s32 @!p0 $0x1  }
0x64: {  	_ =	swait.ge @!p0 [sflag:s0], s1  }
0x65: {  	s1 =	ssub.s32 @!p0 $0x0, s1;
	[sflag:s0] =	ssyncset.done @!p0 $0x0  }
0x66: {  	[sflag:s0] =	ssyncadd.s32 @!p0 s1  }
0x67: {  	[bflag:$0x3] =	sbarrier.arrive $0xFFFF  }
0x68: {  	_ =	shalt  }

// kernel: kernel.13.cloned.1.call-start
scs
__scs_entry_jumppad:
0x0: {  	(pc) =	sbr.rel $0x88, $3  }
0x1: {  	(tag) =	ssettag $0x0;
	lr =	simm.s32 $0x1  }
0x2: {  	[smem:$0x3F94] =	sst lr;
	_ =	strace $0xD0000000  }
0x3: {  	_ = 	snop  }
0x4: {  	_ = 	snop  }
0x5: {  	_ = 	snop  }
0x6: {  	_ = 	snop  }
0x7: {  	_ = 	snop  }
__scs_overlays_trampoline_lowered:
0x8: {  	[smem:$0x3FA3] =	sst s0  }
0x9: {  	[smem:$0x3FA4] =	sst s1  }
0xa: {  	[smem:$0x3FA5] =	sst s2  }
0xb: {  	[smem:$0x3FA6] =	sst s3  }
0xc: {  	[smem:$0x3FA7] =	sst s4  }
0xd: {  	[smem:$0x3FA8] =	sst s5  }
0xe: {  	[smem:$0x3FA9] =	sst s6  }
0xf: {  	[smem:$0x3FAA] =	sst s7  }
0x10: {  	[smem:$0x3FAB] =	sst s8  }
0x11: {  	[smem:$0x3FAC] =	sst s9;
	s0 =	simm.s32 @!p0 $0x0  }
0x12: {  	s1 =	sld [smem:$0x3F92];
	s0 =	simm.s32 @p0 $0x1  }
0x13: {  	[smem:$0x3FAD] =	sst s0;
	s0 =	simm.s32 @!p1 $0x0  }
0x14: {  	s2 =	sld [smem:$0x3F91];
	s0 =	simm.s32 @p1 $0x1  }
0x15: {  	[smem:$0x3FAE] =	sst s0;
	s0 =	simm.s32 @!p2 $0x0  }
0x16: {  	s3 =	sld [smem:$0x3FDB];
	s0 =	simm.s32 @p2 $0x1  }
0x17: {  	s4 =	simm.s32 $0x1BF5;
	[smem:$0x3FB0] =	sst s0  }
0x18: {  	s0 =	sld [smem:$0x3F93];
	_ =	swait.ge [sflag:s4], $0x0  }
0x19: {  	s7 =	sld [smem:$0x3F94]  }
0x1a: {  	s8 =	sadd.s32 $0xFFFFE003, lr  }
0x1b: {  	s9 =	sadd.s32 $0xFFFFFEF7, lr;
	s5 =	simm.s32 $0xFFFFFFFF;
	p2 =	slt.u32 s8, $0xFFFFF086  }
0x1c: {  	p1 =	slt.u32 s9, $0xF7A;
	s5 =	simm.s32 @!p2 $0x0  }
0x1d: {  	s5 =	simm.s32 @p1 $0x1;
	p0 =	seq.s32 s7, s2  }
0x1e: {  	s7 =	smul.u32 @!p0 $0xF7A, s2;
	p2 =	seq.s32 @!p0 s5, $0x0  }
0x1f: {  	s9 =	smul.u32 $0xF7A, s1;
	s8 =	simm.s32 @!p0 $0x1BF5;
	p2 =	por !p2, p0  }
0x20: {  	[sflag:s8] =	ssyncset.s32 @!p0 $0xFFFFF086;
	s6 =	sadd.s32 @!p0 s3, s7;
	s7 =	simm.s32 @!p0 $0x108  }
0x21: {  	s3 =	sadd.s32 s3, s9;
	s6 =	sadd.s32 @!p0 $0x88, s6;
	s7 =	simm.s32 @p2 $0x1082  }
0x22: {  	[simem:s7], [sflag:s8] =	dma.local @!p0 [hbm:s6], $0xF7A  }
0x23: {  	s9 =	sor.u32 $0xD0000000, s2;
	s6 =	simm.s32 $0x108;
	_ =	swait.ge @!p0 [sflag:s8], $0x0  }
0x24: {  	s3 =	sadd.s32 $0x88, s3;
	s6 =	simm.s32 @!p1 $0x1082;
	[sflag:s4] =	ssyncset.s32 $0xFFFFF086  }
0x25: {  	[simem:s6], [sflag:s4] =	dma.local [hbm:s3], $0xF7A  }
0x26: {  	[smem:$0x3F94] =	sst s1;
	(tag) =	ssettag s2;
	_ =	strace s9  }
0x27: {  	s1 =	sld [smem:$0x3FA4]  }
0x28: {  	s2 =	sld [smem:$0x3FA5]  }
0x29: {  	s4 =	sld [smem:$0x3FA7]  }
0x2a: {  	p0 =	seq.s32 s5, $0x0;
	s5 =	sld [smem:$0x3FA8]  }
0x2b: {  	s6 =	sld [smem:$0x3FA9]  }
0x2c: {  	s7 =	sld [smem:$0x3FAA]  }
0x2d: {  	s3 =	simm.s32 $0x108;
	s8 =	sld [smem:$0x3FAB]  }
0x2e: {  	s3 =	simm.s32 @!p0 $0x1082;
	s9 =	sld [smem:$0x3FAC]  }
0x2f: {  	lr =	sadd.s32 s0, s3;
	s0 =	sld [smem:$0x3FA3]  }
0x30: {  	s3 =	sld [smem:$0x3FA6]  }
0x31: {  	[smem:$0x3FAF] =	sst s10  }
0x32: {  	s10 =	sld [smem:$0x3FAD];
	_ =	sdelay $0x3  }
0x33: {  	p0 =	seq.s32 s10, $0x1;
	s10 =	sld [smem:$0x3FAF];
	_ =	sdelay $0x3  }
0x34: {  	[smem:$0x3FAF] =	sst s10  }
0x35: {  	s10 =	sld [smem:$0x3FAE];
	_ =	sdelay $0x3  }
0x36: {  	p1 =	seq.s32 s10, $0x1;
	s10 =	sld [smem:$0x3FAF];
	_ =	sdelay $0x3  }
0x37: {  	[smem:$0x3FAF] =	sst s10  }
0x38: {  	s10 =	sld [smem:$0x3FB0]  }
0x39: {  	_ = 	snop;
	(pc) =	sbr.ind lr, $3  }
0x3a: {  	_ = 	snop  }
0x3b: {  	_ = 	snop  }
0x3c: {  	p2 =	seq.s32 s10, $0x1;
	s10 =	sld [smem:$0x3FAF]  }
0x3d: {  	_ =	shalt  }
0x3e: {  	_ =	shalt  }
0x3f: {  	_ =	shalt  }
0x40: {  	_ =	shalt  }
0x41: {  	_ =	shalt  }
0x42: {  	_ =	shalt  }
0x43: {  	_ =	shalt  }
0x44: {  	_ =	shalt  }
0x45: {  	_ =	shalt  }
0x46: {  	_ =	shalt  }
0x47: {  	_ =	shalt  }
0x48: {  	_ =	shalt  }
0x49: {  	_ =	shalt  }
0x4a: {  	_ =	shalt  }
0x4b: {  	_ =	shalt  }
0x4c: {  	_ =	shalt  }
0x4d: {  	_ =	shalt  }
0x4e: {  	_ =	shalt  }
0x4f: {  	_ =	shalt  }
0x50: {  	_ =	shalt  }
0x51: {  	_ =	shalt  }
0x52: {  	_ =	shalt  }
0x53: {  	_ =	shalt  }
0x54: {  	_ =	shalt  }
0x55: {  	_ =	shalt  }
0x56: {  	_ =	shalt  }
0x57: {  	_ =	shalt  }
0x58: {  	_ =	shalt  }
0x59: {  	_ =	shalt  }
0x5a: {  	_ =	shalt  }
0x5b: {  	_ =	shalt  }
0x5c: {  	_ =	shalt  }
0x5d: {  	_ =	shalt  }
0x5e: {  	_ =	shalt  }
0x5f: {  	_ =	shalt  }
0x60: {  	_ =	shalt  }
0x61: {  	_ =	shalt  }
0x62: {  	_ =	shalt  }
0x63: {  	_ =	shalt  }
0x64: {  	_ =	shalt  }
0x65: {  	_ =	shalt  }
0x66: {  	_ =	shalt  }
0x67: {  	_ =	shalt  }
0x68: {  	_ =	shalt  }
0x69: {  	_ =	shalt  }
0x6a: {  	_ =	shalt  }
0x6b: {  	_ =	shalt  }
0x6c: {  	_ =	shalt  }
0x6d: {  	_ =	shalt  }
0x6e: {  	_ =	shalt  }
0x6f: {  	_ =	shalt  }
0x70: {  	_ =	shalt  }
0x71: {  	_ =	shalt  }
0x72: {  	_ =	shalt  }
0x73: {  	_ =	shalt  }
0x74: {  	_ =	shalt  }
0x75: {  	_ =	shalt  }
0x76: {  	_ =	shalt  }
0x77: {  	_ =	shalt  }
0x78: {  	_ =	shalt  }
0x79: {  	_ =	shalt  }
0x7a: {  	_ =	shalt  }
0x7b: {  	_ =	shalt  }
0x7c: {  	_ =	shalt  }
0x7d: {  	_ =	shalt  }
0x7e: {  	_ =	shalt  }
0x7f: {  	_ =	shalt  }
0x80: {  	_ =	shalt  }
0x81: {  	_ =	shalt  }
0x82: {  	_ =	shalt  }
0x83: {  	_ =	shalt  }
0x84: {  	_ =	shalt  }
0x85: {  	_ =	shalt  }
0x86: {  	_ =	shalt  }
0x87: {  	_ =	shalt  }
.Lfunc_end0:
.L_simem_size_0:
called_computation.1_lowered:
.L_overlay_start_0:
0x88: {  	s2 =	sld [smem:$0x3FD9]  }
0x89: {  	s3 =	sld [smem:$0x3FFE];
	_ =	sdelay $0x1  }
0x8a: {  	s1 =	srdreg.scid  }
0x8b: {  	s0 =	sand.u32 $0x1, s1  }
0x8c: {  	s16 =	sshll.u32 s0, $0xA;
	s2 =	sadd.s32 s3, s2  }
0x8d: {  	s2 =	sadd.s32 s2, s16  }
0x8e: {  	[smem:$0x3FBB] =	sst s2  }
0x8f: {  	_ = 	snop  }
0x90: {  	(tm) =	ssettm $0x1  }
0x91: {  	s17 =	sld [smem:$0x3FFB];
	_ =	sdelay $0x3  }
0x92: {  	_ =	strace s17  }
0x93: {  	s2 =	sld [smem:$0x3FFC];
	_ =	sdelay $0x3  }
0x94: {  	_ =	strace s2  }
0x95: {  	s2 =	sld [smem:$0x3FFD];
	_ =	sdelay $0x3  }
0x96: {  	_ =	strace s2  }
0x97: {  	_ =	strace $0x8FFFFFFF  }
0x98: {  	s18 =	sld [smem:$0x3FDB];
	_ =	sdelay $0x1  }
0x99: {  	s19 =	simm.s32 $_scs_section_size  }
0x9a: {  	s4 =	simm.s32 $_size__tile_overlayer_lowered;
	s5 =	simm.s32 $_tile_overlayer_lowered  }
0x9b: {  	s22 =	simm.s32 $0x1BFF;
	s21 =	sshll.u32 s5, $0x1;
	s2 =	sadd.s32 s19, s18  }
0x9c: {  	s6 =	simm.s32 $0x0;
	s20 =	sshll.u32 s4, $0x1;
	s4 =	sadd.s32 s21, s2  }
0x9d: {  	[timem:s6], [sflag:s22] =	dma.local [hbm:s4], s20  }
0x9e: {  	_ =	swait.ge [sflag:s22], s20  }
0x9f: {  	s3 =	ssub.s32 $0x0, s20;
	[sflag:s22] =	ssyncset.done $0x0  }
0xa0: {  	[sflag:s22] =	ssyncadd.s32 s3;
	_ =	sdelay $0x1  }
0xa1: {  	s23 =	simm.s32 $0x1B8B  }
0xa2: {  	_ =	swait.ge [sflag:s23], $0x1  }
0xa3: {  	[sflag:s23] =	ssyncset.done $0x0  }
0xa4: {  	s25 =	simm.s32 $0x1B8E;
	s24 =	sld [smem:$0x3FFE];
	[sflag:s23] =	ssyncadd.s32 $0xFFFFFFFF  }
0xa5: {  	s26 =	simm.s32 $execute0_lowered;
	[smem:$0x3FD2] =	sst s25  }
0xa6: {  	s4 =	sshll.u32 s26, $0x1;
	_ =	strace $0x80000049;
	[dreg:$0x1] =	wrdreg $0xFFFFFFFF  }
0xa7: {  	s28 =	simm.s32 $_size_execute0_lowered;
	s2 =	sadd.s32 s2, s4;
	[dreg:$0x0] =	wrdreg $0x0  }
0xa8: {  	s4 =	sshll.u32 s28, $0x1;
	[dreg:$0x2] =	wrdreg s2  }
0xa9: {  	[dreg:$0x3] =	wrdreg s4  }
0xaa: {  	[dreg:$0x4] =	wrdreg $0xC0  }
0xab: {  	_ =	task [dreg:s6], $0x5FFFF  }
0xac: {  	[dreg:$0x1] =	wrdreg $0xFFFFFFFF  }
0xad: {  	[dreg:$0x0] =	wrdreg $0x60  }
0xae: {  	[dreg:$0x2] =	wrdreg s24  }
0xaf: {  	[dreg:$0x3] =	wrdreg $0xA8000  }
0xb0: {  	[dreg:$0x4] =	wrdreg $0x9  }
0xb1: {  	_ =	task.clear_ibuf [dreg:s6], $0x5FFFF;
	_ =	strace $0x90000049  }
0xb2: {  	s29 =	simm.s32 $0x9;
	_ =	strace $0x8000004B  }
0xb3: {  	_ =	swait.ge [sflag:s29], $0x1  }
0xb4: {  	[sflag:s29] =	ssyncadd.s32 $0xFFFFFFFF  }
0xb5: {  	_ =	strace $0x9000004B  }
0xb6: {  	_ =	sfence  }
0xb7: {  	s30 =	sld [smem:$0x0];
	_ =	sdelay $0x2  }
0xb8: {  	s31 =	sshll.u32 s1, $0xD;
	s1 =	sshrl.u32 s1, $0x2  }
0xb9: {  	s3 =	sand.u32 $0x4000, s31;
	s1 =	sadd.s32 s1, s30  }
0xba: {  	s0 =	sor.u32 s3, s0;
	s1 =	sshll.u32 s1, $0x11  }
0xbb: {  	s0 =	sor.u32 s1, s0  }
0xbc: {  	s0 =	sadd.s32 $0x8F2B, s0  }
0xbd: {  	[sflag:s0] =	ssyncadd.remote.s32 $0x1  }
0xbe: {  	_ =	sfence.sel $0xFFFF  }
0xbf: {  	[dreg:$0x0] =	wrdreg $0xFFFFFFFF;
	(pc) =	sbr.abs _section_cstart, $3  }
0xc0: {  	[dreg:$0x1] =	wrdreg $0xFFFFFFFF  }
0xc1: {  	_ =	task.clear_ibuf [dreg:s6], $0x2FFFF;
	_ =	strace $0x9FFFFFFF  }
0xc2: {  	(tm) =	ssettm $0x7FFFFFFF  }
0xc3: {  	_ =	shalt  }
tec
execute0_lowered:
.L_overlay_start_1:
0x0: {  	(tag) =	ssettag $0x1  }
0x1: {  	s0 =	rddreg [dreg:$0x0]  }
0x2: {  	s1 =	rddreg [dreg:$0x1];
	s2 =	simm.s32 $0x0;
	s3 =	srdreg.scid  }
0x3: {  	s20 =	stileid.u32;
	s28 =	simm.s32 $0x2;
	s29 =	simm.s32 $0x3  }
0x4: {  	s30 =	simm.s32 $0x4;
	s31 =	simm.s32 $0x2700;
	[smem:$0x7FF] =	sst s2  }
0x5: {  	s4 =	sand.u32 $0x1, s3;
	s3 =	sadd.s32 $0x17600, s0;
	s9 =	smul.u32 $0x280, s20  }
0x6: {  	s5 =	sadd.s32 $0xD600, s0;
	s11 =	sadd.s32 $0x3600, s0;
	s10 =	smul.u32 $0x50000, s20  }
0x7: {  	s7 =	sadd.s32 $0x3E800, s0;
	s8 =	sshll.u32 s20, $0x1;
	s22 =	smul.u32 $0x2800, s20  }
0x8: {  	_ =	strace $0x8000004A;
	s6 =	smul.u32 $0x28000, s4;
	s25 =	ssub.s32 $0x2, s4  }
0x9: {  	[dreg:$0x3] =	wrdreg s7;
	s4 =	sor.u32 s4, s8;
	s26 =	sshrl.u32 s25, $0x1  }
0xa: {  	s16 =	sadd.s32 $0x80, s9;
	s8 =	sshrl.u32 s10, $0x2;
	s17 =	sadd.s32 $0x100, s9  }
0xb: {  	s18 =	sadd.s32 $0x180, s9;
	s13 =	smul.u32 $0x2800, s4;
	s19 =	sadd.s32 $0x200, s9  }
0xc: {  	s4 =	smul.u32 $0x500, s4;
	s0 =	sadd.s32 s6, s0;
	s15 =	ssub.s32 s25, s26  }
0xd: {  	s10 =	sshll.u32 s16, $0x7;
	s6 =	sadd.s32 s8, s1;
	s12 =	sshll.u32 s17, $0x7  }
0xe: {  	s14 =	sshll.u32 s19, $0x7;
	s25 =	sshll.u32 s16, $0x4;
	s26 =	sshll.u32 s17, $0x4  }
0xf: {  	s23 =	sshll.u32 s18, $0x4;
	s24 =	sshll.u32 s19, $0x4;
	s16 =	simm.s32 $0x2800  }
0x10: {  	s17 =	simm.s32 $0x5;
	s19 =	simm.s32 $0x80;
	s7 =	sadd.s32 s10, s1  }
0x11: {  	s8 =	sadd.s32 s12, s1;
	s12 =	sshll.u32 s18, $0x7;
	s13 =	sshrl.u32 s13, $0x3  }
0x12: {  	s10 =	sadd.s32 s14, s1;
	s21 =	sadd.s32 s5, s4;
	s4 =	sadd.s32 s11, s4  }
0x13: {  	s0 =	sadd.s32 $0x3F000, s0;
	s15 =	smax.u32 s15, $0x1;
	s18 =	simm.s32 $0x1400  }
0x14: {  	s9 =	sadd.s32 s12, s1;
	[dreg:$0x4] =	wrdreg s21;
	s14 =	sadd.s32 $0x280, s13  }
0x15: {  	[dreg:$0x5] =	wrdreg s4;
	s20 =	sadd.s32 s22, s0;
	s21 =	sadd.s32 s25, s0  }
0x16: {  	s22 =	sadd.s32 s26, s0;
	s23 =	sadd.s32 s23, s0;
	s24 =	sadd.s32 s24, s0  }
0x17: {  	s25 =	simm.s32 $0x6800;
	s26 =	simm.s32 $0x1;
	s0 =	simm.s32 $0x2780  }
0x18: {  	s4 =	simm.s32 $0x0;
	s13 =	sadd.s32 s5, s14;
	s14 =	sadd.s32 s11, s14  }
.LBB2_1:
0x19: {  	s5 =	rddreg [dreg:$0x3]  }
0x1a: {  	[tilespmem:s16], [sflag:$0x5] =	stream.linear.gather [hbm4b:s5+s2], $0x4000, $0x38;
	[tilespmem:$0x1E800] =	vst v63  }
0x1b: {  	_ =	swait.ge [sflag:s17], $0x4000  }
0x1c: {  	[sflag:s17] =	ssyncset.done $0x0  }
0x1d: {  	[sflag:s17] =	ssyncadd.s32 $0xFFFFC000  }
0x1e: {  	[spmem:s6] =	stream.linear.scatter [tilespmem:s16], [sflag:$0x5], $0x4000, $0x38;
	[tilespmem:$0x1E800] =	vst v63  }
0x1f: {  	_ =	swait.ge [sflag:s17], $0x4000  }
0x20: {  	[sflag:s17] =	ssyncset.done $0x0  }
0x21: {  	[sflag:s17] =	ssyncadd.s32 $0xFFFFC000  }
0x22: {  	[spmem:s7] =	stream.linear.scatter [tilespmem:s16], [sflag:$0x5], $0x4000, $0x38;
	[tilespmem:$0x1E800] =	vst v63  }
0x23: {  	_ =	swait.ge [sflag:s17], $0x4000  }
0x24: {  	[sflag:s17] =	ssyncset.done $0x0  }
0x25: {  	[sflag:s17] =	ssyncadd.s32 $0xFFFFC000  }
0x26: {  	[spmem:s8] =	stream.linear.scatter [tilespmem:s16], [sflag:$0x5], $0x4000, $0x38;
	[tilespmem:$0x1E800] =	vst v63  }
0x27: {  	_ =	swait.ge [sflag:s17], $0x4000  }
0x28: {  	[sflag:s17] =	ssyncset.done $0x0  }
0x29: {  	[sflag:s17] =	ssyncadd.s32 $0xFFFFC000  }
0x2a: {  	[spmem:s9] =	stream.linear.scatter [tilespmem:s16], [sflag:$0x5], $0x4000, $0x38;
	[tilespmem:$0x1E800] =	vst v63  }
0x2b: {  	_ =	swait.ge [sflag:s17], $0x4000  }
0x2c: {  	[sflag:s17] =	ssyncset.done $0x0  }
0x2d: {  	[sflag:s17] =	ssyncadd.s32 $0xFFFFC000  }
0x2e: {  	[spmem:s10] =	stream.linear.scatter [tilespmem:s16], [sflag:$0x5], $0x4000, $0x38;
	[tilespmem:$0x1E800] =	vst v63  }
0x2f: {  	_ =	swait.ge [sflag:s17], $0x4000  }
0x30: {  	[sflag:s17] =	ssyncset.done $0x0  }
0x31: {  	[sflag:s17] =	ssyncadd.s32 $0xFFFFC000  }
0x32: {  	[bflag:$0x0] =	sbarrier.arrive $0xFFFF  }
0x33: {  	s12 =	rddreg [dreg:$0x4]  }
0x34: {  	[tilespmem:s2], [sflag:$0x5] =	stream.linear.gather [hbm4b:s12+s2], $0x1400, $0x38;
	[tilespmem:$0x1E800] =	vst v63  }
0x35: {  	_ =	swait.ge [sflag:s17], $0x1400  }
0x36: {  	[sflag:s17] =	ssyncset.done $0x0  }
0x37: {  	s11 =	rddreg [dreg:$0x5];
	[sflag:s17] =	ssyncadd.s32 $0xFFFFEC00  }
0x38: {  	[tilespmem:s18], [sflag:$0x5] =	stream.linear.gather [hbm4b:s11+s2], $0x1400, $0x38;
	[tilespmem:$0x1E800] =	vst v63  }
0x39: {  	_ =	swait.ge [sflag:s17], $0x1400  }
0x3a: {  	[sflag:s17] =	ssyncset.done $0x0  }
0x3b: {  	[sflag:s17] =	ssyncadd.s32 $0xFFFFEC00  }
0x3c: {  	[tilespmem:s16], [sflag:$0x1] =	stream.indirect.gather [hbm4b:s3+s19], $0x80, s2, s19, $0xb8;
	[tilespmem:$0x1E800] =	vst v63  }
0x3d: {  	_ = 	snop  }
0x3e: {  	[tilespmem:s25], [sflag:$0x2] =	stream.indirect.gather [hbm4b:s3+s19], $0x80, s19, s19, $0xb8;
	[tilespmem:$0x1E800] =	vst v63  }
0x3f: {  	_ =	swait.ge [sflag:s26], $0x4000  }
0x40: {  	[sflag:s26] =	ssyncset.done $0x0  }
0x41: {  	s12 =	simm.s32 $0x1400;
	[sflag:s26] =	ssyncadd.s32 $0xFFFFC000  }
0x42: {  	[spmem:s1] =	stream.indirect.scatter.add.f32 [tilespmem:s16], [sflag:$0x3], $0x80, s12, s19, $0xb8;
	[tilespmem:$0x1E800] =	vst v63  }
0x43: {  	_ =	swait.ge [sflag:s28], $0x4000  }
0x44: {  	[sflag:s28] =	ssyncset.done $0x0  }
0x45: {  	s11 =	simm.s32 $0x1480;
	[sflag:s28] =	ssyncadd.s32 $0xFFFFC000  }
0x46: {  	[spmem:s1] =	stream.indirect.scatter.add.f32 [tilespmem:s25], [sflag:$0x4], $0x80, s11, s19, $0xb8;
	[tilespmem:$0x1E800] =	vst v63  }
0x47: {  	_ =	swait.ge [sflag:s29], $0x4000  }
0x48: {  	[sflag:s29] =	ssyncset.done $0x0  }
0x49: {  	s12 =	simm.s32 $0x100;
	[sflag:s29] =	ssyncadd.s32 $0xFFFFC000  }
0x4a: {  	[tilespmem:s16], [sflag:$0x1] =	stream.indirect.gather [hbm4b:s3+s19], $0x80, s12, s19, $0xb8;
	[tilespmem:$0x1E800] =	vst v63  }
0x4b: {  	_ =	swait.ge [sflag:s30], $0x4000  }
0x4c: {  	[sflag:s30] =	ssyncset.done $0x0  }
0x4d: {  	s5 =	simm.s32 $0x400;
	s11 =	simm.s32 $0x180;
	[sflag:s30] =	ssyncadd.s32 $0xFFFFC000  }
.LBB2_2:
0x4e: {  	[tilespmem:s25], [sflag:$0x2] =	stream.indirect.gather [hbm4b:s3+s19], $0x80, s11, s19, $0xb8;
	[tilespmem:$0x1E800] =	vst v63  }
0x4f: {  	s11 =	smov.u32 s5  }
0x50: {  	p0 =	sne.s32 s5, $0x4800;
	s5 =	sadd.s32 $0x400, s5;
	_ =	swait.ge [sflag:s26], $0x4000  }
0x51: {  	s11 =	sshra.s32 s11, $0x2;
	[sflag:s26] =	ssyncset.done $0x0  }
0x52: {  	s12 =	sadd.s32 $0x1400, s11;
	[sflag:s26] =	ssyncadd.s32 $0xFFFFC000  }
0x53: {  	[spmem:s1] =	stream.indirect.scatter.add.f32 [tilespmem:s16], [sflag:$0x3], $0x80, s12, s19, $0xb8;
	[tilespmem:$0x1E800] =	vst v63  }
0x54: {  	_ =	swait.ge [sflag:s28], $0x4000  }
0x55: {  	[sflag:s28] =	ssyncset.done $0x0  }
0x56: {  	s12 =	sadd.s32 $0x1480, s11;
	[sflag:s28] =	ssyncadd.s32 $0xFFFFC000  }
0x57: {  	[spmem:s1] =	stream.indirect.scatter.add.f32 [tilespmem:s25], [sflag:$0x4], $0x80, s12, s19, $0xb8;
	[tilespmem:$0x1E800] =	vst v63  }
0x58: {  	_ =	swait.ge [sflag:s29], $0x4000  }
0x59: {  	[sflag:s29] =	ssyncset.done $0x0  }
.Ltmp0:
0x5a: {  	s12 =	sadd.s32 $0x100, s11;
	[sflag:s29] =	ssyncadd.s32 $0xFFFFC000;
	(pc) =	sbr.rel @p0 .LBB2_2-.Ltmp0, $4  }
0x5b: {  	[tilespmem:s16], [sflag:$0x1] =	stream.indirect.gather [hbm4b:s3+s19], $0x80, s12, s19, $0xb8;
	[tilespmem:$0x1E800] =	vst v63  }
0x5c: {  	_ =	swait.ge [sflag:s30], $0x4000  }
0x5d: {  	[sflag:s30] =	ssyncset.done $0x0  }
0x5e: {  	s11 =	sadd.s32 $0x180, s11;
	[sflag:s30] =	ssyncadd.s32 $0xFFFFC000  }
0x5f: {  	[tilespmem:s25], [sflag:$0x2] =	stream.indirect.gather [hbm4b:s3+s19], $0x80, s11, s19, $0xb8;
	[tilespmem:$0x1E800] =	vst v63  }
0x60: {  	_ =	swait.ge [sflag:s26], $0x4000  }
0x61: {  	[sflag:s26] =	ssyncset.done $0x0  }
0x62: {  	[sflag:s26] =	ssyncadd.s32 $0xFFFFC000  }
0x63: {  	[spmem:s1] =	stream.indirect.scatter.add.f32 [tilespmem:s16], [sflag:$0x3], $0x80, s31, s19, $0xb8;
	[tilespmem:$0x1E800] =	vst v63  }
0x64: {  	_ =	swait.ge [sflag:s28], $0x4000  }
0x65: {  	[sflag:s28] =	ssyncset.done $0x0  }
0x66: {  	[sflag:s28] =	ssyncadd.s32 $0xFFFFC000  }
0x67: {  	[spmem:s1] =	stream.indirect.scatter.add.f32 [tilespmem:s25], [sflag:$0x4], $0x80, s0, s19, $0xb8;
	[tilespmem:$0x1E800] =	vst v63  }
0x68: {  	_ =	swait.ge [sflag:s29], $0x4000  }
0x69: {  	[sflag:s29] =	ssyncset.done $0x0  }
0x6a: {  	[sflag:s29] =	ssyncadd.s32 $0xFFFFC000  }
0x6b: {  	_ =	swait.ge [sflag:s30], $0x4000  }
0x6c: {  	[sflag:s30] =	ssyncset.done $0x0  }
0x6d: {  	s5 =	simm.s32 $0x0;
	[sflag:s30] =	ssyncadd.s32 $0xFFFFC000  }
0x6e: {  	[tilespmem:s5], [sflag:$0x5] =	stream.linear.gather [hbm4b:s13+s5], $0x1400, $0x38;
	[tilespmem:$0x1E800] =	vst v63  }
0x6f: {  	_ =	swait.ge [sflag:s17], $0x1400  }
0x70: {  	[sflag:s17] =	ssyncset.done $0x0  }
0x71: {  	[sflag:s17] =	ssyncadd.s32 $0xFFFFEC00  }
0x72: {  	[tilespmem:s18], [sflag:$0x5] =	stream.linear.gather [hbm4b:s14+s5], $0x1400, $0x38;
	[tilespmem:$0x1E800] =	vst v63  }
0x73: {  	_ =	swait.ge [sflag:s17], $0x1400  }
0x74: {  	[sflag:s17] =	ssyncset.done $0x0  }
0x75: {  	[sflag:s17] =	ssyncadd.s32 $0xFFFFEC00  }
0x76: {  	[tilespmem:s16], [sflag:$0x1] =	stream.indirect.gather [hbm4b:s3+s19], $0x80, s5, s19, $0xb8;
	[tilespmem:$0x1E800] =	vst v63  }
0x77: {  	_ = 	snop  }
0x78: {  	[tilespmem:s25], [sflag:$0x2] =	stream.indirect.gather [hbm4b:s3+s19], $0x80, s19, s19, $0xb8;
	[tilespmem:$0x1E800] =	vst v63  }
0x79: {  	_ =	swait.ge [sflag:s26], $0x4000  }
0x7a: {  	[sflag:s26] =	ssyncset.done $0x0  }
0x7b: {  	s12 =	simm.s32 $0x1400;
	[sflag:s26] =	ssyncadd.s32 $0xFFFFC000  }
0x7c: {  	[spmem:s1] =	stream.indirect.scatter.add.f32 [tilespmem:s16], [sflag:$0x3], $0x80, s12, s19, $0xb8;
	[tilespmem:$0x1E800] =	vst v63  }
0x7d: {  	_ =	swait.ge [sflag:s28], $0x4000  }
0x7e: {  	[sflag:s28] =	ssyncset.done $0x0  }
0x7f: {  	s11 =	simm.s32 $0x1480;
	[sflag:s28] =	ssyncadd.s32 $0xFFFFC000  }
0x80: {  	[spmem:s1] =	stream.indirect.scatter.add.f32 [tilespmem:s25], [sflag:$0x4], $0x80, s11, s19, $0xb8;
	[tilespmem:$0x1E800] =	vst v63  }
0x81: {  	_ =	swait.ge [sflag:s29], $0x4000  }
0x82: {  	[sflag:s29] =	ssyncset.done $0x0  }
0x83: {  	s12 =	simm.s32 $0x100;
	[sflag:s29] =	ssyncadd.s32 $0xFFFFC000  }
0x84: {  	[tilespmem:s16], [sflag:$0x1] =	stream.indirect.gather [hbm4b:s3+s19], $0x80, s12, s19, $0xb8;
	[tilespmem:$0x1E800] =	vst v63  }
0x85: {  	_ =	swait.ge [sflag:s30], $0x4000  }
0x86: {  	[sflag:s30] =	ssyncset.done $0x0  }
0x87: {  	s5 =	simm.s32 $0x400;
	s11 =	simm.s32 $0x180;
	[sflag:s30] =	ssyncadd.s32 $0xFFFFC000  }
.LBB2_4:
0x88: {  	[tilespmem:s25], [sflag:$0x2] =	stream.indirect.gather [hbm4b:s3+s19], $0x80, s11, s19, $0xb8;
	[tilespmem:$0x1E800] =	vst v63  }
0x89: {  	s11 =	smov.u32 s5  }
0x8a: {  	p0 =	sne.s32 s5, $0x4800;
	s5 =	sadd.s32 $0x400, s5;
	_ =	swait.ge [sflag:s26], $0x4000  }
0x8b: {  	s11 =	sshra.s32 s11, $0x2;
	[sflag:s26] =	ssyncset.done $0x0  }
0x8c: {  	s12 =	sadd.s32 $0x1400, s11;
	[sflag:s26] =	ssyncadd.s32 $0xFFFFC000  }
0x8d: {  	[spmem:s1] =	stream.indirect.scatter.add.f32 [tilespmem:s16], [sflag:$0x3], $0x80, s12, s19, $0xb8;
	[tilespmem:$0x1E800] =	vst v63  }
0x8e: {  	_ =	swait.ge [sflag:s28], $0x4000  }
0x8f: {  	[sflag:s28] =	ssyncset.done $0x0  }
0x90: {  	s12 =	sadd.s32 $0x1480, s11;
	[sflag:s28] =	ssyncadd.s32 $0xFFFFC000  }
0x91: {  	[spmem:s1] =	stream.indirect.scatter.add.f32 [tilespmem:s25], [sflag:$0x4], $0x80, s12, s19, $0xb8;
	[tilespmem:$0x1E800] =	vst v63  }
0x92: {  	_ =	swait.ge [sflag:s29], $0x4000  }
0x93: {  	[sflag:s29] =	ssyncset.done $0x0  }
.Ltmp1:
0x94: {  	s12 =	sadd.s32 $0x100, s11;
	[sflag:s29] =	ssyncadd.s32 $0xFFFFC000;
	(pc) =	sbr.rel @p0 .LBB2_4-.Ltmp1, $4  }
0x95: {  	[tilespmem:s16], [sflag:$0x1] =	stream.indirect.gather [hbm4b:s3+s19], $0x80, s12, s19, $0xb8;
	[tilespmem:$0x1E800] =	vst v63  }
0x96: {  	_ =	swait.ge [sflag:s30], $0x4000  }
0x97: {  	[sflag:s30] =	ssyncset.done $0x0  }
0x98: {  	s11 =	sadd.s32 $0x180, s11;
	[sflag:s30] =	ssyncadd.s32 $0xFFFFC000  }
0x99: {  	[tilespmem:s25], [sflag:$0x2] =	stream.indirect.gather [hbm4b:s3+s19], $0x80, s11, s19, $0xb8;
	[tilespmem:$0x1E800] =	vst v63  }
0x9a: {  	_ =	swait.ge [sflag:s26], $0x4000  }
0x9b: {  	[sflag:s26] =	ssyncset.done $0x0  }
0x9c: {  	[sflag:s26] =	ssyncadd.s32 $0xFFFFC000  }
0x9d: {  	[spmem:s1] =	stream.indirect.scatter.add.f32 [tilespmem:s16], [sflag:$0x3], $0x80, s31, s19, $0xb8;
	[tilespmem:$0x1E800] =	vst v63  }
0x9e: {  	_ =	swait.ge [sflag:s28], $0x4000  }
0x9f: {  	[sflag:s28] =	ssyncset.done $0x0  }
0xa0: {  	[sflag:s28] =	ssyncadd.s32 $0xFFFFC000  }
0xa1: {  	[spmem:s1] =	stream.indirect.scatter.add.f32 [tilespmem:s25], [sflag:$0x4], $0x80, s0, s19, $0xb8;
	[tilespmem:$0x1E800] =	vst v63  }
0xa2: {  	_ =	swait.ge [sflag:s29], $0x4000  }
0xa3: {  	[sflag:s29] =	ssyncset.done $0x0  }
0xa4: {  	[sflag:s29] =	ssyncadd.s32 $0xFFFFC000  }
0xa5: {  	_ =	swait.ge [sflag:s30], $0x4000  }
0xa6: {  	[sflag:s30] =	ssyncset.done $0x0  }
0xa7: {  	[sflag:s30] =	ssyncadd.s32 $0xFFFFC000  }
0xa8: {  	[bflag:$0x0] =	sbarrier.arrive $0xFFFF  }
0xa9: {  	[tilespmem:s16], [sflag:$0x5] =	stream.linear.gather [spmem:s6], $0x4000, $0x38;
	[tilespmem:$0x1E800] =	vst v63  }
0xaa: {  	_ =	swait.ge [sflag:s17], $0x4000  }
0xab: {  	[sflag:s17] =	ssyncset.done $0x0  }
0xac: {  	[sflag:s17] =	ssyncadd.s32 $0xFFFFC000  }
0xad: {  	[hbm4b:s20+s2] =	stream.linear.scatter [tilespmem:s16], [sflag:$0x5], $0x4000, $0x38;
	[tilespmem:$0x1E800] =	vst v63  }
0xae: {  	_ =	swait.ge [sflag:s17], $0x4000  }
0xaf: {  	[sflag:s17] =	ssyncset.done $0x0  }
0xb0: {  	[sflag:s17] =	ssyncadd.s32 $0xFFFFC000  }
0xb1: {  	[tilespmem:s16], [sflag:$0x5] =	stream.linear.gather [spmem:s7], $0x4000, $0x38;
	[tilespmem:$0x1E800] =	vst v63  }
0xb2: {  	_ =	swait.ge [sflag:s17], $0x4000  }
0xb3: {  	[sflag:s17] =	ssyncset.done $0x0  }
0xb4: {  	[sflag:s17] =	ssyncadd.s32 $0xFFFFC000  }
0xb5: {  	[hbm4b:s21+s2] =	stream.linear.scatter [tilespmem:s16], [sflag:$0x5], $0x4000, $0x38;
	[tilespmem:$0x1E800] =	vst v63  }
0xb6: {  	_ =	swait.ge [sflag:s17], $0x4000  }
0xb7: {  	[sflag:s17] =	ssyncset.done $0x0  }
0xb8: {  	[sflag:s17] =	ssyncadd.s32 $0xFFFFC000  }
0xb9: {  	[tilespmem:s16], [sflag:$0x5] =	stream.linear.gather [spmem:s8], $0x4000, $0x38;
	[tilespmem:$0x1E800] =	vst v63  }
0xba: {  	_ =	swait.ge [sflag:s17], $0x4000  }
0xbb: {  	[sflag:s17] =	ssyncset.done $0x0  }
0xbc: {  	[sflag:s17] =	ssyncadd.s32 $0xFFFFC000  }
0xbd: {  	[hbm4b:s22+s2] =	stream.linear.scatter [tilespmem:s16], [sflag:$0x5], $0x4000, $0x38;
	[tilespmem:$0x1E800] =	vst v63  }
0xbe: {  	_ =	swait.ge [sflag:s17], $0x4000  }
0xbf: {  	[sflag:s17] =	ssyncset.done $0x0  }
0xc0: {  	[sflag:s17] =	ssyncadd.s32 $0xFFFFC000  }
0xc1: {  	[tilespmem:s16], [sflag:$0x5] =	stream.linear.gather [spmem:s9], $0x4000, $0x38;
	[tilespmem:$0x1E800] =	vst v63  }
0xc2: {  	_ =	swait.ge [sflag:s17], $0x4000  }
0xc3: {  	[sflag:s17] =	ssyncset.done $0x0  }
0xc4: {  	[sflag:s17] =	ssyncadd.s32 $0xFFFFC000  }
0xc5: {  	[hbm4b:s23+s2] =	stream.linear.scatter [tilespmem:s16], [sflag:$0x5], $0x4000, $0x38;
	[tilespmem:$0x1E800] =	vst v63  }
0xc6: {  	_ =	swait.ge [sflag:s17], $0x4000  }
0xc7: {  	[sflag:s17] =	ssyncset.done $0x0  }
0xc8: {  	[sflag:s17] =	ssyncadd.s32 $0xFFFFC000  }
0xc9: {  	[tilespmem:s16], [sflag:$0x5] =	stream.linear.gather [spmem:s10], $0x4000, $0x38;
	[tilespmem:$0x1E800] =	vst v63  }
0xca: {  	s4 =	sadd.s32 $0x1, s4;
	_ =	swait.ge [sflag:s17], $0x4000  }
0xcb: {  	p0 =	sne.s32 s4, s15;
	[sflag:s17] =	ssyncset.done $0x0  }
.Ltmp2:
0xcc: {  	[sflag:s17] =	ssyncadd.s32 $0xFFFFC000;
	(pc) =	sbr.rel @p0 .LBB2_1-.Ltmp2, $4  }
0xcd: {  	[hbm4b:s24+s2] =	stream.linear.scatter [tilespmem:s16], [sflag:$0x5], $0x4000, $0x38;
	[tilespmem:$0x1E800] =	vst v63  }
0xce: {  	_ =	swait.ge [sflag:s17], $0x4000  }
0xcf: {  	[sflag:s17] =	ssyncset.done $0x0  }
0xd0: {  	[sflag:s17] =	ssyncadd.s32 $0xFFFFC000  }
0xd1: {  	_ =	sfence.sel $0x180000  }
0xd2: {  	[bflag:$0x0] =	sbarrier.arrive $0xFFFF  }
0xd3: {  	_ =	strace $0x9000004A  }
0xd4: {  	s0 =	stileid.u32;
	[bflag:$0x2] =	sbarrier.arrive $0xFFFF  }
0xd5: {  	p0 =	sne.s32 s0, $0x0;
	s0 =	rddreg [dreg:$0x2]  }
0xd6: {  	s0 =	sadd.s32 @!p0 $0x100000, s0  }
0xd7: {  	[sflag:s0] =	ssyncadd.tile.s32 @!p0 $0x1;
	_ =	shalt  }
.Lfunc_end2:
_tile_overlayer_lowered:
.L_overlay_start_2:
0xd8: {  	(tag) =	ssettag $0x2  }
0xd9: {  	s0 =	rddreg [dreg:$0x0];
	s2 =	stileid.u32  }
0xda: {  	s1 =	rddreg [dreg:$0x1];
	p0 =	sne.s32 s2, $0x0  }
0xdb: {  	s3 =	rddreg [dreg:$0x2];
	[bflag:$0x3] =	sbarrier.arrive $0xFFFF;
	s2 =	simm.s32 @!p0 $0x1C05  }
0xdc: {  	[timem:s3], [sflag:s2] =	dma.local @!p0 [hbm:s0], s1  }
0xdd: {  	s0 =	simm.s32 @!p0 $0x5  }
0xde: {  	_ =	swait.ge @!p0 [sflag:s0], s1  }
0xdf: {  	s1 =	ssub.s32 @!p0 $0x0, s1;
	[sflag:s0] =	ssyncset.done @!p0 $0x0  }
0xe0: {  	[sflag:s0] =	ssyncadd.s32 @!p0 s1  }
0xe1: {  	[bflag:$0x3] =	sbarrier.arrive $0xFFFF  }
0xe2: {  	_ =	shalt  }

// kernel: kernel.16.cloned.1.call-start
scs
__scs_entry_jumppad:
0x0: {  	(pc) =	sbr.rel $0x88, $3  }
0x1: {  	(tag) =	ssettag $0x0;
	lr =	simm.s32 $0x1  }
0x2: {  	[smem:$0x3F94] =	sst lr;
	_ =	strace $0xD0000000  }
0x3: {  	_ = 	snop  }
0x4: {  	_ = 	snop  }
0x5: {  	_ = 	snop  }
0x6: {  	_ = 	snop  }
0x7: {  	_ = 	snop  }
__scs_overlays_trampoline_lowered:
0x8: {  	[smem:$0x3FA3] =	sst s0  }
0x9: {  	[smem:$0x3FA4] =	sst s1  }
0xa: {  	[smem:$0x3FA5] =	sst s2  }
0xb: {  	[smem:$0x3FA6] =	sst s3  }
0xc: {  	[smem:$0x3FA7] =	sst s4  }
0xd: {  	[smem:$0x3FA8] =	sst s5  }
0xe: {  	[smem:$0x3FA9] =	sst s6  }
0xf: {  	[smem:$0x3FAA] =	sst s7  }
0x10: {  	[smem:$0x3FAB] =	sst s8  }
0x11: {  	[smem:$0x3FAC] =	sst s9;
	s0 =	simm.s32 @!p0 $0x0  }
0x12: {  	s1 =	sld [smem:$0x3F92];
	s0 =	simm.s32 @p0 $0x1  }
0x13: {  	[smem:$0x3FAD] =	sst s0;
	s0 =	simm.s32 @!p1 $0x0  }
0x14: {  	s2 =	sld [smem:$0x3F91];
	s0 =	simm.s32 @p1 $0x1  }
0x15: {  	[smem:$0x3FAE] =	sst s0;
	s0 =	simm.s32 @!p2 $0x0  }
0x16: {  	s3 =	sld [smem:$0x3FDB];
	s0 =	simm.s32 @p2 $0x1  }
0x17: {  	s4 =	simm.s32 $0x1BF5;
	[smem:$0x3FB0] =	sst s0  }
0x18: {  	s0 =	sld [smem:$0x3F93];
	_ =	swait.ge [sflag:s4], $0x0  }
0x19: {  	s7 =	sld [smem:$0x3F94]  }
0x1a: {  	s8 =	sadd.s32 $0xFFFFE003, lr  }
0x1b: {  	s9 =	sadd.s32 $0xFFFFFEF7, lr;
	s5 =	simm.s32 $0xFFFFFFFF;
	p2 =	slt.u32 s8, $0xFFFFF086  }
0x1c: {  	p1 =	slt.u32 s9, $0xF7A;
	s5 =	simm.s32 @!p2 $0x0  }
0x1d: {  	s5 =	simm.s32 @p1 $0x1;
	p0 =	seq.s32 s7, s2  }
0x1e: {  	s7 =	smul.u32 @!p0 $0xF7A, s2;
	p2 =	seq.s32 @!p0 s5, $0x0  }
0x1f: {  	s9 =	smul.u32 $0xF7A, s1;
	s8 =	simm.s32 @!p0 $0x1BF5;
	p2 =	por !p2, p0  }
0x20: {  	[sflag:s8] =	ssyncset.s32 @!p0 $0xFFFFF086;
	s6 =	sadd.s32 @!p0 s3, s7;
	s7 =	simm.s32 @!p0 $0x108  }
0x21: {  	s3 =	sadd.s32 s3, s9;
	s6 =	sadd.s32 @!p0 $0x88, s6;
	s7 =	simm.s32 @p2 $0x1082  }
0x22: {  	[simem:s7], [sflag:s8] =	dma.local @!p0 [hbm:s6], $0xF7A  }
0x23: {  	s9 =	sor.u32 $0xD0000000, s2;
	s6 =	simm.s32 $0x108;
	_ =	swait.ge @!p0 [sflag:s8], $0x0  }
0x24: {  	s3 =	sadd.s32 $0x88, s3;
	s6 =	simm.s32 @!p1 $0x1082;
	[sflag:s4] =	ssyncset.s32 $0xFFFFF086  }
0x25: {  	[simem:s6], [sflag:s4] =	dma.local [hbm:s3], $0xF7A  }
0x26: {  	[smem:$0x3F94] =	sst s1;
	(tag) =	ssettag s2;
	_ =	strace s9  }
0x27: {  	s1 =	sld [smem:$0x3FA4]  }
0x28: {  	s2 =	sld [smem:$0x3FA5]  }
0x29: {  	s4 =	sld [smem:$0x3FA7]  }
0x2a: {  	p0 =	seq.s32 s5, $0x0;
	s5 =	sld [smem:$0x3FA8]  }
0x2b: {  	s6 =	sld [smem:$0x3FA9]  }
0x2c: {  	s7 =	sld [smem:$0x3FAA]  }
0x2d: {  	s3 =	simm.s32 $0x108;
	s8 =	sld [smem:$0x3FAB]  }
0x2e: {  	s3 =	simm.s32 @!p0 $0x1082;
	s9 =	sld [smem:$0x3FAC]  }
0x2f: {  	lr =	sadd.s32 s0, s3;
	s0 =	sld [smem:$0x3FA3]  }
0x30: {  	s3 =	sld [smem:$0x3FA6]  }
0x31: {  	[smem:$0x3FAF] =	sst s10  }
0x32: {  	s10 =	sld [smem:$0x3FAD];
	_ =	sdelay $0x3  }
0x33: {  	p0 =	seq.s32 s10, $0x1;
	s10 =	sld [smem:$0x3FAF];
	_ =	sdelay $0x3  }
0x34: {  	[smem:$0x3FAF] =	sst s10  }
0x35: {  	s10 =	sld [smem:$0x3FAE];
	_ =	sdelay $0x3  }
0x36: {  	p1 =	seq.s32 s10, $0x1;
	s10 =	sld [smem:$0x3FAF];
	_ =	sdelay $0x3  }
0x37: {  	[smem:$0x3FAF] =	sst s10  }
0x38: {  	s10 =	sld [smem:$0x3FB0]  }
0x39: {  	_ = 	snop;
	(pc) =	sbr.ind lr, $3  }
0x3a: {  	_ = 	snop  }
0x3b: {  	_ = 	snop  }
0x3c: {  	p2 =	seq.s32 s10, $0x1;
	s10 =	sld [smem:$0x3FAF]  }
0x3d: {  	_ =	shalt  }
0x3e: {  	_ =	shalt  }
0x3f: {  	_ =	shalt  }
0x40: {  	_ =	shalt  }
0x41: {  	_ =	shalt  }
0x42: {  	_ =	shalt  }
0x43: {  	_ =	shalt  }
0x44: {  	_ =	shalt  }
0x45: {  	_ =	shalt  }
0x46: {  	_ =	shalt  }
0x47: {  	_ =	shalt  }
0x48: {  	_ =	shalt  }
0x49: {  	_ =	shalt  }
0x4a: {  	_ =	shalt  }
0x4b: {  	_ =	shalt  }
0x4c: {  	_ =	shalt  }
0x4d: {  	_ =	shalt  }
0x4e: {  	_ =	shalt  }
0x4f: {  	_ =	shalt  }
0x50: {  	_ =	shalt  }
0x51: {  	_ =	shalt  }
0x52: {  	_ =	shalt  }
0x53: {  	_ =	shalt  }
0x54: {  	_ =	shalt  }
0x55: {  	_ =	shalt  }
0x56: {  	_ =	shalt  }
0x57: {  	_ =	shalt  }
0x58: {  	_ =	shalt  }
0x59: {  	_ =	shalt  }
0x5a: {  	_ =	shalt  }
0x5b: {  	_ =	shalt  }
0x5c: {  	_ =	shalt  }
0x5d: {  	_ =	shalt  }
0x5e: {  	_ =	shalt  }
0x5f: {  	_ =	shalt  }
0x60: {  	_ =	shalt  }
0x61: {  	_ =	shalt  }
0x62: {  	_ =	shalt  }
0x63: {  	_ =	shalt  }
0x64: {  	_ =	shalt  }
0x65: {  	_ =	shalt  }
0x66: {  	_ =	shalt  }
0x67: {  	_ =	shalt  }
0x68: {  	_ =	shalt  }
0x69: {  	_ =	shalt  }
0x6a: {  	_ =	shalt  }
0x6b: {  	_ =	shalt  }
0x6c: {  	_ =	shalt  }
0x6d: {  	_ =	shalt  }
0x6e: {  	_ =	shalt  }
0x6f: {  	_ =	shalt  }
0x70: {  	_ =	shalt  }
0x71: {  	_ =	shalt  }
0x72: {  	_ =	shalt  }
0x73: {  	_ =	shalt  }
0x74: {  	_ =	shalt  }
0x75: {  	_ =	shalt  }
0x76: {  	_ =	shalt  }
0x77: {  	_ =	shalt  }
0x78: {  	_ =	shalt  }
0x79: {  	_ =	shalt  }
0x7a: {  	_ =	shalt  }
0x7b: {  	_ =	shalt  }
0x7c: {  	_ =	shalt  }
0x7d: {  	_ =	shalt  }
0x7e: {  	_ =	shalt  }
0x7f: {  	_ =	shalt  }
0x80: {  	_ =	shalt  }
0x81: {  	_ =	shalt  }
0x82: {  	_ =	shalt  }
0x83: {  	_ =	shalt  }
0x84: {  	_ =	shalt  }
0x85: {  	_ =	shalt  }
0x86: {  	_ =	shalt  }
0x87: {  	_ =	shalt  }
.Lfunc_end0:
.L_simem_size_0:
called_computation.2_lowered:
.L_overlay_start_0:
0x88: {  	s2 =	sld [smem:$0x3FD9]  }
0x89: {  	s3 =	sld [smem:$0x3FFE];
	_ =	sdelay $0x1  }
0x8a: {  	s1 =	srdreg.scid  }
0x8b: {  	s0 =	sand.u32 $0x1, s1  }
0x8c: {  	s16 =	sshll.u32 s0, $0xA;
	s2 =	sadd.s32 s3, s2  }
0x8d: {  	s2 =	sadd.s32 s2, s16  }
0x8e: {  	[smem:$0x3FBB] =	sst s2  }
0x8f: {  	_ = 	snop  }
0x90: {  	(tm) =	ssettm $0x1  }
0x91: {  	s17 =	sld [smem:$0x3FFB];
	_ =	sdelay $0x3  }
0x92: {  	_ =	strace s17  }
0x93: {  	s2 =	sld [smem:$0x3FFC];
	_ =	sdelay $0x3  }
0x94: {  	_ =	strace s2  }
0x95: {  	s2 =	sld [smem:$0x3FFD];
	_ =	sdelay $0x3  }
0x96: {  	_ =	strace s2  }
0x97: {  	_ =	strace $0x8FFFFFFF  }
0x98: {  	s18 =	sld [smem:$0x3FDB];
	_ =	sdelay $0x1  }
0x99: {  	s19 =	simm.s32 $_scs_section_size  }
0x9a: {  	s4 =	simm.s32 $_size__tile_overlayer_lowered;
	s5 =	simm.s32 $_tile_overlayer_lowered  }
0x9b: {  	s22 =	simm.s32 $0x1BFF;
	s21 =	sshll.u32 s5, $0x1;
	s2 =	sadd.s32 s19, s18  }
0x9c: {  	s6 =	simm.s32 $0x0;
	s20 =	sshll.u32 s4, $0x1;
	s4 =	sadd.s32 s21, s2  }
0x9d: {  	[timem:s6], [sflag:s22] =	dma.local [hbm:s4], s20  }
0x9e: {  	_ =	swait.ge [sflag:s22], s20  }
0x9f: {  	s3 =	ssub.s32 $0x0, s20;
	[sflag:s22] =	ssyncset.done $0x0  }
0xa0: {  	[sflag:s22] =	ssyncadd.s32 s3;
	_ =	sdelay $0x1  }
0xa1: {  	s23 =	simm.s32 $0x1B8B  }
0xa2: {  	_ =	swait.ge [sflag:s23], $0x1  }
0xa3: {  	[sflag:s23] =	ssyncset.done $0x0  }
0xa4: {  	s25 =	simm.s32 $0x1B8E;
	s24 =	sld [smem:$0x3FFE];
	[sflag:s23] =	ssyncadd.s32 $0xFFFFFFFF  }
0xa5: {  	s26 =	simm.s32 $execute0_lowered;
	[smem:$0x3FD2] =	sst s25  }
0xa6: {  	s4 =	sshll.u32 s26, $0x1;
	_ =	strace $0x8000004C;
	[dreg:$0x1] =	wrdreg $0xFFFFFFFF  }
0xa7: {  	s28 =	simm.s32 $_size_execute0_lowered;
	s2 =	sadd.s32 s2, s4;
	[dreg:$0x0] =	wrdreg $0x0  }
0xa8: {  	s4 =	sshll.u32 s28, $0x1;
	[dreg:$0x2] =	wrdreg s2  }
0xa9: {  	[dreg:$0x3] =	wrdreg s4  }
0xaa: {  	[dreg:$0x4] =	wrdreg $0xC0  }
0xab: {  	_ =	task [dreg:s6], $0x5FFFF  }
0xac: {  	[dreg:$0x1] =	wrdreg $0xFFFFFFFF  }
0xad: {  	[dreg:$0x0] =	wrdreg $0x60  }
0xae: {  	[dreg:$0x2] =	wrdreg s24  }
0xaf: {  	[dreg:$0x3] =	wrdreg $0xA8000  }
0xb0: {  	[dreg:$0x4] =	wrdreg $0x9  }
0xb1: {  	_ =	task.clear_ibuf [dreg:s6], $0x5FFFF;
	_ =	strace $0x9000004C  }
0xb2: {  	s29 =	simm.s32 $0x9;
	_ =	strace $0x8000004E  }
0xb3: {  	_ =	swait.ge [sflag:s29], $0x1  }
0xb4: {  	[sflag:s29] =	ssyncadd.s32 $0xFFFFFFFF  }
0xb5: {  	_ =	strace $0x9000004E  }
0xb6: {  	_ =	sfence  }
0xb7: {  	s30 =	sld [smem:$0x0];
	_ =	sdelay $0x2  }
0xb8: {  	s31 =	sshll.u32 s1, $0xD;
	s1 =	sshrl.u32 s1, $0x2  }
0xb9: {  	s3 =	sand.u32 $0x4000, s31;
	s1 =	sadd.s32 s1, s30  }
0xba: {  	s0 =	sor.u32 s3, s0;
	s1 =	sshll.u32 s1, $0x11  }
0xbb: {  	s0 =	sor.u32 s1, s0  }
0xbc: {  	s0 =	sadd.s32 $0x8F2B, s0  }
0xbd: {  	[sflag:s0] =	ssyncadd.remote.s32 $0x1  }
0xbe: {  	_ =	sfence.sel $0xFFFF  }
0xbf: {  	[dreg:$0x0] =	wrdreg $0xFFFFFFFF;
	(pc) =	sbr.abs _section_cstart, $3  }
0xc0: {  	[dreg:$0x1] =	wrdreg $0xFFFFFFFF  }
0xc1: {  	_ =	task.clear_ibuf [dreg:s6], $0x2FFFF;
	_ =	strace $0x9FFFFFFF  }
0xc2: {  	(tm) =	ssettm $0x7FFFFFFF  }
0xc3: {  	_ =	shalt  }
tec
execute0_lowered:
.L_overlay_start_1:
0x0: {  	(tag) =	ssettag $0x1  }
0x1: {  	s0 =	rddreg [dreg:$0x0]  }
0x2: {  	s1 =	rddreg [dreg:$0x1];
	s2 =	simm.s32 $0x0;
	s3 =	srdreg.scid  }
0x3: {  	s20 =	stileid.u32;
	s28 =	simm.s32 $0x2;
	s29 =	simm.s32 $0x3  }
0x4: {  	s30 =	simm.s32 $0x4;
	s31 =	simm.s32 $0x2700;
	[smem:$0x7FF] =	sst s2  }
0x5: {  	s4 =	sand.u32 $0x1, s3;
	s3 =	sadd.s32 $0x17600, s0;
	s9 =	smul.u32 $0x280, s20  }
0x6: {  	s5 =	sadd.s32 $0xD600, s0;
	s11 =	sadd.s32 $0x3600, s0;
	s10 =	smul.u32 $0x50000, s20  }
0x7: {  	s7 =	sadd.s32 $0x3E800, s0;
	s8 =	sshll.u32 s20, $0x1;
	s22 =	smul.u32 $0x2800, s20  }
0x8: {  	_ =	strace $0x8000004D;
	s6 =	smul.u32 $0x28000, s4;
	s25 =	ssub.s32 $0x2, s4  }
0x9: {  	[dreg:$0x3] =	wrdreg s7;
	s4 =	sor.u32 s4, s8;
	s26 =	sshrl.u32 s25, $0x1  }
0xa: {  	s16 =	sadd.s32 $0x80, s9;
	s8 =	sshrl.u32 s10, $0x2;
	s17 =	sadd.s32 $0x100, s9  }
0xb: {  	s18 =	sadd.s32 $0x180, s9;
	s13 =	smul.u32 $0x2800, s4;
	s19 =	sadd.s32 $0x200, s9  }
0xc: {  	s4 =	smul.u32 $0x500, s4;
	s0 =	sadd.s32 s6, s0;
	s15 =	ssub.s32 s25, s26  }
0xd: {  	s10 =	sshll.u32 s16, $0x7;
	s6 =	sadd.s32 s8, s1;
	s12 =	sshll.u32 s17, $0x7  }
0xe: {  	s14 =	sshll.u32 s19, $0x7;
	s25 =	sshll.u32 s16, $0x4;
	s26 =	sshll.u32 s17, $0x4  }
0xf: {  	s23 =	sshll.u32 s18, $0x4;
	s24 =	sshll.u32 s19, $0x4;
	s16 =	simm.s32 $0x2800  }
0x10: {  	s17 =	simm.s32 $0x5;
	s19 =	simm.s32 $0x80;
	s7 =	sadd.s32 s10, s1  }
0x11: {  	s8 =	sadd.s32 s12, s1;
	s12 =	sshll.u32 s18, $0x7;
	s13 =	sshrl.u32 s13, $0x3  }
0x12: {  	s10 =	sadd.s32 s14, s1;
	s21 =	sadd.s32 s5, s4;
	s4 =	sadd.s32 s11, s4  }
0x13: {  	s0 =	sadd.s32 $0x3F000, s0;
	s15 =	smax.u32 s15, $0x1;
	s18 =	simm.s32 $0x1400  }
0x14: {  	s9 =	sadd.s32 s12, s1;
	[dreg:$0x4] =	wrdreg s21;
	s14 =	sadd.s32 $0x280, s13  }
0x15: {  	[dreg:$0x5] =	wrdreg s4;
	s20 =	sadd.s32 s22, s0;
	s21 =	sadd.s32 s25, s0  }
0x16: {  	s22 =	sadd.s32 s26, s0;
	s23 =	sadd.s32 s23, s0;
	s24 =	sadd.s32 s24, s0  }
0x17: {  	s25 =	simm.s32 $0x6800;
	s26 =	simm.s32 $0x1;
	s0 =	simm.s32 $0x2780  }
0x18: {  	s4 =	simm.s32 $0x0;
	s13 =	sadd.s32 s5, s14;
	s14 =	sadd.s32 s11, s14  }
.LBB2_1:
0x19: {  	s5 =	rddreg [dreg:$0x3]  }
0x1a: {  	[tilespmem:s16], [sflag:$0x5] =	stream.linear.gather [hbm4b:s5+s2], $0x4000, $0x38;
	[tilespmem:$0x1E800] =	vst v63  }
0x1b: {  	_ =	swait.ge [sflag:s17], $0x4000  }
0x1c: {  	[sflag:s17] =	ssyncset.done $0x0  }
0x1d: {  	[sflag:s17] =	ssyncadd.s32 $0xFFFFC000  }
0x1e: {  	[spmem:s6] =	stream.linear.scatter [tilespmem:s16], [sflag:$0x5], $0x4000, $0x38;
	[tilespmem:$0x1E800] =	vst v63  }
0x1f: {  	_ =	swait.ge [sflag:s17], $0x4000  }
0x20: {  	[sflag:s17] =	ssyncset.done $0x0  }
0x21: {  	[sflag:s17] =	ssyncadd.s32 $0xFFFFC000  }
0x22: {  	[spmem:s7] =	stream.linear.scatter [tilespmem:s16], [sflag:$0x5], $0x4000, $0x38;
	[tilespmem:$0x1E800] =	vst v63  }
0x23: {  	_ =	swait.ge [sflag:s17], $0x4000  }
0x24: {  	[sflag:s17] =	ssyncset.done $0x0  }
0x25: {  	[sflag:s17] =	ssyncadd.s32 $0xFFFFC000  }
0x26: {  	[spmem:s8] =	stream.linear.scatter [tilespmem:s16], [sflag:$0x5], $0x4000, $0x38;
	[tilespmem:$0x1E800] =	vst v63  }
0x27: {  	_ =	swait.ge [sflag:s17], $0x4000  }
0x28: {  	[sflag:s17] =	ssyncset.done $0x0  }
0x29: {  	[sflag:s17] =	ssyncadd.s32 $0xFFFFC000  }
0x2a: {  	[spmem:s9] =	stream.linear.scatter [tilespmem:s16], [sflag:$0x5], $0x4000, $0x38;
	[tilespmem:$0x1E800] =	vst v63  }
0x2b: {  	_ =	swait.ge [sflag:s17], $0x4000  }
0x2c: {  	[sflag:s17] =	ssyncset.done $0x0  }
0x2d: {  	[sflag:s17] =	ssyncadd.s32 $0xFFFFC000  }
0x2e: {  	[spmem:s10] =	stream.linear.scatter [tilespmem:s16], [sflag:$0x5], $0x4000, $0x38;
	[tilespmem:$0x1E800] =	vst v63  }
0x2f: {  	_ =	swait.ge [sflag:s17], $0x4000  }
0x30: {  	[sflag:s17] =	ssyncset.done $0x0  }
0x31: {  	[sflag:s17] =	ssyncadd.s32 $0xFFFFC000  }
0x32: {  	[bflag:$0x0] =	sbarrier.arrive $0xFFFF  }
0x33: {  	s12 =	rddreg [dreg:$0x4]  }
0x34: {  	[tilespmem:s2], [sflag:$0x5] =	stream.linear.gather [hbm4b:s12+s2], $0x1400, $0x38;
	[tilespmem:$0x1E800] =	vst v63  }
0x35: {  	_ =	swait.ge [sflag:s17], $0x1400  }
0x36: {  	[sflag:s17] =	ssyncset.done $0x0  }
0x37: {  	s11 =	rddreg [dreg:$0x5];
	[sflag:s17] =	ssyncadd.s32 $0xFFFFEC00  }
0x38: {  	[tilespmem:s18], [sflag:$0x5] =	stream.linear.gather [hbm4b:s11+s2], $0x1400, $0x38;
	[tilespmem:$0x1E800] =	vst v63  }
0x39: {  	_ =	swait.ge [sflag:s17], $0x1400  }
0x3a: {  	[sflag:s17] =	ssyncset.done $0x0  }
0x3b: {  	[sflag:s17] =	ssyncadd.s32 $0xFFFFEC00  }
0x3c: {  	[tilespmem:s16], [sflag:$0x1] =	stream.indirect.gather [hbm4b:s3+s19], $0x80, s2, s19, $0xb8;
	[tilespmem:$0x1E800] =	vst v63  }
0x3d: {  	_ = 	snop  }
0x3e: {  	[tilespmem:s25], [sflag:$0x2] =	stream.indirect.gather [hbm4b:s3+s19], $0x80, s19, s19, $0xb8;
	[tilespmem:$0x1E800] =	vst v63  }
0x3f: {  	_ =	swait.ge [sflag:s26], $0x4000  }
0x40: {  	[sflag:s26] =	ssyncset.done $0x0  }
0x41: {  	s12 =	simm.s32 $0x1400;
	[sflag:s26] =	ssyncadd.s32 $0xFFFFC000  }
0x42: {  	[spmem:s1] =	stream.indirect.scatter.add.f32 [tilespmem:s16], [sflag:$0x3], $0x80, s12, s19, $0xb8;
	[tilespmem:$0x1E800] =	vst v63  }
0x43: {  	_ =	swait.ge [sflag:s28], $0x4000  }
0x44: {  	[sflag:s28] =	ssyncset.done $0x0  }
0x45: {  	s11 =	simm.s32 $0x1480;
	[sflag:s28] =	ssyncadd.s32 $0xFFFFC000  }
0x46: {  	[spmem:s1] =	stream.indirect.scatter.add.f32 [tilespmem:s25], [sflag:$0x4], $0x80, s11, s19, $0xb8;
	[tilespmem:$0x1E800] =	vst v63  }
0x47: {  	_ =	swait.ge [sflag:s29], $0x4000  }
0x48: {  	[sflag:s29] =	ssyncset.done $0x0  }
0x49: {  	s12 =	simm.s32 $0x100;
	[sflag:s29] =	ssyncadd.s32 $0xFFFFC000  }
0x4a: {  	[tilespmem:s16], [sflag:$0x1] =	stream.indirect.gather [hbm4b:s3+s19], $0x80, s12, s19, $0xb8;
	[tilespmem:$0x1E800] =	vst v63  }
0x4b: {  	_ =	swait.ge [sflag:s30], $0x4000  }
0x4c: {  	[sflag:s30] =	ssyncset.done $0x0  }
0x4d: {  	s5 =	simm.s32 $0x400;
	s11 =	simm.s32 $0x180;
	[sflag:s30] =	ssyncadd.s32 $0xFFFFC000  }
.LBB2_2:
0x4e: {  	[tilespmem:s25], [sflag:$0x2] =	stream.indirect.gather [hbm4b:s3+s19], $0x80, s11, s19, $0xb8;
	[tilespmem:$0x1E800] =	vst v63  }
0x4f: {  	s11 =	smov.u32 s5  }
0x50: {  	p0 =	sne.s32 s5, $0x4800;
	s5 =	sadd.s32 $0x400, s5;
	_ =	swait.ge [sflag:s26], $0x4000  }
0x51: {  	s11 =	sshra.s32 s11, $0x2;
	[sflag:s26] =	ssyncset.done $0x0  }
0x52: {  	s12 =	sadd.s32 $0x1400, s11;
	[sflag:s26] =	ssyncadd.s32 $0xFFFFC000  }
0x53: {  	[spmem:s1] =	stream.indirect.scatter.add.f32 [tilespmem:s16], [sflag:$0x3], $0x80, s12, s19, $0xb8;
	[tilespmem:$0x1E800] =	vst v63  }
0x54: {  	_ =	swait.ge [sflag:s28], $0x4000  }
0x55: {  	[sflag:s28] =	ssyncset.done $0x0  }
0x56: {  	s12 =	sadd.s32 $0x1480, s11;
	[sflag:s28] =	ssyncadd.s32 $0xFFFFC000  }
0x57: {  	[spmem:s1] =	stream.indirect.scatter.add.f32 [tilespmem:s25], [sflag:$0x4], $0x80, s12, s19, $0xb8;
	[tilespmem:$0x1E800] =	vst v63  }
0x58: {  	_ =	swait.ge [sflag:s29], $0x4000  }
0x59: {  	[sflag:s29] =	ssyncset.done $0x0  }
.Ltmp0:
0x5a: {  	s12 =	sadd.s32 $0x100, s11;
	[sflag:s29] =	ssyncadd.s32 $0xFFFFC000;
	(pc) =	sbr.rel @p0 .LBB2_2-.Ltmp0, $4  }
0x5b: {  	[tilespmem:s16], [sflag:$0x1] =	stream.indirect.gather [hbm4b:s3+s19], $0x80, s12, s19, $0xb8;
	[tilespmem:$0x1E800] =	vst v63  }
0x5c: {  	_ =	swait.ge [sflag:s30], $0x4000  }
0x5d: {  	[sflag:s30] =	ssyncset.done $0x0  }
0x5e: {  	s11 =	sadd.s32 $0x180, s11;
	[sflag:s30] =	ssyncadd.s32 $0xFFFFC000  }
0x5f: {  	[tilespmem:s25], [sflag:$0x2] =	stream.indirect.gather [hbm4b:s3+s19], $0x80, s11, s19, $0xb8;
	[tilespmem:$0x1E800] =	vst v63  }
0x60: {  	_ =	swait.ge [sflag:s26], $0x4000  }
0x61: {  	[sflag:s26] =	ssyncset.done $0x0  }
0x62: {  	[sflag:s26] =	ssyncadd.s32 $0xFFFFC000  }
0x63: {  	[spmem:s1] =	stream.indirect.scatter.add.f32 [tilespmem:s16], [sflag:$0x3], $0x80, s31, s19, $0xb8;
	[tilespmem:$0x1E800] =	vst v63  }
0x64: {  	_ =	swait.ge [sflag:s28], $0x4000  }
0x65: {  	[sflag:s28] =	ssyncset.done $0x0  }
0x66: {  	[sflag:s28] =	ssyncadd.s32 $0xFFFFC000  }
0x67: {  	[spmem:s1] =	stream.indirect.scatter.add.f32 [tilespmem:s25], [sflag:$0x4], $0x80, s0, s19, $0xb8;
	[tilespmem:$0x1E800] =	vst v63  }
0x68: {  	_ =	swait.ge [sflag:s29], $0x4000  }
0x69: {  	[sflag:s29] =	ssyncset.done $0x0  }
0x6a: {  	[sflag:s29] =	ssyncadd.s32 $0xFFFFC000  }
0x6b: {  	_ =	swait.ge [sflag:s30], $0x4000  }
0x6c: {  	[sflag:s30] =	ssyncset.done $0x0  }
0x6d: {  	s5 =	simm.s32 $0x0;
	[sflag:s30] =	ssyncadd.s32 $0xFFFFC000  }
0x6e: {  	[tilespmem:s5], [sflag:$0x5] =	stream.linear.gather [hbm4b:s13+s5], $0x1400, $0x38;
	[tilespmem:$0x1E800] =	vst v63  }
0x6f: {  	_ =	swait.ge [sflag:s17], $0x1400  }
0x70: {  	[sflag:s17] =	ssyncset.done $0x0  }
0x71: {  	[sflag:s17] =	ssyncadd.s32 $0xFFFFEC00  }
0x72: {  	[tilespmem:s18], [sflag:$0x5] =	stream.linear.gather [hbm4b:s14+s5], $0x1400, $0x38;
	[tilespmem:$0x1E800] =	vst v63  }
0x73: {  	_ =	swait.ge [sflag:s17], $0x1400  }
0x74: {  	[sflag:s17] =	ssyncset.done $0x0  }
0x75: {  	[sflag:s17] =	ssyncadd.s32 $0xFFFFEC00  }
0x76: {  	[tilespmem:s16], [sflag:$0x1] =	stream.indirect.gather [hbm4b:s3+s19], $0x80, s5, s19, $0xb8;
	[tilespmem:$0x1E800] =	vst v63  }
0x77: {  	_ = 	snop  }
0x78: {  	[tilespmem:s25], [sflag:$0x2] =	stream.indirect.gather [hbm4b:s3+s19], $0x80, s19, s19, $0xb8;
	[tilespmem:$0x1E800] =	vst v63  }
0x79: {  	_ =	swait.ge [sflag:s26], $0x4000  }
0x7a: {  	[sflag:s26] =	ssyncset.done $0x0  }
0x7b: {  	s12 =	simm.s32 $0x1400;
	[sflag:s26] =	ssyncadd.s32 $0xFFFFC000  }
0x7c: {  	[spmem:s1] =	stream.indirect.scatter.add.f32 [tilespmem:s16], [sflag:$0x3], $0x80, s12, s19, $0xb8;
	[tilespmem:$0x1E800] =	vst v63  }
0x7d: {  	_ =	swait.ge [sflag:s28], $0x4000  }
0x7e: {  	[sflag:s28] =	ssyncset.done $0x0  }
0x7f: {  	s11 =	simm.s32 $0x1480;
	[sflag:s28] =	ssyncadd.s32 $0xFFFFC000  }
0x80: {  	[spmem:s1] =	stream.indirect.scatter.add.f32 [tilespmem:s25], [sflag:$0x4], $0x80, s11, s19, $0xb8;
	[tilespmem:$0x1E800] =	vst v63  }
0x81: {  	_ =	swait.ge [sflag:s29], $0x4000  }
0x82: {  	[sflag:s29] =	ssyncset.done $0x0  }
0x83: {  	s12 =	simm.s32 $0x100;
	[sflag:s29] =	ssyncadd.s32 $0xFFFFC000  }
0x84: {  	[tilespmem:s16], [sflag:$0x1] =	stream.indirect.gather [hbm4b:s3+s19], $0x80, s12, s19, $0xb8;
	[tilespmem:$0x1E800] =	vst v63  }
0x85: {  	_ =	swait.ge [sflag:s30], $0x4000  }
0x86: {  	[sflag:s30] =	ssyncset.done $0x0  }
0x87: {  	s5 =	simm.s32 $0x400;
	s11 =	simm.s32 $0x180;
	[sflag:s30] =	ssyncadd.s32 $0xFFFFC000  }
.LBB2_4:
0x88: {  	[tilespmem:s25], [sflag:$0x2] =	stream.indirect.gather [hbm4b:s3+s19], $0x80, s11, s19, $0xb8;
	[tilespmem:$0x1E800] =	vst v63  }
0x89: {  	s11 =	smov.u32 s5  }
0x8a: {  	p0 =	sne.s32 s5, $0x4800;
	s5 =	sadd.s32 $0x400, s5;
	_ =	swait.ge [sflag:s26], $0x4000  }
0x8b: {  	s11 =	sshra.s32 s11, $0x2;
	[sflag:s26] =	ssyncset.done $0x0  }
0x8c: {  	s12 =	sadd.s32 $0x1400, s11;
	[sflag:s26] =	ssyncadd.s32 $0xFFFFC000  }
0x8d: {  	[spmem:s1] =	stream.indirect.scatter.add.f32 [tilespmem:s16], [sflag:$0x3], $0x80, s12, s19, $0xb8;
	[tilespmem:$0x1E800] =	vst v63  }
0x8e: {  	_ =	swait.ge [sflag:s28], $0x4000  }
0x8f: {  	[sflag:s28] =	ssyncset.done $0x0  }
0x90: {  	s12 =	sadd.s32 $0x1480, s11;
	[sflag:s28] =	ssyncadd.s32 $0xFFFFC000  }
0x91: {  	[spmem:s1] =	stream.indirect.scatter.add.f32 [tilespmem:s25], [sflag:$0x4], $0x80, s12, s19, $0xb8;
	[tilespmem:$0x1E800] =	vst v63  }
0x92: {  	_ =	swait.ge [sflag:s29], $0x4000  }
0x93: {  	[sflag:s29] =	ssyncset.done $0x0  }
.Ltmp1:
0x94: {  	s12 =	sadd.s32 $0x100, s11;
	[sflag:s29] =	ssyncadd.s32 $0xFFFFC000;
	(pc) =	sbr.rel @p0 .LBB2_4-.Ltmp1, $4  }
0x95: {  	[tilespmem:s16], [sflag:$0x1] =	stream.indirect.gather [hbm4b:s3+s19], $0x80, s12, s19, $0xb8;
	[tilespmem:$0x1E800] =	vst v63  }
0x96: {  	_ =	swait.ge [sflag:s30], $0x4000  }
0x97: {  	[sflag:s30] =	ssyncset.done $0x0  }
0x98: {  	s11 =	sadd.s32 $0x180, s11;
	[sflag:s30] =	ssyncadd.s32 $0xFFFFC000  }
0x99: {  	[tilespmem:s25], [sflag:$0x2] =	stream.indirect.gather [hbm4b:s3+s19], $0x80, s11, s19, $0xb8;
	[tilespmem:$0x1E800] =	vst v63  }
0x9a: {  	_ =	swait.ge [sflag:s26], $0x4000  }
0x9b: {  	[sflag:s26] =	ssyncset.done $0x0  }
0x9c: {  	[sflag:s26] =	ssyncadd.s32 $0xFFFFC000  }
0x9d: {  	[spmem:s1] =	stream.indirect.scatter.add.f32 [tilespmem:s16], [sflag:$0x3], $0x80, s31, s19, $0xb8;
	[tilespmem:$0x1E800] =	vst v63  }
0x9e: {  	_ =	swait.ge [sflag:s28], $0x4000  }
0x9f: {  	[sflag:s28] =	ssyncset.done $0x0  }
0xa0: {  	[sflag:s28] =	ssyncadd.s32 $0xFFFFC000  }
0xa1: {  	[spmem:s1] =	stream.indirect.scatter.add.f32 [tilespmem:s25], [sflag:$0x4], $0x80, s0, s19, $0xb8;
	[tilespmem:$0x1E800] =	vst v63  }
0xa2: {  	_ =	swait.ge [sflag:s29], $0x4000  }
0xa3: {  	[sflag:s29] =	ssyncset.done $0x0  }
0xa4: {  	[sflag:s29] =	ssyncadd.s32 $0xFFFFC000  }
0xa5: {  	_ =	swait.ge [sflag:s30], $0x4000  }
0xa6: {  	[sflag:s30] =	ssyncset.done $0x0  }
0xa7: {  	[sflag:s30] =	ssyncadd.s32 $0xFFFFC000  }
0xa8: {  	[bflag:$0x0] =	sbarrier.arrive $0xFFFF  }
0xa9: {  	[tilespmem:s16], [sflag:$0x5] =	stream.linear.gather [spmem:s6], $0x4000, $0x38;
	[tilespmem:$0x1E800] =	vst v63  }
0xaa: {  	_ =	swait.ge [sflag:s17], $0x4000  }
0xab: {  	[sflag:s17] =	ssyncset.done $0x0  }
0xac: {  	[sflag:s17] =	ssyncadd.s32 $0xFFFFC000  }
0xad: {  	[hbm4b:s20+s2] =	stream.linear.scatter [tilespmem:s16], [sflag:$0x5], $0x4000, $0x38;
	[tilespmem:$0x1E800] =	vst v63  }
0xae: {  	_ =	swait.ge [sflag:s17], $0x4000  }
0xaf: {  	[sflag:s17] =	ssyncset.done $0x0  }
0xb0: {  	[sflag:s17] =	ssyncadd.s32 $0xFFFFC000  }
0xb1: {  	[tilespmem:s16], [sflag:$0x5] =	stream.linear.gather [spmem:s7], $0x4000, $0x38;
	[tilespmem:$0x1E800] =	vst v63  }
0xb2: {  	_ =	swait.ge [sflag:s17], $0x4000  }
0xb3: {  	[sflag:s17] =	ssyncset.done $0x0  }
0xb4: {  	[sflag:s17] =	ssyncadd.s32 $0xFFFFC000  }
0xb5: {  	[hbm4b:s21+s2] =	stream.linear.scatter [tilespmem:s16], [sflag:$0x5], $0x4000, $0x38;
	[tilespmem:$0x1E800] =	vst v63  }
0xb6: {  	_ =	swait.ge [sflag:s17], $0x4000  }
0xb7: {  	[sflag:s17] =	ssyncset.done $0x0  }
0xb8: {  	[sflag:s17] =	ssyncadd.s32 $0xFFFFC000  }
0xb9: {  	[tilespmem:s16], [sflag:$0x5] =	stream.linear.gather [spmem:s8], $0x4000, $0x38;
	[tilespmem:$0x1E800] =	vst v63  }
0xba: {  	_ =	swait.ge [sflag:s17], $0x4000  }
0xbb: {  	[sflag:s17] =	ssyncset.done $0x0  }
0xbc: {  	[sflag:s17] =	ssyncadd.s32 $0xFFFFC000  }
0xbd: {  	[hbm4b:s22+s2] =	stream.linear.scatter [tilespmem:s16], [sflag:$0x5], $0x4000, $0x38;
	[tilespmem:$0x1E800] =	vst v63  }
0xbe: {  	_ =	swait.ge [sflag:s17], $0x4000  }
0xbf: {  	[sflag:s17] =	ssyncset.done $0x0  }
0xc0: {  	[sflag:s17] =	ssyncadd.s32 $0xFFFFC000  }
0xc1: {  	[tilespmem:s16], [sflag:$0x5] =	stream.linear.gather [spmem:s9], $0x4000, $0x38;
	[tilespmem:$0x1E800] =	vst v63  }
0xc2: {  	_ =	swait.ge [sflag:s17], $0x4000  }
0xc3: {  	[sflag:s17] =	ssyncset.done $0x0  }
0xc4: {  	[sflag:s17] =	ssyncadd.s32 $0xFFFFC000  }
0xc5: {  	[hbm4b:s23+s2] =	stream.linear.scatter [tilespmem:s16], [sflag:$0x5], $0x4000, $0x38;
	[tilespmem:$0x1E800] =	vst v63  }
0xc6: {  	_ =	swait.ge [sflag:s17], $0x4000  }
0xc7: {  	[sflag:s17] =	ssyncset.done $0x0  }
0xc8: {  	[sflag:s17] =	ssyncadd.s32 $0xFFFFC000  }
0xc9: {  	[tilespmem:s16], [sflag:$0x5] =	stream.linear.gather [spmem:s10], $0x4000, $0x38;
	[tilespmem:$0x1E800] =	vst v63  }
0xca: {  	s4 =	sadd.s32 $0x1, s4;
	_ =	swait.ge [sflag:s17], $0x4000  }
0xcb: {  	p0 =	sne.s32 s4, s15;
	[sflag:s17] =	ssyncset.done $0x0  }
.Ltmp2:
0xcc: {  	[sflag:s17] =	ssyncadd.s32 $0xFFFFC000;
	(pc) =	sbr.rel @p0 .LBB2_1-.Ltmp2, $4  }
0xcd: {  	[hbm4b:s24+s2] =	stream.linear.scatter [tilespmem:s16], [sflag:$0x5], $0x4000, $0x38;
	[tilespmem:$0x1E800] =	vst v63  }
0xce: {  	_ =	swait.ge [sflag:s17], $0x4000  }
0xcf: {  	[sflag:s17] =	ssyncset.done $0x0  }
0xd0: {  	[sflag:s17] =	ssyncadd.s32 $0xFFFFC000  }
0xd1: {  	_ =	sfence.sel $0x180000  }
0xd2: {  	[bflag:$0x0] =	sbarrier.arrive $0xFFFF  }
0xd3: {  	_ =	strace $0x9000004D  }
0xd4: {  	s0 =	stileid.u32;
	[bflag:$0x2] =	sbarrier.arrive $0xFFFF  }
0xd5: {  	p0 =	sne.s32 s0, $0x0;
	s0 =	rddreg [dreg:$0x2]  }
0xd6: {  	s0 =	sadd.s32 @!p0 $0x100000, s0  }
0xd7: {  	[sflag:s0] =	ssyncadd.tile.s32 @!p0 $0x1;
	_ =	shalt  }
.Lfunc_end2:
_tile_overlayer_lowered:
.L_overlay_start_2:
0xd8: {  	(tag) =	ssettag $0x2  }
0xd9: {  	s0 =	rddreg [dreg:$0x0];
	s2 =	stileid.u32  }
0xda: {  	s1 =	rddreg [dreg:$0x1];
	p0 =	sne.s32 s2, $0x0  }
0xdb: {  	s3 =	rddreg [dreg:$0x2];
	[bflag:$0x3] =	sbarrier.arrive $0xFFFF;
	s2 =	simm.s32 @!p0 $0x1C05  }
0xdc: {  	[timem:s3], [sflag:s2] =	dma.local @!p0 [hbm:s0], s1  }
0xdd: {  	s0 =	simm.s32 @!p0 $0x5  }
0xde: {  	_ =	swait.ge @!p0 [sflag:s0], s1  }
0xdf: {  	s1 =	ssub.s32 @!p0 $0x0, s1;
	[sflag:s0] =	ssyncset.done @!p0 $0x0  }
0xe0: {  	[sflag:s0] =	ssyncadd.s32 @!p0 s1  }
0xe1: {  	[bflag:$0x3] =	sbarrier.arrive $0xFFFF  }
0xe2: {  	_ =	shalt  }

// kernel: kernel.19.cloned.1.call-start
scs
__scs_entry_jumppad:
0x0: {  	(pc) =	sbr.rel $0x88, $3  }
0x1: {  	(tag) =	ssettag $0x0;
	lr =	simm.s32 $0x1  }
0x2: {  	[smem:$0x3F94] =	sst lr;
	_ =	strace $0xD0000000  }
0x3: {  	_ = 	snop  }
0x4: {  	_ = 	snop  }
0x5: {  	_ = 	snop  }
0x6: {  	_ = 	snop  }
0x7: {  	_ = 	snop  }
__scs_overlays_trampoline_lowered:
0x8: {  	[smem:$0x3FA3] =	sst s0  }
0x9: {  	[smem:$0x3FA4] =	sst s1  }
0xa: {  	[smem:$0x3FA5] =	sst s2  }
0xb: {  	[smem:$0x3FA6] =	sst s3  }
0xc: {  	[smem:$0x3FA7] =	sst s4  }
0xd: {  	[smem:$0x3FA8] =	sst s5  }
0xe: {  	[smem:$0x3FA9] =	sst s6  }
0xf: {  	[smem:$0x3FAA] =	sst s7  }
0x10: {  	[smem:$0x3FAB] =	sst s8  }
0x11: {  	[smem:$0x3FAC] =	sst s9;
	s0 =	simm.s32 @!p0 $0x0  }
0x12: {  	s1 =	sld [smem:$0x3F92];
	s0 =	simm.s32 @p0 $0x1  }
0x13: {  	[smem:$0x3FAD] =	sst s0;
	s0 =	simm.s32 @!p1 $0x0  }
0x14: {  	s2 =	sld [smem:$0x3F91];
	s0 =	simm.s32 @p1 $0x1  }
0x15: {  	[smem:$0x3FAE] =	sst s0;
	s0 =	simm.s32 @!p2 $0x0  }
0x16: {  	s3 =	sld [smem:$0x3FDB];
	s0 =	simm.s32 @p2 $0x1  }
0x17: {  	s4 =	simm.s32 $0x1BF5;
	[smem:$0x3FB0] =	sst s0  }
0x18: {  	s0 =	sld [smem:$0x3F93];
	_ =	swait.ge [sflag:s4], $0x0  }
0x19: {  	s7 =	sld [smem:$0x3F94]  }
0x1a: {  	s8 =	sadd.s32 $0xFFFFE003, lr  }
0x1b: {  	s9 =	sadd.s32 $0xFFFFFEF7, lr;
	s5 =	simm.s32 $0xFFFFFFFF;
	p2 =	slt.u32 s8, $0xFFFFF086  }
0x1c: {  	p1 =	slt.u32 s9, $0xF7A;
	s5 =	simm.s32 @!p2 $0x0  }
0x1d: {  	s5 =	simm.s32 @p1 $0x1;
	p0 =	seq.s32 s7, s2  }
0x1e: {  	s7 =	smul.u32 @!p0 $0xF7A, s2;
	p2 =	seq.s32 @!p0 s5, $0x0  }
0x1f: {  	s9 =	smul.u32 $0xF7A, s1;
	s8 =	simm.s32 @!p0 $0x1BF5;
	p2 =	por !p2, p0  }
0x20: {  	[sflag:s8] =	ssyncset.s32 @!p0 $0xFFFFF086;
	s6 =	sadd.s32 @!p0 s3, s7;
	s7 =	simm.s32 @!p0 $0x108  }
0x21: {  	s3 =	sadd.s32 s3, s9;
	s6 =	sadd.s32 @!p0 $0x88, s6;
	s7 =	simm.s32 @p2 $0x1082  }
0x22: {  	[simem:s7], [sflag:s8] =	dma.local @!p0 [hbm:s6], $0xF7A  }
0x23: {  	s9 =	sor.u32 $0xD0000000, s2;
	s6 =	simm.s32 $0x108;
	_ =	swait.ge @!p0 [sflag:s8], $0x0  }
0x24: {  	s3 =	sadd.s32 $0x88, s3;
	s6 =	simm.s32 @!p1 $0x1082;
	[sflag:s4] =	ssyncset.s32 $0xFFFFF086  }
0x25: {  	[simem:s6], [sflag:s4] =	dma.local [hbm:s3], $0xF7A  }
0x26: {  	[smem:$0x3F94] =	sst s1;
	(tag) =	ssettag s2;
	_ =	strace s9  }
0x27: {  	s1 =	sld [smem:$0x3FA4]  }
0x28: {  	s2 =	sld [smem:$0x3FA5]  }
0x29: {  	s4 =	sld [smem:$0x3FA7]  }
0x2a: {  	p0 =	seq.s32 s5, $0x0;
	s5 =	sld [smem:$0x3FA8]  }
0x2b: {  	s6 =	sld [smem:$0x3FA9]  }
0x2c: {  	s7 =	sld [smem:$0x3FAA]  }
0x2d: {  	s3 =	simm.s32 $0x108;
	s8 =	sld [smem:$0x3FAB]  }
0x2e: {  	s3 =	simm.s32 @!p0 $0x1082;
	s9 =	sld [smem:$0x3FAC]  }
0x2f: {  	lr =	sadd.s32 s0, s3;
	s0 =	sld [smem:$0x3FA3]  }
0x30: {  	s3 =	sld [smem:$0x3FA6]  }
0x31: {  	[smem:$0x3FAF] =	sst s10  }
0x32: {  	s10 =	sld [smem:$0x3FAD];
	_ =	sdelay $0x3  }
0x33: {  	p0 =	seq.s32 s10, $0x1;
	s10 =	sld [smem:$0x3FAF];
	_ =	sdelay $0x3  }
0x34: {  	[smem:$0x3FAF] =	sst s10  }
0x35: {  	s10 =	sld [smem:$0x3FAE];
	_ =	sdelay $0x3  }
0x36: {  	p1 =	seq.s32 s10, $0x1;
	s10 =	sld [smem:$0x3FAF];
	_ =	sdelay $0x3  }
0x37: {  	[smem:$0x3FAF] =	sst s10  }
0x38: {  	s10 =	sld [smem:$0x3FB0]  }
0x39: {  	_ = 	snop;
	(pc) =	sbr.ind lr, $3  }
0x3a: {  	_ = 	snop  }
0x3b: {  	_ = 	snop  }
0x3c: {  	p2 =	seq.s32 s10, $0x1;
	s10 =	sld [smem:$0x3FAF]  }
0x3d: {  	_ =	shalt  }
0x3e: {  	_ =	shalt  }
0x3f: {  	_ =	shalt  }
0x40: {  	_ =	shalt  }
0x41: {  	_ =	shalt  }
0x42: {  	_ =	shalt  }
0x43: {  	_ =	shalt  }
0x44: {  	_ =	shalt  }
0x45: {  	_ =	shalt  }
0x46: {  	_ =	shalt  }
0x47: {  	_ =	shalt  }
0x48: {  	_ =	shalt  }
0x49: {  	_ =	shalt  }
0x4a: {  	_ =	shalt  }
0x4b: {  	_ =	shalt  }
0x4c: {  	_ =	shalt  }
0x4d: {  	_ =	shalt  }
0x4e: {  	_ =	shalt  }
0x4f: {  	_ =	shalt  }
0x50: {  	_ =	shalt  }
0x51: {  	_ =	shalt  }
0x52: {  	_ =	shalt  }
0x53: {  	_ =	shalt  }
0x54: {  	_ =	shalt  }
0x55: {  	_ =	shalt  }
0x56: {  	_ =	shalt  }
0x57: {  	_ =	shalt  }
0x58: {  	_ =	shalt  }
0x59: {  	_ =	shalt  }
0x5a: {  	_ =	shalt  }
0x5b: {  	_ =	shalt  }
0x5c: {  	_ =	shalt  }
0x5d: {  	_ =	shalt  }
0x5e: {  	_ =	shalt  }
0x5f: {  	_ =	shalt  }
0x60: {  	_ =	shalt  }
0x61: {  	_ =	shalt  }
0x62: {  	_ =	shalt  }
0x63: {  	_ =	shalt  }
0x64: {  	_ =	shalt  }
0x65: {  	_ =	shalt  }
0x66: {  	_ =	shalt  }
0x67: {  	_ =	shalt  }
0x68: {  	_ =	shalt  }
0x69: {  	_ =	shalt  }
0x6a: {  	_ =	shalt  }
0x6b: {  	_ =	shalt  }
0x6c: {  	_ =	shalt  }
0x6d: {  	_ =	shalt  }
0x6e: {  	_ =	shalt  }
0x6f: {  	_ =	shalt  }
0x70: {  	_ =	shalt  }
0x71: {  	_ =	shalt  }
0x72: {  	_ =	shalt  }
0x73: {  	_ =	shalt  }
0x74: {  	_ =	shalt  }
0x75: {  	_ =	shalt  }
0x76: {  	_ =	shalt  }
0x77: {  	_ =	shalt  }
0x78: {  	_ =	shalt  }
0x79: {  	_ =	shalt  }
0x7a: {  	_ =	shalt  }
0x7b: {  	_ =	shalt  }
0x7c: {  	_ =	shalt  }
0x7d: {  	_ =	shalt  }
0x7e: {  	_ =	shalt  }
0x7f: {  	_ =	shalt  }
0x80: {  	_ =	shalt  }
0x81: {  	_ =	shalt  }
0x82: {  	_ =	shalt  }
0x83: {  	_ =	shalt  }
0x84: {  	_ =	shalt  }
0x85: {  	_ =	shalt  }
0x86: {  	_ =	shalt  }
0x87: {  	_ =	shalt  }
.Lfunc_end0:
.L_simem_size_0:
called_computation.3_lowered:
.L_overlay_start_0:
0x88: {  	s2 =	sld [smem:$0x3FD9]  }
0x89: {  	s3 =	sld [smem:$0x3FFE];
	_ =	sdelay $0x1  }
0x8a: {  	s1 =	srdreg.scid  }
0x8b: {  	s0 =	sand.u32 $0x1, s1  }
0x8c: {  	s16 =	sshll.u32 s0, $0xA;
	s2 =	sadd.s32 s3, s2  }
0x8d: {  	s2 =	sadd.s32 s2, s16  }
0x8e: {  	[smem:$0x3FBB] =	sst s2  }
0x8f: {  	_ = 	snop  }
0x90: {  	(tm) =	ssettm $0x1  }
0x91: {  	s17 =	sld [smem:$0x3FFB];
	_ =	sdelay $0x3  }
0x92: {  	_ =	strace s17  }
0x93: {  	s2 =	sld [smem:$0x3FFC];
	_ =	sdelay $0x3  }
0x94: {  	_ =	strace s2  }
0x95: {  	s2 =	sld [smem:$0x3FFD];
	_ =	sdelay $0x3  }
0x96: {  	_ =	strace s2  }
0x97: {  	_ =	strace $0x8FFFFFFF  }
0x98: {  	s18 =	sld [smem:$0x3FDB];
	_ =	sdelay $0x1  }
0x99: {  	s19 =	simm.s32 $_scs_section_size  }
0x9a: {  	s4 =	simm.s32 $_size__tile_overlayer_lowered;
	s5 =	simm.s32 $_tile_overlayer_lowered  }
0x9b: {  	s22 =	simm.s32 $0x1BFF;
	s21 =	sshll.u32 s5, $0x1;
	s2 =	sadd.s32 s19, s18  }
0x9c: {  	s6 =	simm.s32 $0x0;
	s20 =	sshll.u32 s4, $0x1;
	s4 =	sadd.s32 s21, s2  }
0x9d: {  	[timem:s6], [sflag:s22] =	dma.local [hbm:s4], s20  }
0x9e: {  	_ =	swait.ge [sflag:s22], s20  }
0x9f: {  	s3 =	ssub.s32 $0x0, s20;
	[sflag:s22] =	ssyncset.done $0x0  }
0xa0: {  	[sflag:s22] =	ssyncadd.s32 s3;
	_ =	sdelay $0x1  }
0xa1: {  	s23 =	simm.s32 $0x1B8B  }
0xa2: {  	_ =	swait.ge [sflag:s23], $0x1  }
0xa3: {  	[sflag:s23] =	ssyncset.done $0x0  }
0xa4: {  	s25 =	simm.s32 $0x1B8E;
	s24 =	sld [smem:$0x3FFE];
	[sflag:s23] =	ssyncadd.s32 $0xFFFFFFFF  }
0xa5: {  	s26 =	simm.s32 $execute0_lowered;
	[smem:$0x3FD2] =	sst s25  }
0xa6: {  	s4 =	sshll.u32 s26, $0x1;
	_ =	strace $0x8000004F;
	[dreg:$0x1] =	wrdreg $0xFFFFFFFF  }
0xa7: {  	s28 =	simm.s32 $_size_execute0_lowered;
	s2 =	sadd.s32 s2, s4;
	[dreg:$0x0] =	wrdreg $0x0  }
0xa8: {  	s4 =	sshll.u32 s28, $0x1;
	[dreg:$0x2] =	wrdreg s2  }
0xa9: {  	[dreg:$0x3] =	wrdreg s4  }
0xaa: {  	[dreg:$0x4] =	wrdreg $0xC0  }
0xab: {  	_ =	task [dreg:s6], $0x5FFFF  }
0xac: {  	[dreg:$0x1] =	wrdreg $0xFFFFFFFF  }
0xad: {  	[dreg:$0x0] =	wrdreg $0x60  }
0xae: {  	[dreg:$0x2] =	wrdreg s24  }
0xaf: {  	[dreg:$0x3] =	wrdreg $0xA8000  }
0xb0: {  	[dreg:$0x4] =	wrdreg $0x9  }
0xb1: {  	_ =	task.clear_ibuf [dreg:s6], $0x5FFFF;
	_ =	strace $0x9000004F  }
0xb2: {  	s29 =	simm.s32 $0x9;
	_ =	strace $0x80000051  }
0xb3: {  	_ =	swait.ge [sflag:s29], $0x1  }
0xb4: {  	[sflag:s29] =	ssyncadd.s32 $0xFFFFFFFF  }
0xb5: {  	_ =	strace $0x90000051  }
0xb6: {  	_ =	sfence  }
0xb7: {  	s30 =	sld [smem:$0x0];
	_ =	sdelay $0x2  }
0xb8: {  	s31 =	sshll.u32 s1, $0xD;
	s1 =	sshrl.u32 s1, $0x2  }
0xb9: {  	s3 =	sand.u32 $0x4000, s31;
	s1 =	sadd.s32 s1, s30  }
0xba: {  	s0 =	sor.u32 s3, s0;
	s1 =	sshll.u32 s1, $0x11  }
0xbb: {  	s0 =	sor.u32 s1, s0  }
0xbc: {  	s0 =	sadd.s32 $0x8F2B, s0  }
0xbd: {  	[sflag:s0] =	ssyncadd.remote.s32 $0x1  }
0xbe: {  	_ =	sfence.sel $0xFFFF  }
0xbf: {  	[dreg:$0x0] =	wrdreg $0xFFFFFFFF;
	(pc) =	sbr.abs _section_cstart, $3  }
0xc0: {  	[dreg:$0x1] =	wrdreg $0xFFFFFFFF  }
0xc1: {  	_ =	task.clear_ibuf [dreg:s6], $0x2FFFF;
	_ =	strace $0x9FFFFFFF  }
0xc2: {  	(tm) =	ssettm $0x7FFFFFFF  }
0xc3: {  	_ =	shalt  }
tec
execute0_lowered:
.L_overlay_start_1:
0x0: {  	(tag) =	ssettag $0x1  }
0x1: {  	s0 =	rddreg [dreg:$0x0]  }
0x2: {  	s1 =	rddreg [dreg:$0x1];
	s2 =	simm.s32 $0x0;
	s3 =	srdreg.scid  }
0x3: {  	s20 =	stileid.u32;
	s28 =	simm.s32 $0x2;
	s29 =	simm.s32 $0x3  }
0x4: {  	s30 =	simm.s32 $0x4;
	s31 =	simm.s32 $0x2700;
	[smem:$0x7FF] =	sst s2  }
0x5: {  	s4 =	sand.u32 $0x1, s3;
	s3 =	sadd.s32 $0x17600, s0;
	s9 =	smul.u32 $0x280, s20  }
0x6: {  	s5 =	sadd.s32 $0xD600, s0;
	s11 =	sadd.s32 $0x3600, s0;
	s10 =	smul.u32 $0x50000, s20  }
0x7: {  	s7 =	sadd.s32 $0x3E800, s0;
	s8 =	sshll.u32 s20, $0x1;
	s22 =	smul.u32 $0x2800, s20  }
0x8: {  	_ =	strace $0x80000050;
	s6 =	smul.u32 $0x28000, s4;
	s25 =	ssub.s32 $0x2, s4  }
0x9: {  	[dreg:$0x3] =	wrdreg s7;
	s4 =	sor.u32 s4, s8;
	s26 =	sshrl.u32 s25, $0x1  }
0xa: {  	s16 =	sadd.s32 $0x80, s9;
	s8 =	sshrl.u32 s10, $0x2;
	s17 =	sadd.s32 $0x100, s9  }
0xb: {  	s18 =	sadd.s32 $0x180, s9;
	s13 =	smul.u32 $0x2800, s4;
	s19 =	sadd.s32 $0x200, s9  }
0xc: {  	s4 =	smul.u32 $0x500, s4;
	s0 =	sadd.s32 s6, s0;
	s15 =	ssub.s32 s25, s26  }
0xd: {  	s10 =	sshll.u32 s16, $0x7;
	s6 =	sadd.s32 s8, s1;
	s12 =	sshll.u32 s17, $0x7  }
0xe: {  	s14 =	sshll.u32 s19, $0x7;
	s25 =	sshll.u32 s16, $0x4;
	s26 =	sshll.u32 s17, $0x4  }
0xf: {  	s23 =	sshll.u32 s18, $0x4;
	s24 =	sshll.u32 s19, $0x4;
	s16 =	simm.s32 $0x2800  }
0x10: {  	s17 =	simm.s32 $0x5;
	s19 =	simm.s32 $0x80;
	s7 =	sadd.s32 s10, s1  }
0x11: {  	s8 =	sadd.s32 s12, s1;
	s12 =	sshll.u32 s18, $0x7;
	s13 =	sshrl.u32 s13, $0x3  }
0x12: {  	s10 =	sadd.s32 s14, s1;
	s21 =	sadd.s32 s5, s4;
	s4 =	sadd.s32 s11, s4  }
0x13: {  	s0 =	sadd.s32 $0x3F000, s0;
	s15 =	smax.u32 s15, $0x1;
	s18 =	simm.s32 $0x1400  }
0x14: {  	s9 =	sadd.s32 s12, s1;
	[dreg:$0x4] =	wrdreg s21;
	s14 =	sadd.s32 $0x280, s13  }
0x15: {  	[dreg:$0x5] =	wrdreg s4;
	s20 =	sadd.s32 s22, s0;
	s21 =	sadd.s32 s25, s0  }
0x16: {  	s22 =	sadd.s32 s26, s0;
	s23 =	sadd.s32 s23, s0;
	s24 =	sadd.s32 s24, s0  }
0x17: {  	s25 =	simm.s32 $0x6800;
	s26 =	simm.s32 $0x1;
	s0 =	simm.s32 $0x2780  }
0x18: {  	s4 =	simm.s32 $0x0;
	s13 =	sadd.s32 s5, s14;
	s14 =	sadd.s32 s11, s14  }
.LBB2_1:
0x19: {  	s5 =	rddreg [dreg:$0x3]  }
0x1a: {  	[tilespmem:s16], [sflag:$0x5] =	stream.linear.gather [hbm4b:s5+s2], $0x4000, $0x38;
	[tilespmem:$0x1E800] =	vst v63  }
0x1b: {  	_ =	swait.ge [sflag:s17], $0x4000  }
0x1c: {  	[sflag:s17] =	ssyncset.done $0x0  }
0x1d: {  	[sflag:s17] =	ssyncadd.s32 $0xFFFFC000  }
0x1e: {  	[spmem:s6] =	stream.linear.scatter [tilespmem:s16], [sflag:$0x5], $0x4000, $0x38;
	[tilespmem:$0x1E800] =	vst v63  }
0x1f: {  	_ =	swait.ge [sflag:s17], $0x4000  }
0x20: {  	[sflag:s17] =	ssyncset.done $0x0  }
0x21: {  	[sflag:s17] =	ssyncadd.s32 $0xFFFFC000  }
0x22: {  	[spmem:s7] =	stream.linear.scatter [tilespmem:s16], [sflag:$0x5], $0x4000, $0x38;
	[tilespmem:$0x1E800] =	vst v63  }
0x23: {  	_ =	swait.ge [sflag:s17], $0x4000  }
0x24: {  	[sflag:s17] =	ssyncset.done $0x0  }
0x25: {  	[sflag:s17] =	ssyncadd.s32 $0xFFFFC000  }
0x26: {  	[spmem:s8] =	stream.linear.scatter [tilespmem:s16], [sflag:$0x5], $0x4000, $0x38;
	[tilespmem:$0x1E800] =	vst v63  }
0x27: {  	_ =	swait.ge [sflag:s17], $0x4000  }
0x28: {  	[sflag:s17] =	ssyncset.done $0x0  }
0x29: {  	[sflag:s17] =	ssyncadd.s32 $0xFFFFC000  }
0x2a: {  	[spmem:s9] =	stream.linear.scatter [tilespmem:s16], [sflag:$0x5], $0x4000, $0x38;
	[tilespmem:$0x1E800] =	vst v63  }
0x2b: {  	_ =	swait.ge [sflag:s17], $0x4000  }
0x2c: {  	[sflag:s17] =	ssyncset.done $0x0  }
0x2d: {  	[sflag:s17] =	ssyncadd.s32 $0xFFFFC000  }
0x2e: {  	[spmem:s10] =	stream.linear.scatter [tilespmem:s16], [sflag:$0x5], $0x4000, $0x38;
	[tilespmem:$0x1E800] =	vst v63  }
0x2f: {  	_ =	swait.ge [sflag:s17], $0x4000  }
0x30: {  	[sflag:s17] =	ssyncset.done $0x0  }
0x31: {  	[sflag:s17] =	ssyncadd.s32 $0xFFFFC000  }
0x32: {  	[bflag:$0x0] =	sbarrier.arrive $0xFFFF  }
0x33: {  	s12 =	rddreg [dreg:$0x4]  }
0x34: {  	[tilespmem:s2], [sflag:$0x5] =	stream.linear.gather [hbm4b:s12+s2], $0x1400, $0x38;
	[tilespmem:$0x1E800] =	vst v63  }
0x35: {  	_ =	swait.ge [sflag:s17], $0x1400  }
0x36: {  	[sflag:s17] =	ssyncset.done $0x0  }
0x37: {  	s11 =	rddreg [dreg:$0x5];
	[sflag:s17] =	ssyncadd.s32 $0xFFFFEC00  }
0x38: {  	[tilespmem:s18], [sflag:$0x5] =	stream.linear.gather [hbm4b:s11+s2], $0x1400, $0x38;
	[tilespmem:$0x1E800] =	vst v63  }
0x39: {  	_ =	swait.ge [sflag:s17], $0x1400  }
0x3a: {  	[sflag:s17] =	ssyncset.done $0x0  }
0x3b: {  	[sflag:s17] =	ssyncadd.s32 $0xFFFFEC00  }
0x3c: {  	[tilespmem:s16], [sflag:$0x1] =	stream.indirect.gather [hbm4b:s3+s19], $0x80, s2, s19, $0xb8;
	[tilespmem:$0x1E800] =	vst v63  }
0x3d: {  	_ = 	snop  }
0x3e: {  	[tilespmem:s25], [sflag:$0x2] =	stream.indirect.gather [hbm4b:s3+s19], $0x80, s19, s19, $0xb8;
	[tilespmem:$0x1E800] =	vst v63  }
0x3f: {  	_ =	swait.ge [sflag:s26], $0x4000  }
0x40: {  	[sflag:s26] =	ssyncset.done $0x0  }
0x41: {  	s12 =	simm.s32 $0x1400;
	[sflag:s26] =	ssyncadd.s32 $0xFFFFC000  }
0x42: {  	[spmem:s1] =	stream.indirect.scatter.add.f32 [tilespmem:s16], [sflag:$0x3], $0x80, s12, s19, $0xb8;
	[tilespmem:$0x1E800] =	vst v63  }
0x43: {  	_ =	swait.ge [sflag:s28], $0x4000  }
0x44: {  	[sflag:s28] =	ssyncset.done $0x0  }
0x45: {  	s11 =	simm.s32 $0x1480;
	[sflag:s28] =	ssyncadd.s32 $0xFFFFC000  }
0x46: {  	[spmem:s1] =	stream.indirect.scatter.add.f32 [tilespmem:s25], [sflag:$0x4], $0x80, s11, s19, $0xb8;
	[tilespmem:$0x1E800] =	vst v63  }
0x47: {  	_ =	swait.ge [sflag:s29], $0x4000  }
0x48: {  	[sflag:s29] =	ssyncset.done $0x0  }
0x49: {  	s12 =	simm.s32 $0x100;
	[sflag:s29] =	ssyncadd.s32 $0xFFFFC000  }
0x4a: {  	[tilespmem:s16], [sflag:$0x1] =	stream.indirect.gather [hbm4b:s3+s19], $0x80, s12, s19, $0xb8;
	[tilespmem:$0x1E800] =	vst v63  }
0x4b: {  	_ =	swait.ge [sflag:s30], $0x4000  }
0x4c: {  	[sflag:s30] =	ssyncset.done $0x0  }
0x4d: {  	s5 =	simm.s32 $0x400;
	s11 =	simm.s32 $0x180;
	[sflag:s30] =	ssyncadd.s32 $0xFFFFC000  }
.LBB2_2:
0x4e: {  	[tilespmem:s25], [sflag:$0x2] =	stream.indirect.gather [hbm4b:s3+s19], $0x80, s11, s19, $0xb8;
	[tilespmem:$0x1E800] =	vst v63  }
0x4f: {  	s11 =	smov.u32 s5  }
0x50: {  	p0 =	sne.s32 s5, $0x4800;
	s5 =	sadd.s32 $0x400, s5;
	_ =	swait.ge [sflag:s26], $0x4000  }
0x51: {  	s11 =	sshra.s32 s11, $0x2;
	[sflag:s26] =	ssyncset.done $0x0  }
0x52: {  	s12 =	sadd.s32 $0x1400, s11;
	[sflag:s26] =	ssyncadd.s32 $0xFFFFC000  }
0x53: {  	[spmem:s1] =	stream.indirect.scatter.add.f32 [tilespmem:s16], [sflag:$0x3], $0x80, s12, s19, $0xb8;
	[tilespmem:$0x1E800] =	vst v63  }
0x54: {  	_ =	swait.ge [sflag:s28], $0x4000  }
0x55: {  	[sflag:s28] =	ssyncset.done $0x0  }
0x56: {  	s12 =	sadd.s32 $0x1480, s11;
	[sflag:s28] =	ssyncadd.s32 $0xFFFFC000  }
0x57: {  	[spmem:s1] =	stream.indirect.scatter.add.f32 [tilespmem:s25], [sflag:$0x4], $0x80, s12, s19, $0xb8;
	[tilespmem:$0x1E800] =	vst v63  }
0x58: {  	_ =	swait.ge [sflag:s29], $0x4000  }
0x59: {  	[sflag:s29] =	ssyncset.done $0x0  }
.Ltmp0:
0x5a: {  	s12 =	sadd.s32 $0x100, s11;
	[sflag:s29] =	ssyncadd.s32 $0xFFFFC000;
	(pc) =	sbr.rel @p0 .LBB2_2-.Ltmp0, $4  }
0x5b: {  	[tilespmem:s16], [sflag:$0x1] =	stream.indirect.gather [hbm4b:s3+s19], $0x80, s12, s19, $0xb8;
	[tilespmem:$0x1E800] =	vst v63  }
0x5c: {  	_ =	swait.ge [sflag:s30], $0x4000  }
0x5d: {  	[sflag:s30] =	ssyncset.done $0x0  }
0x5e: {  	s11 =	sadd.s32 $0x180, s11;
	[sflag:s30] =	ssyncadd.s32 $0xFFFFC000  }
0x5f: {  	[tilespmem:s25], [sflag:$0x2] =	stream.indirect.gather [hbm4b:s3+s19], $0x80, s11, s19, $0xb8;
	[tilespmem:$0x1E800] =	vst v63  }
0x60: {  	_ =	swait.ge [sflag:s26], $0x4000  }
0x61: {  	[sflag:s26] =	ssyncset.done $0x0  }
0x62: {  	[sflag:s26] =	ssyncadd.s32 $0xFFFFC000  }
0x63: {  	[spmem:s1] =	stream.indirect.scatter.add.f32 [tilespmem:s16], [sflag:$0x3], $0x80, s31, s19, $0xb8;
	[tilespmem:$0x1E800] =	vst v63  }
0x64: {  	_ =	swait.ge [sflag:s28], $0x4000  }
0x65: {  	[sflag:s28] =	ssyncset.done $0x0  }
0x66: {  	[sflag:s28] =	ssyncadd.s32 $0xFFFFC000  }
0x67: {  	[spmem:s1] =	stream.indirect.scatter.add.f32 [tilespmem:s25], [sflag:$0x4], $0x80, s0, s19, $0xb8;
	[tilespmem:$0x1E800] =	vst v63  }
0x68: {  	_ =	swait.ge [sflag:s29], $0x4000  }
0x69: {  	[sflag:s29] =	ssyncset.done $0x0  }
0x6a: {  	[sflag:s29] =	ssyncadd.s32 $0xFFFFC000  }
0x6b: {  	_ =	swait.ge [sflag:s30], $0x4000  }
0x6c: {  	[sflag:s30] =	ssyncset.done $0x0  }
0x6d: {  	s5 =	simm.s32 $0x0;
	[sflag:s30] =	ssyncadd.s32 $0xFFFFC000  }
0x6e: {  	[tilespmem:s5], [sflag:$0x5] =	stream.linear.gather [hbm4b:s13+s5], $0x1400, $0x38;
	[tilespmem:$0x1E800] =	vst v63  }
0x6f: {  	_ =	swait.ge [sflag:s17], $0x1400  }
0x70: {  	[sflag:s17] =	ssyncset.done $0x0  }
0x71: {  	[sflag:s17] =	ssyncadd.s32 $0xFFFFEC00  }
0x72: {  	[tilespmem:s18], [sflag:$0x5] =	stream.linear.gather [hbm4b:s14+s5], $0x1400, $0x38;
	[tilespmem:$0x1E800] =	vst v63  }
0x73: {  	_ =	swait.ge [sflag:s17], $0x1400  }
0x74: {  	[sflag:s17] =	ssyncset.done $0x0  }
0x75: {  	[sflag:s17] =	ssyncadd.s32 $0xFFFFEC00  }
0x76: {  	[tilespmem:s16], [sflag:$0x1] =	stream.indirect.gather [hbm4b:s3+s19], $0x80, s5, s19, $0xb8;
	[tilespmem:$0x1E800] =	vst v63  }
0x77: {  	_ = 	snop  }
0x78: {  	[tilespmem:s25], [sflag:$0x2] =	stream.indirect.gather [hbm4b:s3+s19], $0x80, s19, s19, $0xb8;
	[tilespmem:$0x1E800] =	vst v63  }
0x79: {  	_ =	swait.ge [sflag:s26], $0x4000  }
0x7a: {  	[sflag:s26] =	ssyncset.done $0x0  }
0x7b: {  	s12 =	simm.s32 $0x1400;
	[sflag:s26] =	ssyncadd.s32 $0xFFFFC000  }
0x7c: {  	[spmem:s1] =	stream.indirect.scatter.add.f32 [tilespmem:s16], [sflag:$0x3], $0x80, s12, s19, $0xb8;
	[tilespmem:$0x1E800] =	vst v63  }
0x7d: {  	_ =	swait.ge [sflag:s28], $0x4000  }
0x7e: {  	[sflag:s28] =	ssyncset.done $0x0  }
0x7f: {  	s11 =	simm.s32 $0x1480;
	[sflag:s28] =	ssyncadd.s32 $0xFFFFC000  }
0x80: {  	[spmem:s1] =	stream.indirect.scatter.add.f32 [tilespmem:s25], [sflag:$0x4], $0x80, s11, s19, $0xb8;
	[tilespmem:$0x1E800] =	vst v63  }
0x81: {  	_ =	swait.ge [sflag:s29], $0x4000  }
0x82: {  	[sflag:s29] =	ssyncset.done $0x0  }
0x83: {  	s12 =	simm.s32 $0x100;
	[sflag:s29] =	ssyncadd.s32 $0xFFFFC000  }
0x84: {  	[tilespmem:s16], [sflag:$0x1] =	stream.indirect.gather [hbm4b:s3+s19], $0x80, s12, s19, $0xb8;
	[tilespmem:$0x1E800] =	vst v63  }
0x85: {  	_ =	swait.ge [sflag:s30], $0x4000  }
0x86: {  	[sflag:s30] =	ssyncset.done $0x0  }
0x87: {  	s5 =	simm.s32 $0x400;
	s11 =	simm.s32 $0x180;
	[sflag:s30] =	ssyncadd.s32 $0xFFFFC000  }
.LBB2_4:
0x88: {  	[tilespmem:s25], [sflag:$0x2] =	stream.indirect.gather [hbm4b:s3+s19], $0x80, s11, s19, $0xb8;
	[tilespmem:$0x1E800] =	vst v63  }
0x89: {  	s11 =	smov.u32 s5  }
0x8a: {  	p0 =	sne.s32 s5, $0x4800;
	s5 =	sadd.s32 $0x400, s5;
	_ =	swait.ge [sflag:s26], $0x4000  }
0x8b: {  	s11 =	sshra.s32 s11, $0x2;
	[sflag:s26] =	ssyncset.done $0x0  }
0x8c: {  	s12 =	sadd.s32 $0x1400, s11;
	[sflag:s26] =	ssyncadd.s32 $0xFFFFC000  }
0x8d: {  	[spmem:s1] =	stream.indirect.scatter.add.f32 [tilespmem:s16], [sflag:$0x3], $0x80, s12, s19, $0xb8;
	[tilespmem:$0x1E800] =	vst v63  }
0x8e: {  	_ =	swait.ge [sflag:s28], $0x4000  }
0x8f: {  	[sflag:s28] =	ssyncset.done $0x0  }
0x90: {  	s12 =	sadd.s32 $0x1480, s11;
	[sflag:s28] =	ssyncadd.s32 $0xFFFFC000  }
0x91: {  	[spmem:s1] =	stream.indirect.scatter.add.f32 [tilespmem:s25], [sflag:$0x4], $0x80, s12, s19, $0xb8;
	[tilespmem:$0x1E800] =	vst v63  }
0x92: {  	_ =	swait.ge [sflag:s29], $0x4000  }
0x93: {  	[sflag:s29] =	ssyncset.done $0x0  }
.Ltmp1:
0x94: {  	s12 =	sadd.s32 $0x100, s11;
	[sflag:s29] =	ssyncadd.s32 $0xFFFFC000;
	(pc) =	sbr.rel @p0 .LBB2_4-.Ltmp1, $4  }
0x95: {  	[tilespmem:s16], [sflag:$0x1] =	stream.indirect.gather [hbm4b:s3+s19], $0x80, s12, s19, $0xb8;
	[tilespmem:$0x1E800] =	vst v63  }
0x96: {  	_ =	swait.ge [sflag:s30], $0x4000  }
0x97: {  	[sflag:s30] =	ssyncset.done $0x0  }
0x98: {  	s11 =	sadd.s32 $0x180, s11;
	[sflag:s30] =	ssyncadd.s32 $0xFFFFC000  }
0x99: {  	[tilespmem:s25], [sflag:$0x2] =	stream.indirect.gather [hbm4b:s3+s19], $0x80, s11, s19, $0xb8;
	[tilespmem:$0x1E800] =	vst v63  }
0x9a: {  	_ =	swait.ge [sflag:s26], $0x4000  }
0x9b: {  	[sflag:s26] =	ssyncset.done $0x0  }
0x9c: {  	[sflag:s26] =	ssyncadd.s32 $0xFFFFC000  }
0x9d: {  	[spmem:s1] =	stream.indirect.scatter.add.f32 [tilespmem:s16], [sflag:$0x3], $0x80, s31, s19, $0xb8;
	[tilespmem:$0x1E800] =	vst v63  }
0x9e: {  	_ =	swait.ge [sflag:s28], $0x4000  }
0x9f: {  	[sflag:s28] =	ssyncset.done $0x0  }
0xa0: {  	[sflag:s28] =	ssyncadd.s32 $0xFFFFC000  }
0xa1: {  	[spmem:s1] =	stream.indirect.scatter.add.f32 [tilespmem:s25], [sflag:$0x4], $0x80, s0, s19, $0xb8;
	[tilespmem:$0x1E800] =	vst v63  }
0xa2: {  	_ =	swait.ge [sflag:s29], $0x4000  }
0xa3: {  	[sflag:s29] =	ssyncset.done $0x0  }
0xa4: {  	[sflag:s29] =	ssyncadd.s32 $0xFFFFC000  }
0xa5: {  	_ =	swait.ge [sflag:s30], $0x4000  }
0xa6: {  	[sflag:s30] =	ssyncset.done $0x0  }
0xa7: {  	[sflag:s30] =	ssyncadd.s32 $0xFFFFC000  }
0xa8: {  	[bflag:$0x0] =	sbarrier.arrive $0xFFFF  }
0xa9: {  	[tilespmem:s16], [sflag:$0x5] =	stream.linear.gather [spmem:s6], $0x4000, $0x38;
	[tilespmem:$0x1E800] =	vst v63  }
0xaa: {  	_ =	swait.ge [sflag:s17], $0x4000  }
0xab: {  	[sflag:s17] =	ssyncset.done $0x0  }
0xac: {  	[sflag:s17] =	ssyncadd.s32 $0xFFFFC000  }
0xad: {  	[hbm4b:s20+s2] =	stream.linear.scatter [tilespmem:s16], [sflag:$0x5], $0x4000, $0x38;
	[tilespmem:$0x1E800] =	vst v63  }
0xae: {  	_ =	swait.ge [sflag:s17], $0x4000  }
0xaf: {  	[sflag:s17] =	ssyncset.done $0x0  }
0xb0: {  	[sflag:s17] =	ssyncadd.s32 $0xFFFFC000  }
0xb1: {  	[tilespmem:s16], [sflag:$0x5] =	stream.linear.gather [spmem:s7], $0x4000, $0x38;
	[tilespmem:$0x1E800] =	vst v63  }
0xb2: {  	_ =	swait.ge [sflag:s17], $0x4000  }
0xb3: {  	[sflag:s17] =	ssyncset.done $0x0  }
0xb4: {  	[sflag:s17] =	ssyncadd.s32 $0xFFFFC000  }
0xb5: {  	[hbm4b:s21+s2] =	stream.linear.scatter [tilespmem:s16], [sflag:$0x5], $0x4000, $0x38;
	[tilespmem:$0x1E800] =	vst v63  }
0xb6: {  	_ =	swait.ge [sflag:s17], $0x4000  }
0xb7: {  	[sflag:s17] =	ssyncset.done $0x0  }
0xb8: {  	[sflag:s17] =	ssyncadd.s32 $0xFFFFC000  }
0xb9: {  	[tilespmem:s16], [sflag:$0x5] =	stream.linear.gather [spmem:s8], $0x4000, $0x38;
	[tilespmem:$0x1E800] =	vst v63  }
0xba: {  	_ =	swait.ge [sflag:s17], $0x4000  }
0xbb: {  	[sflag:s17] =	ssyncset.done $0x0  }
0xbc: {  	[sflag:s17] =	ssyncadd.s32 $0xFFFFC000  }
0xbd: {  	[hbm4b:s22+s2] =	stream.linear.scatter [tilespmem:s16], [sflag:$0x5], $0x4000, $0x38;
	[tilespmem:$0x1E800] =	vst v63  }
0xbe: {  	_ =	swait.ge [sflag:s17], $0x4000  }
0xbf: {  	[sflag:s17] =	ssyncset.done $0x0  }
0xc0: {  	[sflag:s17] =	ssyncadd.s32 $0xFFFFC000  }
0xc1: {  	[tilespmem:s16], [sflag:$0x5] =	stream.linear.gather [spmem:s9], $0x4000, $0x38;
	[tilespmem:$0x1E800] =	vst v63  }
0xc2: {  	_ =	swait.ge [sflag:s17], $0x4000  }
0xc3: {  	[sflag:s17] =	ssyncset.done $0x0  }
0xc4: {  	[sflag:s17] =	ssyncadd.s32 $0xFFFFC000  }
0xc5: {  	[hbm4b:s23+s2] =	stream.linear.scatter [tilespmem:s16], [sflag:$0x5], $0x4000, $0x38;
	[tilespmem:$0x1E800] =	vst v63  }
0xc6: {  	_ =	swait.ge [sflag:s17], $0x4000  }
0xc7: {  	[sflag:s17] =	ssyncset.done $0x0  }
0xc8: {  	[sflag:s17] =	ssyncadd.s32 $0xFFFFC000  }
0xc9: {  	[tilespmem:s16], [sflag:$0x5] =	stream.linear.gather [spmem:s10], $0x4000, $0x38;
	[tilespmem:$0x1E800] =	vst v63  }
0xca: {  	s4 =	sadd.s32 $0x1, s4;
	_ =	swait.ge [sflag:s17], $0x4000  }
0xcb: {  	p0 =	sne.s32 s4, s15;
	[sflag:s17] =	ssyncset.done $0x0  }
.Ltmp2:
0xcc: {  	[sflag:s17] =	ssyncadd.s32 $0xFFFFC000;
	(pc) =	sbr.rel @p0 .LBB2_1-.Ltmp2, $4  }
0xcd: {  	[hbm4b:s24+s2] =	stream.linear.scatter [tilespmem:s16], [sflag:$0x5], $0x4000, $0x38;
	[tilespmem:$0x1E800] =	vst v63  }
0xce: {  	_ =	swait.ge [sflag:s17], $0x4000  }
0xcf: {  	[sflag:s17] =	ssyncset.done $0x0  }
0xd0: {  	[sflag:s17] =	ssyncadd.s32 $0xFFFFC000  }
0xd1: {  	_ =	sfence.sel $0x180000  }
0xd2: {  	[bflag:$0x0] =	sbarrier.arrive $0xFFFF  }
0xd3: {  	_ =	strace $0x90000050  }
0xd4: {  	s0 =	stileid.u32;
	[bflag:$0x2] =	sbarrier.arrive $0xFFFF  }
0xd5: {  	p0 =	sne.s32 s0, $0x0;
	s0 =	rddreg [dreg:$0x2]  }
0xd6: {  	s0 =	sadd.s32 @!p0 $0x100000, s0  }
0xd7: {  	[sflag:s0] =	ssyncadd.tile.s32 @!p0 $0x1;
	_ =	shalt  }
.Lfunc_end2:
_tile_overlayer_lowered:
.L_overlay_start_2:
0xd8: {  	(tag) =	ssettag $0x2  }
0xd9: {  	s0 =	rddreg [dreg:$0x0];
	s2 =	stileid.u32  }
0xda: {  	s1 =	rddreg [dreg:$0x1];
	p0 =	sne.s32 s2, $0x0  }
0xdb: {  	s3 =	rddreg [dreg:$0x2];
	[bflag:$0x3] =	sbarrier.arrive $0xFFFF;
	s2 =	simm.s32 @!p0 $0x1C05  }
0xdc: {  	[timem:s3], [sflag:s2] =	dma.local @!p0 [hbm:s0], s1  }
0xdd: {  	s0 =	simm.s32 @!p0 $0x5  }
0xde: {  	_ =	swait.ge @!p0 [sflag:s0], s1  }
0xdf: {  	s1 =	ssub.s32 @!p0 $0x0, s1;
	[sflag:s0] =	ssyncset.done @!p0 $0x0  }
0xe0: {  	[sflag:s0] =	ssyncadd.s32 @!p0 s1  }
0xe1: {  	[bflag:$0x3] =	sbarrier.arrive $0xFFFF  }
0xe2: {  	_ =	shalt  }

</sc_bundles>
